<compile_context>
chip_gen: v7x
topology: tpu7x:2x2x1
jax: 0.10.2.dev20260603
libtpu: 0.0.44.dev20260713+nightly
codegen_flags: <defaults>
</compile_context>

<pallas_src>
import functools

import jax
import jax.numpy as jnp
from jax import lax
from jax.experimental import pallas as pl
from jax.experimental.pallas import tpu as pltpu
from jax.experimental.pallas import tpu_sc as plsc

N = 10000
NP = 10240
E = 320000
IN_DIM = 128
HID = 16
HEADS = 8
OUT_DIM = 64

NUM_WORKERS = 32
EDGES_PER_WORKER = E // NUM_WORKERS
CHUNK = 40
NSTEPS = EDGES_PER_WORKER // CHUNK
ROWS_PER_TILE = NP // 16

_f32 = jnp.float32



def _prep1_body(x_ref, w_ref, ps_ref, pd_ref, h_ref, s_ref, d_ref, c_ref):
    h = jnp.dot(x_ref[...], w_ref[...], preferred_element_type=_f32)
    h_ref[...] = h
    s = jnp.dot(h, ps_ref[...], preferred_element_type=_f32)
    d = jnp.dot(h, pd_ref[...], preferred_element_type=_f32)
    s_ref[...] = s
    d_ref[...] = d
    c = jnp.max(s, axis=0, keepdims=True) + jnp.max(d, axis=0, keepdims=True)
    c_ref[...] = jnp.maximum(c, 0.0)


def _mid_body(p0_ref, p1_ref, en_ref, ed_ref, b1_ref, w2_ref, ps_ref, pd_ref,
              h_ref, s_ref, d_ref, c_ref):
    p = p0_ref[...] + p1_ref[...]
    num = jnp.dot(p, en_ref[...], preferred_element_type=_f32)
    den = jnp.dot(p, ed_ref[...], preferred_element_type=_f32)
    h1 = jax.nn.relu(num / (den + 1e-16) + b1_ref[...])
    h2 = jnp.dot(h1, w2_ref[...], preferred_element_type=_f32)
    h_ref[...] = h2
    s = jnp.dot(h2, ps_ref[...], preferred_element_type=_f32)
    d = jnp.dot(h2, pd_ref[...], preferred_element_type=_f32)
    s_ref[...] = s
    d_ref[...] = d
    c = jnp.max(s, axis=0, keepdims=True) + jnp.max(d, axis=0, keepdims=True)
    c_ref[...] = jnp.maximum(c, 0.0)


def _final_body(q0_ref, q1_ref, en_ref, ed_ref, b2_ref, o_ref):
    q = q0_ref[...][:N] + q1_ref[...][:N]
    num = jnp.dot(q, en_ref[...], preferred_element_type=_f32)
    den = jnp.dot(q, ed_ref[...], preferred_element_type=_f32)
    o = num / (den + 1e-16) + b2_ref[...]
    m = jnp.max(o, axis=1, keepdims=True)
    e = jnp.exp(o - m)
    o_ref[...] = (o - m) - jnp.log(jnp.sum(e, axis=1, keepdims=True))


def _prep1(x, w1, ps1, pd1):
    return pl.pallas_call(
        _prep1_body,
        out_shape=[
            jax.ShapeDtypeStruct((N, HEADS * HID), _f32),
            jax.ShapeDtypeStruct((N, 16), _f32),
            jax.ShapeDtypeStruct((N, 16), _f32),
            jax.ShapeDtypeStruct((1, 16), _f32),
        ],
    )(x, w1, ps1, pd1)


def _mid(p0, p1, en1, ed1, b1, w2, ps2, pd2):
    return pl.pallas_call(
        _mid_body,
        out_shape=[
            jax.ShapeDtypeStruct((NP, OUT_DIM), _f32),
            jax.ShapeDtypeStruct((NP, 16), _f32),
            jax.ShapeDtypeStruct((NP, 16), _f32),
            jax.ShapeDtypeStruct((1, 16), _f32),
        ],
    )(p0, p1, en1, ed1, b1, w2, ps2, pd2)


def _final(q0, q1, en2, ed2, b2):
    return pl.pallas_call(
        _final_body,
        out_shape=jax.ShapeDtypeStruct((N, OUT_DIM), _f32),
    )(q0, q1, en2, ed2, b2)



def _make_edge_kernel(dw, chunk_lanes):
    rw = dw + 16
    mesh = plsc.VectorSubcoreMesh(core_axis_name="c", subcore_axis_name="s")

    @functools.partial(
        pl.kernel,
        mesh=mesh,
        compiler_params=pltpu.CompilerParams(use_tc_tiling_on_sc=False),
        out_type=[
            jax.ShapeDtypeStruct((NP, rw), _f32),
            jax.ShapeDtypeStruct((NP, rw), _f32),
        ],
        scratch_types=[
            pltpu.VMEM_SHARED((NP, rw), _f32),
            pltpu.VMEM((CHUNK,), jnp.int32),
            pltpu.VMEM((CHUNK,), jnp.int32),
            pltpu.VMEM((CHUNK,), jnp.int32),
            pltpu.VMEM((CHUNK,), jnp.int32),
            pltpu.VMEM((CHUNK, dw), _f32),
            pltpu.VMEM((CHUNK, dw), _f32),
            pltpu.VMEM((CHUNK, 16), _f32),
            pltpu.VMEM((CHUNK, 16), _f32),
            pltpu.VMEM((CHUNK, 16), _f32),
            pltpu.VMEM((CHUNK, 16), _f32),
            pltpu.VMEM((CHUNK, rw), _f32),
            pltpu.VMEM((CHUNK, rw), _f32),
            pltpu.VMEM((16,), _f32),
            pltpu.SemaphoreType.DMA,
            pltpu.SemaphoreType.DMA,
            pltpu.SemaphoreType.DMA,
            pltpu.SemaphoreType.DMA,
        ],
    )
    def edge_kernel(h_hbm, s_hbm, d_hbm, c_hbm, src_hbm, dst_hbm, zero_hbm,
                    out0, out1, acc, isrc0, isrc1, idst0, idst1, hbuf0, hbuf1,
                    sbuf0, sbuf1, dbuf0, dbuf1, mbuf0, mbuf1, cbuf,
                    sg0, sg1, ss0, ss1):
        cid = lax.axis_index("c")
        sid = lax.axis_index("s")
        wid = sid * 2 + cid
        r0 = sid * ROWS_PER_TILE

        pltpu.sync_copy(zero_hbm.at[pl.ds(r0, ROWS_PER_TILE)],
                        acc.at[pl.ds(r0, ROWS_PER_TILE)])
        pltpu.sync_copy(c_hbm, cbuf)
        plsc.subcore_barrier()

        ebase = wid * EDGES_PER_WORKER
        cvec = cbuf[...]
        isrc = (isrc0, isrc1)
        idst = (idst0, idst1)
        hb = (hbuf0, hbuf1)
        sb = (sbuf0, sbuf1)
        db = (dbuf0, dbuf1)
        mb = (mbuf0, mbuf1)
        sg = (sg0, sg1)
        ss = (ss0, ss1)

        def start(gi, b):
            base = ebase + gi * CHUNK
            pltpu.sync_copy(src_hbm.at[pl.ds(base, CHUNK)], isrc[b])
            pltpu.sync_copy(dst_hbm.at[pl.ds(base, CHUNK)], idst[b])
            pltpu.async_copy(h_hbm.at[isrc[b]], hb[b], sg[b])
            pltpu.async_copy(s_hbm.at[isrc[b]], sb[b], sg[b])
            pltpu.async_copy(d_hbm.at[idst[b]], db[b], sg[b])

        def wait_gathers(b):
            pltpu.make_async_copy(h_hbm.at[isrc[b]], hb[b], sg[b]).wait()
            pltpu.make_async_copy(s_hbm.at[isrc[b]], sb[b], sg[b]).wait()
            pltpu.make_async_copy(d_hbm.at[idst[b]], db[b], sg[b]).wait()

        def compute(b):
            hbuf, sbuf, dbuf, mbuf = hb[b], sb[b], db[b], mb[b]

            def edge_body(e, c2):
                alpha = sbuf[e] + dbuf[e]
                alpha = jnp.where(alpha >= 0.0, alpha, alpha * 0.2)
                ex = jnp.exp(alpha - cvec)
                mbuf[e, pl.ds(dw, 16)] = ex
                for j, lane in enumerate(chunk_lanes):
                    mbuf[e, pl.ds(j * 16, 16)] = \
                        ex[lane] * hbuf[e, pl.ds(j * 16, 16)]
                return c2

            lax.fori_loop(0, CHUNK, edge_body, 0, unroll=4)

        def scatter(b):
            pltpu.async_copy(mb[b], acc.at[idst[b]], ss[b], add=True)

        def wait_scatter(b):
            pltpu.make_async_copy(mb[b], acc.at[idst[b]], ss[b]).wait()

        start(0, 0)

        def outer(i, carry):
            for b in (0, 1):
                gi = 2 * i + b

                @pl.when(gi < NSTEPS - 1)
                def _():
                    start(gi + 1, 1 - b)

                wait_gathers(b)

                @pl.when(gi >= 2)
                def _():
                    wait_scatter(b)

                compute(b)
                scatter(b)
            return carry

        lax.fori_loop(0, NSTEPS // 2, outer, 0)
        wait_scatter(0)
        wait_scatter(1)
        plsc.subcore_barrier()

        @pl.when(cid == 0)
        def _():
            pltpu.sync_copy(acc.at[pl.ds(r0, ROWS_PER_TILE)],
                            out0.at[pl.ds(r0, ROWS_PER_TILE)])

        @pl.when(cid == 1)
        def _():
            pltpu.sync_copy(acc.at[pl.ds(r0, ROWS_PER_TILE)],
                            out1.at[pl.ds(r0, ROWS_PER_TILE)])

    return edge_kernel


_edge1 = _make_edge_kernel(HEADS * HID, tuple(range(HEADS)))
_edge2 = _make_edge_kernel(OUT_DIM, (0,) * (OUT_DIM // 16))



def kernel(x, edge_index, W1, att_src1, att_dst1, b1, W2, att_src2, att_dst2,
           b2):
    src = edge_index[0].astype(jnp.int32)
    dst = edge_index[1].astype(jnp.int32)

    head_of = jnp.arange(HEADS * HID) // HID
    oh16 = jax.nn.one_hot(head_of, 16, dtype=_f32)
    ps1 = att_src1.reshape(HEADS * HID, 1) * oh16
    pd1 = att_dst1.reshape(HEADS * HID, 1) * oh16
    en1 = jnp.concatenate(
        [jnp.eye(HEADS * HID, dtype=_f32), jnp.zeros((16, HEADS * HID), _f32)], 0)
    ed1 = jnp.concatenate(
        [jnp.zeros((HEADS * HID, HEADS * HID), _f32),
         jax.nn.one_hot(head_of, HEADS, dtype=_f32).T,
         jnp.zeros((16 - HEADS, HEADS * HID), _f32)], 0)
    ps2 = jnp.pad(att_src2.T, ((0, 0), (0, 15)))
    pd2 = jnp.pad(att_dst2.T, ((0, 0), (0, 15)))
    en2 = jnp.concatenate(
        [jnp.eye(OUT_DIM, dtype=_f32), jnp.zeros((16, OUT_DIM), _f32)], 0)
    ed2 = jnp.concatenate(
        [jnp.zeros((OUT_DIM, OUT_DIM), _f32), jnp.ones((1, OUT_DIM), _f32),
         jnp.zeros((15, OUT_DIM), _f32)], 0)

    h1, s1, d1, c1 = _prep1(x, W1, ps1, pd1)
    z1 = jnp.zeros((NP, HEADS * HID + 16), _f32)
    p0, p1 = _edge1(h1, s1, d1, c1.reshape(16), src, dst, z1)

    h2, s2, d2, c2 = _mid(p0, p1, en1, ed1, b1, W2, ps2, pd2)
    z2 = jnp.zeros((NP, OUT_DIM + 16), _f32)
    q0, q1 = _edge2(h2, s2, d2, c2.reshape(16), src, dst, z2)

    return _final(q0, q1, en2, ed2, b2)

# --- scband reference (transcript-rebuilt; emitter-appended) ---
"""Pipeline reference for scband-gat-29386166239459 (READ-ONLY COPY).

The authoritative reference and input builder live on the scoring server;
editing this copy changes nothing except your own understanding.
"""

import jax, jax.numpy as jnp
import numpy as np

N = 10000
E = 320000
IN_DIM = 128
HID = 16
HEADS = 8
OUT_DIM = 64


def gat_conv(x, edge_index, W, att_src, att_dst, bias, heads, out_ch, concat):
    n = x.shape[0]
    h = (x @ W).reshape(n, heads, out_ch)
    src = edge_index[0]
    dst = edge_index[1]
    a_src = (h * att_src[None, :, :]).sum(-1)  # [n, heads]
    a_dst = (h * att_dst[None, :, :]).sum(-1)  # [n, heads]
    alpha = a_src[src] + a_dst[dst]            # [E, heads]
    alpha = jax.nn.leaky_relu(alpha, negative_slope=0.2)
    amax = jax.ops.segment_max(alpha, dst, num_segments=n)
    amax = jnp.where(jnp.isfinite(amax), amax, 0.0)
    ex = jnp.exp(alpha - amax[dst])
    denom = jax.ops.segment_sum(ex, dst, num_segments=n)
    att = ex / (denom[dst] + 1e-16)
    msg = h[src] * att[:, :, None]             # [E, heads, out_ch]
    out = jax.ops.segment_sum(msg, dst, num_segments=n)
    if concat:
        out = out.reshape(n, heads * out_ch)
    else:
        out = out.mean(axis=1)
    return out + bias


def setup_inputs(seed: int = 0):
    key = jax.random.key(seed)
    ks = jax.random.split(key, 12)
    x = jax.random.normal(ks[0], (N, IN_DIM), dtype=jnp.float32)
    edge_index = jax.random.randint(ks[1], (2, E), 0, N)
    W1 = jax.random.normal(ks[2], (IN_DIM, HEADS * HID), dtype=jnp.float32) * 0.1
    att_src1 = jax.random.normal(ks[3], (HEADS, HID), dtype=jnp.float32) * 0.1
    att_dst1 = jax.random.normal(ks[4], (HEADS, HID), dtype=jnp.float32) * 0.1
    b1 = jnp.zeros((HEADS * HID,), dtype=jnp.float32)
    W2 = jax.random.normal(ks[5], (HEADS * HID, OUT_DIM), dtype=jnp.float32) * 0.1
    att_src2 = jax.random.normal(ks[6], (1, OUT_DIM), dtype=jnp.float32) * 0.1
    att_dst2 = jax.random.normal(ks[7], (1, OUT_DIM), dtype=jnp.float32) * 0.1
    b2 = jnp.zeros((OUT_DIM,), dtype=jnp.float32)
    return {"x": x, "edge_index": edge_index, "W1": W1, "att_src1": att_src1,
            "att_dst1": att_dst1, "b1": b1, "W2": W2, "att_src2": att_src2,
            "att_dst2": att_dst2, "b2": b2}


def reference(x, edge_index, W1, att_src1, att_dst1, b1, W2, att_src2, att_dst2, b2):
    h = gat_conv(x, edge_index, W1, att_src1, att_dst1, b1, HEADS, HID, True)
    h = jax.nn.relu(h)
    # F.dropout(training=...) treated as identity (eval / deterministic reference)
    out = gat_conv(h, edge_index, W2, att_src2, att_dst2, b2, 1, OUT_DIM, False)
    return jax.nn.log_softmax(out, axis=1)

if __name__ == "__main__":
    import jax
    _d = setup_inputs()
    print(jax.jit(kernel)(*tuple(_d.values())))

</pallas_src>

<mosaic_0001>
#map = affine_map<(d0, d1) -> (0, 0)>
#map1 = affine_map<(d0, d1) -> (0)>
module attributes {stable_mosaic.version = 14 : i64} {
  func.func @edge_kernel(%arg0: i32, %arg1: i32, %arg2: memref<10240x64xf32, #tpu.memory_space<hbm>>, %arg3: memref<10240x16xf32, #tpu.memory_space<hbm>>, %arg4: memref<10240x16xf32, #tpu.memory_space<hbm>>, %arg5: memref<16xf32, #tpu.memory_space<hbm>>, %arg6: memref<320000xi32, #tpu.memory_space<hbm>>, %arg7: memref<320000xi32, #tpu.memory_space<hbm>>, %arg8: memref<10240x80xf32, #tpu.memory_space<hbm>>, %arg9: memref<10240x80xf32, #tpu.memory_space<hbm>>, %arg10: memref<10240x80xf32, #tpu.memory_space<hbm>>, %arg11: memref<10240x80xf32, #tpu.memory_space<vmem_shared>>, %arg12: memref<40xi32, #tpu.memory_space<vmem>>, %arg13: memref<40xi32, #tpu.memory_space<vmem>>, %arg14: memref<40xi32, #tpu.memory_space<vmem>>, %arg15: memref<40xi32, #tpu.memory_space<vmem>>, %arg16: memref<40x64xf32, #tpu.memory_space<vmem>>, %arg17: memref<40x64xf32, #tpu.memory_space<vmem>>, %arg18: memref<40x16xf32, #tpu.memory_space<vmem>>, %arg19: memref<40x16xf32, #tpu.memory_space<vmem>>, %arg20: memref<40x16xf32, #tpu.memory_space<vmem>>, %arg21: memref<40x16xf32, #tpu.memory_space<vmem>>, %arg22: memref<40x80xf32, #tpu.memory_space<vmem>>, %arg23: memref<40x80xf32, #tpu.memory_space<vmem>>, %arg24: memref<16xf32, #tpu.memory_space<vmem>>, %arg25: memref<!tpu.dma_semaphore, #tpu.memory_space<semaphore_mem>>, %arg26: memref<!tpu.dma_semaphore, #tpu.memory_space<semaphore_mem>>, %arg27: memref<!tpu.dma_semaphore, #tpu.memory_space<semaphore_mem>>, %arg28: memref<!tpu.dma_semaphore, #tpu.memory_space<semaphore_mem>>) attributes {dimension_semantics = [#tpu.dimension_semantics<core_parallel>, #tpu.dimension_semantics<subcore_parallel>], iteration_bounds = array<i64: 2, 16>, scalar_prefetch = 0 : i64, scratch_operands = 18 : i64, tpu.core_type = #tpu.core_type<sc_vector_subcore>, window_params = [{transform_indices = #map}, {transform_indices = #map}, {transform_indices = #map}, {transform_indices = #map1}, {transform_indices = #map1}, {transform_indices = #map1}, {transform_indices = #map}, {transform_indices = #map}, {transform_indices = #map}]} {
    %mul3A = arith.constant 2 : i32
    %mul3A_0 = arith.muli %arg1, %mul3A : i32
    %add3A = arith.addi %mul3A_0, %arg0 : i32
    %mul3A_1 = arith.constant 640 : i32
    %mul3A_2 = arith.muli %arg1, %mul3A_1 : i32
    "tpu.region"() ({
      %run_scoped3A = tpu.sem_alloc : memref<!tpu.dma_semaphore, #tpu.memory_space<semaphore_mem>>
      %dma_start3A_35 = arith.constant 0 : i32
      %dma_start3A_36 = tpu.memref_slice %arg11[%mul3A_2, %dma_start3A_35] : memref<10240x80xf32, #tpu.memory_space<vmem_shared>> -> memref<640x80xf32, #tpu.memory_space<vmem_shared>>
      %dma_start3A_37 = arith.constant 0 : i32
      %dma_start3A_38 = tpu.memref_slice %arg8[%mul3A_2, %dma_start3A_37] : memref<10240x80xf32, #tpu.memory_space<hbm>> -> memref<640x80xf32, #tpu.memory_space<hbm>>
      tpu.enqueue_dma source(%dma_start3A_38 : memref<640x80xf32, #tpu.memory_space<hbm>>) target(%dma_start3A_36 : memref<640x80xf32, #tpu.memory_space<vmem_shared>>) target_semaphore(%run_scoped3A : memref<!tpu.dma_semaphore, #tpu.memory_space<semaphore_mem>>)
      %dma_wait3A_39 = arith.constant 0 : i32
      %dma_wait3A_40 = tpu.memref_slice %arg11[%mul3A_2, %dma_wait3A_39] : memref<10240x80xf32, #tpu.memory_space<vmem_shared>> -> memref<640x80xf32, #tpu.memory_space<vmem_shared>>
      %dma_wait3A_41 = arith.constant 0 : i32
      %dma_wait3A_42 = tpu.memref_slice %arg8[%mul3A_2, %dma_wait3A_41] : memref<10240x80xf32, #tpu.memory_space<hbm>> -> memref<640x80xf32, #tpu.memory_space<hbm>>
      tpu.wait_dma2 semaphore(%run_scoped3A : memref<!tpu.dma_semaphore, #tpu.memory_space<semaphore_mem>>) src(%dma_wait3A_42 : memref<640x80xf32, #tpu.memory_space<hbm>>) dst(%dma_wait3A_40 : memref<640x80xf32, #tpu.memory_space<vmem_shared>>)
      tpu.yield
    }) : () -> ()
    "tpu.region"() ({
      %run_scoped3A = tpu.sem_alloc : memref<!tpu.dma_semaphore, #tpu.memory_space<semaphore_mem>>
      tpu.enqueue_dma source(%arg5 : memref<16xf32, #tpu.memory_space<hbm>>) target(%arg24 : memref<16xf32, #tpu.memory_space<vmem>>) target_semaphore(%run_scoped3A : memref<!tpu.dma_semaphore, #tpu.memory_space<semaphore_mem>>)
      tpu.wait_dma2 semaphore(%run_scoped3A : memref<!tpu.dma_semaphore, #tpu.memory_space<semaphore_mem>>) src(%arg5 : memref<16xf32, #tpu.memory_space<hbm>>) dst(%arg24 : memref<16xf32, #tpu.memory_space<vmem>>)
      tpu.yield
    }) : () -> ()
    %barrier3A = arith.constant 0 : index
    tpu.barrier barrier_id(%barrier3A)
    %mul3A_3 = arith.constant 10000 : i32
    %mul3A_4 = arith.muli %add3A, %mul3A_3 : i32
    %get3A = arith.constant 0 : index
    %get3A_5 = tpu.vector_load %arg24[%get3A] {strides = array<i32>} : memref<16xf32, #tpu.memory_space<vmem>>, vector<16xf32>,
    %get3A_6 = vector.shape_cast %get3A_5 : vector<16xf32> to vector<16xf32>
    %add3A_7 = arith.constant 0 : i32
    %add3A_8 = arith.addi %mul3A_4, %add3A_7 : i32
    "tpu.region"() ({
      %run_scoped3A = tpu.sem_alloc : memref<!tpu.dma_semaphore, #tpu.memory_space<semaphore_mem>>
      %dma_start3A_35 = tpu.memref_slice %arg6[%add3A_8] : memref<320000xi32, #tpu.memory_space<hbm>> -> memref<40xi32, #tpu.memory_space<hbm>>
      %dma_start3A_36 = tpu.memref_slice %arg6[%add3A_8] : memref<320000xi32, #tpu.memory_space<hbm>> -> memref<40xi32, #tpu.memory_space<hbm>>
      tpu.enqueue_dma source(%dma_start3A_36 : memref<40xi32, #tpu.memory_space<hbm>>) target(%arg12 : memref<40xi32, #tpu.memory_space<vmem>>) target_semaphore(%run_scoped3A : memref<!tpu.dma_semaphore, #tpu.memory_space<semaphore_mem>>)
      %dma_wait3A_37 = tpu.memref_slice %arg6[%add3A_8] : memref<320000xi32, #tpu.memory_space<hbm>> -> memref<40xi32, #tpu.memory_space<hbm>>
      %dma_wait3A_38 = tpu.memref_slice %arg6[%add3A_8] : memref<320000xi32, #tpu.memory_space<hbm>> -> memref<40xi32, #tpu.memory_space<hbm>>
      tpu.wait_dma2 semaphore(%run_scoped3A : memref<!tpu.dma_semaphore, #tpu.memory_space<semaphore_mem>>) src(%dma_wait3A_38 : memref<40xi32, #tpu.memory_space<hbm>>) dst(%arg12 : memref<40xi32, #tpu.memory_space<vmem>>)
      tpu.yield
    }) : () -> ()
    "tpu.region"() ({
      %run_scoped3A = tpu.sem_alloc : memref<!tpu.dma_semaphore, #tpu.memory_space<semaphore_mem>>
      %dma_start3A_35 = tpu.memref_slice %arg7[%add3A_8] : memref<320000xi32, #tpu.memory_space<hbm>> -> memref<40xi32, #tpu.memory_space<hbm>>
      %dma_start3A_36 = tpu.memref_slice %arg7[%add3A_8] : memref<320000xi32, #tpu.memory_space<hbm>> -> memref<40xi32, #tpu.memory_space<hbm>>
      tpu.enqueue_dma source(%dma_start3A_36 : memref<40xi32, #tpu.memory_space<hbm>>) target(%arg14 : memref<40xi32, #tpu.memory_space<vmem>>) target_semaphore(%run_scoped3A : memref<!tpu.dma_semaphore, #tpu.memory_space<semaphore_mem>>)
      %dma_wait3A_37 = tpu.memref_slice %arg7[%add3A_8] : memref<320000xi32, #tpu.memory_space<hbm>> -> memref<40xi32, #tpu.memory_space<hbm>>
      %dma_wait3A_38 = tpu.memref_slice %arg7[%add3A_8] : memref<320000xi32, #tpu.memory_space<hbm>> -> memref<40xi32, #tpu.memory_space<hbm>>
      tpu.wait_dma2 semaphore(%run_scoped3A : memref<!tpu.dma_semaphore, #tpu.memory_space<semaphore_mem>>) src(%dma_wait3A_38 : memref<40xi32, #tpu.memory_space<hbm>>) dst(%arg14 : memref<40xi32, #tpu.memory_space<vmem>>)
      tpu.yield
    }) : () -> ()
    %dma_start3A = arith.constant 0 : i32
    %dma_start3A_9 = arith.constant 0 : i32
    %dma_start3A_10 = tpu.memref_slice %arg2[%dma_start3A, %dma_start3A_9] : memref<10240x64xf32, #tpu.memory_space<hbm>> -> memref<10240x64xf32, #tpu.memory_space<hbm>>
    tpu.enqueue_indirect_dma source(%dma_start3A_10 : memref<10240x64xf32, #tpu.memory_space<hbm>>) target(%arg16 : memref<40x64xf32, #tpu.memory_space<vmem>>) offsets(%arg12 : memref<40xi32, #tpu.memory_space<vmem>>) semaphore(%arg25 : memref<!tpu.dma_semaphore, #tpu.memory_space<semaphore_mem>>)
    %dma_start3A_11 = arith.constant 0 : i32
    %dma_start3A_12 = arith.constant 0 : i32
    %dma_start3A_13 = tpu.memref_slice %arg3[%dma_start3A_11, %dma_start3A_12] : memref<10240x16xf32, #tpu.memory_space<hbm>> -> memref<10240x16xf32, #tpu.memory_space<hbm>>
    tpu.enqueue_indirect_dma source(%dma_start3A_13 : memref<10240x16xf32, #tpu.memory_space<hbm>>) target(%arg18 : memref<40x16xf32, #tpu.memory_space<vmem>>) offsets(%arg12 : memref<40xi32, #tpu.memory_space<vmem>>) semaphore(%arg25 : memref<!tpu.dma_semaphore, #tpu.memory_space<semaphore_mem>>)
    %dma_start3A_14 = arith.constant 0 : i32
    %dma_start3A_15 = arith.constant 0 : i32
    %dma_start3A_16 = tpu.memref_slice %arg4[%dma_start3A_14, %dma_start3A_15] : memref<10240x16xf32, #tpu.memory_space<hbm>> -> memref<10240x16xf32, #tpu.memory_space<hbm>>
    tpu.enqueue_indirect_dma source(%dma_start3A_16 : memref<10240x16xf32, #tpu.memory_space<hbm>>) target(%arg20 : memref<40x16xf32, #tpu.memory_space<vmem>>) offsets(%arg14 : memref<40xi32, #tpu.memory_space<vmem>>) semaphore(%arg25 : memref<!tpu.dma_semaphore, #tpu.memory_space<semaphore_mem>>)
    %scan3A = arith.constant 0 : i32
    %scan3A_17 = arith.constant 0 : i32
    %scan3A_18 = arith.constant 125 : i32
    %scan3A_19 = arith.addi %scan3A_17, %scan3A_18 : i32
    %scan3A_20 = arith.constant 1 : i32
    scf.for %scan3A_35 = %scan3A_17 to %scan3A_19 step %scan3A_20  : i32 {
      %mul3A_36 = arith.constant 2 : i32
      %mul3A_37 = arith.muli %mul3A_36, %scan3A_35 : i32
      %add3A_38 = arith.constant 0 : i32
      %add3A_39 = arith.addi %mul3A_37, %add3A_38 : i32
      %lt3A = arith.constant 249 : i32
      %lt3A_40 = arith.cmpi slt, %add3A_39, %lt3A : i32
      %convert_element_type3A_41 = arith.extui %lt3A_40 : i1 to i32
      %cond3A_42 = arith.constant 0 : i32
      %cond3A_43 = arith.cmpi ne, %convert_element_type3A_41, %cond3A_42 : i32
      scf.if %cond3A_43 {
        %add3A_98 = arith.constant 1 : i32
        %add3A_99 = arith.addi %add3A_39, %add3A_98 : i32
        %mul3A_100 = arith.constant 40 : i32
        %mul3A_101 = arith.muli %add3A_99, %mul3A_100 : i32
        %add3A_102 = arith.addi %mul3A_4, %mul3A_101 : i32
        "tpu.region"() ({
          %run_scoped3A = tpu.sem_alloc : memref<!tpu.dma_semaphore, #tpu.memory_space<semaphore_mem>>
          %dma_start3A_112 = tpu.memref_slice %arg6[%add3A_102] : memref<320000xi32, #tpu.memory_space<hbm>> -> memref<40xi32, #tpu.memory_space<hbm>>
          %dma_start3A_113 = tpu.memref_slice %arg6[%add3A_102] : memref<320000xi32, #tpu.memory_space<hbm>> -> memref<40xi32, #tpu.memory_space<hbm>>
          tpu.enqueue_dma source(%dma_start3A_113 : memref<40xi32, #tpu.memory_space<hbm>>) target(%arg13 : memref<40xi32, #tpu.memory_space<vmem>>) target_semaphore(%run_scoped3A : memref<!tpu.dma_semaphore, #tpu.memory_space<semaphore_mem>>)
          %dma_wait3A_114 = tpu.memref_slice %arg6[%add3A_102] : memref<320000xi32, #tpu.memory_space<hbm>> -> memref<40xi32, #tpu.memory_space<hbm>>
          %dma_wait3A_115 = tpu.memref_slice %arg6[%add3A_102] : memref<320000xi32, #tpu.memory_space<hbm>> -> memref<40xi32, #tpu.memory_space<hbm>>
          tpu.wait_dma2 semaphore(%run_scoped3A : memref<!tpu.dma_semaphore, #tpu.memory_space<semaphore_mem>>) src(%dma_wait3A_115 : memref<40xi32, #tpu.memory_space<hbm>>) dst(%arg13 : memref<40xi32, #tpu.memory_space<vmem>>)
          tpu.yield
        }) : () -> ()
        "tpu.region"() ({
          %run_scoped3A = tpu.sem_alloc : memref<!tpu.dma_semaphore, #tpu.memory_space<semaphore_mem>>
          %dma_start3A_112 = tpu.memref_slice %arg7[%add3A_102] : memref<320000xi32, #tpu.memory_space<hbm>> -> memref<40xi32, #tpu.memory_space<hbm>>
          %dma_start3A_113 = tpu.memref_slice %arg7[%add3A_102] : memref<320000xi32, #tpu.memory_space<hbm>> -> memref<40xi32, #tpu.memory_space<hbm>>
          tpu.enqueue_dma source(%dma_start3A_113 : memref<40xi32, #tpu.memory_space<hbm>>) target(%arg15 : memref<40xi32, #tpu.memory_space<vmem>>) target_semaphore(%run_scoped3A : memref<!tpu.dma_semaphore, #tpu.memory_space<semaphore_mem>>)
          %dma_wait3A_114 = tpu.memref_slice %arg7[%add3A_102] : memref<320000xi32, #tpu.memory_space<hbm>> -> memref<40xi32, #tpu.memory_space<hbm>>
          %dma_wait3A_115 = tpu.memref_slice %arg7[%add3A_102] : memref<320000xi32, #tpu.memory_space<hbm>> -> memref<40xi32, #tpu.memory_space<hbm>>
          tpu.wait_dma2 semaphore(%run_scoped3A : memref<!tpu.dma_semaphore, #tpu.memory_space<semaphore_mem>>) src(%dma_wait3A_115 : memref<40xi32, #tpu.memory_space<hbm>>) dst(%arg15 : memref<40xi32, #tpu.memory_space<vmem>>)
          tpu.yield
        }) : () -> ()
        %dma_start3A_103 = arith.constant 0 : i32
        %dma_start3A_104 = arith.constant 0 : i32
        %dma_start3A_105 = tpu.memref_slice %arg2[%dma_start3A_103, %dma_start3A_104] : memref<10240x64xf32, #tpu.memory_space<hbm>> -> memref<10240x64xf32, #tpu.memory_space<hbm>>
        tpu.enqueue_indirect_dma source(%dma_start3A_105 : memref<10240x64xf32, #tpu.memory_space<hbm>>) target(%arg17 : memref<40x64xf32, #tpu.memory_space<vmem>>) offsets(%arg13 : memref<40xi32, #tpu.memory_space<vmem>>) semaphore(%arg26 : memref<!tpu.dma_semaphore, #tpu.memory_space<semaphore_mem>>)
        %dma_start3A_106 = arith.constant 0 : i32
        %dma_start3A_107 = arith.constant 0 : i32
        %dma_start3A_108 = tpu.memref_slice %arg3[%dma_start3A_106, %dma_start3A_107] : memref<10240x16xf32, #tpu.memory_space<hbm>> -> memref<10240x16xf32, #tpu.memory_space<hbm>>
        tpu.enqueue_indirect_dma source(%dma_start3A_108 : memref<10240x16xf32, #tpu.memory_space<hbm>>) target(%arg19 : memref<40x16xf32, #tpu.memory_space<vmem>>) offsets(%arg13 : memref<40xi32, #tpu.memory_space<vmem>>) semaphore(%arg26 : memref<!tpu.dma_semaphore, #tpu.memory_space<semaphore_mem>>)
        %dma_start3A_109 = arith.constant 0 : i32
        %dma_start3A_110 = arith.constant 0 : i32
        %dma_start3A_111 = tpu.memref_slice %arg4[%dma_start3A_109, %dma_start3A_110] : memref<10240x16xf32, #tpu.memory_space<hbm>> -> memref<10240x16xf32, #tpu.memory_space<hbm>>
        tpu.enqueue_indirect_dma source(%dma_start3A_111 : memref<10240x16xf32, #tpu.memory_space<hbm>>) target(%arg21 : memref<40x16xf32, #tpu.memory_space<vmem>>) offsets(%arg15 : memref<40xi32, #tpu.memory_space<vmem>>) semaphore(%arg26 : memref<!tpu.dma_semaphore, #tpu.memory_space<semaphore_mem>>)
      } else {
      }
      %dma_wait3A_44 = arith.constant 0 : i32
      %dma_wait3A_45 = arith.constant 0 : i32
      %dma_wait3A_46 = tpu.memref_slice %arg2[%dma_wait3A_44, %dma_wait3A_45] : memref<10240x64xf32, #tpu.memory_space<hbm>> -> memref<10240x64xf32, #tpu.memory_space<hbm>>
      tpu.wait_indirect_dma semaphore(%arg25 : memref<!tpu.dma_semaphore, #tpu.memory_space<semaphore_mem>>) src(%dma_wait3A_46 : memref<10240x64xf32, #tpu.memory_space<hbm>>) dst(%arg16 : memref<40x64xf32, #tpu.memory_space<vmem>>)
      %dma_wait3A_47 = arith.constant 0 : i32
      %dma_wait3A_48 = arith.constant 0 : i32
      %dma_wait3A_49 = tpu.memref_slice %arg3[%dma_wait3A_47, %dma_wait3A_48] : memref<10240x16xf32, #tpu.memory_space<hbm>> -> memref<10240x16xf32, #tpu.memory_space<hbm>>
      tpu.wait_indirect_dma semaphore(%arg25 : memref<!tpu.dma_semaphore, #tpu.memory_space<semaphore_mem>>) src(%dma_wait3A_49 : memref<10240x16xf32, #tpu.memory_space<hbm>>) dst(%arg18 : memref<40x16xf32, #tpu.memory_space<vmem>>)
      %dma_wait3A_50 = arith.constant 0 : i32
      %dma_wait3A_51 = arith.constant 0 : i32
      %dma_wait3A_52 = tpu.memref_slice %arg4[%dma_wait3A_50, %dma_wait3A_51] : memref<10240x16xf32, #tpu.memory_space<hbm>> -> memref<10240x16xf32, #tpu.memory_space<hbm>>
      tpu.wait_indirect_dma semaphore(%arg25 : memref<!tpu.dma_semaphore, #tpu.memory_space<semaphore_mem>>) src(%dma_wait3A_52 : memref<10240x16xf32, #tpu.memory_space<hbm>>) dst(%arg20 : memref<40x16xf32, #tpu.memory_space<vmem>>)
      %ge3A = arith.constant 2 : i32
      %ge3A_53 = arith.cmpi sge, %add3A_39, %ge3A : i32
      %convert_element_type3A_54 = arith.extui %ge3A_53 : i1 to i32
      %cond3A_55 = arith.constant 0 : i32
      %cond3A_56 = arith.cmpi ne, %convert_element_type3A_54, %cond3A_55 : i32
      scf.if %cond3A_56 {
        %dma_wait3A_98 = arith.constant 0 : i32
        %dma_wait3A_99 = arith.constant 0 : i32
        %dma_wait3A_100 = tpu.memref_slice %arg11[%dma_wait3A_98, %dma_wait3A_99] : memref<10240x80xf32, #tpu.memory_space<vmem_shared>> -> memref<10240x80xf32, #tpu.memory_space<vmem_shared>>
        tpu.wait_indirect_dma semaphore(%arg27 : memref<!tpu.dma_semaphore, #tpu.memory_space<semaphore_mem>>) src(%arg22 : memref<40x80xf32, #tpu.memory_space<vmem>>) dst(%dma_wait3A_100 : memref<10240x80xf32, #tpu.memory_space<vmem_shared>>)
      } else {
      }
      %scan3A_57 = arith.constant 0 : i32
      %scan3A_58 = arith.constant 0 : i32
      %scan3A_59 = arith.constant 40 : i32
      %scan3A_60 = arith.addi %scan3A_58, %scan3A_59 : i32
      %scan3A_61 = arith.constant 4 : i32
      scf.for %scan3A_98 = %scan3A_58 to %scan3A_60 step %scan3A_61  : i32 {
        %get3A_99 = arith.index_cast %scan3A_98 : i32 to index
        %get3A_100 = arith.constant 0 : index
        %get3A_101 = tpu.vector_load %arg18[%get3A_99, %get3A_100] {strides = array<i32>} : memref<40x16xf32, #tpu.memory_space<vmem>>, vector<1x16xf32>,
        %get3A_102 = vector.shape_cast %get3A_101 : vector<1x16xf32> to vector<16xf32>
        %get3A_103 = arith.index_cast %scan3A_98 : i32 to index
        %get3A_104 = arith.constant 0 : index
        %get3A_105 = tpu.vector_load %arg20[%get3A_103, %get3A_104] {strides = array<i32>} : memref<40x16xf32, #tpu.memory_space<vmem>>, vector<1x16xf32>,
        %get3A_106 = vector.shape_cast %get3A_105 : vector<1x16xf32> to vector<16xf32>
        %add3A_107 = arith.addf %get3A_102, %get3A_106 : vector<16xf32>
        %ge3A_108 = arith.constant 0.000000e+00 : f32
        %ge3A_109 = vector.broadcast %ge3A_108 : f32 to vector<16xf32>
        %ge3A_110 = arith.cmpf oge, %add3A_107, %ge3A_109 : vector<16xf32>
        %mul3A_111 = arith.constant 2.000000e-01 : f32
        %mul3A_112 = vector.broadcast %mul3A_111 : f32 to vector<16xf32>
        %mul3A_113 = arith.mulf %add3A_107, %mul3A_112 : vector<16xf32>
        %select_n3A = arith.select %ge3A_110, %add3A_107, %mul3A_113 : vector<16xi1>, vector<16xf32>
        %sub3A = arith.subf %select_n3A, %get3A_6 : vector<16xf32>
        %exp3A = math.exp %sub3A : vector<16xf32>
        %swap3A = arith.index_cast %scan3A_98 : i32 to index
        %swap3A_114 = arith.constant 64 : index
        %swap3A_115 = tpu.vector_load %arg22[%swap3A, %swap3A_114] {strides = array<i32>} : memref<40x80xf32, #tpu.memory_space<vmem>>, vector<1x16xf32>,
        %swap3A_116 = vector.shape_cast %swap3A_115 : vector<1x16xf32> to vector<16xf32>
        %swap3A_117 = vector.shape_cast %exp3A : vector<16xf32> to vector<1x16xf32>
        tpu.vector_store %arg22[%swap3A, %swap3A_114], %swap3A_117 {strides = array<i32>} : memref<40x80xf32, #tpu.memory_space<vmem>>, vector<1x16xf32>,
        %slice3A = vector.extract_strided_slice %exp3A {offsets = [0], sizes = [1], strides = [1]} : vector<16xf32> to vector<1xf32>
        %squeeze3A = vector.extract %slice3A[0] : f32 from vector<1xf32>
        %get3A_118 = arith.index_cast %scan3A_98 : i32 to index
        %get3A_119 = arith.constant 0 : index
        %get3A_120 = tpu.vector_load %arg16[%get3A_118, %get3A_119] {strides = array<i32>} : memref<40x64xf32, #tpu.memory_space<vmem>>, vector<1x16xf32>,
        %get3A_121 = vector.shape_cast %get3A_120 : vector<1x16xf32> to vector<16xf32>
        %mul3A_122 = vector.broadcast %squeeze3A : f32 to vector<16xf32>
        %mul3A_123 = arith.mulf %mul3A_122, %get3A_121 : vector<16xf32>
        %swap3A_124 = arith.index_cast %scan3A_98 : i32 to index
        %swap3A_125 = arith.constant 0 : index
        %swap3A_126 = tpu.vector_load %arg22[%swap3A_124, %swap3A_125] {strides = array<i32>} : memref<40x80xf32, #tpu.memory_space<vmem>>, vector<1x16xf32>,
        %swap3A_127 = vector.shape_cast %swap3A_126 : vector<1x16xf32> to vector<16xf32>
        %swap3A_128 = vector.shape_cast %mul3A_123 : vector<16xf32> to vector<1x16xf32>
        tpu.vector_store %arg22[%swap3A_124, %swap3A_125], %swap3A_128 {strides = array<i32>} : memref<40x80xf32, #tpu.memory_space<vmem>>, vector<1x16xf32>,
        %slice3A_129 = vector.extract_strided_slice %exp3A {offsets = [0], sizes = [1], strides = [1]} : vector<16xf32> to vector<1xf32>
        %squeeze3A_130 = vector.extract %slice3A_129[0] : f32 from vector<1xf32>
        %get3A_131 = arith.index_cast %scan3A_98 : i32 to index
        %get3A_132 = arith.constant 16 : index
        %get3A_133 = tpu.vector_load %arg16[%get3A_131, %get3A_132] {strides = array<i32>} : memref<40x64xf32, #tpu.memory_space<vmem>>, vector<1x16xf32>,
        %get3A_134 = vector.shape_cast %get3A_133 : vector<1x16xf32> to vector<16xf32>
        %mul3A_135 = vector.broadcast %squeeze3A_130 : f32 to vector<16xf32>
        %mul3A_136 = arith.mulf %mul3A_135, %get3A_134 : vector<16xf32>
        %swap3A_137 = arith.index_cast %scan3A_98 : i32 to index
        %swap3A_138 = arith.constant 16 : index
        %swap3A_139 = tpu.vector_load %arg22[%swap3A_137, %swap3A_138] {strides = array<i32>} : memref<40x80xf32, #tpu.memory_space<vmem>>, vector<1x16xf32>,
        %swap3A_140 = vector.shape_cast %swap3A_139 : vector<1x16xf32> to vector<16xf32>
        %swap3A_141 = vector.shape_cast %mul3A_136 : vector<16xf32> to vector<1x16xf32>
        tpu.vector_store %arg22[%swap3A_137, %swap3A_138], %swap3A_141 {strides = array<i32>} : memref<40x80xf32, #tpu.memory_space<vmem>>, vector<1x16xf32>,
        %slice3A_142 = vector.extract_strided_slice %exp3A {offsets = [0], sizes = [1], strides = [1]} : vector<16xf32> to vector<1xf32>
        %squeeze3A_143 = vector.extract %slice3A_142[0] : f32 from vector<1xf32>
        %get3A_144 = arith.index_cast %scan3A_98 : i32 to index
        %get3A_145 = arith.constant 32 : index
        %get3A_146 = tpu.vector_load %arg16[%get3A_144, %get3A_145] {strides = array<i32>} : memref<40x64xf32, #tpu.memory_space<vmem>>, vector<1x16xf32>,
        %get3A_147 = vector.shape_cast %get3A_146 : vector<1x16xf32> to vector<16xf32>
        %mul3A_148 = vector.broadcast %squeeze3A_143 : f32 to vector<16xf32>
        %mul3A_149 = arith.mulf %mul3A_148, %get3A_147 : vector<16xf32>
        %swap3A_150 = arith.index_cast %scan3A_98 : i32 to index
        %swap3A_151 = arith.constant 32 : index
        %swap3A_152 = tpu.vector_load %arg22[%swap3A_150, %swap3A_151] {strides = array<i32>} : memref<40x80xf32, #tpu.memory_space<vmem>>, vector<1x16xf32>,
        %swap3A_153 = vector.shape_cast %swap3A_152 : vector<1x16xf32> to vector<16xf32>
        %swap3A_154 = vector.shape_cast %mul3A_149 : vector<16xf32> to vector<1x16xf32>
        tpu.vector_store %arg22[%swap3A_150, %swap3A_151], %swap3A_154 {strides = array<i32>} : memref<40x80xf32, #tpu.memory_space<vmem>>, vector<1x16xf32>,
        %slice3A_155 = vector.extract_strided_slice %exp3A {offsets = [0], sizes = [1], strides = [1]} : vector<16xf32> to vector<1xf32>
        %squeeze3A_156 = vector.extract %slice3A_155[0] : f32 from vector<1xf32>
        %get3A_157 = arith.index_cast %scan3A_98 : i32 to index
        %get3A_158 = arith.constant 48 : index
        %get3A_159 = tpu.vector_load %arg16[%get3A_157, %get3A_158] {strides = array<i32>} : memref<40x64xf32, #tpu.memory_space<vmem>>, vector<1x16xf32>,
        %get3A_160 = vector.shape_cast %get3A_159 : vector<1x16xf32> to vector<16xf32>
        %mul3A_161 = vector.broadcast %squeeze3A_156 : f32 to vector<16xf32>
        %mul3A_162 = arith.mulf %mul3A_161, %get3A_160 : vector<16xf32>
        %swap3A_163 = arith.index_cast %scan3A_98 : i32 to index
        %swap3A_164 = arith.constant 48 : index
        %swap3A_165 = tpu.vector_load %arg22[%swap3A_163, %swap3A_164] {strides = array<i32>} : memref<40x80xf32, #tpu.memory_space<vmem>>, vector<1x16xf32>,
        %swap3A_166 = vector.shape_cast %swap3A_165 : vector<1x16xf32> to vector<16xf32>
        %swap3A_167 = vector.shape_cast %mul3A_162 : vector<16xf32> to vector<1x16xf32>
        tpu.vector_store %arg22[%swap3A_163, %swap3A_164], %swap3A_167 {strides = array<i32>} : memref<40x80xf32, #tpu.memory_space<vmem>>, vector<1x16xf32>,
        %scan3A_168 = arith.constant 1 : i32
        %scan3A_169 = arith.addi %scan3A_98, %scan3A_168 : i32
        %get3A_170 = arith.index_cast %scan3A_169 : i32 to index
        %get3A_171 = arith.constant 0 : index
        %get3A_172 = tpu.vector_load %arg18[%get3A_170, %get3A_171] {strides = array<i32>} : memref<40x16xf32, #tpu.memory_space<vmem>>, vector<1x16xf32>,
        %get3A_173 = vector.shape_cast %get3A_172 : vector<1x16xf32> to vector<16xf32>
        %get3A_174 = arith.index_cast %scan3A_169 : i32 to index
        %get3A_175 = arith.constant 0 : index
        %get3A_176 = tpu.vector_load %arg20[%get3A_174, %get3A_175] {strides = array<i32>} : memref<40x16xf32, #tpu.memory_space<vmem>>, vector<1x16xf32>,
        %get3A_177 = vector.shape_cast %get3A_176 : vector<1x16xf32> to vector<16xf32>
        %add3A_178 = arith.addf %get3A_173, %get3A_177 : vector<16xf32>
        %ge3A_179 = arith.constant 0.000000e+00 : f32
        %ge3A_180 = vector.broadcast %ge3A_179 : f32 to vector<16xf32>
        %ge3A_181 = arith.cmpf oge, %add3A_178, %ge3A_180 : vector<16xf32>
        %mul3A_182 = arith.constant 2.000000e-01 : f32
        %mul3A_183 = vector.broadcast %mul3A_182 : f32 to vector<16xf32>
        %mul3A_184 = arith.mulf %add3A_178, %mul3A_183 : vector<16xf32>
        %select_n3A_185 = arith.select %ge3A_181, %add3A_178, %mul3A_184 : vector<16xi1>, vector<16xf32>
        %sub3A_186 = arith.subf %select_n3A_185, %get3A_6 : vector<16xf32>
        %exp3A_187 = math.exp %sub3A_186 : vector<16xf32>
        %swap3A_188 = arith.index_cast %scan3A_169 : i32 to index
        %swap3A_189 = arith.constant 64 : index
        %swap3A_190 = tpu.vector_load %arg22[%swap3A_188, %swap3A_189] {strides = array<i32>} : memref<40x80xf32, #tpu.memory_space<vmem>>, vector<1x16xf32>,
        %swap3A_191 = vector.shape_cast %swap3A_190 : vector<1x16xf32> to vector<16xf32>
        %swap3A_192 = vector.shape_cast %exp3A_187 : vector<16xf32> to vector<1x16xf32>
        tpu.vector_store %arg22[%swap3A_188, %swap3A_189], %swap3A_192 {strides = array<i32>} : memref<40x80xf32, #tpu.memory_space<vmem>>, vector<1x16xf32>,
        %slice3A_193 = vector.extract_strided_slice %exp3A_187 {offsets = [0], sizes = [1], strides = [1]} : vector<16xf32> to vector<1xf32>
        %squeeze3A_194 = vector.extract %slice3A_193[0] : f32 from vector<1xf32>
        %get3A_195 = arith.index_cast %scan3A_169 : i32 to index
        %get3A_196 = arith.constant 0 : index
        %get3A_197 = tpu.vector_load %arg16[%get3A_195, %get3A_196] {strides = array<i32>} : memref<40x64xf32, #tpu.memory_space<vmem>>, vector<1x16xf32>,
        %get3A_198 = vector.shape_cast %get3A_197 : vector<1x16xf32> to vector<16xf32>
        %mul3A_199 = vector.broadcast %squeeze3A_194 : f32 to vector<16xf32>
        %mul3A_200 = arith.mulf %mul3A_199, %get3A_198 : vector<16xf32>
        %swap3A_201 = arith.index_cast %scan3A_169 : i32 to index
        %swap3A_202 = arith.constant 0 : index
        %swap3A_203 = tpu.vector_load %arg22[%swap3A_201, %swap3A_202] {strides = array<i32>} : memref<40x80xf32, #tpu.memory_space<vmem>>, vector<1x16xf32>,
        %swap3A_204 = vector.shape_cast %swap3A_203 : vector<1x16xf32> to vector<16xf32>
        %swap3A_205 = vector.shape_cast %mul3A_200 : vector<16xf32> to vector<1x16xf32>
        tpu.vector_store %arg22[%swap3A_201, %swap3A_202], %swap3A_205 {strides = array<i32>} : memref<40x80xf32, #tpu.memory_space<vmem>>, vector<1x16xf32>,
        %slice3A_206 = vector.extract_strided_slice %exp3A_187 {offsets = [0], sizes = [1], strides = [1]} : vector<16xf32> to vector<1xf32>
        %squeeze3A_207 = vector.extract %slice3A_206[0] : f32 from vector<1xf32>
        %get3A_208 = arith.index_cast %scan3A_169 : i32 to index
        %get3A_209 = arith.constant 16 : index
        %get3A_210 = tpu.vector_load %arg16[%get3A_208, %get3A_209] {strides = array<i32>} : memref<40x64xf32, #tpu.memory_space<vmem>>, vector<1x16xf32>,
        %get3A_211 = vector.shape_cast %get3A_210 : vector<1x16xf32> to vector<16xf32>
        %mul3A_212 = vector.broadcast %squeeze3A_207 : f32 to vector<16xf32>
        %mul3A_213 = arith.mulf %mul3A_212, %get3A_211 : vector<16xf32>
        %swap3A_214 = arith.index_cast %scan3A_169 : i32 to index
        %swap3A_215 = arith.constant 16 : index
        %swap3A_216 = tpu.vector_load %arg22[%swap3A_214, %swap3A_215] {strides = array<i32>} : memref<40x80xf32, #tpu.memory_space<vmem>>, vector<1x16xf32>,
        %swap3A_217 = vector.shape_cast %swap3A_216 : vector<1x16xf32> to vector<16xf32>
        %swap3A_218 = vector.shape_cast %mul3A_213 : vector<16xf32> to vector<1x16xf32>
        tpu.vector_store %arg22[%swap3A_214, %swap3A_215], %swap3A_218 {strides = array<i32>} : memref<40x80xf32, #tpu.memory_space<vmem>>, vector<1x16xf32>,
        %slice3A_219 = vector.extract_strided_slice %exp3A_187 {offsets = [0], sizes = [1], strides = [1]} : vector<16xf32> to vector<1xf32>
        %squeeze3A_220 = vector.extract %slice3A_219[0] : f32 from vector<1xf32>
        %get3A_221 = arith.index_cast %scan3A_169 : i32 to index
        %get3A_222 = arith.constant 32 : index
        %get3A_223 = tpu.vector_load %arg16[%get3A_221, %get3A_222] {strides = array<i32>} : memref<40x64xf32, #tpu.memory_space<vmem>>, vector<1x16xf32>,
        %get3A_224 = vector.shape_cast %get3A_223 : vector<1x16xf32> to vector<16xf32>
        %mul3A_225 = vector.broadcast %squeeze3A_220 : f32 to vector<16xf32>
        %mul3A_226 = arith.mulf %mul3A_225, %get3A_224 : vector<16xf32>
        %swap3A_227 = arith.index_cast %scan3A_169 : i32 to index
        %swap3A_228 = arith.constant 32 : index
        %swap3A_229 = tpu.vector_load %arg22[%swap3A_227, %swap3A_228] {strides = array<i32>} : memref<40x80xf32, #tpu.memory_space<vmem>>, vector<1x16xf32>,
        %swap3A_230 = vector.shape_cast %swap3A_229 : vector<1x16xf32> to vector<16xf32>
        %swap3A_231 = vector.shape_cast %mul3A_226 : vector<16xf32> to vector<1x16xf32>
        tpu.vector_store %arg22[%swap3A_227, %swap3A_228], %swap3A_231 {strides = array<i32>} : memref<40x80xf32, #tpu.memory_space<vmem>>, vector<1x16xf32>,
        %slice3A_232 = vector.extract_strided_slice %exp3A_187 {offsets = [0], sizes = [1], strides = [1]} : vector<16xf32> to vector<1xf32>
        %squeeze3A_233 = vector.extract %slice3A_232[0] : f32 from vector<1xf32>
        %get3A_234 = arith.index_cast %scan3A_169 : i32 to index
        %get3A_235 = arith.constant 48 : index
        %get3A_236 = tpu.vector_load %arg16[%get3A_234, %get3A_235] {strides = array<i32>} : memref<40x64xf32, #tpu.memory_space<vmem>>, vector<1x16xf32>,
        %get3A_237 = vector.shape_cast %get3A_236 : vector<1x16xf32> to vector<16xf32>
        %mul3A_238 = vector.broadcast %squeeze3A_233 : f32 to vector<16xf32>
        %mul3A_239 = arith.mulf %mul3A_238, %get3A_237 : vector<16xf32>
        %swap3A_240 = arith.index_cast %scan3A_169 : i32 to index
        %swap3A_241 = arith.constant 48 : index
        %swap3A_242 = tpu.vector_load %arg22[%swap3A_240, %swap3A_241] {strides = array<i32>} : memref<40x80xf32, #tpu.memory_space<vmem>>, vector<1x16xf32>,
        %swap3A_243 = vector.shape_cast %swap3A_242 : vector<1x16xf32> to vector<16xf32>
        %swap3A_244 = vector.shape_cast %mul3A_239 : vector<16xf32> to vector<1x16xf32>
        tpu.vector_store %arg22[%swap3A_240, %swap3A_241], %swap3A_244 {strides = array<i32>} : memref<40x80xf32, #tpu.memory_space<vmem>>, vector<1x16xf32>,
        %scan3A_245 = arith.constant 2 : i32
        %scan3A_246 = arith.addi %scan3A_98, %scan3A_245 : i32
        %get3A_247 = arith.index_cast %scan3A_246 : i32 to index
        %get3A_248 = arith.constant 0 : index
        %get3A_249 = tpu.vector_load %arg18[%get3A_247, %get3A_248] {strides = array<i32>} : memref<40x16xf32, #tpu.memory_space<vmem>>, vector<1x16xf32>,
        %get3A_250 = vector.shape_cast %get3A_249 : vector<1x16xf32> to vector<16xf32>
        %get3A_251 = arith.index_cast %scan3A_246 : i32 to index
        %get3A_252 = arith.constant 0 : index
        %get3A_253 = tpu.vector_load %arg20[%get3A_251, %get3A_252] {strides = array<i32>} : memref<40x16xf32, #tpu.memory_space<vmem>>, vector<1x16xf32>,
        %get3A_254 = vector.shape_cast %get3A_253 : vector<1x16xf32> to vector<16xf32>
        %add3A_255 = arith.addf %get3A_250, %get3A_254 : vector<16xf32>
        %ge3A_256 = arith.constant 0.000000e+00 : f32
        %ge3A_257 = vector.broadcast %ge3A_256 : f32 to vector<16xf32>
        %ge3A_258 = arith.cmpf oge, %add3A_255, %ge3A_257 : vector<16xf32>
        %mul3A_259 = arith.constant 2.000000e-01 : f32
        %mul3A_260 = vector.broadcast %mul3A_259 : f32 to vector<16xf32>
        %mul3A_261 = arith.mulf %add3A_255, %mul3A_260 : vector<16xf32>
        %select_n3A_262 = arith.select %ge3A_258, %add3A_255, %mul3A_261 : vector<16xi1>, vector<16xf32>
        %sub3A_263 = arith.subf %select_n3A_262, %get3A_6 : vector<16xf32>
        %exp3A_264 = math.exp %sub3A_263 : vector<16xf32>
        %swap3A_265 = arith.index_cast %scan3A_246 : i32 to index
        %swap3A_266 = arith.constant 64 : index
        %swap3A_267 = tpu.vector_load %arg22[%swap3A_265, %swap3A_266] {strides = array<i32>} : memref<40x80xf32, #tpu.memory_space<vmem>>, vector<1x16xf32>,
        %swap3A_268 = vector.shape_cast %swap3A_267 : vector<1x16xf32> to vector<16xf32>
        %swap3A_269 = vector.shape_cast %exp3A_264 : vector<16xf32> to vector<1x16xf32>
        tpu.vector_store %arg22[%swap3A_265, %swap3A_266], %swap3A_269 {strides = array<i32>} : memref<40x80xf32, #tpu.memory_space<vmem>>, vector<1x16xf32>,
        %slice3A_270 = vector.extract_strided_slice %exp3A_264 {offsets = [0], sizes = [1], strides = [1]} : vector<16xf32> to vector<1xf32>
        %squeeze3A_271 = vector.extract %slice3A_270[0] : f32 from vector<1xf32>
        %get3A_272 = arith.index_cast %scan3A_246 : i32 to index
        %get3A_273 = arith.constant 0 : index
        %get3A_274 = tpu.vector_load %arg16[%get3A_272, %get3A_273] {strides = array<i32>} : memref<40x64xf32, #tpu.memory_space<vmem>>, vector<1x16xf32>,
        %get3A_275 = vector.shape_cast %get3A_274 : vector<1x16xf32> to vector<16xf32>
        %mul3A_276 = vector.broadcast %squeeze3A_271 : f32 to vector<16xf32>
        %mul3A_277 = arith.mulf %mul3A_276, %get3A_275 : vector<16xf32>
        %swap3A_278 = arith.index_cast %scan3A_246 : i32 to index
        %swap3A_279 = arith.constant 0 : index
        %swap3A_280 = tpu.vector_load %arg22[%swap3A_278, %swap3A_279] {strides = array<i32>} : memref<40x80xf32, #tpu.memory_space<vmem>>, vector<1x16xf32>,
        %swap3A_281 = vector.shape_cast %swap3A_280 : vector<1x16xf32> to vector<16xf32>
        %swap3A_282 = vector.shape_cast %mul3A_277 : vector<16xf32> to vector<1x16xf32>
        tpu.vector_store %arg22[%swap3A_278, %swap3A_279], %swap3A_282 {strides = array<i32>} : memref<40x80xf32, #tpu.memory_space<vmem>>, vector<1x16xf32>,
        %slice3A_283 = vector.extract_strided_slice %exp3A_264 {offsets = [0], sizes = [1], strides = [1]} : vector<16xf32> to vector<1xf32>
        %squeeze3A_284 = vector.extract %slice3A_283[0] : f32 from vector<1xf32>
        %get3A_285 = arith.index_cast %scan3A_246 : i32 to index
        %get3A_286 = arith.constant 16 : index
        %get3A_287 = tpu.vector_load %arg16[%get3A_285, %get3A_286] {strides = array<i32>} : memref<40x64xf32, #tpu.memory_space<vmem>>, vector<1x16xf32>,
        %get3A_288 = vector.shape_cast %get3A_287 : vector<1x16xf32> to vector<16xf32>
        %mul3A_289 = vector.broadcast %squeeze3A_284 : f32 to vector<16xf32>
        %mul3A_290 = arith.mulf %mul3A_289, %get3A_288 : vector<16xf32>
        %swap3A_291 = arith.index_cast %scan3A_246 : i32 to index
        %swap3A_292 = arith.constant 16 : index
        %swap3A_293 = tpu.vector_load %arg22[%swap3A_291, %swap3A_292] {strides = array<i32>} : memref<40x80xf32, #tpu.memory_space<vmem>>, vector<1x16xf32>,
        %swap3A_294 = vector.shape_cast %swap3A_293 : vector<1x16xf32> to vector<16xf32>
        %swap3A_295 = vector.shape_cast %mul3A_290 : vector<16xf32> to vector<1x16xf32>
        tpu.vector_store %arg22[%swap3A_291, %swap3A_292], %swap3A_295 {strides = array<i32>} : memref<40x80xf32, #tpu.memory_space<vmem>>, vector<1x16xf32>,
        %slice3A_296 = vector.extract_strided_slice %exp3A_264 {offsets = [0], sizes = [1], strides = [1]} : vector<16xf32> to vector<1xf32>
        %squeeze3A_297 = vector.extract %slice3A_296[0] : f32 from vector<1xf32>
        %get3A_298 = arith.index_cast %scan3A_246 : i32 to index
        %get3A_299 = arith.constant 32 : index
        %get3A_300 = tpu.vector_load %arg16[%get3A_298, %get3A_299] {strides = array<i32>} : memref<40x64xf32, #tpu.memory_space<vmem>>, vector<1x16xf32>,
        %get3A_301 = vector.shape_cast %get3A_300 : vector<1x16xf32> to vector<16xf32>
        %mul3A_302 = vector.broadcast %squeeze3A_297 : f32 to vector<16xf32>
        %mul3A_303 = arith.mulf %mul3A_302, %get3A_301 : vector<16xf32>
        %swap3A_304 = arith.index_cast %scan3A_246 : i32 to index
        %swap3A_305 = arith.constant 32 : index
        %swap3A_306 = tpu.vector_load %arg22[%swap3A_304, %swap3A_305] {strides = array<i32>} : memref<40x80xf32, #tpu.memory_space<vmem>>, vector<1x16xf32>,
        %swap3A_307 = vector.shape_cast %swap3A_306 : vector<1x16xf32> to vector<16xf32>
        %swap3A_308 = vector.shape_cast %mul3A_303 : vector<16xf32> to vector<1x16xf32>
        tpu.vector_store %arg22[%swap3A_304, %swap3A_305], %swap3A_308 {strides = array<i32>} : memref<40x80xf32, #tpu.memory_space<vmem>>, vector<1x16xf32>,
        %slice3A_309 = vector.extract_strided_slice %exp3A_264 {offsets = [0], sizes = [1], strides = [1]} : vector<16xf32> to vector<1xf32>
        %squeeze3A_310 = vector.extract %slice3A_309[0] : f32 from vector<1xf32>
        %get3A_311 = arith.index_cast %scan3A_246 : i32 to index
        %get3A_312 = arith.constant 48 : index
        %get3A_313 = tpu.vector_load %arg16[%get3A_311, %get3A_312] {strides = array<i32>} : memref<40x64xf32, #tpu.memory_space<vmem>>, vector<1x16xf32>,
        %get3A_314 = vector.shape_cast %get3A_313 : vector<1x16xf32> to vector<16xf32>
        %mul3A_315 = vector.broadcast %squeeze3A_310 : f32 to vector<16xf32>
        %mul3A_316 = arith.mulf %mul3A_315, %get3A_314 : vector<16xf32>
        %swap3A_317 = arith.index_cast %scan3A_246 : i32 to index
        %swap3A_318 = arith.constant 48 : index
        %swap3A_319 = tpu.vector_load %arg22[%swap3A_317, %swap3A_318] {strides = array<i32>} : memref<40x80xf32, #tpu.memory_space<vmem>>, vector<1x16xf32>,
        %swap3A_320 = vector.shape_cast %swap3A_319 : vector<1x16xf32> to vector<16xf32>
        %swap3A_321 = vector.shape_cast %mul3A_316 : vector<16xf32> to vector<1x16xf32>
        tpu.vector_store %arg22[%swap3A_317, %swap3A_318], %swap3A_321 {strides = array<i32>} : memref<40x80xf32, #tpu.memory_space<vmem>>, vector<1x16xf32>,
        %scan3A_322 = arith.constant 3 : i32
        %scan3A_323 = arith.addi %scan3A_98, %scan3A_322 : i32
        %get3A_324 = arith.index_cast %scan3A_323 : i32 to index
        %get3A_325 = arith.constant 0 : index
        %get3A_326 = tpu.vector_load %arg18[%get3A_324, %get3A_325] {strides = array<i32>} : memref<40x16xf32, #tpu.memory_space<vmem>>, vector<1x16xf32>,
        %get3A_327 = vector.shape_cast %get3A_326 : vector<1x16xf32> to vector<16xf32>
        %get3A_328 = arith.index_cast %scan3A_323 : i32 to index
        %get3A_329 = arith.constant 0 : index
        %get3A_330 = tpu.vector_load %arg20[%get3A_328, %get3A_329] {strides = array<i32>} : memref<40x16xf32, #tpu.memory_space<vmem>>, vector<1x16xf32>,
        %get3A_331 = vector.shape_cast %get3A_330 : vector<1x16xf32> to vector<16xf32>
        %add3A_332 = arith.addf %get3A_327, %get3A_331 : vector<16xf32>
        %ge3A_333 = arith.constant 0.000000e+00 : f32
        %ge3A_334 = vector.broadcast %ge3A_333 : f32 to vector<16xf32>
        %ge3A_335 = arith.cmpf oge, %add3A_332, %ge3A_334 : vector<16xf32>
        %mul3A_336 = arith.constant 2.000000e-01 : f32
        %mul3A_337 = vector.broadcast %mul3A_336 : f32 to vector<16xf32>
        %mul3A_338 = arith.mulf %add3A_332, %mul3A_337 : vector<16xf32>
        %select_n3A_339 = arith.select %ge3A_335, %add3A_332, %mul3A_338 : vector<16xi1>, vector<16xf32>
        %sub3A_340 = arith.subf %select_n3A_339, %get3A_6 : vector<16xf32>
        %exp3A_341 = math.exp %sub3A_340 : vector<16xf32>
        %swap3A_342 = arith.index_cast %scan3A_323 : i32 to index
        %swap3A_343 = arith.constant 64 : index
        %swap3A_344 = tpu.vector_load %arg22[%swap3A_342, %swap3A_343] {strides = array<i32>} : memref<40x80xf32, #tpu.memory_space<vmem>>, vector<1x16xf32>,
        %swap3A_345 = vector.shape_cast %swap3A_344 : vector<1x16xf32> to vector<16xf32>
        %swap3A_346 = vector.shape_cast %exp3A_341 : vector<16xf32> to vector<1x16xf32>
        tpu.vector_store %arg22[%swap3A_342, %swap3A_343], %swap3A_346 {strides = array<i32>} : memref<40x80xf32, #tpu.memory_space<vmem>>, vector<1x16xf32>,
        %slice3A_347 = vector.extract_strided_slice %exp3A_341 {offsets = [0], sizes = [1], strides = [1]} : vector<16xf32> to vector<1xf32>
        %squeeze3A_348 = vector.extract %slice3A_347[0] : f32 from vector<1xf32>
        %get3A_349 = arith.index_cast %scan3A_323 : i32 to index
        %get3A_350 = arith.constant 0 : index
        %get3A_351 = tpu.vector_load %arg16[%get3A_349, %get3A_350] {strides = array<i32>} : memref<40x64xf32, #tpu.memory_space<vmem>>, vector<1x16xf32>,
        %get3A_352 = vector.shape_cast %get3A_351 : vector<1x16xf32> to vector<16xf32>
        %mul3A_353 = vector.broadcast %squeeze3A_348 : f32 to vector<16xf32>
        %mul3A_354 = arith.mulf %mul3A_353, %get3A_352 : vector<16xf32>
        %swap3A_355 = arith.index_cast %scan3A_323 : i32 to index
        %swap3A_356 = arith.constant 0 : index
        %swap3A_357 = tpu.vector_load %arg22[%swap3A_355, %swap3A_356] {strides = array<i32>} : memref<40x80xf32, #tpu.memory_space<vmem>>, vector<1x16xf32>,
        %swap3A_358 = vector.shape_cast %swap3A_357 : vector<1x16xf32> to vector<16xf32>
        %swap3A_359 = vector.shape_cast %mul3A_354 : vector<16xf32> to vector<1x16xf32>
        tpu.vector_store %arg22[%swap3A_355, %swap3A_356], %swap3A_359 {strides = array<i32>} : memref<40x80xf32, #tpu.memory_space<vmem>>, vector<1x16xf32>,
        %slice3A_360 = vector.extract_strided_slice %exp3A_341 {offsets = [0], sizes = [1], strides = [1]} : vector<16xf32> to vector<1xf32>
        %squeeze3A_361 = vector.extract %slice3A_360[0] : f32 from vector<1xf32>
        %get3A_362 = arith.index_cast %scan3A_323 : i32 to index
        %get3A_363 = arith.constant 16 : index
        %get3A_364 = tpu.vector_load %arg16[%get3A_362, %get3A_363] {strides = array<i32>} : memref<40x64xf32, #tpu.memory_space<vmem>>, vector<1x16xf32>,
        %get3A_365 = vector.shape_cast %get3A_364 : vector<1x16xf32> to vector<16xf32>
        %mul3A_366 = vector.broadcast %squeeze3A_361 : f32 to vector<16xf32>
        %mul3A_367 = arith.mulf %mul3A_366, %get3A_365 : vector<16xf32>
        %swap3A_368 = arith.index_cast %scan3A_323 : i32 to index
        %swap3A_369 = arith.constant 16 : index
        %swap3A_370 = tpu.vector_load %arg22[%swap3A_368, %swap3A_369] {strides = array<i32>} : memref<40x80xf32, #tpu.memory_space<vmem>>, vector<1x16xf32>,
        %swap3A_371 = vector.shape_cast %swap3A_370 : vector<1x16xf32> to vector<16xf32>
        %swap3A_372 = vector.shape_cast %mul3A_367 : vector<16xf32> to vector<1x16xf32>
        tpu.vector_store %arg22[%swap3A_368, %swap3A_369], %swap3A_372 {strides = array<i32>} : memref<40x80xf32, #tpu.memory_space<vmem>>, vector<1x16xf32>,
        %slice3A_373 = vector.extract_strided_slice %exp3A_341 {offsets = [0], sizes = [1], strides = [1]} : vector<16xf32> to vector<1xf32>
        %squeeze3A_374 = vector.extract %slice3A_373[0] : f32 from vector<1xf32>
        %get3A_375 = arith.index_cast %scan3A_323 : i32 to index
        %get3A_376 = arith.constant 32 : index
        %get3A_377 = tpu.vector_load %arg16[%get3A_375, %get3A_376] {strides = array<i32>} : memref<40x64xf32, #tpu.memory_space<vmem>>, vector<1x16xf32>,
        %get3A_378 = vector.shape_cast %get3A_377 : vector<1x16xf32> to vector<16xf32>
        %mul3A_379 = vector.broadcast %squeeze3A_374 : f32 to vector<16xf32>
        %mul3A_380 = arith.mulf %mul3A_379, %get3A_378 : vector<16xf32>
        %swap3A_381 = arith.index_cast %scan3A_323 : i32 to index
        %swap3A_382 = arith.constant 32 : index
        %swap3A_383 = tpu.vector_load %arg22[%swap3A_381, %swap3A_382] {strides = array<i32>} : memref<40x80xf32, #tpu.memory_space<vmem>>, vector<1x16xf32>,
        %swap3A_384 = vector.shape_cast %swap3A_383 : vector<1x16xf32> to vector<16xf32>
        %swap3A_385 = vector.shape_cast %mul3A_380 : vector<16xf32> to vector<1x16xf32>
        tpu.vector_store %arg22[%swap3A_381, %swap3A_382], %swap3A_385 {strides = array<i32>} : memref<40x80xf32, #tpu.memory_space<vmem>>, vector<1x16xf32>,
        %slice3A_386 = vector.extract_strided_slice %exp3A_341 {offsets = [0], sizes = [1], strides = [1]} : vector<16xf32> to vector<1xf32>
        %squeeze3A_387 = vector.extract %slice3A_386[0] : f32 from vector<1xf32>
        %get3A_388 = arith.index_cast %scan3A_323 : i32 to index
        %get3A_389 = arith.constant 48 : index
        %get3A_390 = tpu.vector_load %arg16[%get3A_388, %get3A_389] {strides = array<i32>} : memref<40x64xf32, #tpu.memory_space<vmem>>, vector<1x16xf32>,
        %get3A_391 = vector.shape_cast %get3A_390 : vector<1x16xf32> to vector<16xf32>
        %mul3A_392 = vector.broadcast %squeeze3A_387 : f32 to vector<16xf32>
        %mul3A_393 = arith.mulf %mul3A_392, %get3A_391 : vector<16xf32>
        %swap3A_394 = arith.index_cast %scan3A_323 : i32 to index
        %swap3A_395 = arith.constant 48 : index
        %swap3A_396 = tpu.vector_load %arg22[%swap3A_394, %swap3A_395] {strides = array<i32>} : memref<40x80xf32, #tpu.memory_space<vmem>>, vector<1x16xf32>,
        %swap3A_397 = vector.shape_cast %swap3A_396 : vector<1x16xf32> to vector<16xf32>
        %swap3A_398 = vector.shape_cast %mul3A_393 : vector<16xf32> to vector<1x16xf32>
        tpu.vector_store %arg22[%swap3A_394, %swap3A_395], %swap3A_398 {strides = array<i32>} : memref<40x80xf32, #tpu.memory_space<vmem>>, vector<1x16xf32>,
      }
      %scan3A_62 = arith.constant 40 : i32
      %dma_start3A_63 = arith.constant 0 : i32
      %dma_start3A_64 = arith.constant 0 : i32
      %dma_start3A_65 = tpu.memref_slice %arg11[%dma_start3A_63, %dma_start3A_64] : memref<10240x80xf32, #tpu.memory_space<vmem_shared>> -> memref<10240x80xf32, #tpu.memory_space<vmem_shared>>
      tpu.enqueue_indirect_dma source(%arg22 : memref<40x80xf32, #tpu.memory_space<vmem>>) target(%dma_start3A_65 : memref<10240x80xf32, #tpu.memory_space<vmem_shared>>) offsets(%arg14 : memref<40xi32, #tpu.memory_space<vmem>>) semaphore(%arg27 : memref<!tpu.dma_semaphore, #tpu.memory_space<semaphore_mem>>) {add = true}
      %mul3A_66 = arith.constant 2 : i32
      %mul3A_67 = arith.muli %mul3A_66, %scan3A_35 : i32
      %add3A_68 = arith.constant 1 : i32
      %add3A_69 = arith.addi %mul3A_67, %add3A_68 : i32
      %lt3A_70 = arith.constant 249 : i32
      %lt3A_71 = arith.cmpi slt, %add3A_69, %lt3A_70 : i32
      %convert_element_type3A_72 = arith.extui %lt3A_71 : i1 to i32
      %cond3A_73 = arith.constant 0 : i32
      %cond3A_74 = arith.cmpi ne, %convert_element_type3A_72, %cond3A_73 : i32
      scf.if %cond3A_74 {
        %add3A_98 = arith.constant 1 : i32
        %add3A_99 = arith.addi %add3A_69, %add3A_98 : i32
        %mul3A_100 = arith.constant 40 : i32
        %mul3A_101 = arith.muli %add3A_99, %mul3A_100 : i32
        %add3A_102 = arith.addi %mul3A_4, %mul3A_101 : i32
        "tpu.region"() ({
          %run_scoped3A = tpu.sem_alloc : memref<!tpu.dma_semaphore, #tpu.memory_space<semaphore_mem>>
          %dma_start3A_112 = tpu.memref_slice %arg6[%add3A_102] : memref<320000xi32, #tpu.memory_space<hbm>> -> memref<40xi32, #tpu.memory_space<hbm>>
          %dma_start3A_113 = tpu.memref_slice %arg6[%add3A_102] : memref<320000xi32, #tpu.memory_space<hbm>> -> memref<40xi32, #tpu.memory_space<hbm>>
          tpu.enqueue_dma source(%dma_start3A_113 : memref<40xi32, #tpu.memory_space<hbm>>) target(%arg12 : memref<40xi32, #tpu.memory_space<vmem>>) target_semaphore(%run_scoped3A : memref<!tpu.dma_semaphore, #tpu.memory_space<semaphore_mem>>)
          %dma_wait3A_114 = tpu.memref_slice %arg6[%add3A_102] : memref<320000xi32, #tpu.memory_space<hbm>> -> memref<40xi32, #tpu.memory_space<hbm>>
          %dma_wait3A_115 = tpu.memref_slice %arg6[%add3A_102] : memref<320000xi32, #tpu.memory_space<hbm>> -> memref<40xi32, #tpu.memory_space<hbm>>
          tpu.wait_dma2 semaphore(%run_scoped3A : memref<!tpu.dma_semaphore, #tpu.memory_space<semaphore_mem>>) src(%dma_wait3A_115 : memref<40xi32, #tpu.memory_space<hbm>>) dst(%arg12 : memref<40xi32, #tpu.memory_space<vmem>>)
          tpu.yield
        }) : () -> ()
        "tpu.region"() ({
          %run_scoped3A = tpu.sem_alloc : memref<!tpu.dma_semaphore, #tpu.memory_space<semaphore_mem>>
          %dma_start3A_112 = tpu.memref_slice %arg7[%add3A_102] : memref<320000xi32, #tpu.memory_space<hbm>> -> memref<40xi32, #tpu.memory_space<hbm>>
          %dma_start3A_113 = tpu.memref_slice %arg7[%add3A_102] : memref<320000xi32, #tpu.memory_space<hbm>> -> memref<40xi32, #tpu.memory_space<hbm>>
          tpu.enqueue_dma source(%dma_start3A_113 : memref<40xi32, #tpu.memory_space<hbm>>) target(%arg14 : memref<40xi32, #tpu.memory_space<vmem>>) target_semaphore(%run_scoped3A : memref<!tpu.dma_semaphore, #tpu.memory_space<semaphore_mem>>)
          %dma_wait3A_114 = tpu.memref_slice %arg7[%add3A_102] : memref<320000xi32, #tpu.memory_space<hbm>> -> memref<40xi32, #tpu.memory_space<hbm>>
          %dma_wait3A_115 = tpu.memref_slice %arg7[%add3A_102] : memref<320000xi32, #tpu.memory_space<hbm>> -> memref<40xi32, #tpu.memory_space<hbm>>
          tpu.wait_dma2 semaphore(%run_scoped3A : memref<!tpu.dma_semaphore, #tpu.memory_space<semaphore_mem>>) src(%dma_wait3A_115 : memref<40xi32, #tpu.memory_space<hbm>>) dst(%arg14 : memref<40xi32, #tpu.memory_space<vmem>>)
          tpu.yield
        }) : () -> ()
        %dma_start3A_103 = arith.constant 0 : i32
        %dma_start3A_104 = arith.constant 0 : i32
        %dma_start3A_105 = tpu.memref_slice %arg2[%dma_start3A_103, %dma_start3A_104] : memref<10240x64xf32, #tpu.memory_space<hbm>> -> memref<10240x64xf32, #tpu.memory_space<hbm>>
        tpu.enqueue_indirect_dma source(%dma_start3A_105 : memref<10240x64xf32, #tpu.memory_space<hbm>>) target(%arg16 : memref<40x64xf32, #tpu.memory_space<vmem>>) offsets(%arg12 : memref<40xi32, #tpu.memory_space<vmem>>) semaphore(%arg25 : memref<!tpu.dma_semaphore, #tpu.memory_space<semaphore_mem>>)
        %dma_start3A_106 = arith.constant 0 : i32
        %dma_start3A_107 = arith.constant 0 : i32
        %dma_start3A_108 = tpu.memref_slice %arg3[%dma_start3A_106, %dma_start3A_107] : memref<10240x16xf32, #tpu.memory_space<hbm>> -> memref<10240x16xf32, #tpu.memory_space<hbm>>
        tpu.enqueue_indirect_dma source(%dma_start3A_108 : memref<10240x16xf32, #tpu.memory_space<hbm>>) target(%arg18 : memref<40x16xf32, #tpu.memory_space<vmem>>) offsets(%arg12 : memref<40xi32, #tpu.memory_space<vmem>>) semaphore(%arg25 : memref<!tpu.dma_semaphore, #tpu.memory_space<semaphore_mem>>)
        %dma_start3A_109 = arith.constant 0 : i32
        %dma_start3A_110 = arith.constant 0 : i32
        %dma_start3A_111 = tpu.memref_slice %arg4[%dma_start3A_109, %dma_start3A_110] : memref<10240x16xf32, #tpu.memory_space<hbm>> -> memref<10240x16xf32, #tpu.memory_space<hbm>>
        tpu.enqueue_indirect_dma source(%dma_start3A_111 : memref<10240x16xf32, #tpu.memory_space<hbm>>) target(%arg20 : memref<40x16xf32, #tpu.memory_space<vmem>>) offsets(%arg14 : memref<40xi32, #tpu.memory_space<vmem>>) semaphore(%arg25 : memref<!tpu.dma_semaphore, #tpu.memory_space<semaphore_mem>>)
      } else {
      }
      %dma_wait3A_75 = arith.constant 0 : i32
      %dma_wait3A_76 = arith.constant 0 : i32
      %dma_wait3A_77 = tpu.memref_slice %arg2[%dma_wait3A_75, %dma_wait3A_76] : memref<10240x64xf32, #tpu.memory_space<hbm>> -> memref<10240x64xf32, #tpu.memory_space<hbm>>
      tpu.wait_indirect_dma semaphore(%arg26 : memref<!tpu.dma_semaphore, #tpu.memory_space<semaphore_mem>>) src(%dma_wait3A_77 : memref<10240x64xf32, #tpu.memory_space<hbm>>) dst(%arg17 : memref<40x64xf32, #tpu.memory_space<vmem>>)
      %dma_wait3A_78 = arith.constant 0 : i32
      %dma_wait3A_79 = arith.constant 0 : i32
      %dma_wait3A_80 = tpu.memref_slice %arg3[%dma_wait3A_78, %dma_wait3A_79] : memref<10240x16xf32, #tpu.memory_space<hbm>> -> memref<10240x16xf32, #tpu.memory_space<hbm>>
      tpu.wait_indirect_dma semaphore(%arg26 : memref<!tpu.dma_semaphore, #tpu.memory_space<semaphore_mem>>) src(%dma_wait3A_80 : memref<10240x16xf32, #tpu.memory_space<hbm>>) dst(%arg19 : memref<40x16xf32, #tpu.memory_space<vmem>>)
      %dma_wait3A_81 = arith.constant 0 : i32
      %dma_wait3A_82 = arith.constant 0 : i32
      %dma_wait3A_83 = tpu.memref_slice %arg4[%dma_wait3A_81, %dma_wait3A_82] : memref<10240x16xf32, #tpu.memory_space<hbm>> -> memref<10240x16xf32, #tpu.memory_space<hbm>>
      tpu.wait_indirect_dma semaphore(%arg26 : memref<!tpu.dma_semaphore, #tpu.memory_space<semaphore_mem>>) src(%dma_wait3A_83 : memref<10240x16xf32, #tpu.memory_space<hbm>>) dst(%arg21 : memref<40x16xf32, #tpu.memory_space<vmem>>)
      %ge3A_84 = arith.constant 2 : i32
      %ge3A_85 = arith.cmpi sge, %add3A_69, %ge3A_84 : i32
      %convert_element_type3A_86 = arith.extui %ge3A_85 : i1 to i32
      %cond3A_87 = arith.constant 0 : i32
      %cond3A_88 = arith.cmpi ne, %convert_element_type3A_86, %cond3A_87 : i32
      scf.if %cond3A_88 {
        %dma_wait3A_98 = arith.constant 0 : i32
        %dma_wait3A_99 = arith.constant 0 : i32
        %dma_wait3A_100 = tpu.memref_slice %arg11[%dma_wait3A_98, %dma_wait3A_99] : memref<10240x80xf32, #tpu.memory_space<vmem_shared>> -> memref<10240x80xf32, #tpu.memory_space<vmem_shared>>
        tpu.wait_indirect_dma semaphore(%arg28 : memref<!tpu.dma_semaphore, #tpu.memory_space<semaphore_mem>>) src(%arg23 : memref<40x80xf32, #tpu.memory_space<vmem>>) dst(%dma_wait3A_100 : memref<10240x80xf32, #tpu.memory_space<vmem_shared>>)
      } else {
      }
      %scan3A_89 = arith.constant 0 : i32
      %scan3A_90 = arith.constant 0 : i32
      %scan3A_91 = arith.constant 40 : i32
      %scan3A_92 = arith.addi %scan3A_90, %scan3A_91 : i32
      %scan3A_93 = arith.constant 4 : i32
      scf.for %scan3A_98 = %scan3A_90 to %scan3A_92 step %scan3A_93  : i32 {
        %get3A_99 = arith.index_cast %scan3A_98 : i32 to index
        %get3A_100 = arith.constant 0 : index
        %get3A_101 = tpu.vector_load %arg19[%get3A_99, %get3A_100] {strides = array<i32>} : memref<40x16xf32, #tpu.memory_space<vmem>>, vector<1x16xf32>,
        %get3A_102 = vector.shape_cast %get3A_101 : vector<1x16xf32> to vector<16xf32>
        %get3A_103 = arith.index_cast %scan3A_98 : i32 to index
        %get3A_104 = arith.constant 0 : index
        %get3A_105 = tpu.vector_load %arg21[%get3A_103, %get3A_104] {strides = array<i32>} : memref<40x16xf32, #tpu.memory_space<vmem>>, vector<1x16xf32>,
        %get3A_106 = vector.shape_cast %get3A_105 : vector<1x16xf32> to vector<16xf32>
        %add3A_107 = arith.addf %get3A_102, %get3A_106 : vector<16xf32>
        %ge3A_108 = arith.constant 0.000000e+00 : f32
        %ge3A_109 = vector.broadcast %ge3A_108 : f32 to vector<16xf32>
        %ge3A_110 = arith.cmpf oge, %add3A_107, %ge3A_109 : vector<16xf32>
        %mul3A_111 = arith.constant 2.000000e-01 : f32
        %mul3A_112 = vector.broadcast %mul3A_111 : f32 to vector<16xf32>
        %mul3A_113 = arith.mulf %add3A_107, %mul3A_112 : vector<16xf32>
        %select_n3A = arith.select %ge3A_110, %add3A_107, %mul3A_113 : vector<16xi1>, vector<16xf32>
        %sub3A = arith.subf %select_n3A, %get3A_6 : vector<16xf32>
        %exp3A = math.exp %sub3A : vector<16xf32>
        %swap3A = arith.index_cast %scan3A_98 : i32 to index
        %swap3A_114 = arith.constant 64 : index
        %swap3A_115 = tpu.vector_load %arg23[%swap3A, %swap3A_114] {strides = array<i32>} : memref<40x80xf32, #tpu.memory_space<vmem>>, vector<1x16xf32>,
        %swap3A_116 = vector.shape_cast %swap3A_115 : vector<1x16xf32> to vector<16xf32>
        %swap3A_117 = vector.shape_cast %exp3A : vector<16xf32> to vector<1x16xf32>
        tpu.vector_store %arg23[%swap3A, %swap3A_114], %swap3A_117 {strides = array<i32>} : memref<40x80xf32, #tpu.memory_space<vmem>>, vector<1x16xf32>,
        %slice3A = vector.extract_strided_slice %exp3A {offsets = [0], sizes = [1], strides = [1]} : vector<16xf32> to vector<1xf32>
        %squeeze3A = vector.extract %slice3A[0] : f32 from vector<1xf32>
        %get3A_118 = arith.index_cast %scan3A_98 : i32 to index
        %get3A_119 = arith.constant 0 : index
        %get3A_120 = tpu.vector_load %arg17[%get3A_118, %get3A_119] {strides = array<i32>} : memref<40x64xf32, #tpu.memory_space<vmem>>, vector<1x16xf32>,
        %get3A_121 = vector.shape_cast %get3A_120 : vector<1x16xf32> to vector<16xf32>
        %mul3A_122 = vector.broadcast %squeeze3A : f32 to vector<16xf32>
        %mul3A_123 = arith.mulf %mul3A_122, %get3A_121 : vector<16xf32>
        %swap3A_124 = arith.index_cast %scan3A_98 : i32 to index
        %swap3A_125 = arith.constant 0 : index
        %swap3A_126 = tpu.vector_load %arg23[%swap3A_124, %swap3A_125] {strides = array<i32>} : memref<40x80xf32, #tpu.memory_space<vmem>>, vector<1x16xf32>,
        %swap3A_127 = vector.shape_cast %swap3A_126 : vector<1x16xf32> to vector<16xf32>
        %swap3A_128 = vector.shape_cast %mul3A_123 : vector<16xf32> to vector<1x16xf32>
        tpu.vector_store %arg23[%swap3A_124, %swap3A_125], %swap3A_128 {strides = array<i32>} : memref<40x80xf32, #tpu.memory_space<vmem>>, vector<1x16xf32>,
        %slice3A_129 = vector.extract_strided_slice %exp3A {offsets = [0], sizes = [1], strides = [1]} : vector<16xf32> to vector<1xf32>
        %squeeze3A_130 = vector.extract %slice3A_129[0] : f32 from vector<1xf32>
        %get3A_131 = arith.index_cast %scan3A_98 : i32 to index
        %get3A_132 = arith.constant 16 : index
        %get3A_133 = tpu.vector_load %arg17[%get3A_131, %get3A_132] {strides = array<i32>} : memref<40x64xf32, #tpu.memory_space<vmem>>, vector<1x16xf32>,
        %get3A_134 = vector.shape_cast %get3A_133 : vector<1x16xf32> to vector<16xf32>
        %mul3A_135 = vector.broadcast %squeeze3A_130 : f32 to vector<16xf32>
        %mul3A_136 = arith.mulf %mul3A_135, %get3A_134 : vector<16xf32>
        %swap3A_137 = arith.index_cast %scan3A_98 : i32 to index
        %swap3A_138 = arith.constant 16 : index
        %swap3A_139 = tpu.vector_load %arg23[%swap3A_137, %swap3A_138] {strides = array<i32>} : memref<40x80xf32, #tpu.memory_space<vmem>>, vector<1x16xf32>,
        %swap3A_140 = vector.shape_cast %swap3A_139 : vector<1x16xf32> to vector<16xf32>
        %swap3A_141 = vector.shape_cast %mul3A_136 : vector<16xf32> to vector<1x16xf32>
        tpu.vector_store %arg23[%swap3A_137, %swap3A_138], %swap3A_141 {strides = array<i32>} : memref<40x80xf32, #tpu.memory_space<vmem>>, vector<1x16xf32>,
        %slice3A_142 = vector.extract_strided_slice %exp3A {offsets = [0], sizes = [1], strides = [1]} : vector<16xf32> to vector<1xf32>
        %squeeze3A_143 = vector.extract %slice3A_142[0] : f32 from vector<1xf32>
        %get3A_144 = arith.index_cast %scan3A_98 : i32 to index
        %get3A_145 = arith.constant 32 : index
        %get3A_146 = tpu.vector_load %arg17[%get3A_144, %get3A_145] {strides = array<i32>} : memref<40x64xf32, #tpu.memory_space<vmem>>, vector<1x16xf32>,
        %get3A_147 = vector.shape_cast %get3A_146 : vector<1x16xf32> to vector<16xf32>
        %mul3A_148 = vector.broadcast %squeeze3A_143 : f32 to vector<16xf32>
        %mul3A_149 = arith.mulf %mul3A_148, %get3A_147 : vector<16xf32>
        %swap3A_150 = arith.index_cast %scan3A_98 : i32 to index
        %swap3A_151 = arith.constant 32 : index
        %swap3A_152 = tpu.vector_load %arg23[%swap3A_150, %swap3A_151] {strides = array<i32>} : memref<40x80xf32, #tpu.memory_space<vmem>>, vector<1x16xf32>,
        %swap3A_153 = vector.shape_cast %swap3A_152 : vector<1x16xf32> to vector<16xf32>
        %swap3A_154 = vector.shape_cast %mul3A_149 : vector<16xf32> to vector<1x16xf32>
        tpu.vector_store %arg23[%swap3A_150, %swap3A_151], %swap3A_154 {strides = array<i32>} : memref<40x80xf32, #tpu.memory_space<vmem>>, vector<1x16xf32>,
        %slice3A_155 = vector.extract_strided_slice %exp3A {offsets = [0], sizes = [1], strides = [1]} : vector<16xf32> to vector<1xf32>
        %squeeze3A_156 = vector.extract %slice3A_155[0] : f32 from vector<1xf32>
        %get3A_157 = arith.index_cast %scan3A_98 : i32 to index
        %get3A_158 = arith.constant 48 : index
        %get3A_159 = tpu.vector_load %arg17[%get3A_157, %get3A_158] {strides = array<i32>} : memref<40x64xf32, #tpu.memory_space<vmem>>, vector<1x16xf32>,
        %get3A_160 = vector.shape_cast %get3A_159 : vector<1x16xf32> to vector<16xf32>
        %mul3A_161 = vector.broadcast %squeeze3A_156 : f32 to vector<16xf32>
        %mul3A_162 = arith.mulf %mul3A_161, %get3A_160 : vector<16xf32>
        %swap3A_163 = arith.index_cast %scan3A_98 : i32 to index
        %swap3A_164 = arith.constant 48 : index
        %swap3A_165 = tpu.vector_load %arg23[%swap3A_163, %swap3A_164] {strides = array<i32>} : memref<40x80xf32, #tpu.memory_space<vmem>>, vector<1x16xf32>,
        %swap3A_166 = vector.shape_cast %swap3A_165 : vector<1x16xf32> to vector<16xf32>
        %swap3A_167 = vector.shape_cast %mul3A_162 : vector<16xf32> to vector<1x16xf32>
        tpu.vector_store %arg23[%swap3A_163, %swap3A_164], %swap3A_167 {strides = array<i32>} : memref<40x80xf32, #tpu.memory_space<vmem>>, vector<1x16xf32>,
        %scan3A_168 = arith.constant 1 : i32
        %scan3A_169 = arith.addi %scan3A_98, %scan3A_168 : i32
        %get3A_170 = arith.index_cast %scan3A_169 : i32 to index
        %get3A_171 = arith.constant 0 : index
        %get3A_172 = tpu.vector_load %arg19[%get3A_170, %get3A_171] {strides = array<i32>} : memref<40x16xf32, #tpu.memory_space<vmem>>, vector<1x16xf32>,
        %get3A_173 = vector.shape_cast %get3A_172 : vector<1x16xf32> to vector<16xf32>
        %get3A_174 = arith.index_cast %scan3A_169 : i32 to index
        %get3A_175 = arith.constant 0 : index
        %get3A_176 = tpu.vector_load %arg21[%get3A_174, %get3A_175] {strides = array<i32>} : memref<40x16xf32, #tpu.memory_space<vmem>>, vector<1x16xf32>,
        %get3A_177 = vector.shape_cast %get3A_176 : vector<1x16xf32> to vector<16xf32>
        %add3A_178 = arith.addf %get3A_173, %get3A_177 : vector<16xf32>
        %ge3A_179 = arith.constant 0.000000e+00 : f32
        %ge3A_180 = vector.broadcast %ge3A_179 : f32 to vector<16xf32>
        %ge3A_181 = arith.cmpf oge, %add3A_178, %ge3A_180 : vector<16xf32>
        %mul3A_182 = arith.constant 2.000000e-01 : f32
        %mul3A_183 = vector.broadcast %mul3A_182 : f32 to vector<16xf32>
        %mul3A_184 = arith.mulf %add3A_178, %mul3A_183 : vector<16xf32>
        %select_n3A_185 = arith.select %ge3A_181, %add3A_178, %mul3A_184 : vector<16xi1>, vector<16xf32>
        %sub3A_186 = arith.subf %select_n3A_185, %get3A_6 : vector<16xf32>
        %exp3A_187 = math.exp %sub3A_186 : vector<16xf32>
        %swap3A_188 = arith.index_cast %scan3A_169 : i32 to index
        %swap3A_189 = arith.constant 64 : index
        %swap3A_190 = tpu.vector_load %arg23[%swap3A_188, %swap3A_189] {strides = array<i32>} : memref<40x80xf32, #tpu.memory_space<vmem>>, vector<1x16xf32>,
        %swap3A_191 = vector.shape_cast %swap3A_190 : vector<1x16xf32> to vector<16xf32>
        %swap3A_192 = vector.shape_cast %exp3A_187 : vector<16xf32> to vector<1x16xf32>
        tpu.vector_store %arg23[%swap3A_188, %swap3A_189], %swap3A_192 {strides = array<i32>} : memref<40x80xf32, #tpu.memory_space<vmem>>, vector<1x16xf32>,
        %slice3A_193 = vector.extract_strided_slice %exp3A_187 {offsets = [0], sizes = [1], strides = [1]} : vector<16xf32> to vector<1xf32>
        %squeeze3A_194 = vector.extract %slice3A_193[0] : f32 from vector<1xf32>
        %get3A_195 = arith.index_cast %scan3A_169 : i32 to index
        %get3A_196 = arith.constant 0 : index
        %get3A_197 = tpu.vector_load %arg17[%get3A_195, %get3A_196] {strides = array<i32>} : memref<40x64xf32, #tpu.memory_space<vmem>>, vector<1x16xf32>,
        %get3A_198 = vector.shape_cast %get3A_197 : vector<1x16xf32> to vector<16xf32>
        %mul3A_199 = vector.broadcast %squeeze3A_194 : f32 to vector<16xf32>
        %mul3A_200 = arith.mulf %mul3A_199, %get3A_198 : vector<16xf32>
        %swap3A_201 = arith.index_cast %scan3A_169 : i32 to index
        %swap3A_202 = arith.constant 0 : index
        %swap3A_203 = tpu.vector_load %arg23[%swap3A_201, %swap3A_202] {strides = array<i32>} : memref<40x80xf32, #tpu.memory_space<vmem>>, vector<1x16xf32>,
        %swap3A_204 = vector.shape_cast %swap3A_203 : vector<1x16xf32> to vector<16xf32>
        %swap3A_205 = vector.shape_cast %mul3A_200 : vector<16xf32> to vector<1x16xf32>
        tpu.vector_store %arg23[%swap3A_201, %swap3A_202], %swap3A_205 {strides = array<i32>} : memref<40x80xf32, #tpu.memory_space<vmem>>, vector<1x16xf32>,
        %slice3A_206 = vector.extract_strided_slice %exp3A_187 {offsets = [0], sizes = [1], strides = [1]} : vector<16xf32> to vector<1xf32>
        %squeeze3A_207 = vector.extract %slice3A_206[0] : f32 from vector<1xf32>
        %get3A_208 = arith.index_cast %scan3A_169 : i32 to index
        %get3A_209 = arith.constant 16 : index
        %get3A_210 = tpu.vector_load %arg17[%get3A_208, %get3A_209] {strides = array<i32>} : memref<40x64xf32, #tpu.memory_space<vmem>>, vector<1x16xf32>,
        %get3A_211 = vector.shape_cast %get3A_210 : vector<1x16xf32> to vector<16xf32>
        %mul3A_212 = vector.broadcast %squeeze3A_207 : f32 to vector<16xf32>
        %mul3A_213 = arith.mulf %mul3A_212, %get3A_211 : vector<16xf32>
        %swap3A_214 = arith.index_cast %scan3A_169 : i32 to index
        %swap3A_215 = arith.constant 16 : index
        %swap3A_216 = tpu.vector_load %arg23[%swap3A_214, %swap3A_215] {strides = array<i32>} : memref<40x80xf32, #tpu.memory_space<vmem>>, vector<1x16xf32>,
        %swap3A_217 = vector.shape_cast %swap3A_216 : vector<1x16xf32> to vector<16xf32>
        %swap3A_218 = vector.shape_cast %mul3A_213 : vector<16xf32> to vector<1x16xf32>
        tpu.vector_store %arg23[%swap3A_214, %swap3A_215], %swap3A_218 {strides = array<i32>} : memref<40x80xf32, #tpu.memory_space<vmem>>, vector<1x16xf32>,
        %slice3A_219 = vector.extract_strided_slice %exp3A_187 {offsets = [0], sizes = [1], strides = [1]} : vector<16xf32> to vector<1xf32>
        %squeeze3A_220 = vector.extract %slice3A_219[0] : f32 from vector<1xf32>
        %get3A_221 = arith.index_cast %scan3A_169 : i32 to index
        %get3A_222 = arith.constant 32 : index
        %get3A_223 = tpu.vector_load %arg17[%get3A_221, %get3A_222] {strides = array<i32>} : memref<40x64xf32, #tpu.memory_space<vmem>>, vector<1x16xf32>,
        %get3A_224 = vector.shape_cast %get3A_223 : vector<1x16xf32> to vector<16xf32>
        %mul3A_225 = vector.broadcast %squeeze3A_220 : f32 to vector<16xf32>
        %mul3A_226 = arith.mulf %mul3A_225, %get3A_224 : vector<16xf32>
        %swap3A_227 = arith.index_cast %scan3A_169 : i32 to index
        %swap3A_228 = arith.constant 32 : index
        %swap3A_229 = tpu.vector_load %arg23[%swap3A_227, %swap3A_228] {strides = array<i32>} : memref<40x80xf32, #tpu.memory_space<vmem>>, vector<1x16xf32>,
        %swap3A_230 = vector.shape_cast %swap3A_229 : vector<1x16xf32> to vector<16xf32>
        %swap3A_231 = vector.shape_cast %mul3A_226 : vector<16xf32> to vector<1x16xf32>
        tpu.vector_store %arg23[%swap3A_227, %swap3A_228], %swap3A_231 {strides = array<i32>} : memref<40x80xf32, #tpu.memory_space<vmem>>, vector<1x16xf32>,
        %slice3A_232 = vector.extract_strided_slice %exp3A_187 {offsets = [0], sizes = [1], strides = [1]} : vector<16xf32> to vector<1xf32>
        %squeeze3A_233 = vector.extract %slice3A_232[0] : f32 from vector<1xf32>
        %get3A_234 = arith.index_cast %scan3A_169 : i32 to index
        %get3A_235 = arith.constant 48 : index
        %get3A_236 = tpu.vector_load %arg17[%get3A_234, %get3A_235] {strides = array<i32>} : memref<40x64xf32, #tpu.memory_space<vmem>>, vector<1x16xf32>,
        %get3A_237 = vector.shape_cast %get3A_236 : vector<1x16xf32> to vector<16xf32>
        %mul3A_238 = vector.broadcast %squeeze3A_233 : f32 to vector<16xf32>
        %mul3A_239 = arith.mulf %mul3A_238, %get3A_237 : vector<16xf32>
        %swap3A_240 = arith.index_cast %scan3A_169 : i32 to index
        %swap3A_241 = arith.constant 48 : index
        %swap3A_242 = tpu.vector_load %arg23[%swap3A_240, %swap3A_241] {strides = array<i32>} : memref<40x80xf32, #tpu.memory_space<vmem>>, vector<1x16xf32>,
        %swap3A_243 = vector.shape_cast %swap3A_242 : vector<1x16xf32> to vector<16xf32>
        %swap3A_244 = vector.shape_cast %mul3A_239 : vector<16xf32> to vector<1x16xf32>
        tpu.vector_store %arg23[%swap3A_240, %swap3A_241], %swap3A_244 {strides = array<i32>} : memref<40x80xf32, #tpu.memory_space<vmem>>, vector<1x16xf32>,
        %scan3A_245 = arith.constant 2 : i32
        %scan3A_246 = arith.addi %scan3A_98, %scan3A_245 : i32
        %get3A_247 = arith.index_cast %scan3A_246 : i32 to index
        %get3A_248 = arith.constant 0 : index
        %get3A_249 = tpu.vector_load %arg19[%get3A_247, %get3A_248] {strides = array<i32>} : memref<40x16xf32, #tpu.memory_space<vmem>>, vector<1x16xf32>,
        %get3A_250 = vector.shape_cast %get3A_249 : vector<1x16xf32> to vector<16xf32>
        %get3A_251 = arith.index_cast %scan3A_246 : i32 to index
        %get3A_252 = arith.constant 0 : index
        %get3A_253 = tpu.vector_load %arg21[%get3A_251, %get3A_252] {strides = array<i32>} : memref<40x16xf32, #tpu.memory_space<vmem>>, vector<1x16xf32>,
        %get3A_254 = vector.shape_cast %get3A_253 : vector<1x16xf32> to vector<16xf32>
        %add3A_255 = arith.addf %get3A_250, %get3A_254 : vector<16xf32>
        %ge3A_256 = arith.constant 0.000000e+00 : f32
        %ge3A_257 = vector.broadcast %ge3A_256 : f32 to vector<16xf32>
        %ge3A_258 = arith.cmpf oge, %add3A_255, %ge3A_257 : vector<16xf32>
        %mul3A_259 = arith.constant 2.000000e-01 : f32
        %mul3A_260 = vector.broadcast %mul3A_259 : f32 to vector<16xf32>
        %mul3A_261 = arith.mulf %add3A_255, %mul3A_260 : vector<16xf32>
        %select_n3A_262 = arith.select %ge3A_258, %add3A_255, %mul3A_261 : vector<16xi1>, vector<16xf32>
        %sub3A_263 = arith.subf %select_n3A_262, %get3A_6 : vector<16xf32>
        %exp3A_264 = math.exp %sub3A_263 : vector<16xf32>
        %swap3A_265 = arith.index_cast %scan3A_246 : i32 to index
        %swap3A_266 = arith.constant 64 : index
        %swap3A_267 = tpu.vector_load %arg23[%swap3A_265, %swap3A_266] {strides = array<i32>} : memref<40x80xf32, #tpu.memory_space<vmem>>, vector<1x16xf32>,
        %swap3A_268 = vector.shape_cast %swap3A_267 : vector<1x16xf32> to vector<16xf32>
        %swap3A_269 = vector.shape_cast %exp3A_264 : vector<16xf32> to vector<1x16xf32>
        tpu.vector_store %arg23[%swap3A_265, %swap3A_266], %swap3A_269 {strides = array<i32>} : memref<40x80xf32, #tpu.memory_space<vmem>>, vector<1x16xf32>,
        %slice3A_270 = vector.extract_strided_slice %exp3A_264 {offsets = [0], sizes = [1], strides = [1]} : vector<16xf32> to vector<1xf32>
        %squeeze3A_271 = vector.extract %slice3A_270[0] : f32 from vector<1xf32>
        %get3A_272 = arith.index_cast %scan3A_246 : i32 to index
        %get3A_273 = arith.constant 0 : index
        %get3A_274 = tpu.vector_load %arg17[%get3A_272, %get3A_273] {strides = array<i32>} : memref<40x64xf32, #tpu.memory_space<vmem>>, vector<1x16xf32>,
        %get3A_275 = vector.shape_cast %get3A_274 : vector<1x16xf32> to vector<16xf32>
        %mul3A_276 = vector.broadcast %squeeze3A_271 : f32 to vector<16xf32>
        %mul3A_277 = arith.mulf %mul3A_276, %get3A_275 : vector<16xf32>
        %swap3A_278 = arith.index_cast %scan3A_246 : i32 to index
        %swap3A_279 = arith.constant 0 : index
        %swap3A_280 = tpu.vector_load %arg23[%swap3A_278, %swap3A_279] {strides = array<i32>} : memref<40x80xf32, #tpu.memory_space<vmem>>, vector<1x16xf32>,
        %swap3A_281 = vector.shape_cast %swap3A_280 : vector<1x16xf32> to vector<16xf32>
        %swap3A_282 = vector.shape_cast %mul3A_277 : vector<16xf32> to vector<1x16xf32>
        tpu.vector_store %arg23[%swap3A_278, %swap3A_279], %swap3A_282 {strides = array<i32>} : memref<40x80xf32, #tpu.memory_space<vmem>>, vector<1x16xf32>,
        %slice3A_283 = vector.extract_strided_slice %exp3A_264 {offsets = [0], sizes = [1], strides = [1]} : vector<16xf32> to vector<1xf32>
        %squeeze3A_284 = vector.extract %slice3A_283[0] : f32 from vector<1xf32>
        %get3A_285 = arith.index_cast %scan3A_246 : i32 to index
        %get3A_286 = arith.constant 16 : index
        %get3A_287 = tpu.vector_load %arg17[%get3A_285, %get3A_286] {strides = array<i32>} : memref<40x64xf32, #tpu.memory_space<vmem>>, vector<1x16xf32>,
        %get3A_288 = vector.shape_cast %get3A_287 : vector<1x16xf32> to vector<16xf32>
        %mul3A_289 = vector.broadcast %squeeze3A_284 : f32 to vector<16xf32>
        %mul3A_290 = arith.mulf %mul3A_289, %get3A_288 : vector<16xf32>
        %swap3A_291 = arith.index_cast %scan3A_246 : i32 to index
        %swap3A_292 = arith.constant 16 : index
        %swap3A_293 = tpu.vector_load %arg23[%swap3A_291, %swap3A_292] {strides = array<i32>} : memref<40x80xf32, #tpu.memory_space<vmem>>, vector<1x16xf32>,
        %swap3A_294 = vector.shape_cast %swap3A_293 : vector<1x16xf32> to vector<16xf32>
        %swap3A_295 = vector.shape_cast %mul3A_290 : vector<16xf32> to vector<1x16xf32>
        tpu.vector_store %arg23[%swap3A_291, %swap3A_292], %swap3A_295 {strides = array<i32>} : memref<40x80xf32, #tpu.memory_space<vmem>>, vector<1x16xf32>,
        %slice3A_296 = vector.extract_strided_slice %exp3A_264 {offsets = [0], sizes = [1], strides = [1]} : vector<16xf32> to vector<1xf32>
        %squeeze3A_297 = vector.extract %slice3A_296[0] : f32 from vector<1xf32>
        %get3A_298 = arith.index_cast %scan3A_246 : i32 to index
        %get3A_299 = arith.constant 32 : index
        %get3A_300 = tpu.vector_load %arg17[%get3A_298, %get3A_299] {strides = array<i32>} : memref<40x64xf32, #tpu.memory_space<vmem>>, vector<1x16xf32>,
        %get3A_301 = vector.shape_cast %get3A_300 : vector<1x16xf32> to vector<16xf32>
        %mul3A_302 = vector.broadcast %squeeze3A_297 : f32 to vector<16xf32>
        %mul3A_303 = arith.mulf %mul3A_302, %get3A_301 : vector<16xf32>
        %swap3A_304 = arith.index_cast %scan3A_246 : i32 to index
        %swap3A_305 = arith.constant 32 : index
        %swap3A_306 = tpu.vector_load %arg23[%swap3A_304, %swap3A_305] {strides = array<i32>} : memref<40x80xf32, #tpu.memory_space<vmem>>, vector<1x16xf32>,
        %swap3A_307 = vector.shape_cast %swap3A_306 : vector<1x16xf32> to vector<16xf32>
        %swap3A_308 = vector.shape_cast %mul3A_303 : vector<16xf32> to vector<1x16xf32>
        tpu.vector_store %arg23[%swap3A_304, %swap3A_305], %swap3A_308 {strides = array<i32>} : memref<40x80xf32, #tpu.memory_space<vmem>>, vector<1x16xf32>,
        %slice3A_309 = vector.extract_strided_slice %exp3A_264 {offsets = [0], sizes = [1], strides = [1]} : vector<16xf32> to vector<1xf32>
        %squeeze3A_310 = vector.extract %slice3A_309[0] : f32 from vector<1xf32>
        %get3A_311 = arith.index_cast %scan3A_246 : i32 to index
        %get3A_312 = arith.constant 48 : index
        %get3A_313 = tpu.vector_load %arg17[%get3A_311, %get3A_312] {strides = array<i32>} : memref<40x64xf32, #tpu.memory_space<vmem>>, vector<1x16xf32>,
        %get3A_314 = vector.shape_cast %get3A_313 : vector<1x16xf32> to vector<16xf32>
        %mul3A_315 = vector.broadcast %squeeze3A_310 : f32 to vector<16xf32>
        %mul3A_316 = arith.mulf %mul3A_315, %get3A_314 : vector<16xf32>
        %swap3A_317 = arith.index_cast %scan3A_246 : i32 to index
        %swap3A_318 = arith.constant 48 : index
        %swap3A_319 = tpu.vector_load %arg23[%swap3A_317, %swap3A_318] {strides = array<i32>} : memref<40x80xf32, #tpu.memory_space<vmem>>, vector<1x16xf32>,
        %swap3A_320 = vector.shape_cast %swap3A_319 : vector<1x16xf32> to vector<16xf32>
        %swap3A_321 = vector.shape_cast %mul3A_316 : vector<16xf32> to vector<1x16xf32>
        tpu.vector_store %arg23[%swap3A_317, %swap3A_318], %swap3A_321 {strides = array<i32>} : memref<40x80xf32, #tpu.memory_space<vmem>>, vector<1x16xf32>,
        %scan3A_322 = arith.constant 3 : i32
        %scan3A_323 = arith.addi %scan3A_98, %scan3A_322 : i32
        %get3A_324 = arith.index_cast %scan3A_323 : i32 to index
        %get3A_325 = arith.constant 0 : index
        %get3A_326 = tpu.vector_load %arg19[%get3A_324, %get3A_325] {strides = array<i32>} : memref<40x16xf32, #tpu.memory_space<vmem>>, vector<1x16xf32>,
        %get3A_327 = vector.shape_cast %get3A_326 : vector<1x16xf32> to vector<16xf32>
        %get3A_328 = arith.index_cast %scan3A_323 : i32 to index
        %get3A_329 = arith.constant 0 : index
        %get3A_330 = tpu.vector_load %arg21[%get3A_328, %get3A_329] {strides = array<i32>} : memref<40x16xf32, #tpu.memory_space<vmem>>, vector<1x16xf32>,
        %get3A_331 = vector.shape_cast %get3A_330 : vector<1x16xf32> to vector<16xf32>
        %add3A_332 = arith.addf %get3A_327, %get3A_331 : vector<16xf32>
        %ge3A_333 = arith.constant 0.000000e+00 : f32
        %ge3A_334 = vector.broadcast %ge3A_333 : f32 to vector<16xf32>
        %ge3A_335 = arith.cmpf oge, %add3A_332, %ge3A_334 : vector<16xf32>
        %mul3A_336 = arith.constant 2.000000e-01 : f32
        %mul3A_337 = vector.broadcast %mul3A_336 : f32 to vector<16xf32>
        %mul3A_338 = arith.mulf %add3A_332, %mul3A_337 : vector<16xf32>
        %select_n3A_339 = arith.select %ge3A_335, %add3A_332, %mul3A_338 : vector<16xi1>, vector<16xf32>
        %sub3A_340 = arith.subf %select_n3A_339, %get3A_6 : vector<16xf32>
        %exp3A_341 = math.exp %sub3A_340 : vector<16xf32>
        %swap3A_342 = arith.index_cast %scan3A_323 : i32 to index
        %swap3A_343 = arith.constant 64 : index
        %swap3A_344 = tpu.vector_load %arg23[%swap3A_342, %swap3A_343] {strides = array<i32>} : memref<40x80xf32, #tpu.memory_space<vmem>>, vector<1x16xf32>,
        %swap3A_345 = vector.shape_cast %swap3A_344 : vector<1x16xf32> to vector<16xf32>
        %swap3A_346 = vector.shape_cast %exp3A_341 : vector<16xf32> to vector<1x16xf32>
        tpu.vector_store %arg23[%swap3A_342, %swap3A_343], %swap3A_346 {strides = array<i32>} : memref<40x80xf32, #tpu.memory_space<vmem>>, vector<1x16xf32>,
        %slice3A_347 = vector.extract_strided_slice %exp3A_341 {offsets = [0], sizes = [1], strides = [1]} : vector<16xf32> to vector<1xf32>
        %squeeze3A_348 = vector.extract %slice3A_347[0] : f32 from vector<1xf32>
        %get3A_349 = arith.index_cast %scan3A_323 : i32 to index
        %get3A_350 = arith.constant 0 : index
        %get3A_351 = tpu.vector_load %arg17[%get3A_349, %get3A_350] {strides = array<i32>} : memref<40x64xf32, #tpu.memory_space<vmem>>, vector<1x16xf32>,
        %get3A_352 = vector.shape_cast %get3A_351 : vector<1x16xf32> to vector<16xf32>
        %mul3A_353 = vector.broadcast %squeeze3A_348 : f32 to vector<16xf32>
        %mul3A_354 = arith.mulf %mul3A_353, %get3A_352 : vector<16xf32>
        %swap3A_355 = arith.index_cast %scan3A_323 : i32 to index
        %swap3A_356 = arith.constant 0 : index
        %swap3A_357 = tpu.vector_load %arg23[%swap3A_355, %swap3A_356] {strides = array<i32>} : memref<40x80xf32, #tpu.memory_space<vmem>>, vector<1x16xf32>,
        %swap3A_358 = vector.shape_cast %swap3A_357 : vector<1x16xf32> to vector<16xf32>
        %swap3A_359 = vector.shape_cast %mul3A_354 : vector<16xf32> to vector<1x16xf32>
        tpu.vector_store %arg23[%swap3A_355, %swap3A_356], %swap3A_359 {strides = array<i32>} : memref<40x80xf32, #tpu.memory_space<vmem>>, vector<1x16xf32>,
        %slice3A_360 = vector.extract_strided_slice %exp3A_341 {offsets = [0], sizes = [1], strides = [1]} : vector<16xf32> to vector<1xf32>
        %squeeze3A_361 = vector.extract %slice3A_360[0] : f32 from vector<1xf32>
        %get3A_362 = arith.index_cast %scan3A_323 : i32 to index
        %get3A_363 = arith.constant 16 : index
        %get3A_364 = tpu.vector_load %arg17[%get3A_362, %get3A_363] {strides = array<i32>} : memref<40x64xf32, #tpu.memory_space<vmem>>, vector<1x16xf32>,
        %get3A_365 = vector.shape_cast %get3A_364 : vector<1x16xf32> to vector<16xf32>
        %mul3A_366 = vector.broadcast %squeeze3A_361 : f32 to vector<16xf32>
        %mul3A_367 = arith.mulf %mul3A_366, %get3A_365 : vector<16xf32>
        %swap3A_368 = arith.index_cast %scan3A_323 : i32 to index
        %swap3A_369 = arith.constant 16 : index
        %swap3A_370 = tpu.vector_load %arg23[%swap3A_368, %swap3A_369] {strides = array<i32>} : memref<40x80xf32, #tpu.memory_space<vmem>>, vector<1x16xf32>,
        %swap3A_371 = vector.shape_cast %swap3A_370 : vector<1x16xf32> to vector<16xf32>
        %swap3A_372 = vector.shape_cast %mul3A_367 : vector<16xf32> to vector<1x16xf32>
        tpu.vector_store %arg23[%swap3A_368, %swap3A_369], %swap3A_372 {strides = array<i32>} : memref<40x80xf32, #tpu.memory_space<vmem>>, vector<1x16xf32>,
        %slice3A_373 = vector.extract_strided_slice %exp3A_341 {offsets = [0], sizes = [1], strides = [1]} : vector<16xf32> to vector<1xf32>
        %squeeze3A_374 = vector.extract %slice3A_373[0] : f32 from vector<1xf32>
        %get3A_375 = arith.index_cast %scan3A_323 : i32 to index
        %get3A_376 = arith.constant 32 : index
        %get3A_377 = tpu.vector_load %arg17[%get3A_375, %get3A_376] {strides = array<i32>} : memref<40x64xf32, #tpu.memory_space<vmem>>, vector<1x16xf32>,
        %get3A_378 = vector.shape_cast %get3A_377 : vector<1x16xf32> to vector<16xf32>
        %mul3A_379 = vector.broadcast %squeeze3A_374 : f32 to vector<16xf32>
        %mul3A_380 = arith.mulf %mul3A_379, %get3A_378 : vector<16xf32>
        %swap3A_381 = arith.index_cast %scan3A_323 : i32 to index
        %swap3A_382 = arith.constant 32 : index
        %swap3A_383 = tpu.vector_load %arg23[%swap3A_381, %swap3A_382] {strides = array<i32>} : memref<40x80xf32, #tpu.memory_space<vmem>>, vector<1x16xf32>,
        %swap3A_384 = vector.shape_cast %swap3A_383 : vector<1x16xf32> to vector<16xf32>
        %swap3A_385 = vector.shape_cast %mul3A_380 : vector<16xf32> to vector<1x16xf32>
        tpu.vector_store %arg23[%swap3A_381, %swap3A_382], %swap3A_385 {strides = array<i32>} : memref<40x80xf32, #tpu.memory_space<vmem>>, vector<1x16xf32>,
        %slice3A_386 = vector.extract_strided_slice %exp3A_341 {offsets = [0], sizes = [1], strides = [1]} : vector<16xf32> to vector<1xf32>
        %squeeze3A_387 = vector.extract %slice3A_386[0] : f32 from vector<1xf32>
        %get3A_388 = arith.index_cast %scan3A_323 : i32 to index
        %get3A_389 = arith.constant 48 : index
        %get3A_390 = tpu.vector_load %arg17[%get3A_388, %get3A_389] {strides = array<i32>} : memref<40x64xf32, #tpu.memory_space<vmem>>, vector<1x16xf32>,
        %get3A_391 = vector.shape_cast %get3A_390 : vector<1x16xf32> to vector<16xf32>
        %mul3A_392 = vector.broadcast %squeeze3A_387 : f32 to vector<16xf32>
        %mul3A_393 = arith.mulf %mul3A_392, %get3A_391 : vector<16xf32>
        %swap3A_394 = arith.index_cast %scan3A_323 : i32 to index
        %swap3A_395 = arith.constant 48 : index
        %swap3A_396 = tpu.vector_load %arg23[%swap3A_394, %swap3A_395] {strides = array<i32>} : memref<40x80xf32, #tpu.memory_space<vmem>>, vector<1x16xf32>,
        %swap3A_397 = vector.shape_cast %swap3A_396 : vector<1x16xf32> to vector<16xf32>
        %swap3A_398 = vector.shape_cast %mul3A_393 : vector<16xf32> to vector<1x16xf32>
        tpu.vector_store %arg23[%swap3A_394, %swap3A_395], %swap3A_398 {strides = array<i32>} : memref<40x80xf32, #tpu.memory_space<vmem>>, vector<1x16xf32>,
      }
      %scan3A_94 = arith.constant 40 : i32
      %dma_start3A_95 = arith.constant 0 : i32
      %dma_start3A_96 = arith.constant 0 : i32
      %dma_start3A_97 = tpu.memref_slice %arg11[%dma_start3A_95, %dma_start3A_96] : memref<10240x80xf32, #tpu.memory_space<vmem_shared>> -> memref<10240x80xf32, #tpu.memory_space<vmem_shared>>
      tpu.enqueue_indirect_dma source(%arg23 : memref<40x80xf32, #tpu.memory_space<vmem>>) target(%dma_start3A_97 : memref<10240x80xf32, #tpu.memory_space<vmem_shared>>) offsets(%arg15 : memref<40xi32, #tpu.memory_space<vmem>>) semaphore(%arg28 : memref<!tpu.dma_semaphore, #tpu.memory_space<semaphore_mem>>) {add = true}
    }
    %scan3A_21 = arith.constant 125 : i32
    %dma_wait3A = arith.constant 0 : i32
    %dma_wait3A_22 = arith.constant 0 : i32
    %dma_wait3A_23 = tpu.memref_slice %arg11[%dma_wait3A, %dma_wait3A_22] : memref<10240x80xf32, #tpu.memory_space<vmem_shared>> -> memref<10240x80xf32, #tpu.memory_space<vmem_shared>>
    tpu.wait_indirect_dma semaphore(%arg27 : memref<!tpu.dma_semaphore, #tpu.memory_space<semaphore_mem>>) src(%arg22 : memref<40x80xf32, #tpu.memory_space<vmem>>) dst(%dma_wait3A_23 : memref<10240x80xf32, #tpu.memory_space<vmem_shared>>)
    %dma_wait3A_24 = arith.constant 0 : i32
    %dma_wait3A_25 = arith.constant 0 : i32
    %dma_wait3A_26 = tpu.memref_slice %arg11[%dma_wait3A_24, %dma_wait3A_25] : memref<10240x80xf32, #tpu.memory_space<vmem_shared>> -> memref<10240x80xf32, #tpu.memory_space<vmem_shared>>
    tpu.wait_indirect_dma semaphore(%arg28 : memref<!tpu.dma_semaphore, #tpu.memory_space<semaphore_mem>>) src(%arg23 : memref<40x80xf32, #tpu.memory_space<vmem>>) dst(%dma_wait3A_26 : memref<10240x80xf32, #tpu.memory_space<vmem_shared>>)
    %barrier3A_27 = arith.constant 0 : index
    tpu.barrier barrier_id(%barrier3A_27)
    %eq3A = arith.constant 0 : i32
    %eq3A_28 = arith.cmpi eq, %arg0, %eq3A : i32
    %convert_element_type3A = arith.extui %eq3A_28 : i1 to i32
    %cond3A = arith.constant 0 : i32
    %cond3A_29 = arith.cmpi ne, %convert_element_type3A, %cond3A : i32
    scf.if %cond3A_29 {
      "tpu.region"() ({
        %run_scoped3A = tpu.sem_alloc : memref<!tpu.dma_semaphore, #tpu.memory_space<semaphore_mem>>
        %dma_start3A_35 = arith.constant 0 : i32
        %dma_start3A_36 = tpu.memref_slice %arg9[%mul3A_2, %dma_start3A_35] : memref<10240x80xf32, #tpu.memory_space<hbm>> -> memref<640x80xf32, #tpu.memory_space<hbm>>
        %dma_start3A_37 = arith.constant 0 : i32
        %dma_start3A_38 = tpu.memref_slice %arg11[%mul3A_2, %dma_start3A_37] : memref<10240x80xf32, #tpu.memory_space<vmem_shared>> -> memref<640x80xf32, #tpu.memory_space<vmem_shared>>
        tpu.enqueue_dma source(%dma_start3A_38 : memref<640x80xf32, #tpu.memory_space<vmem_shared>>) target(%dma_start3A_36 : memref<640x80xf32, #tpu.memory_space<hbm>>) target_semaphore(%run_scoped3A : memref<!tpu.dma_semaphore, #tpu.memory_space<semaphore_mem>>)
        %dma_wait3A_39 = arith.constant 0 : i32
        %dma_wait3A_40 = tpu.memref_slice %arg9[%mul3A_2, %dma_wait3A_39] : memref<10240x80xf32, #tpu.memory_space<hbm>> -> memref<640x80xf32, #tpu.memory_space<hbm>>
        %dma_wait3A_41 = arith.constant 0 : i32
        %dma_wait3A_42 = tpu.memref_slice %arg11[%mul3A_2, %dma_wait3A_41] : memref<10240x80xf32, #tpu.memory_space<vmem_shared>> -> memref<640x80xf32, #tpu.memory_space<vmem_shared>>
        tpu.wait_dma2 semaphore(%run_scoped3A : memref<!tpu.dma_semaphore, #tpu.memory_space<semaphore_mem>>) src(%dma_wait3A_42 : memref<640x80xf32, #tpu.memory_space<vmem_shared>>) dst(%dma_wait3A_40 : memref<640x80xf32, #tpu.memory_space<hbm>>)
        tpu.yield
      }) : () -> ()
    } else {
    }
    %eq3A_30 = arith.constant 1 : i32
    %eq3A_31 = arith.cmpi eq, %arg0, %eq3A_30 : i32
    %convert_element_type3A_32 = arith.extui %eq3A_31 : i1 to i32
    %cond3A_33 = arith.constant 0 : i32
    %cond3A_34 = arith.cmpi ne, %convert_element_type3A_32, %cond3A_33 : i32
    scf.if %cond3A_34 {
      "tpu.region"() ({
        %run_scoped3A = tpu.sem_alloc : memref<!tpu.dma_semaphore, #tpu.memory_space<semaphore_mem>>
        %dma_start3A_35 = arith.constant 0 : i32
        %dma_start3A_36 = tpu.memref_slice %arg10[%mul3A_2, %dma_start3A_35] : memref<10240x80xf32, #tpu.memory_space<hbm>> -> memref<640x80xf32, #tpu.memory_space<hbm>>
        %dma_start3A_37 = arith.constant 0 : i32
        %dma_start3A_38 = tpu.memref_slice %arg11[%mul3A_2, %dma_start3A_37] : memref<10240x80xf32, #tpu.memory_space<vmem_shared>> -> memref<640x80xf32, #tpu.memory_space<vmem_shared>>
        tpu.enqueue_dma source(%dma_start3A_38 : memref<640x80xf32, #tpu.memory_space<vmem_shared>>) target(%dma_start3A_36 : memref<640x80xf32, #tpu.memory_space<hbm>>) target_semaphore(%run_scoped3A : memref<!tpu.dma_semaphore, #tpu.memory_space<semaphore_mem>>)
        %dma_wait3A_39 = arith.constant 0 : i32
        %dma_wait3A_40 = tpu.memref_slice %arg10[%mul3A_2, %dma_wait3A_39] : memref<10240x80xf32, #tpu.memory_space<hbm>> -> memref<640x80xf32, #tpu.memory_space<hbm>>
        %dma_wait3A_41 = arith.constant 0 : i32
        %dma_wait3A_42 = tpu.memref_slice %arg11[%mul3A_2, %dma_wait3A_41] : memref<10240x80xf32, #tpu.memory_space<vmem_shared>> -> memref<640x80xf32, #tpu.memory_space<vmem_shared>>
        tpu.wait_dma2 semaphore(%run_scoped3A : memref<!tpu.dma_semaphore, #tpu.memory_space<semaphore_mem>>) src(%dma_wait3A_42 : memref<640x80xf32, #tpu.memory_space<vmem_shared>>) dst(%dma_wait3A_40 : memref<640x80xf32, #tpu.memory_space<hbm>>)
        tpu.yield
      }) : () -> ()
    } else {
    }
    return
  }
}

#map = affine_map<(d0, d1) -> (0, 0)>
#map1 = affine_map<(d0, d1) -> (0)>
module attributes {stable_mosaic.version = 14 : i64} {
  func.func @edge_kernel(%arg0: i32, %arg1: i32, %arg2: memref<10000x128xf32, #tpu.memory_space<hbm>>, %arg3: memref<10000x16xf32, #tpu.memory_space<hbm>>, %arg4: memref<10000x16xf32, #tpu.memory_space<hbm>>, %arg5: memref<16xf32, #tpu.memory_space<hbm>>, %arg6: memref<320000xi32, #tpu.memory_space<hbm>>, %arg7: memref<320000xi32, #tpu.memory_space<hbm>>, %arg8: memref<10240x144xf32, #tpu.memory_space<hbm>>, %arg9: memref<10240x144xf32, #tpu.memory_space<hbm>>, %arg10: memref<10240x144xf32, #tpu.memory_space<hbm>>, %arg11: memref<10240x144xf32, #tpu.memory_space<vmem_shared>>, %arg12: memref<40xi32, #tpu.memory_space<vmem>>, %arg13: memref<40xi32, #tpu.memory_space<vmem>>, %arg14: memref<40xi32, #tpu.memory_space<vmem>>, %arg15: memref<40xi32, #tpu.memory_space<vmem>>, %arg16: memref<40x128xf32, #tpu.memory_space<vmem>>, %arg17: memref<40x128xf32, #tpu.memory_space<vmem>>, %arg18: memref<40x16xf32, #tpu.memory_space<vmem>>, %arg19: memref<40x16xf32, #tpu.memory_space<vmem>>, %arg20: memref<40x16xf32, #tpu.memory_space<vmem>>, %arg21: memref<40x16xf32, #tpu.memory_space<vmem>>, %arg22: memref<40x144xf32, #tpu.memory_space<vmem>>, %arg23: memref<40x144xf32, #tpu.memory_space<vmem>>, %arg24: memref<16xf32, #tpu.memory_space<vmem>>, %arg25: memref<!tpu.dma_semaphore, #tpu.memory_space<semaphore_mem>>, %arg26: memref<!tpu.dma_semaphore, #tpu.memory_space<semaphore_mem>>, %arg27: memref<!tpu.dma_semaphore, #tpu.memory_space<semaphore_mem>>, %arg28: memref<!tpu.dma_semaphore, #tpu.memory_space<semaphore_mem>>) attributes {dimension_semantics = [#tpu.dimension_semantics<core_parallel>, #tpu.dimension_semantics<subcore_parallel>], iteration_bounds = array<i64: 2, 16>, scalar_prefetch = 0 : i64, scratch_operands = 18 : i64, tpu.core_type = #tpu.core_type<sc_vector_subcore>, window_params = [{transform_indices = #map}, {transform_indices = #map}, {transform_indices = #map}, {transform_indices = #map1}, {transform_indices = #map1}, {transform_indices = #map1}, {transform_indices = #map}, {transform_indices = #map}, {transform_indices = #map}]} {
    %mul3A = arith.constant 2 : i32
    %mul3A_0 = arith.muli %arg1, %mul3A : i32
    %add3A = arith.addi %mul3A_0, %arg0 : i32
    %mul3A_1 = arith.constant 640 : i32
    %mul3A_2 = arith.muli %arg1, %mul3A_1 : i32
    "tpu.region"() ({
      %run_scoped3A = tpu.sem_alloc : memref<!tpu.dma_semaphore, #tpu.memory_space<semaphore_mem>>
      %dma_start3A_35 = arith.constant 0 : i32
      %dma_start3A_36 = tpu.memref_slice %arg11[%mul3A_2, %dma_start3A_35] : memref<10240x144xf32, #tpu.memory_space<vmem_shared>> -> memref<640x144xf32, #tpu.memory_space<vmem_shared>>
      %dma_start3A_37 = arith.constant 0 : i32
      %dma_start3A_38 = tpu.memref_slice %arg8[%mul3A_2, %dma_start3A_37] : memref<10240x144xf32, #tpu.memory_space<hbm>> -> memref<640x144xf32, #tpu.memory_space<hbm>>
      tpu.enqueue_dma source(%dma_start3A_38 : memref<640x144xf32, #tpu.memory_space<hbm>>) target(%dma_start3A_36 : memref<640x144xf32, #tpu.memory_space<vmem_shared>>) target_semaphore(%run_scoped3A : memref<!tpu.dma_semaphore, #tpu.memory_space<semaphore_mem>>)
      %dma_wait3A_39 = arith.constant 0 : i32
      %dma_wait3A_40 = tpu.memref_slice %arg11[%mul3A_2, %dma_wait3A_39] : memref<10240x144xf32, #tpu.memory_space<vmem_shared>> -> memref<640x144xf32, #tpu.memory_space<vmem_shared>>
      %dma_wait3A_41 = arith.constant 0 : i32
      %dma_wait3A_42 = tpu.memref_slice %arg8[%mul3A_2, %dma_wait3A_41] : memref<10240x144xf32, #tpu.memory_space<hbm>> -> memref<640x144xf32, #tpu.memory_space<hbm>>
      tpu.wait_dma2 semaphore(%run_scoped3A : memref<!tpu.dma_semaphore, #tpu.memory_space<semaphore_mem>>) src(%dma_wait3A_42 : memref<640x144xf32, #tpu.memory_space<hbm>>) dst(%dma_wait3A_40 : memref<640x144xf32, #tpu.memory_space<vmem_shared>>)
      tpu.yield
    }) : () -> ()
    "tpu.region"() ({
      %run_scoped3A = tpu.sem_alloc : memref<!tpu.dma_semaphore, #tpu.memory_space<semaphore_mem>>
      tpu.enqueue_dma source(%arg5 : memref<16xf32, #tpu.memory_space<hbm>>) target(%arg24 : memref<16xf32, #tpu.memory_space<vmem>>) target_semaphore(%run_scoped3A : memref<!tpu.dma_semaphore, #tpu.memory_space<semaphore_mem>>)
      tpu.wait_dma2 semaphore(%run_scoped3A : memref<!tpu.dma_semaphore, #tpu.memory_space<semaphore_mem>>) src(%arg5 : memref<16xf32, #tpu.memory_space<hbm>>) dst(%arg24 : memref<16xf32, #tpu.memory_space<vmem>>)
      tpu.yield
    }) : () -> ()
    %barrier3A = arith.constant 0 : index
    tpu.barrier barrier_id(%barrier3A)
    %mul3A_3 = arith.constant 10000 : i32
    %mul3A_4 = arith.muli %add3A, %mul3A_3 : i32
    %get3A = arith.constant 0 : index
    %get3A_5 = tpu.vector_load %arg24[%get3A] {strides = array<i32>} : memref<16xf32, #tpu.memory_space<vmem>>, vector<16xf32>,
    %get3A_6 = vector.shape_cast %get3A_5 : vector<16xf32> to vector<16xf32>
    %add3A_7 = arith.constant 0 : i32
    %add3A_8 = arith.addi %mul3A_4, %add3A_7 : i32
    "tpu.region"() ({
      %run_scoped3A = tpu.sem_alloc : memref<!tpu.dma_semaphore, #tpu.memory_space<semaphore_mem>>
      %dma_start3A_35 = tpu.memref_slice %arg6[%add3A_8] : memref<320000xi32, #tpu.memory_space<hbm>> -> memref<40xi32, #tpu.memory_space<hbm>>
      %dma_start3A_36 = tpu.memref_slice %arg6[%add3A_8] : memref<320000xi32, #tpu.memory_space<hbm>> -> memref<40xi32, #tpu.memory_space<hbm>>
      tpu.enqueue_dma source(%dma_start3A_36 : memref<40xi32, #tpu.memory_space<hbm>>) target(%arg12 : memref<40xi32, #tpu.memory_space<vmem>>) target_semaphore(%run_scoped3A : memref<!tpu.dma_semaphore, #tpu.memory_space<semaphore_mem>>)
      %dma_wait3A_37 = tpu.memref_slice %arg6[%add3A_8] : memref<320000xi32, #tpu.memory_space<hbm>> -> memref<40xi32, #tpu.memory_space<hbm>>
      %dma_wait3A_38 = tpu.memref_slice %arg6[%add3A_8] : memref<320000xi32, #tpu.memory_space<hbm>> -> memref<40xi32, #tpu.memory_space<hbm>>
      tpu.wait_dma2 semaphore(%run_scoped3A : memref<!tpu.dma_semaphore, #tpu.memory_space<semaphore_mem>>) src(%dma_wait3A_38 : memref<40xi32, #tpu.memory_space<hbm>>) dst(%arg12 : memref<40xi32, #tpu.memory_space<vmem>>)
      tpu.yield
    }) : () -> ()
    "tpu.region"() ({
      %run_scoped3A = tpu.sem_alloc : memref<!tpu.dma_semaphore, #tpu.memory_space<semaphore_mem>>
      %dma_start3A_35 = tpu.memref_slice %arg7[%add3A_8] : memref<320000xi32, #tpu.memory_space<hbm>> -> memref<40xi32, #tpu.memory_space<hbm>>
      %dma_start3A_36 = tpu.memref_slice %arg7[%add3A_8] : memref<320000xi32, #tpu.memory_space<hbm>> -> memref<40xi32, #tpu.memory_space<hbm>>
      tpu.enqueue_dma source(%dma_start3A_36 : memref<40xi32, #tpu.memory_space<hbm>>) target(%arg14 : memref<40xi32, #tpu.memory_space<vmem>>) target_semaphore(%run_scoped3A : memref<!tpu.dma_semaphore, #tpu.memory_space<semaphore_mem>>)
      %dma_wait3A_37 = tpu.memref_slice %arg7[%add3A_8] : memref<320000xi32, #tpu.memory_space<hbm>> -> memref<40xi32, #tpu.memory_space<hbm>>
      %dma_wait3A_38 = tpu.memref_slice %arg7[%add3A_8] : memref<320000xi32, #tpu.memory_space<hbm>> -> memref<40xi32, #tpu.memory_space<hbm>>
      tpu.wait_dma2 semaphore(%run_scoped3A : memref<!tpu.dma_semaphore, #tpu.memory_space<semaphore_mem>>) src(%dma_wait3A_38 : memref<40xi32, #tpu.memory_space<hbm>>) dst(%arg14 : memref<40xi32, #tpu.memory_space<vmem>>)
      tpu.yield
    }) : () -> ()
    %dma_start3A = arith.constant 0 : i32
    %dma_start3A_9 = arith.constant 0 : i32
    %dma_start3A_10 = tpu.memref_slice %arg2[%dma_start3A, %dma_start3A_9] : memref<10000x128xf32, #tpu.memory_space<hbm>> -> memref<10000x128xf32, #tpu.memory_space<hbm>>
    tpu.enqueue_indirect_dma source(%dma_start3A_10 : memref<10000x128xf32, #tpu.memory_space<hbm>>) target(%arg16 : memref<40x128xf32, #tpu.memory_space<vmem>>) offsets(%arg12 : memref<40xi32, #tpu.memory_space<vmem>>) semaphore(%arg25 : memref<!tpu.dma_semaphore, #tpu.memory_space<semaphore_mem>>)
    %dma_start3A_11 = arith.constant 0 : i32
    %dma_start3A_12 = arith.constant 0 : i32
    %dma_start3A_13 = tpu.memref_slice %arg3[%dma_start3A_11, %dma_start3A_12] : memref<10000x16xf32, #tpu.memory_space<hbm>> -> memref<10000x16xf32, #tpu.memory_space<hbm>>
    tpu.enqueue_indirect_dma source(%dma_start3A_13 : memref<10000x16xf32, #tpu.memory_space<hbm>>) target(%arg18 : memref<40x16xf32, #tpu.memory_space<vmem>>) offsets(%arg12 : memref<40xi32, #tpu.memory_space<vmem>>) semaphore(%arg25 : memref<!tpu.dma_semaphore, #tpu.memory_space<semaphore_mem>>)
    %dma_start3A_14 = arith.constant 0 : i32
    %dma_start3A_15 = arith.constant 0 : i32
    %dma_start3A_16 = tpu.memref_slice %arg4[%dma_start3A_14, %dma_start3A_15] : memref<10000x16xf32, #tpu.memory_space<hbm>> -> memref<10000x16xf32, #tpu.memory_space<hbm>>
    tpu.enqueue_indirect_dma source(%dma_start3A_16 : memref<10000x16xf32, #tpu.memory_space<hbm>>) target(%arg20 : memref<40x16xf32, #tpu.memory_space<vmem>>) offsets(%arg14 : memref<40xi32, #tpu.memory_space<vmem>>) semaphore(%arg25 : memref<!tpu.dma_semaphore, #tpu.memory_space<semaphore_mem>>)
    %scan3A = arith.constant 0 : i32
    %scan3A_17 = arith.constant 0 : i32
    %scan3A_18 = arith.constant 125 : i32
    %scan3A_19 = arith.addi %scan3A_17, %scan3A_18 : i32
    %scan3A_20 = arith.constant 1 : i32
    scf.for %scan3A_35 = %scan3A_17 to %scan3A_19 step %scan3A_20  : i32 {
      %mul3A_36 = arith.constant 2 : i32
      %mul3A_37 = arith.muli %mul3A_36, %scan3A_35 : i32
      %add3A_38 = arith.constant 0 : i32
      %add3A_39 = arith.addi %mul3A_37, %add3A_38 : i32
      %lt3A = arith.constant 249 : i32
      %lt3A_40 = arith.cmpi slt, %add3A_39, %lt3A : i32
      %convert_element_type3A_41 = arith.extui %lt3A_40 : i1 to i32
      %cond3A_42 = arith.constant 0 : i32
      %cond3A_43 = arith.cmpi ne, %convert_element_type3A_41, %cond3A_42 : i32
      scf.if %cond3A_43 {
        %add3A_98 = arith.constant 1 : i32
        %add3A_99 = arith.addi %add3A_39, %add3A_98 : i32
        %mul3A_100 = arith.constant 40 : i32
        %mul3A_101 = arith.muli %add3A_99, %mul3A_100 : i32
        %add3A_102 = arith.addi %mul3A_4, %mul3A_101 : i32
        "tpu.region"() ({
          %run_scoped3A = tpu.sem_alloc : memref<!tpu.dma_semaphore, #tpu.memory_space<semaphore_mem>>
          %dma_start3A_112 = tpu.memref_slice %arg6[%add3A_102] : memref<320000xi32, #tpu.memory_space<hbm>> -> memref<40xi32, #tpu.memory_space<hbm>>
          %dma_start3A_113 = tpu.memref_slice %arg6[%add3A_102] : memref<320000xi32, #tpu.memory_space<hbm>> -> memref<40xi32, #tpu.memory_space<hbm>>
          tpu.enqueue_dma source(%dma_start3A_113 : memref<40xi32, #tpu.memory_space<hbm>>) target(%arg13 : memref<40xi32, #tpu.memory_space<vmem>>) target_semaphore(%run_scoped3A : memref<!tpu.dma_semaphore, #tpu.memory_space<semaphore_mem>>)
          %dma_wait3A_114 = tpu.memref_slice %arg6[%add3A_102] : memref<320000xi32, #tpu.memory_space<hbm>> -> memref<40xi32, #tpu.memory_space<hbm>>
          %dma_wait3A_115 = tpu.memref_slice %arg6[%add3A_102] : memref<320000xi32, #tpu.memory_space<hbm>> -> memref<40xi32, #tpu.memory_space<hbm>>
          tpu.wait_dma2 semaphore(%run_scoped3A : memref<!tpu.dma_semaphore, #tpu.memory_space<semaphore_mem>>) src(%dma_wait3A_115 : memref<40xi32, #tpu.memory_space<hbm>>) dst(%arg13 : memref<40xi32, #tpu.memory_space<vmem>>)
          tpu.yield
        }) : () -> ()
        "tpu.region"() ({
          %run_scoped3A = tpu.sem_alloc : memref<!tpu.dma_semaphore, #tpu.memory_space<semaphore_mem>>
          %dma_start3A_112 = tpu.memref_slice %arg7[%add3A_102] : memref<320000xi32, #tpu.memory_space<hbm>> -> memref<40xi32, #tpu.memory_space<hbm>>
          %dma_start3A_113 = tpu.memref_slice %arg7[%add3A_102] : memref<320000xi32, #tpu.memory_space<hbm>> -> memref<40xi32, #tpu.memory_space<hbm>>
          tpu.enqueue_dma source(%dma_start3A_113 : memref<40xi32, #tpu.memory_space<hbm>>) target(%arg15 : memref<40xi32, #tpu.memory_space<vmem>>) target_semaphore(%run_scoped3A : memref<!tpu.dma_semaphore, #tpu.memory_space<semaphore_mem>>)
          %dma_wait3A_114 = tpu.memref_slice %arg7[%add3A_102] : memref<320000xi32, #tpu.memory_space<hbm>> -> memref<40xi32, #tpu.memory_space<hbm>>
          %dma_wait3A_115 = tpu.memref_slice %arg7[%add3A_102] : memref<320000xi32, #tpu.memory_space<hbm>> -> memref<40xi32, #tpu.memory_space<hbm>>
          tpu.wait_dma2 semaphore(%run_scoped3A : memref<!tpu.dma_semaphore, #tpu.memory_space<semaphore_mem>>) src(%dma_wait3A_115 : memref<40xi32, #tpu.memory_space<hbm>>) dst(%arg15 : memref<40xi32, #tpu.memory_space<vmem>>)
          tpu.yield
        }) : () -> ()
        %dma_start3A_103 = arith.constant 0 : i32
        %dma_start3A_104 = arith.constant 0 : i32
        %dma_start3A_105 = tpu.memref_slice %arg2[%dma_start3A_103, %dma_start3A_104] : memref<10000x128xf32, #tpu.memory_space<hbm>> -> memref<10000x128xf32, #tpu.memory_space<hbm>>
        tpu.enqueue_indirect_dma source(%dma_start3A_105 : memref<10000x128xf32, #tpu.memory_space<hbm>>) target(%arg17 : memref<40x128xf32, #tpu.memory_space<vmem>>) offsets(%arg13 : memref<40xi32, #tpu.memory_space<vmem>>) semaphore(%arg26 : memref<!tpu.dma_semaphore, #tpu.memory_space<semaphore_mem>>)
        %dma_start3A_106 = arith.constant 0 : i32
        %dma_start3A_107 = arith.constant 0 : i32
        %dma_start3A_108 = tpu.memref_slice %arg3[%dma_start3A_106, %dma_start3A_107] : memref<10000x16xf32, #tpu.memory_space<hbm>> -> memref<10000x16xf32, #tpu.memory_space<hbm>>
        tpu.enqueue_indirect_dma source(%dma_start3A_108 : memref<10000x16xf32, #tpu.memory_space<hbm>>) target(%arg19 : memref<40x16xf32, #tpu.memory_space<vmem>>) offsets(%arg13 : memref<40xi32, #tpu.memory_space<vmem>>) semaphore(%arg26 : memref<!tpu.dma_semaphore, #tpu.memory_space<semaphore_mem>>)
        %dma_start3A_109 = arith.constant 0 : i32
        %dma_start3A_110 = arith.constant 0 : i32
        %dma_start3A_111 = tpu.memref_slice %arg4[%dma_start3A_109, %dma_start3A_110] : memref<10000x16xf32, #tpu.memory_space<hbm>> -> memref<10000x16xf32, #tpu.memory_space<hbm>>
        tpu.enqueue_indirect_dma source(%dma_start3A_111 : memref<10000x16xf32, #tpu.memory_space<hbm>>) target(%arg21 : memref<40x16xf32, #tpu.memory_space<vmem>>) offsets(%arg15 : memref<40xi32, #tpu.memory_space<vmem>>) semaphore(%arg26 : memref<!tpu.dma_semaphore, #tpu.memory_space<semaphore_mem>>)
      } else {
      }
      %dma_wait3A_44 = arith.constant 0 : i32
      %dma_wait3A_45 = arith.constant 0 : i32
      %dma_wait3A_46 = tpu.memref_slice %arg2[%dma_wait3A_44, %dma_wait3A_45] : memref<10000x128xf32, #tpu.memory_space<hbm>> -> memref<10000x128xf32, #tpu.memory_space<hbm>>
      tpu.wait_indirect_dma semaphore(%arg25 : memref<!tpu.dma_semaphore, #tpu.memory_space<semaphore_mem>>) src(%dma_wait3A_46 : memref<10000x128xf32, #tpu.memory_space<hbm>>) dst(%arg16 : memref<40x128xf32, #tpu.memory_space<vmem>>)
      %dma_wait3A_47 = arith.constant 0 : i32
      %dma_wait3A_48 = arith.constant 0 : i32
      %dma_wait3A_49 = tpu.memref_slice %arg3[%dma_wait3A_47, %dma_wait3A_48] : memref<10000x16xf32, #tpu.memory_space<hbm>> -> memref<10000x16xf32, #tpu.memory_space<hbm>>
      tpu.wait_indirect_dma semaphore(%arg25 : memref<!tpu.dma_semaphore, #tpu.memory_space<semaphore_mem>>) src(%dma_wait3A_49 : memref<10000x16xf32, #tpu.memory_space<hbm>>) dst(%arg18 : memref<40x16xf32, #tpu.memory_space<vmem>>)
      %dma_wait3A_50 = arith.constant 0 : i32
      %dma_wait3A_51 = arith.constant 0 : i32
      %dma_wait3A_52 = tpu.memref_slice %arg4[%dma_wait3A_50, %dma_wait3A_51] : memref<10000x16xf32, #tpu.memory_space<hbm>> -> memref<10000x16xf32, #tpu.memory_space<hbm>>
      tpu.wait_indirect_dma semaphore(%arg25 : memref<!tpu.dma_semaphore, #tpu.memory_space<semaphore_mem>>) src(%dma_wait3A_52 : memref<10000x16xf32, #tpu.memory_space<hbm>>) dst(%arg20 : memref<40x16xf32, #tpu.memory_space<vmem>>)
      %ge3A = arith.constant 2 : i32
      %ge3A_53 = arith.cmpi sge, %add3A_39, %ge3A : i32
      %convert_element_type3A_54 = arith.extui %ge3A_53 : i1 to i32
      %cond3A_55 = arith.constant 0 : i32
      %cond3A_56 = arith.cmpi ne, %convert_element_type3A_54, %cond3A_55 : i32
      scf.if %cond3A_56 {
        %dma_wait3A_98 = arith.constant 0 : i32
        %dma_wait3A_99 = arith.constant 0 : i32
        %dma_wait3A_100 = tpu.memref_slice %arg11[%dma_wait3A_98, %dma_wait3A_99] : memref<10240x144xf32, #tpu.memory_space<vmem_shared>> -> memref<10240x144xf32, #tpu.memory_space<vmem_shared>>
        tpu.wait_indirect_dma semaphore(%arg27 : memref<!tpu.dma_semaphore, #tpu.memory_space<semaphore_mem>>) src(%arg22 : memref<40x144xf32, #tpu.memory_space<vmem>>) dst(%dma_wait3A_100 : memref<10240x144xf32, #tpu.memory_space<vmem_shared>>)
      } else {
      }
      %scan3A_57 = arith.constant 0 : i32
      %scan3A_58 = arith.constant 0 : i32
      %scan3A_59 = arith.constant 40 : i32
      %scan3A_60 = arith.addi %scan3A_58, %scan3A_59 : i32
      %scan3A_61 = arith.constant 4 : i32
      scf.for %scan3A_98 = %scan3A_58 to %scan3A_60 step %scan3A_61  : i32 {
        %get3A_99 = arith.index_cast %scan3A_98 : i32 to index
        %get3A_100 = arith.constant 0 : index
        %get3A_101 = tpu.vector_load %arg18[%get3A_99, %get3A_100] {strides = array<i32>} : memref<40x16xf32, #tpu.memory_space<vmem>>, vector<1x16xf32>,
        %get3A_102 = vector.shape_cast %get3A_101 : vector<1x16xf32> to vector<16xf32>
        %get3A_103 = arith.index_cast %scan3A_98 : i32 to index
        %get3A_104 = arith.constant 0 : index
        %get3A_105 = tpu.vector_load %arg20[%get3A_103, %get3A_104] {strides = array<i32>} : memref<40x16xf32, #tpu.memory_space<vmem>>, vector<1x16xf32>,
        %get3A_106 = vector.shape_cast %get3A_105 : vector<1x16xf32> to vector<16xf32>
        %add3A_107 = arith.addf %get3A_102, %get3A_106 : vector<16xf32>
        %ge3A_108 = arith.constant 0.000000e+00 : f32
        %ge3A_109 = vector.broadcast %ge3A_108 : f32 to vector<16xf32>
        %ge3A_110 = arith.cmpf oge, %add3A_107, %ge3A_109 : vector<16xf32>
        %mul3A_111 = arith.constant 2.000000e-01 : f32
        %mul3A_112 = vector.broadcast %mul3A_111 : f32 to vector<16xf32>
        %mul3A_113 = arith.mulf %add3A_107, %mul3A_112 : vector<16xf32>
        %select_n3A = arith.select %ge3A_110, %add3A_107, %mul3A_113 : vector<16xi1>, vector<16xf32>
        %sub3A = arith.subf %select_n3A, %get3A_6 : vector<16xf32>
        %exp3A = math.exp %sub3A : vector<16xf32>
        %swap3A = arith.index_cast %scan3A_98 : i32 to index
        %swap3A_114 = arith.constant 128 : index
        %swap3A_115 = tpu.vector_load %arg22[%swap3A, %swap3A_114] {strides = array<i32>} : memref<40x144xf32, #tpu.memory_space<vmem>>, vector<1x16xf32>,
        %swap3A_116 = vector.shape_cast %swap3A_115 : vector<1x16xf32> to vector<16xf32>
        %swap3A_117 = vector.shape_cast %exp3A : vector<16xf32> to vector<1x16xf32>
        tpu.vector_store %arg22[%swap3A, %swap3A_114], %swap3A_117 {strides = array<i32>} : memref<40x144xf32, #tpu.memory_space<vmem>>, vector<1x16xf32>,
        %slice3A = vector.extract_strided_slice %exp3A {offsets = [0], sizes = [1], strides = [1]} : vector<16xf32> to vector<1xf32>
        %squeeze3A = vector.extract %slice3A[0] : f32 from vector<1xf32>
        %get3A_118 = arith.index_cast %scan3A_98 : i32 to index
        %get3A_119 = arith.constant 0 : index
        %get3A_120 = tpu.vector_load %arg16[%get3A_118, %get3A_119] {strides = array<i32>} : memref<40x128xf32, #tpu.memory_space<vmem>>, vector<1x16xf32>,
        %get3A_121 = vector.shape_cast %get3A_120 : vector<1x16xf32> to vector<16xf32>
        %mul3A_122 = vector.broadcast %squeeze3A : f32 to vector<16xf32>
        %mul3A_123 = arith.mulf %mul3A_122, %get3A_121 : vector<16xf32>
        %swap3A_124 = arith.index_cast %scan3A_98 : i32 to index
        %swap3A_125 = arith.constant 0 : index
        %swap3A_126 = tpu.vector_load %arg22[%swap3A_124, %swap3A_125] {strides = array<i32>} : memref<40x144xf32, #tpu.memory_space<vmem>>, vector<1x16xf32>,
        %swap3A_127 = vector.shape_cast %swap3A_126 : vector<1x16xf32> to vector<16xf32>
        %swap3A_128 = vector.shape_cast %mul3A_123 : vector<16xf32> to vector<1x16xf32>
        tpu.vector_store %arg22[%swap3A_124, %swap3A_125], %swap3A_128 {strides = array<i32>} : memref<40x144xf32, #tpu.memory_space<vmem>>, vector<1x16xf32>,
        %slice3A_129 = vector.extract_strided_slice %exp3A {offsets = [1], sizes = [1], strides = [1]} : vector<16xf32> to vector<1xf32>
        %squeeze3A_130 = vector.extract %slice3A_129[0] : f32 from vector<1xf32>
        %get3A_131 = arith.index_cast %scan3A_98 : i32 to index
        %get3A_132 = arith.constant 16 : index
        %get3A_133 = tpu.vector_load %arg16[%get3A_131, %get3A_132] {strides = array<i32>} : memref<40x128xf32, #tpu.memory_space<vmem>>, vector<1x16xf32>,
        %get3A_134 = vector.shape_cast %get3A_133 : vector<1x16xf32> to vector<16xf32>
        %mul3A_135 = vector.broadcast %squeeze3A_130 : f32 to vector<16xf32>
        %mul3A_136 = arith.mulf %mul3A_135, %get3A_134 : vector<16xf32>
        %swap3A_137 = arith.index_cast %scan3A_98 : i32 to index
        %swap3A_138 = arith.constant 16 : index
        %swap3A_139 = tpu.vector_load %arg22[%swap3A_137, %swap3A_138] {strides = array<i32>} : memref<40x144xf32, #tpu.memory_space<vmem>>, vector<1x16xf32>,
        %swap3A_140 = vector.shape_cast %swap3A_139 : vector<1x16xf32> to vector<16xf32>
        %swap3A_141 = vector.shape_cast %mul3A_136 : vector<16xf32> to vector<1x16xf32>
        tpu.vector_store %arg22[%swap3A_137, %swap3A_138], %swap3A_141 {strides = array<i32>} : memref<40x144xf32, #tpu.memory_space<vmem>>, vector<1x16xf32>,
        %slice3A_142 = vector.extract_strided_slice %exp3A {offsets = [2], sizes = [1], strides = [1]} : vector<16xf32> to vector<1xf32>
        %squeeze3A_143 = vector.extract %slice3A_142[0] : f32 from vector<1xf32>
        %get3A_144 = arith.index_cast %scan3A_98 : i32 to index
        %get3A_145 = arith.constant 32 : index
        %get3A_146 = tpu.vector_load %arg16[%get3A_144, %get3A_145] {strides = array<i32>} : memref<40x128xf32, #tpu.memory_space<vmem>>, vector<1x16xf32>,
        %get3A_147 = vector.shape_cast %get3A_146 : vector<1x16xf32> to vector<16xf32>
        %mul3A_148 = vector.broadcast %squeeze3A_143 : f32 to vector<16xf32>
        %mul3A_149 = arith.mulf %mul3A_148, %get3A_147 : vector<16xf32>
        %swap3A_150 = arith.index_cast %scan3A_98 : i32 to index
        %swap3A_151 = arith.constant 32 : index
        %swap3A_152 = tpu.vector_load %arg22[%swap3A_150, %swap3A_151] {strides = array<i32>} : memref<40x144xf32, #tpu.memory_space<vmem>>, vector<1x16xf32>,
        %swap3A_153 = vector.shape_cast %swap3A_152 : vector<1x16xf32> to vector<16xf32>
        %swap3A_154 = vector.shape_cast %mul3A_149 : vector<16xf32> to vector<1x16xf32>
        tpu.vector_store %arg22[%swap3A_150, %swap3A_151], %swap3A_154 {strides = array<i32>} : memref<40x144xf32, #tpu.memory_space<vmem>>, vector<1x16xf32>,
        %slice3A_155 = vector.extract_strided_slice %exp3A {offsets = [3], sizes = [1], strides = [1]} : vector<16xf32> to vector<1xf32>
        %squeeze3A_156 = vector.extract %slice3A_155[0] : f32 from vector<1xf32>
        %get3A_157 = arith.index_cast %scan3A_98 : i32 to index
        %get3A_158 = arith.constant 48 : index
        %get3A_159 = tpu.vector_load %arg16[%get3A_157, %get3A_158] {strides = array<i32>} : memref<40x128xf32, #tpu.memory_space<vmem>>, vector<1x16xf32>,
        %get3A_160 = vector.shape_cast %get3A_159 : vector<1x16xf32> to vector<16xf32>
        %mul3A_161 = vector.broadcast %squeeze3A_156 : f32 to vector<16xf32>
        %mul3A_162 = arith.mulf %mul3A_161, %get3A_160 : vector<16xf32>
        %swap3A_163 = arith.index_cast %scan3A_98 : i32 to index
        %swap3A_164 = arith.constant 48 : index
        %swap3A_165 = tpu.vector_load %arg22[%swap3A_163, %swap3A_164] {strides = array<i32>} : memref<40x144xf32, #tpu.memory_space<vmem>>, vector<1x16xf32>,
        %swap3A_166 = vector.shape_cast %swap3A_165 : vector<1x16xf32> to vector<16xf32>
        %swap3A_167 = vector.shape_cast %mul3A_162 : vector<16xf32> to vector<1x16xf32>
        tpu.vector_store %arg22[%swap3A_163, %swap3A_164], %swap3A_167 {strides = array<i32>} : memref<40x144xf32, #tpu.memory_space<vmem>>, vector<1x16xf32>,
        %slice3A_168 = vector.extract_strided_slice %exp3A {offsets = [4], sizes = [1], strides = [1]} : vector<16xf32> to vector<1xf32>
        %squeeze3A_169 = vector.extract %slice3A_168[0] : f32 from vector<1xf32>
        %get3A_170 = arith.index_cast %scan3A_98 : i32 to index
        %get3A_171 = arith.constant 64 : index
        %get3A_172 = tpu.vector_load %arg16[%get3A_170, %get3A_171] {strides = array<i32>} : memref<40x128xf32, #tpu.memory_space<vmem>>, vector<1x16xf32>,
        %get3A_173 = vector.shape_cast %get3A_172 : vector<1x16xf32> to vector<16xf32>
        %mul3A_174 = vector.broadcast %squeeze3A_169 : f32 to vector<16xf32>
        %mul3A_175 = arith.mulf %mul3A_174, %get3A_173 : vector<16xf32>
        %swap3A_176 = arith.index_cast %scan3A_98 : i32 to index
        %swap3A_177 = arith.constant 64 : index
        %swap3A_178 = tpu.vector_load %arg22[%swap3A_176, %swap3A_177] {strides = array<i32>} : memref<40x144xf32, #tpu.memory_space<vmem>>, vector<1x16xf32>,
        %swap3A_179 = vector.shape_cast %swap3A_178 : vector<1x16xf32> to vector<16xf32>
        %swap3A_180 = vector.shape_cast %mul3A_175 : vector<16xf32> to vector<1x16xf32>
        tpu.vector_store %arg22[%swap3A_176, %swap3A_177], %swap3A_180 {strides = array<i32>} : memref<40x144xf32, #tpu.memory_space<vmem>>, vector<1x16xf32>,
        %slice3A_181 = vector.extract_strided_slice %exp3A {offsets = [5], sizes = [1], strides = [1]} : vector<16xf32> to vector<1xf32>
        %squeeze3A_182 = vector.extract %slice3A_181[0] : f32 from vector<1xf32>
        %get3A_183 = arith.index_cast %scan3A_98 : i32 to index
        %get3A_184 = arith.constant 80 : index
        %get3A_185 = tpu.vector_load %arg16[%get3A_183, %get3A_184] {strides = array<i32>} : memref<40x128xf32, #tpu.memory_space<vmem>>, vector<1x16xf32>,
        %get3A_186 = vector.shape_cast %get3A_185 : vector<1x16xf32> to vector<16xf32>
        %mul3A_187 = vector.broadcast %squeeze3A_182 : f32 to vector<16xf32>
        %mul3A_188 = arith.mulf %mul3A_187, %get3A_186 : vector<16xf32>
        %swap3A_189 = arith.index_cast %scan3A_98 : i32 to index
        %swap3A_190 = arith.constant 80 : index
        %swap3A_191 = tpu.vector_load %arg22[%swap3A_189, %swap3A_190] {strides = array<i32>} : memref<40x144xf32, #tpu.memory_space<vmem>>, vector<1x16xf32>,
        %swap3A_192 = vector.shape_cast %swap3A_191 : vector<1x16xf32> to vector<16xf32>
        %swap3A_193 = vector.shape_cast %mul3A_188 : vector<16xf32> to vector<1x16xf32>
        tpu.vector_store %arg22[%swap3A_189, %swap3A_190], %swap3A_193 {strides = array<i32>} : memref<40x144xf32, #tpu.memory_space<vmem>>, vector<1x16xf32>,
        %slice3A_194 = vector.extract_strided_slice %exp3A {offsets = [6], sizes = [1], strides = [1]} : vector<16xf32> to vector<1xf32>
        %squeeze3A_195 = vector.extract %slice3A_194[0] : f32 from vector<1xf32>
        %get3A_196 = arith.index_cast %scan3A_98 : i32 to index
        %get3A_197 = arith.constant 96 : index
        %get3A_198 = tpu.vector_load %arg16[%get3A_196, %get3A_197] {strides = array<i32>} : memref<40x128xf32, #tpu.memory_space<vmem>>, vector<1x16xf32>,
        %get3A_199 = vector.shape_cast %get3A_198 : vector<1x16xf32> to vector<16xf32>
        %mul3A_200 = vector.broadcast %squeeze3A_195 : f32 to vector<16xf32>
        %mul3A_201 = arith.mulf %mul3A_200, %get3A_199 : vector<16xf32>
        %swap3A_202 = arith.index_cast %scan3A_98 : i32 to index
        %swap3A_203 = arith.constant 96 : index
        %swap3A_204 = tpu.vector_load %arg22[%swap3A_202, %swap3A_203] {strides = array<i32>} : memref<40x144xf32, #tpu.memory_space<vmem>>, vector<1x16xf32>,
        %swap3A_205 = vector.shape_cast %swap3A_204 : vector<1x16xf32> to vector<16xf32>
        %swap3A_206 = vector.shape_cast %mul3A_201 : vector<16xf32> to vector<1x16xf32>
        tpu.vector_store %arg22[%swap3A_202, %swap3A_203], %swap3A_206 {strides = array<i32>} : memref<40x144xf32, #tpu.memory_space<vmem>>, vector<1x16xf32>,
        %slice3A_207 = vector.extract_strided_slice %exp3A {offsets = [7], sizes = [1], strides = [1]} : vector<16xf32> to vector<1xf32>
        %squeeze3A_208 = vector.extract %slice3A_207[0] : f32 from vector<1xf32>
        %get3A_209 = arith.index_cast %scan3A_98 : i32 to index
        %get3A_210 = arith.constant 112 : index
        %get3A_211 = tpu.vector_load %arg16[%get3A_209, %get3A_210] {strides = array<i32>} : memref<40x128xf32, #tpu.memory_space<vmem>>, vector<1x16xf32>,
        %get3A_212 = vector.shape_cast %get3A_211 : vector<1x16xf32> to vector<16xf32>
        %mul3A_213 = vector.broadcast %squeeze3A_208 : f32 to vector<16xf32>
        %mul3A_214 = arith.mulf %mul3A_213, %get3A_212 : vector<16xf32>
        %swap3A_215 = arith.index_cast %scan3A_98 : i32 to index
        %swap3A_216 = arith.constant 112 : index
        %swap3A_217 = tpu.vector_load %arg22[%swap3A_215, %swap3A_216] {strides = array<i32>} : memref<40x144xf32, #tpu.memory_space<vmem>>, vector<1x16xf32>,
        %swap3A_218 = vector.shape_cast %swap3A_217 : vector<1x16xf32> to vector<16xf32>
        %swap3A_219 = vector.shape_cast %mul3A_214 : vector<16xf32> to vector<1x16xf32>
        tpu.vector_store %arg22[%swap3A_215, %swap3A_216], %swap3A_219 {strides = array<i32>} : memref<40x144xf32, #tpu.memory_space<vmem>>, vector<1x16xf32>,
        %scan3A_220 = arith.constant 1 : i32
        %scan3A_221 = arith.addi %scan3A_98, %scan3A_220 : i32
        %get3A_222 = arith.index_cast %scan3A_221 : i32 to index
        %get3A_223 = arith.constant 0 : index
        %get3A_224 = tpu.vector_load %arg18[%get3A_222, %get3A_223] {strides = array<i32>} : memref<40x16xf32, #tpu.memory_space<vmem>>, vector<1x16xf32>,
        %get3A_225 = vector.shape_cast %get3A_224 : vector<1x16xf32> to vector<16xf32>
        %get3A_226 = arith.index_cast %scan3A_221 : i32 to index
        %get3A_227 = arith.constant 0 : index
        %get3A_228 = tpu.vector_load %arg20[%get3A_226, %get3A_227] {strides = array<i32>} : memref<40x16xf32, #tpu.memory_space<vmem>>, vector<1x16xf32>,
        %get3A_229 = vector.shape_cast %get3A_228 : vector<1x16xf32> to vector<16xf32>
        %add3A_230 = arith.addf %get3A_225, %get3A_229 : vector<16xf32>
        %ge3A_231 = arith.constant 0.000000e+00 : f32
        %ge3A_232 = vector.broadcast %ge3A_231 : f32 to vector<16xf32>
        %ge3A_233 = arith.cmpf oge, %add3A_230, %ge3A_232 : vector<16xf32>
        %mul3A_234 = arith.constant 2.000000e-01 : f32
        %mul3A_235 = vector.broadcast %mul3A_234 : f32 to vector<16xf32>
        %mul3A_236 = arith.mulf %add3A_230, %mul3A_235 : vector<16xf32>
        %select_n3A_237 = arith.select %ge3A_233, %add3A_230, %mul3A_236 : vector<16xi1>, vector<16xf32>
        %sub3A_238 = arith.subf %select_n3A_237, %get3A_6 : vector<16xf32>
        %exp3A_239 = math.exp %sub3A_238 : vector<16xf32>
        %swap3A_240 = arith.index_cast %scan3A_221 : i32 to index
        %swap3A_241 = arith.constant 128 : index
        %swap3A_242 = tpu.vector_load %arg22[%swap3A_240, %swap3A_241] {strides = array<i32>} : memref<40x144xf32, #tpu.memory_space<vmem>>, vector<1x16xf32>,
        %swap3A_243 = vector.shape_cast %swap3A_242 : vector<1x16xf32> to vector<16xf32>
        %swap3A_244 = vector.shape_cast %exp3A_239 : vector<16xf32> to vector<1x16xf32>
        tpu.vector_store %arg22[%swap3A_240, %swap3A_241], %swap3A_244 {strides = array<i32>} : memref<40x144xf32, #tpu.memory_space<vmem>>, vector<1x16xf32>,
        %slice3A_245 = vector.extract_strided_slice %exp3A_239 {offsets = [0], sizes = [1], strides = [1]} : vector<16xf32> to vector<1xf32>
        %squeeze3A_246 = vector.extract %slice3A_245[0] : f32 from vector<1xf32>
        %get3A_247 = arith.index_cast %scan3A_221 : i32 to index
        %get3A_248 = arith.constant 0 : index
        %get3A_249 = tpu.vector_load %arg16[%get3A_247, %get3A_248] {strides = array<i32>} : memref<40x128xf32, #tpu.memory_space<vmem>>, vector<1x16xf32>,
        %get3A_250 = vector.shape_cast %get3A_249 : vector<1x16xf32> to vector<16xf32>
        %mul3A_251 = vector.broadcast %squeeze3A_246 : f32 to vector<16xf32>
        %mul3A_252 = arith.mulf %mul3A_251, %get3A_250 : vector<16xf32>
        %swap3A_253 = arith.index_cast %scan3A_221 : i32 to index
        %swap3A_254 = arith.constant 0 : index
        %swap3A_255 = tpu.vector_load %arg22[%swap3A_253, %swap3A_254] {strides = array<i32>} : memref<40x144xf32, #tpu.memory_space<vmem>>, vector<1x16xf32>,
        %swap3A_256 = vector.shape_cast %swap3A_255 : vector<1x16xf32> to vector<16xf32>
        %swap3A_257 = vector.shape_cast %mul3A_252 : vector<16xf32> to vector<1x16xf32>
        tpu.vector_store %arg22[%swap3A_253, %swap3A_254], %swap3A_257 {strides = array<i32>} : memref<40x144xf32, #tpu.memory_space<vmem>>, vector<1x16xf32>,
        %slice3A_258 = vector.extract_strided_slice %exp3A_239 {offsets = [1], sizes = [1], strides = [1]} : vector<16xf32> to vector<1xf32>
        %squeeze3A_259 = vector.extract %slice3A_258[0] : f32 from vector<1xf32>
        %get3A_260 = arith.index_cast %scan3A_221 : i32 to index
        %get3A_261 = arith.constant 16 : index
        %get3A_262 = tpu.vector_load %arg16[%get3A_260, %get3A_261] {strides = array<i32>} : memref<40x128xf32, #tpu.memory_space<vmem>>, vector<1x16xf32>,
        %get3A_263 = vector.shape_cast %get3A_262 : vector<1x16xf32> to vector<16xf32>
        %mul3A_264 = vector.broadcast %squeeze3A_259 : f32 to vector<16xf32>
        %mul3A_265 = arith.mulf %mul3A_264, %get3A_263 : vector<16xf32>
        %swap3A_266 = arith.index_cast %scan3A_221 : i32 to index
        %swap3A_267 = arith.constant 16 : index
        %swap3A_268 = tpu.vector_load %arg22[%swap3A_266, %swap3A_267] {strides = array<i32>} : memref<40x144xf32, #tpu.memory_space<vmem>>, vector<1x16xf32>,
        %swap3A_269 = vector.shape_cast %swap3A_268 : vector<1x16xf32> to vector<16xf32>
        %swap3A_270 = vector.shape_cast %mul3A_265 : vector<16xf32> to vector<1x16xf32>
        tpu.vector_store %arg22[%swap3A_266, %swap3A_267], %swap3A_270 {strides = array<i32>} : memref<40x144xf32, #tpu.memory_space<vmem>>, vector<1x16xf32>,
        %slice3A_271 = vector.extract_strided_slice %exp3A_239 {offsets = [2], sizes = [1], strides = [1]} : vector<16xf32> to vector<1xf32>
        %squeeze3A_272 = vector.extract %slice3A_271[0] : f32 from vector<1xf32>
        %get3A_273 = arith.index_cast %scan3A_221 : i32 to index
        %get3A_274 = arith.constant 32 : index
        %get3A_275 = tpu.vector_load %arg16[%get3A_273, %get3A_274] {strides = array<i32>} : memref<40x128xf32, #tpu.memory_space<vmem>>, vector<1x16xf32>,
        %get3A_276 = vector.shape_cast %get3A_275 : vector<1x16xf32> to vector<16xf32>
        %mul3A_277 = vector.broadcast %squeeze3A_272 : f32 to vector<16xf32>
        %mul3A_278 = arith.mulf %mul3A_277, %get3A_276 : vector<16xf32>
        %swap3A_279 = arith.index_cast %scan3A_221 : i32 to index
        %swap3A_280 = arith.constant 32 : index
        %swap3A_281 = tpu.vector_load %arg22[%swap3A_279, %swap3A_280] {strides = array<i32>} : memref<40x144xf32, #tpu.memory_space<vmem>>, vector<1x16xf32>,
        %swap3A_282 = vector.shape_cast %swap3A_281 : vector<1x16xf32> to vector<16xf32>
        %swap3A_283 = vector.shape_cast %mul3A_278 : vector<16xf32> to vector<1x16xf32>
        tpu.vector_store %arg22[%swap3A_279, %swap3A_280], %swap3A_283 {strides = array<i32>} : memref<40x144xf32, #tpu.memory_space<vmem>>, vector<1x16xf32>,
        %slice3A_284 = vector.extract_strided_slice %exp3A_239 {offsets = [3], sizes = [1], strides = [1]} : vector<16xf32> to vector<1xf32>
        %squeeze3A_285 = vector.extract %slice3A_284[0] : f32 from vector<1xf32>
        %get3A_286 = arith.index_cast %scan3A_221 : i32 to index
        %get3A_287 = arith.constant 48 : index
        %get3A_288 = tpu.vector_load %arg16[%get3A_286, %get3A_287] {strides = array<i32>} : memref<40x128xf32, #tpu.memory_space<vmem>>, vector<1x16xf32>,
        %get3A_289 = vector.shape_cast %get3A_288 : vector<1x16xf32> to vector<16xf32>
        %mul3A_290 = vector.broadcast %squeeze3A_285 : f32 to vector<16xf32>
        %mul3A_291 = arith.mulf %mul3A_290, %get3A_289 : vector<16xf32>
        %swap3A_292 = arith.index_cast %scan3A_221 : i32 to index
        %swap3A_293 = arith.constant 48 : index
        %swap3A_294 = tpu.vector_load %arg22[%swap3A_292, %swap3A_293] {strides = array<i32>} : memref<40x144xf32, #tpu.memory_space<vmem>>, vector<1x16xf32>,
        %swap3A_295 = vector.shape_cast %swap3A_294 : vector<1x16xf32> to vector<16xf32>
        %swap3A_296 = vector.shape_cast %mul3A_291 : vector<16xf32> to vector<1x16xf32>
        tpu.vector_store %arg22[%swap3A_292, %swap3A_293], %swap3A_296 {strides = array<i32>} : memref<40x144xf32, #tpu.memory_space<vmem>>, vector<1x16xf32>,
        %slice3A_297 = vector.extract_strided_slice %exp3A_239 {offsets = [4], sizes = [1], strides = [1]} : vector<16xf32> to vector<1xf32>
        %squeeze3A_298 = vector.extract %slice3A_297[0] : f32 from vector<1xf32>
        %get3A_299 = arith.index_cast %scan3A_221 : i32 to index
        %get3A_300 = arith.constant 64 : index
        %get3A_301 = tpu.vector_load %arg16[%get3A_299, %get3A_300] {strides = array<i32>} : memref<40x128xf32, #tpu.memory_space<vmem>>, vector<1x16xf32>,
        %get3A_302 = vector.shape_cast %get3A_301 : vector<1x16xf32> to vector<16xf32>
        %mul3A_303 = vector.broadcast %squeeze3A_298 : f32 to vector<16xf32>
        %mul3A_304 = arith.mulf %mul3A_303, %get3A_302 : vector<16xf32>
        %swap3A_305 = arith.index_cast %scan3A_221 : i32 to index
        %swap3A_306 = arith.constant 64 : index
        %swap3A_307 = tpu.vector_load %arg22[%swap3A_305, %swap3A_306] {strides = array<i32>} : memref<40x144xf32, #tpu.memory_space<vmem>>, vector<1x16xf32>,
        %swap3A_308 = vector.shape_cast %swap3A_307 : vector<1x16xf32> to vector<16xf32>
        %swap3A_309 = vector.shape_cast %mul3A_304 : vector<16xf32> to vector<1x16xf32>
        tpu.vector_store %arg22[%swap3A_305, %swap3A_306], %swap3A_309 {strides = array<i32>} : memref<40x144xf32, #tpu.memory_space<vmem>>, vector<1x16xf32>,
        %slice3A_310 = vector.extract_strided_slice %exp3A_239 {offsets = [5], sizes = [1], strides = [1]} : vector<16xf32> to vector<1xf32>
        %squeeze3A_311 = vector.extract %slice3A_310[0] : f32 from vector<1xf32>
        %get3A_312 = arith.index_cast %scan3A_221 : i32 to index
        %get3A_313 = arith.constant 80 : index
        %get3A_314 = tpu.vector_load %arg16[%get3A_312, %get3A_313] {strides = array<i32>} : memref<40x128xf32, #tpu.memory_space<vmem>>, vector<1x16xf32>,
        %get3A_315 = vector.shape_cast %get3A_314 : vector<1x16xf32> to vector<16xf32>
        %mul3A_316 = vector.broadcast %squeeze3A_311 : f32 to vector<16xf32>
        %mul3A_317 = arith.mulf %mul3A_316, %get3A_315 : vector<16xf32>
        %swap3A_318 = arith.index_cast %scan3A_221 : i32 to index
        %swap3A_319 = arith.constant 80 : index
        %swap3A_320 = tpu.vector_load %arg22[%swap3A_318, %swap3A_319] {strides = array<i32>} : memref<40x144xf32, #tpu.memory_space<vmem>>, vector<1x16xf32>,
        %swap3A_321 = vector.shape_cast %swap3A_320 : vector<1x16xf32> to vector<16xf32>
        %swap3A_322 = vector.shape_cast %mul3A_317 : vector<16xf32> to vector<1x16xf32>
        tpu.vector_store %arg22[%swap3A_318, %swap3A_319], %swap3A_322 {strides = array<i32>} : memref<40x144xf32, #tpu.memory_space<vmem>>, vector<1x16xf32>,
        %slice3A_323 = vector.extract_strided_slice %exp3A_239 {offsets = [6], sizes = [1], strides = [1]} : vector<16xf32> to vector<1xf32>
        %squeeze3A_324 = vector.extract %slice3A_323[0] : f32 from vector<1xf32>
        %get3A_325 = arith.index_cast %scan3A_221 : i32 to index
        %get3A_326 = arith.constant 96 : index
        %get3A_327 = tpu.vector_load %arg16[%get3A_325, %get3A_326] {strides = array<i32>} : memref<40x128xf32, #tpu.memory_space<vmem>>, vector<1x16xf32>,
        %get3A_328 = vector.shape_cast %get3A_327 : vector<1x16xf32> to vector<16xf32>
        %mul3A_329 = vector.broadcast %squeeze3A_324 : f32 to vector<16xf32>
        %mul3A_330 = arith.mulf %mul3A_329, %get3A_328 : vector<16xf32>
        %swap3A_331 = arith.index_cast %scan3A_221 : i32 to index
        %swap3A_332 = arith.constant 96 : index
        %swap3A_333 = tpu.vector_load %arg22[%swap3A_331, %swap3A_332] {strides = array<i32>} : memref<40x144xf32, #tpu.memory_space<vmem>>, vector<1x16xf32>,
        %swap3A_334 = vector.shape_cast %swap3A_333 : vector<1x16xf32> to vector<16xf32>
        %swap3A_335 = vector.shape_cast %mul3A_330 : vector<16xf32> to vector<1x16xf32>
        tpu.vector_store %arg22[%swap3A_331, %swap3A_332], %swap3A_335 {strides = array<i32>} : memref<40x144xf32, #tpu.memory_space<vmem>>, vector<1x16xf32>,
        %slice3A_336 = vector.extract_strided_slice %exp3A_239 {offsets = [7], sizes = [1], strides = [1]} : vector<16xf32> to vector<1xf32>
        %squeeze3A_337 = vector.extract %slice3A_336[0] : f32 from vector<1xf32>
        %get3A_338 = arith.index_cast %scan3A_221 : i32 to index
        %get3A_339 = arith.constant 112 : index
        %get3A_340 = tpu.vector_load %arg16[%get3A_338, %get3A_339] {strides = array<i32>} : memref<40x128xf32, #tpu.memory_space<vmem>>, vector<1x16xf32>,
        %get3A_341 = vector.shape_cast %get3A_340 : vector<1x16xf32> to vector<16xf32>
        %mul3A_342 = vector.broadcast %squeeze3A_337 : f32 to vector<16xf32>
        %mul3A_343 = arith.mulf %mul3A_342, %get3A_341 : vector<16xf32>
        %swap3A_344 = arith.index_cast %scan3A_221 : i32 to index
        %swap3A_345 = arith.constant 112 : index
        %swap3A_346 = tpu.vector_load %arg22[%swap3A_344, %swap3A_345] {strides = array<i32>} : memref<40x144xf32, #tpu.memory_space<vmem>>, vector<1x16xf32>,
        %swap3A_347 = vector.shape_cast %swap3A_346 : vector<1x16xf32> to vector<16xf32>
        %swap3A_348 = vector.shape_cast %mul3A_343 : vector<16xf32> to vector<1x16xf32>
        tpu.vector_store %arg22[%swap3A_344, %swap3A_345], %swap3A_348 {strides = array<i32>} : memref<40x144xf32, #tpu.memory_space<vmem>>, vector<1x16xf32>,
        %scan3A_349 = arith.constant 2 : i32
        %scan3A_350 = arith.addi %scan3A_98, %scan3A_349 : i32
        %get3A_351 = arith.index_cast %scan3A_350 : i32 to index
        %get3A_352 = arith.constant 0 : index
        %get3A_353 = tpu.vector_load %arg18[%get3A_351, %get3A_352] {strides = array<i32>} : memref<40x16xf32, #tpu.memory_space<vmem>>, vector<1x16xf32>,
        %get3A_354 = vector.shape_cast %get3A_353 : vector<1x16xf32> to vector<16xf32>
        %get3A_355 = arith.index_cast %scan3A_350 : i32 to index
        %get3A_356 = arith.constant 0 : index
        %get3A_357 = tpu.vector_load %arg20[%get3A_355, %get3A_356] {strides = array<i32>} : memref<40x16xf32, #tpu.memory_space<vmem>>, vector<1x16xf32>,
        %get3A_358 = vector.shape_cast %get3A_357 : vector<1x16xf32> to vector<16xf32>
        %add3A_359 = arith.addf %get3A_354, %get3A_358 : vector<16xf32>
        %ge3A_360 = arith.constant 0.000000e+00 : f32
        %ge3A_361 = vector.broadcast %ge3A_360 : f32 to vector<16xf32>
        %ge3A_362 = arith.cmpf oge, %add3A_359, %ge3A_361 : vector<16xf32>
        %mul3A_363 = arith.constant 2.000000e-01 : f32
        %mul3A_364 = vector.broadcast %mul3A_363 : f32 to vector<16xf32>
        %mul3A_365 = arith.mulf %add3A_359, %mul3A_364 : vector<16xf32>
        %select_n3A_366 = arith.select %ge3A_362, %add3A_359, %mul3A_365 : vector<16xi1>, vector<16xf32>
        %sub3A_367 = arith.subf %select_n3A_366, %get3A_6 : vector<16xf32>
        %exp3A_368 = math.exp %sub3A_367 : vector<16xf32>
        %swap3A_369 = arith.index_cast %scan3A_350 : i32 to index
        %swap3A_370 = arith.constant 128 : index
        %swap3A_371 = tpu.vector_load %arg22[%swap3A_369, %swap3A_370] {strides = array<i32>} : memref<40x144xf32, #tpu.memory_space<vmem>>, vector<1x16xf32>,
        %swap3A_372 = vector.shape_cast %swap3A_371 : vector<1x16xf32> to vector<16xf32>
        %swap3A_373 = vector.shape_cast %exp3A_368 : vector<16xf32> to vector<1x16xf32>
        tpu.vector_store %arg22[%swap3A_369, %swap3A_370], %swap3A_373 {strides = array<i32>} : memref<40x144xf32, #tpu.memory_space<vmem>>, vector<1x16xf32>,
        %slice3A_374 = vector.extract_strided_slice %exp3A_368 {offsets = [0], sizes = [1], strides = [1]} : vector<16xf32> to vector<1xf32>
        %squeeze3A_375 = vector.extract %slice3A_374[0] : f32 from vector<1xf32>
        %get3A_376 = arith.index_cast %scan3A_350 : i32 to index
        %get3A_377 = arith.constant 0 : index
        %get3A_378 = tpu.vector_load %arg16[%get3A_376, %get3A_377] {strides = array<i32>} : memref<40x128xf32, #tpu.memory_space<vmem>>, vector<1x16xf32>,
        %get3A_379 = vector.shape_cast %get3A_378 : vector<1x16xf32> to vector<16xf32>
        %mul3A_380 = vector.broadcast %squeeze3A_375 : f32 to vector<16xf32>
        %mul3A_381 = arith.mulf %mul3A_380, %get3A_379 : vector<16xf32>
        %swap3A_382 = arith.index_cast %scan3A_350 : i32 to index
        %swap3A_383 = arith.constant 0 : index
        %swap3A_384 = tpu.vector_load %arg22[%swap3A_382, %swap3A_383] {strides = array<i32>} : memref<40x144xf32, #tpu.memory_space<vmem>>, vector<1x16xf32>,
        %swap3A_385 = vector.shape_cast %swap3A_384 : vector<1x16xf32> to vector<16xf32>
        %swap3A_386 = vector.shape_cast %mul3A_381 : vector<16xf32> to vector<1x16xf32>
        tpu.vector_store %arg22[%swap3A_382, %swap3A_383], %swap3A_386 {strides = array<i32>} : memref<40x144xf32, #tpu.memory_space<vmem>>, vector<1x16xf32>,
        %slice3A_387 = vector.extract_strided_slice %exp3A_368 {offsets = [1], sizes = [1], strides = [1]} : vector<16xf32> to vector<1xf32>
        %squeeze3A_388 = vector.extract %slice3A_387[0] : f32 from vector<1xf32>
        %get3A_389 = arith.index_cast %scan3A_350 : i32 to index
        %get3A_390 = arith.constant 16 : index
        %get3A_391 = tpu.vector_load %arg16[%get3A_389, %get3A_390] {strides = array<i32>} : memref<40x128xf32, #tpu.memory_space<vmem>>, vector<1x16xf32>,
        %get3A_392 = vector.shape_cast %get3A_391 : vector<1x16xf32> to vector<16xf32>
        %mul3A_393 = vector.broadcast %squeeze3A_388 : f32 to vector<16xf32>
        %mul3A_394 = arith.mulf %mul3A_393, %get3A_392 : vector<16xf32>
        %swap3A_395 = arith.index_cast %scan3A_350 : i32 to index
        %swap3A_396 = arith.constant 16 : index
        %swap3A_397 = tpu.vector_load %arg22[%swap3A_395, %swap3A_396] {strides = array<i32>} : memref<40x144xf32, #tpu.memory_space<vmem>>, vector<1x16xf32>,
        %swap3A_398 = vector.shape_cast %swap3A_397 : vector<1x16xf32> to vector<16xf32>
        %swap3A_399 = vector.shape_cast %mul3A_394 : vector<16xf32> to vector<1x16xf32>
        tpu.vector_store %arg22[%swap3A_395, %swap3A_396], %swap3A_399 {strides = array<i32>} : memref<40x144xf32, #tpu.memory_space<vmem>>, vector<1x16xf32>,
        %slice3A_400 = vector.extract_strided_slice %exp3A_368 {offsets = [2], sizes = [1], strides = [1]} : vector<16xf32> to vector<1xf32>
        %squeeze3A_401 = vector.extract %slice3A_400[0] : f32 from vector<1xf32>
        %get3A_402 = arith.index_cast %scan3A_350 : i32 to index
        %get3A_403 = arith.constant 32 : index
        %get3A_404 = tpu.vector_load %arg16[%get3A_402, %get3A_403] {strides = array<i32>} : memref<40x128xf32, #tpu.memory_space<vmem>>, vector<1x16xf32>,
        %get3A_405 = vector.shape_cast %get3A_404 : vector<1x16xf32> to vector<16xf32>
        %mul3A_406 = vector.broadcast %squeeze3A_401 : f32 to vector<16xf32>
        %mul3A_407 = arith.mulf %mul3A_406, %get3A_405 : vector<16xf32>
        %swap3A_408 = arith.index_cast %scan3A_350 : i32 to index
        %swap3A_409 = arith.constant 32 : index
        %swap3A_410 = tpu.vector_load %arg22[%swap3A_408, %swap3A_409] {strides = array<i32>} : memref<40x144xf32, #tpu.memory_space<vmem>>, vector<1x16xf32>,
        %swap3A_411 = vector.shape_cast %swap3A_410 : vector<1x16xf32> to vector<16xf32>
        %swap3A_412 = vector.shape_cast %mul3A_407 : vector<16xf32> to vector<1x16xf32>
        tpu.vector_store %arg22[%swap3A_408, %swap3A_409], %swap3A_412 {strides = array<i32>} : memref<40x144xf32, #tpu.memory_space<vmem>>, vector<1x16xf32>,
        %slice3A_413 = vector.extract_strided_slice %exp3A_368 {offsets = [3], sizes = [1], strides = [1]} : vector<16xf32> to vector<1xf32>
        %squeeze3A_414 = vector.extract %slice3A_413[0] : f32 from vector<1xf32>
        %get3A_415 = arith.index_cast %scan3A_350 : i32 to index
        %get3A_416 = arith.constant 48 : index
        %get3A_417 = tpu.vector_load %arg16[%get3A_415, %get3A_416] {strides = array<i32>} : memref<40x128xf32, #tpu.memory_space<vmem>>, vector<1x16xf32>,
        %get3A_418 = vector.shape_cast %get3A_417 : vector<1x16xf32> to vector<16xf32>
        %mul3A_419 = vector.broadcast %squeeze3A_414 : f32 to vector<16xf32>
        %mul3A_420 = arith.mulf %mul3A_419, %get3A_418 : vector<16xf32>
        %swap3A_421 = arith.index_cast %scan3A_350 : i32 to index
        %swap3A_422 = arith.constant 48 : index
        %swap3A_423 = tpu.vector_load %arg22[%swap3A_421, %swap3A_422] {strides = array<i32>} : memref<40x144xf32, #tpu.memory_space<vmem>>, vector<1x16xf32>,
        %swap3A_424 = vector.shape_cast %swap3A_423 : vector<1x16xf32> to vector<16xf32>
        %swap3A_425 = vector.shape_cast %mul3A_420 : vector<16xf32> to vector<1x16xf32>
        tpu.vector_store %arg22[%swap3A_421, %swap3A_422], %swap3A_425 {strides = array<i32>} : memref<40x144xf32, #tpu.memory_space<vmem>>, vector<1x16xf32>,
        %slice3A_426 = vector.extract_strided_slice %exp3A_368 {offsets = [4], sizes = [1], strides = [1]} : vector<16xf32> to vector<1xf32>
        %squeeze3A_427 = vector.extract %slice3A_426[0] : f32 from vector<1xf32>
        %get3A_428 = arith.index_cast %scan3A_350 : i32 to index
        %get3A_429 = arith.constant 64 : index
        %get3A_430 = tpu.vector_load %arg16[%get3A_428, %get3A_429] {strides = array<i32>} : memref<40x128xf32, #tpu.memory_space<vmem>>, vector<1x16xf32>,
        %get3A_431 = vector.shape_cast %get3A_430 : vector<1x16xf32> to vector<16xf32>
        %mul3A_432 = vector.broadcast %squeeze3A_427 : f32 to vector<16xf32>
        %mul3A_433 = arith.mulf %mul3A_432, %get3A_431 : vector<16xf32>
        %swap3A_434 = arith.index_cast %scan3A_350 : i32 to index
        %swap3A_435 = arith.constant 64 : index
        %swap3A_436 = tpu.vector_load %arg22[%swap3A_434, %swap3A_435] {strides = array<i32>} : memref<40x144xf32, #tpu.memory_space<vmem>>, vector<1x16xf32>,
        %swap3A_437 = vector.shape_cast %swap3A_436 : vector<1x16xf32> to vector<16xf32>
        %swap3A_438 = vector.shape_cast %mul3A_433 : vector<16xf32> to vector<1x16xf32>
        tpu.vector_store %arg22[%swap3A_434, %swap3A_435], %swap3A_438 {strides = array<i32>} : memref<40x144xf32, #tpu.memory_space<vmem>>, vector<1x16xf32>,
        %slice3A_439 = vector.extract_strided_slice %exp3A_368 {offsets = [5], sizes = [1], strides = [1]} : vector<16xf32> to vector<1xf32>
        %squeeze3A_440 = vector.extract %slice3A_439[0] : f32 from vector<1xf32>
        %get3A_441 = arith.index_cast %scan3A_350 : i32 to index
        %get3A_442 = arith.constant 80 : index
        %get3A_443 = tpu.vector_load %arg16[%get3A_441, %get3A_442] {strides = array<i32>} : memref<40x128xf32, #tpu.memory_space<vmem>>, vector<1x16xf32>,
        %get3A_444 = vector.shape_cast %get3A_443 : vector<1x16xf32> to vector<16xf32>
        %mul3A_445 = vector.broadcast %squeeze3A_440 : f32 to vector<16xf32>
        %mul3A_446 = arith.mulf %mul3A_445, %get3A_444 : vector<16xf32>
        %swap3A_447 = arith.index_cast %scan3A_350 : i32 to index
        %swap3A_448 = arith.constant 80 : index
        %swap3A_449 = tpu.vector_load %arg22[%swap3A_447, %swap3A_448] {strides = array<i32>} : memref<40x144xf32, #tpu.memory_space<vmem>>, vector<1x16xf32>,
        %swap3A_450 = vector.shape_cast %swap3A_449 : vector<1x16xf32> to vector<16xf32>
        %swap3A_451 = vector.shape_cast %mul3A_446 : vector<16xf32> to vector<1x16xf32>
        tpu.vector_store %arg22[%swap3A_447, %swap3A_448], %swap3A_451 {strides = array<i32>} : memref<40x144xf32, #tpu.memory_space<vmem>>, vector<1x16xf32>,
        %slice3A_452 = vector.extract_strided_slice %exp3A_368 {offsets = [6], sizes = [1], strides = [1]} : vector<16xf32> to vector<1xf32>
        %squeeze3A_453 = vector.extract %slice3A_452[0] : f32 from vector<1xf32>
        %get3A_454 = arith.index_cast %scan3A_350 : i32 to index
        %get3A_455 = arith.constant 96 : index
        %get3A_456 = tpu.vector_load %arg16[%get3A_454, %get3A_455] {strides = array<i32>} : memref<40x128xf32, #tpu.memory_space<vmem>>, vector<1x16xf32>,
        %get3A_457 = vector.shape_cast %get3A_456 : vector<1x16xf32> to vector<16xf32>
        %mul3A_458 = vector.broadcast %squeeze3A_453 : f32 to vector<16xf32>
        %mul3A_459 = arith.mulf %mul3A_458, %get3A_457 : vector<16xf32>
        %swap3A_460 = arith.index_cast %scan3A_350 : i32 to index
        %swap3A_461 = arith.constant 96 : index
        %swap3A_462 = tpu.vector_load %arg22[%swap3A_460, %swap3A_461] {strides = array<i32>} : memref<40x144xf32, #tpu.memory_space<vmem>>, vector<1x16xf32>,
        %swap3A_463 = vector.shape_cast %swap3A_462 : vector<1x16xf32> to vector<16xf32>
        %swap3A_464 = vector.shape_cast %mul3A_459 : vector<16xf32> to vector<1x16xf32>
        tpu.vector_store %arg22[%swap3A_460, %swap3A_461], %swap3A_464 {strides = array<i32>} : memref<40x144xf32, #tpu.memory_space<vmem>>, vector<1x16xf32>,
        %slice3A_465 = vector.extract_strided_slice %exp3A_368 {offsets = [7], sizes = [1], strides = [1]} : vector<16xf32> to vector<1xf32>
        %squeeze3A_466 = vector.extract %slice3A_465[0] : f32 from vector<1xf32>
        %get3A_467 = arith.index_cast %scan3A_350 : i32 to index
        %get3A_468 = arith.constant 112 : index
        %get3A_469 = tpu.vector_load %arg16[%get3A_467, %get3A_468] {strides = array<i32>} : memref<40x128xf32, #tpu.memory_space<vmem>>, vector<1x16xf32>,
        %get3A_470 = vector.shape_cast %get3A_469 : vector<1x16xf32> to vector<16xf32>
        %mul3A_471 = vector.broadcast %squeeze3A_466 : f32 to vector<16xf32>
        %mul3A_472 = arith.mulf %mul3A_471, %get3A_470 : vector<16xf32>
        %swap3A_473 = arith.index_cast %scan3A_350 : i32 to index
        %swap3A_474 = arith.constant 112 : index
        %swap3A_475 = tpu.vector_load %arg22[%swap3A_473, %swap3A_474] {strides = array<i32>} : memref<40x144xf32, #tpu.memory_space<vmem>>, vector<1x16xf32>,
        %swap3A_476 = vector.shape_cast %swap3A_475 : vector<1x16xf32> to vector<16xf32>
        %swap3A_477 = vector.shape_cast %mul3A_472 : vector<16xf32> to vector<1x16xf32>
        tpu.vector_store %arg22[%swap3A_473, %swap3A_474], %swap3A_477 {strides = array<i32>} : memref<40x144xf32, #tpu.memory_space<vmem>>, vector<1x16xf32>,
        %scan3A_478 = arith.constant 3 : i32
        %scan3A_479 = arith.addi %scan3A_98, %scan3A_478 : i32
        %get3A_480 = arith.index_cast %scan3A_479 : i32 to index
        %get3A_481 = arith.constant 0 : index
        %get3A_482 = tpu.vector_load %arg18[%get3A_480, %get3A_481] {strides = array<i32>} : memref<40x16xf32, #tpu.memory_space<vmem>>, vector<1x16xf32>,
        %get3A_483 = vector.shape_cast %get3A_482 : vector<1x16xf32> to vector<16xf32>
        %get3A_484 = arith.index_cast %scan3A_479 : i32 to index
        %get3A_485 = arith.constant 0 : index
        %get3A_486 = tpu.vector_load %arg20[%get3A_484, %get3A_485] {strides = array<i32>} : memref<40x16xf32, #tpu.memory_space<vmem>>, vector<1x16xf32>,
        %get3A_487 = vector.shape_cast %get3A_486 : vector<1x16xf32> to vector<16xf32>
        %add3A_488 = arith.addf %get3A_483, %get3A_487 : vector<16xf32>
        %ge3A_489 = arith.constant 0.000000e+00 : f32
        %ge3A_490 = vector.broadcast %ge3A_489 : f32 to vector<16xf32>
        %ge3A_491 = arith.cmpf oge, %add3A_488, %ge3A_490 : vector<16xf32>
        %mul3A_492 = arith.constant 2.000000e-01 : f32
        %mul3A_493 = vector.broadcast %mul3A_492 : f32 to vector<16xf32>
        %mul3A_494 = arith.mulf %add3A_488, %mul3A_493 : vector<16xf32>
        %select_n3A_495 = arith.select %ge3A_491, %add3A_488, %mul3A_494 : vector<16xi1>, vector<16xf32>
        %sub3A_496 = arith.subf %select_n3A_495, %get3A_6 : vector<16xf32>
        %exp3A_497 = math.exp %sub3A_496 : vector<16xf32>
        %swap3A_498 = arith.index_cast %scan3A_479 : i32 to index
        %swap3A_499 = arith.constant 128 : index
        %swap3A_500 = tpu.vector_load %arg22[%swap3A_498, %swap3A_499] {strides = array<i32>} : memref<40x144xf32, #tpu.memory_space<vmem>>, vector<1x16xf32>,
        %swap3A_501 = vector.shape_cast %swap3A_500 : vector<1x16xf32> to vector<16xf32>
        %swap3A_502 = vector.shape_cast %exp3A_497 : vector<16xf32> to vector<1x16xf32>
        tpu.vector_store %arg22[%swap3A_498, %swap3A_499], %swap3A_502 {strides = array<i32>} : memref<40x144xf32, #tpu.memory_space<vmem>>, vector<1x16xf32>,
        %slice3A_503 = vector.extract_strided_slice %exp3A_497 {offsets = [0], sizes = [1], strides = [1]} : vector<16xf32> to vector<1xf32>
        %squeeze3A_504 = vector.extract %slice3A_503[0] : f32 from vector<1xf32>
        %get3A_505 = arith.index_cast %scan3A_479 : i32 to index
        %get3A_506 = arith.constant 0 : index
        %get3A_507 = tpu.vector_load %arg16[%get3A_505, %get3A_506] {strides = array<i32>} : memref<40x128xf32, #tpu.memory_space<vmem>>, vector<1x16xf32>,
        %get3A_508 = vector.shape_cast %get3A_507 : vector<1x16xf32> to vector<16xf32>
        %mul3A_509 = vector.broadcast %squeeze3A_504 : f32 to vector<16xf32>
        %mul3A_510 = arith.mulf %mul3A_509, %get3A_508 : vector<16xf32>
        %swap3A_511 = arith.index_cast %scan3A_479 : i32 to index
        %swap3A_512 = arith.constant 0 : index
        %swap3A_513 = tpu.vector_load %arg22[%swap3A_511, %swap3A_512] {strides = array<i32>} : memref<40x144xf32, #tpu.memory_space<vmem>>, vector<1x16xf32>,
        %swap3A_514 = vector.shape_cast %swap3A_513 : vector<1x16xf32> to vector<16xf32>
        %swap3A_515 = vector.shape_cast %mul3A_510 : vector<16xf32> to vector<1x16xf32>
        tpu.vector_store %arg22[%swap3A_511, %swap3A_512], %swap3A_515 {strides = array<i32>} : memref<40x144xf32, #tpu.memory_space<vmem>>, vector<1x16xf32>,
        %slice3A_516 = vector.extract_strided_slice %exp3A_497 {offsets = [1], sizes = [1], strides = [1]} : vector<16xf32> to vector<1xf32>
        %squeeze3A_517 = vector.extract %slice3A_516[0] : f32 from vector<1xf32>
        %get3A_518 = arith.index_cast %scan3A_479 : i32 to index
        %get3A_519 = arith.constant 16 : index
        %get3A_520 = tpu.vector_load %arg16[%get3A_518, %get3A_519] {strides = array<i32>} : memref<40x128xf32, #tpu.memory_space<vmem>>, vector<1x16xf32>,
        %get3A_521 = vector.shape_cast %get3A_520 : vector<1x16xf32> to vector<16xf32>
        %mul3A_522 = vector.broadcast %squeeze3A_517 : f32 to vector<16xf32>
        %mul3A_523 = arith.mulf %mul3A_522, %get3A_521 : vector<16xf32>
        %swap3A_524 = arith.index_cast %scan3A_479 : i32 to index
        %swap3A_525 = arith.constant 16 : index
        %swap3A_526 = tpu.vector_load %arg22[%swap3A_524, %swap3A_525] {strides = array<i32>} : memref<40x144xf32, #tpu.memory_space<vmem>>, vector<1x16xf32>,
        %swap3A_527 = vector.shape_cast %swap3A_526 : vector<1x16xf32> to vector<16xf32>
        %swap3A_528 = vector.shape_cast %mul3A_523 : vector<16xf32> to vector<1x16xf32>
        tpu.vector_store %arg22[%swap3A_524, %swap3A_525], %swap3A_528 {strides = array<i32>} : memref<40x144xf32, #tpu.memory_space<vmem>>, vector<1x16xf32>,
        %slice3A_529 = vector.extract_strided_slice %exp3A_497 {offsets = [2], sizes = [1], strides = [1]} : vector<16xf32> to vector<1xf32>
        %squeeze3A_530 = vector.extract %slice3A_529[0] : f32 from vector<1xf32>
        %get3A_531 = arith.index_cast %scan3A_479 : i32 to index
        %get3A_532 = arith.constant 32 : index
        %get3A_533 = tpu.vector_load %arg16[%get3A_531, %get3A_532] {strides = array<i32>} : memref<40x128xf32, #tpu.memory_space<vmem>>, vector<1x16xf32>,
        %get3A_534 = vector.shape_cast %get3A_533 : vector<1x16xf32> to vector<16xf32>
        %mul3A_535 = vector.broadcast %squeeze3A_530 : f32 to vector<16xf32>
        %mul3A_536 = arith.mulf %mul3A_535, %get3A_534 : vector<16xf32>
        %swap3A_537 = arith.index_cast %scan3A_479 : i32 to index
        %swap3A_538 = arith.constant 32 : index
        %swap3A_539 = tpu.vector_load %arg22[%swap3A_537, %swap3A_538] {strides = array<i32>} : memref<40x144xf32, #tpu.memory_space<vmem>>, vector<1x16xf32>,
        %swap3A_540 = vector.shape_cast %swap3A_539 : vector<1x16xf32> to vector<16xf32>
        %swap3A_541 = vector.shape_cast %mul3A_536 : vector<16xf32> to vector<1x16xf32>
        tpu.vector_store %arg22[%swap3A_537, %swap3A_538], %swap3A_541 {strides = array<i32>} : memref<40x144xf32, #tpu.memory_space<vmem>>, vector<1x16xf32>,
        %slice3A_542 = vector.extract_strided_slice %exp3A_497 {offsets = [3], sizes = [1], strides = [1]} : vector<16xf32> to vector<1xf32>
        %squeeze3A_543 = vector.extract %slice3A_542[0] : f32 from vector<1xf32>
        %get3A_544 = arith.index_cast %scan3A_479 : i32 to index
        %get3A_545 = arith.constant 48 : index
        %get3A_546 = tpu.vector_load %arg16[%get3A_544, %get3A_545] {strides = array<i32>} : memref<40x128xf32, #tpu.memory_space<vmem>>, vector<1x16xf32>,
        %get3A_547 = vector.shape_cast %get3A_546 : vector<1x16xf32> to vector<16xf32>
        %mul3A_548 = vector.broadcast %squeeze3A_543 : f32 to vector<16xf32>
        %mul3A_549 = arith.mulf %mul3A_548, %get3A_547 : vector<16xf32>
        %swap3A_550 = arith.index_cast %scan3A_479 : i32 to index
        %swap3A_551 = arith.constant 48 : index
        %swap3A_552 = tpu.vector_load %arg22[%swap3A_550, %swap3A_551] {strides = array<i32>} : memref<40x144xf32, #tpu.memory_space<vmem>>, vector<1x16xf32>,
        %swap3A_553 = vector.shape_cast %swap3A_552 : vector<1x16xf32> to vector<16xf32>
        %swap3A_554 = vector.shape_cast %mul3A_549 : vector<16xf32> to vector<1x16xf32>
        tpu.vector_store %arg22[%swap3A_550, %swap3A_551], %swap3A_554 {strides = array<i32>} : memref<40x144xf32, #tpu.memory_space<vmem>>, vector<1x16xf32>,
        %slice3A_555 = vector.extract_strided_slice %exp3A_497 {offsets = [4], sizes = [1], strides = [1]} : vector<16xf32> to vector<1xf32>
        %squeeze3A_556 = vector.extract %slice3A_555[0] : f32 from vector<1xf32>
        %get3A_557 = arith.index_cast %scan3A_479 : i32 to index
        %get3A_558 = arith.constant 64 : index
        %get3A_559 = tpu.vector_load %arg16[%get3A_557, %get3A_558] {strides = array<i32>} : memref<40x128xf32, #tpu.memory_space<vmem>>, vector<1x16xf32>,
        %get3A_560 = vector.shape_cast %get3A_559 : vector<1x16xf32> to vector<16xf32>
        %mul3A_561 = vector.broadcast %squeeze3A_556 : f32 to vector<16xf32>
        %mul3A_562 = arith.mulf %mul3A_561, %get3A_560 : vector<16xf32>
        %swap3A_563 = arith.index_cast %scan3A_479 : i32 to index
        %swap3A_564 = arith.constant 64 : index
        %swap3A_565 = tpu.vector_load %arg22[%swap3A_563, %swap3A_564] {strides = array<i32>} : memref<40x144xf32, #tpu.memory_space<vmem>>, vector<1x16xf32>,
        %swap3A_566 = vector.shape_cast %swap3A_565 : vector<1x16xf32> to vector<16xf32>
        %swap3A_567 = vector.shape_cast %mul3A_562 : vector<16xf32> to vector<1x16xf32>
        tpu.vector_store %arg22[%swap3A_563, %swap3A_564], %swap3A_567 {strides = array<i32>} : memref<40x144xf32, #tpu.memory_space<vmem>>, vector<1x16xf32>,
        %slice3A_568 = vector.extract_strided_slice %exp3A_497 {offsets = [5], sizes = [1], strides = [1]} : vector<16xf32> to vector<1xf32>
        %squeeze3A_569 = vector.extract %slice3A_568[0] : f32 from vector<1xf32>
        %get3A_570 = arith.index_cast %scan3A_479 : i32 to index
        %get3A_571 = arith.constant 80 : index
        %get3A_572 = tpu.vector_load %arg16[%get3A_570, %get3A_571] {strides = array<i32>} : memref<40x128xf32, #tpu.memory_space<vmem>>, vector<1x16xf32>,
        %get3A_573 = vector.shape_cast %get3A_572 : vector<1x16xf32> to vector<16xf32>
        %mul3A_574 = vector.broadcast %squeeze3A_569 : f32 to vector<16xf32>
        %mul3A_575 = arith.mulf %mul3A_574, %get3A_573 : vector<16xf32>
        %swap3A_576 = arith.index_cast %scan3A_479 : i32 to index
        %swap3A_577 = arith.constant 80 : index
        %swap3A_578 = tpu.vector_load %arg22[%swap3A_576, %swap3A_577] {strides = array<i32>} : memref<40x144xf32, #tpu.memory_space<vmem>>, vector<1x16xf32>,
        %swap3A_579 = vector.shape_cast %swap3A_578 : vector<1x16xf32> to vector<16xf32>
        %swap3A_580 = vector.shape_cast %mul3A_575 : vector<16xf32> to vector<1x16xf32>
        tpu.vector_store %arg22[%swap3A_576, %swap3A_577], %swap3A_580 {strides = array<i32>} : memref<40x144xf32, #tpu.memory_space<vmem>>, vector<1x16xf32>,
        %slice3A_581 = vector.extract_strided_slice %exp3A_497 {offsets = [6], sizes = [1], strides = [1]} : vector<16xf32> to vector<1xf32>
        %squeeze3A_582 = vector.extract %slice3A_581[0] : f32 from vector<1xf32>
        %get3A_583 = arith.index_cast %scan3A_479 : i32 to index
        %get3A_584 = arith.constant 96 : index
        %get3A_585 = tpu.vector_load %arg16[%get3A_583, %get3A_584] {strides = array<i32>} : memref<40x128xf32, #tpu.memory_space<vmem>>, vector<1x16xf32>,
        %get3A_586 = vector.shape_cast %get3A_585 : vector<1x16xf32> to vector<16xf32>
        %mul3A_587 = vector.broadcast %squeeze3A_582 : f32 to vector<16xf32>
        %mul3A_588 = arith.mulf %mul3A_587, %get3A_586 : vector<16xf32>
        %swap3A_589 = arith.index_cast %scan3A_479 : i32 to index
        %swap3A_590 = arith.constant 96 : index
        %swap3A_591 = tpu.vector_load %arg22[%swap3A_589, %swap3A_590] {strides = array<i32>} : memref<40x144xf32, #tpu.memory_space<vmem>>, vector<1x16xf32>,
        %swap3A_592 = vector.shape_cast %swap3A_591 : vector<1x16xf32> to vector<16xf32>
        %swap3A_593 = vector.shape_cast %mul3A_588 : vector<16xf32> to vector<1x16xf32>
        tpu.vector_store %arg22[%swap3A_589, %swap3A_590], %swap3A_593 {strides = array<i32>} : memref<40x144xf32, #tpu.memory_space<vmem>>, vector<1x16xf32>,
        %slice3A_594 = vector.extract_strided_slice %exp3A_497 {offsets = [7], sizes = [1], strides = [1]} : vector<16xf32> to vector<1xf32>
        %squeeze3A_595 = vector.extract %slice3A_594[0] : f32 from vector<1xf32>
        %get3A_596 = arith.index_cast %scan3A_479 : i32 to index
        %get3A_597 = arith.constant 112 : index
        %get3A_598 = tpu.vector_load %arg16[%get3A_596, %get3A_597] {strides = array<i32>} : memref<40x128xf32, #tpu.memory_space<vmem>>, vector<1x16xf32>,
        %get3A_599 = vector.shape_cast %get3A_598 : vector<1x16xf32> to vector<16xf32>
        %mul3A_600 = vector.broadcast %squeeze3A_595 : f32 to vector<16xf32>
        %mul3A_601 = arith.mulf %mul3A_600, %get3A_599 : vector<16xf32>
        %swap3A_602 = arith.index_cast %scan3A_479 : i32 to index
        %swap3A_603 = arith.constant 112 : index
        %swap3A_604 = tpu.vector_load %arg22[%swap3A_602, %swap3A_603] {strides = array<i32>} : memref<40x144xf32, #tpu.memory_space<vmem>>, vector<1x16xf32>,
        %swap3A_605 = vector.shape_cast %swap3A_604 : vector<1x16xf32> to vector<16xf32>
        %swap3A_606 = vector.shape_cast %mul3A_601 : vector<16xf32> to vector<1x16xf32>
        tpu.vector_store %arg22[%swap3A_602, %swap3A_603], %swap3A_606 {strides = array<i32>} : memref<40x144xf32, #tpu.memory_space<vmem>>, vector<1x16xf32>,
      }
      %scan3A_62 = arith.constant 40 : i32
      %dma_start3A_63 = arith.constant 0 : i32
      %dma_start3A_64 = arith.constant 0 : i32
      %dma_start3A_65 = tpu.memref_slice %arg11[%dma_start3A_63, %dma_start3A_64] : memref<10240x144xf32, #tpu.memory_space<vmem_shared>> -> memref<10240x144xf32, #tpu.memory_space<vmem_shared>>
      tpu.enqueue_indirect_dma source(%arg22 : memref<40x144xf32, #tpu.memory_space<vmem>>) target(%dma_start3A_65 : memref<10240x144xf32, #tpu.memory_space<vmem_shared>>) offsets(%arg14 : memref<40xi32, #tpu.memory_space<vmem>>) semaphore(%arg27 : memref<!tpu.dma_semaphore, #tpu.memory_space<semaphore_mem>>) {add = true}
      %mul3A_66 = arith.constant 2 : i32
      %mul3A_67 = arith.muli %mul3A_66, %scan3A_35 : i32
      %add3A_68 = arith.constant 1 : i32
      %add3A_69 = arith.addi %mul3A_67, %add3A_68 : i32
      %lt3A_70 = arith.constant 249 : i32
      %lt3A_71 = arith.cmpi slt, %add3A_69, %lt3A_70 : i32
      %convert_element_type3A_72 = arith.extui %lt3A_71 : i1 to i32
      %cond3A_73 = arith.constant 0 : i32
      %cond3A_74 = arith.cmpi ne, %convert_element_type3A_72, %cond3A_73 : i32
      scf.if %cond3A_74 {
        %add3A_98 = arith.constant 1 : i32
        %add3A_99 = arith.addi %add3A_69, %add3A_98 : i32
        %mul3A_100 = arith.constant 40 : i32
        %mul3A_101 = arith.muli %add3A_99, %mul3A_100 : i32
        %add3A_102 = arith.addi %mul3A_4, %mul3A_101 : i32
        "tpu.region"() ({
          %run_scoped3A = tpu.sem_alloc : memref<!tpu.dma_semaphore, #tpu.memory_space<semaphore_mem>>
          %dma_start3A_112 = tpu.memref_slice %arg6[%add3A_102] : memref<320000xi32, #tpu.memory_space<hbm>> -> memref<40xi32, #tpu.memory_space<hbm>>
          %dma_start3A_113 = tpu.memref_slice %arg6[%add3A_102] : memref<320000xi32, #tpu.memory_space<hbm>> -> memref<40xi32, #tpu.memory_space<hbm>>
          tpu.enqueue_dma source(%dma_start3A_113 : memref<40xi32, #tpu.memory_space<hbm>>) target(%arg12 : memref<40xi32, #tpu.memory_space<vmem>>) target_semaphore(%run_scoped3A : memref<!tpu.dma_semaphore, #tpu.memory_space<semaphore_mem>>)
          %dma_wait3A_114 = tpu.memref_slice %arg6[%add3A_102] : memref<320000xi32, #tpu.memory_space<hbm>> -> memref<40xi32, #tpu.memory_space<hbm>>
          %dma_wait3A_115 = tpu.memref_slice %arg6[%add3A_102] : memref<320000xi32, #tpu.memory_space<hbm>> -> memref<40xi32, #tpu.memory_space<hbm>>
          tpu.wait_dma2 semaphore(%run_scoped3A : memref<!tpu.dma_semaphore, #tpu.memory_space<semaphore_mem>>) src(%dma_wait3A_115 : memref<40xi32, #tpu.memory_space<hbm>>) dst(%arg12 : memref<40xi32, #tpu.memory_space<vmem>>)
          tpu.yield
        }) : () -> ()
        "tpu.region"() ({
          %run_scoped3A = tpu.sem_alloc : memref<!tpu.dma_semaphore, #tpu.memory_space<semaphore_mem>>
          %dma_start3A_112 = tpu.memref_slice %arg7[%add3A_102] : memref<320000xi32, #tpu.memory_space<hbm>> -> memref<40xi32, #tpu.memory_space<hbm>>
          %dma_start3A_113 = tpu.memref_slice %arg7[%add3A_102] : memref<320000xi32, #tpu.memory_space<hbm>> -> memref<40xi32, #tpu.memory_space<hbm>>
          tpu.enqueue_dma source(%dma_start3A_113 : memref<40xi32, #tpu.memory_space<hbm>>) target(%arg14 : memref<40xi32, #tpu.memory_space<vmem>>) target_semaphore(%run_scoped3A : memref<!tpu.dma_semaphore, #tpu.memory_space<semaphore_mem>>)
          %dma_wait3A_114 = tpu.memref_slice %arg7[%add3A_102] : memref<320000xi32, #tpu.memory_space<hbm>> -> memref<40xi32, #tpu.memory_space<hbm>>
          %dma_wait3A_115 = tpu.memref_slice %arg7[%add3A_102] : memref<320000xi32, #tpu.memory_space<hbm>> -> memref<40xi32, #tpu.memory_space<hbm>>
          tpu.wait_dma2 semaphore(%run_scoped3A : memref<!tpu.dma_semaphore, #tpu.memory_space<semaphore_mem>>) src(%dma_wait3A_115 : memref<40xi32, #tpu.memory_space<hbm>>) dst(%arg14 : memref<40xi32, #tpu.memory_space<vmem>>)
          tpu.yield
        }) : () -> ()
        %dma_start3A_103 = arith.constant 0 : i32
        %dma_start3A_104 = arith.constant 0 : i32
        %dma_start3A_105 = tpu.memref_slice %arg2[%dma_start3A_103, %dma_start3A_104] : memref<10000x128xf32, #tpu.memory_space<hbm>> -> memref<10000x128xf32, #tpu.memory_space<hbm>>
        tpu.enqueue_indirect_dma source(%dma_start3A_105 : memref<10000x128xf32, #tpu.memory_space<hbm>>) target(%arg16 : memref<40x128xf32, #tpu.memory_space<vmem>>) offsets(%arg12 : memref<40xi32, #tpu.memory_space<vmem>>) semaphore(%arg25 : memref<!tpu.dma_semaphore, #tpu.memory_space<semaphore_mem>>)
        %dma_start3A_106 = arith.constant 0 : i32
        %dma_start3A_107 = arith.constant 0 : i32
        %dma_start3A_108 = tpu.memref_slice %arg3[%dma_start3A_106, %dma_start3A_107] : memref<10000x16xf32, #tpu.memory_space<hbm>> -> memref<10000x16xf32, #tpu.memory_space<hbm>>
        tpu.enqueue_indirect_dma source(%dma_start3A_108 : memref<10000x16xf32, #tpu.memory_space<hbm>>) target(%arg18 : memref<40x16xf32, #tpu.memory_space<vmem>>) offsets(%arg12 : memref<40xi32, #tpu.memory_space<vmem>>) semaphore(%arg25 : memref<!tpu.dma_semaphore, #tpu.memory_space<semaphore_mem>>)
        %dma_start3A_109 = arith.constant 0 : i32
        %dma_start3A_110 = arith.constant 0 : i32
        %dma_start3A_111 = tpu.memref_slice %arg4[%dma_start3A_109, %dma_start3A_110] : memref<10000x16xf32, #tpu.memory_space<hbm>> -> memref<10000x16xf32, #tpu.memory_space<hbm>>
        tpu.enqueue_indirect_dma source(%dma_start3A_111 : memref<10000x16xf32, #tpu.memory_space<hbm>>) target(%arg20 : memref<40x16xf32, #tpu.memory_space<vmem>>) offsets(%arg14 : memref<40xi32, #tpu.memory_space<vmem>>) semaphore(%arg25 : memref<!tpu.dma_semaphore, #tpu.memory_space<semaphore_mem>>)
      } else {
      }
      %dma_wait3A_75 = arith.constant 0 : i32
      %dma_wait3A_76 = arith.constant 0 : i32
      %dma_wait3A_77 = tpu.memref_slice %arg2[%dma_wait3A_75, %dma_wait3A_76] : memref<10000x128xf32, #tpu.memory_space<hbm>> -> memref<10000x128xf32, #tpu.memory_space<hbm>>
      tpu.wait_indirect_dma semaphore(%arg26 : memref<!tpu.dma_semaphore, #tpu.memory_space<semaphore_mem>>) src(%dma_wait3A_77 : memref<10000x128xf32, #tpu.memory_space<hbm>>) dst(%arg17 : memref<40x128xf32, #tpu.memory_space<vmem>>)
      %dma_wait3A_78 = arith.constant 0 : i32
      %dma_wait3A_79 = arith.constant 0 : i32
      %dma_wait3A_80 = tpu.memref_slice %arg3[%dma_wait3A_78, %dma_wait3A_79] : memref<10000x16xf32, #tpu.memory_space<hbm>> -> memref<10000x16xf32, #tpu.memory_space<hbm>>
      tpu.wait_indirect_dma semaphore(%arg26 : memref<!tpu.dma_semaphore, #tpu.memory_space<semaphore_mem>>) src(%dma_wait3A_80 : memref<10000x16xf32, #tpu.memory_space<hbm>>) dst(%arg19 : memref<40x16xf32, #tpu.memory_space<vmem>>)
      %dma_wait3A_81 = arith.constant 0 : i32
      %dma_wait3A_82 = arith.constant 0 : i32
      %dma_wait3A_83 = tpu.memref_slice %arg4[%dma_wait3A_81, %dma_wait3A_82] : memref<10000x16xf32, #tpu.memory_space<hbm>> -> memref<10000x16xf32, #tpu.memory_space<hbm>>
      tpu.wait_indirect_dma semaphore(%arg26 : memref<!tpu.dma_semaphore, #tpu.memory_space<semaphore_mem>>) src(%dma_wait3A_83 : memref<10000x16xf32, #tpu.memory_space<hbm>>) dst(%arg21 : memref<40x16xf32, #tpu.memory_space<vmem>>)
      %ge3A_84 = arith.constant 2 : i32
      %ge3A_85 = arith.cmpi sge, %add3A_69, %ge3A_84 : i32
      %convert_element_type3A_86 = arith.extui %ge3A_85 : i1 to i32
      %cond3A_87 = arith.constant 0 : i32
      %cond3A_88 = arith.cmpi ne, %convert_element_type3A_86, %cond3A_87 : i32
      scf.if %cond3A_88 {
        %dma_wait3A_98 = arith.constant 0 : i32
        %dma_wait3A_99 = arith.constant 0 : i32
        %dma_wait3A_100 = tpu.memref_slice %arg11[%dma_wait3A_98, %dma_wait3A_99] : memref<10240x144xf32, #tpu.memory_space<vmem_shared>> -> memref<10240x144xf32, #tpu.memory_space<vmem_shared>>
        tpu.wait_indirect_dma semaphore(%arg28 : memref<!tpu.dma_semaphore, #tpu.memory_space<semaphore_mem>>) src(%arg23 : memref<40x144xf32, #tpu.memory_space<vmem>>) dst(%dma_wait3A_100 : memref<10240x144xf32, #tpu.memory_space<vmem_shared>>)
      } else {
      }
      %scan3A_89 = arith.constant 0 : i32
      %scan3A_90 = arith.constant 0 : i32
      %scan3A_91 = arith.constant 40 : i32
      %scan3A_92 = arith.addi %scan3A_90, %scan3A_91 : i32
      %scan3A_93 = arith.constant 4 : i32
      scf.for %scan3A_98 = %scan3A_90 to %scan3A_92 step %scan3A_93  : i32 {
        %get3A_99 = arith.index_cast %scan3A_98 : i32 to index
        %get3A_100 = arith.constant 0 : index
        %get3A_101 = tpu.vector_load %arg19[%get3A_99, %get3A_100] {strides = array<i32>} : memref<40x16xf32, #tpu.memory_space<vmem>>, vector<1x16xf32>,
        %get3A_102 = vector.shape_cast %get3A_101 : vector<1x16xf32> to vector<16xf32>
        %get3A_103 = arith.index_cast %scan3A_98 : i32 to index
        %get3A_104 = arith.constant 0 : index
        %get3A_105 = tpu.vector_load %arg21[%get3A_103, %get3A_104] {strides = array<i32>} : memref<40x16xf32, #tpu.memory_space<vmem>>, vector<1x16xf32>,
        %get3A_106 = vector.shape_cast %get3A_105 : vector<1x16xf32> to vector<16xf32>
        %add3A_107 = arith.addf %get3A_102, %get3A_106 : vector<16xf32>
        %ge3A_108 = arith.constant 0.000000e+00 : f32
        %ge3A_109 = vector.broadcast %ge3A_108 : f32 to vector<16xf32>
        %ge3A_110 = arith.cmpf oge, %add3A_107, %ge3A_109 : vector<16xf32>
        %mul3A_111 = arith.constant 2.000000e-01 : f32
        %mul3A_112 = vector.broadcast %mul3A_111 : f32 to vector<16xf32>
        %mul3A_113 = arith.mulf %add3A_107, %mul3A_112 : vector<16xf32>
        %select_n3A = arith.select %ge3A_110, %add3A_107, %mul3A_113 : vector<16xi1>, vector<16xf32>
        %sub3A = arith.subf %select_n3A, %get3A_6 : vector<16xf32>
        %exp3A = math.exp %sub3A : vector<16xf32>
        %swap3A = arith.index_cast %scan3A_98 : i32 to index
        %swap3A_114 = arith.constant 128 : index
        %swap3A_115 = tpu.vector_load %arg23[%swap3A, %swap3A_114] {strides = array<i32>} : memref<40x144xf32, #tpu.memory_space<vmem>>, vector<1x16xf32>,
        %swap3A_116 = vector.shape_cast %swap3A_115 : vector<1x16xf32> to vector<16xf32>
        %swap3A_117 = vector.shape_cast %exp3A : vector<16xf32> to vector<1x16xf32>
        tpu.vector_store %arg23[%swap3A, %swap3A_114], %swap3A_117 {strides = array<i32>} : memref<40x144xf32, #tpu.memory_space<vmem>>, vector<1x16xf32>,
        %slice3A = vector.extract_strided_slice %exp3A {offsets = [0], sizes = [1], strides = [1]} : vector<16xf32> to vector<1xf32>
        %squeeze3A = vector.extract %slice3A[0] : f32 from vector<1xf32>
        %get3A_118 = arith.index_cast %scan3A_98 : i32 to index
        %get3A_119 = arith.constant 0 : index
        %get3A_120 = tpu.vector_load %arg17[%get3A_118, %get3A_119] {strides = array<i32>} : memref<40x128xf32, #tpu.memory_space<vmem>>, vector<1x16xf32>,
        %get3A_121 = vector.shape_cast %get3A_120 : vector<1x16xf32> to vector<16xf32>
        %mul3A_122 = vector.broadcast %squeeze3A : f32 to vector<16xf32>
        %mul3A_123 = arith.mulf %mul3A_122, %get3A_121 : vector<16xf32>
        %swap3A_124 = arith.index_cast %scan3A_98 : i32 to index
        %swap3A_125 = arith.constant 0 : index
        %swap3A_126 = tpu.vector_load %arg23[%swap3A_124, %swap3A_125] {strides = array<i32>} : memref<40x144xf32, #tpu.memory_space<vmem>>, vector<1x16xf32>,
        %swap3A_127 = vector.shape_cast %swap3A_126 : vector<1x16xf32> to vector<16xf32>
        %swap3A_128 = vector.shape_cast %mul3A_123 : vector<16xf32> to vector<1x16xf32>
        tpu.vector_store %arg23[%swap3A_124, %swap3A_125], %swap3A_128 {strides = array<i32>} : memref<40x144xf32, #tpu.memory_space<vmem>>, vector<1x16xf32>,
        %slice3A_129 = vector.extract_strided_slice %exp3A {offsets = [1], sizes = [1], strides = [1]} : vector<16xf32> to vector<1xf32>
        %squeeze3A_130 = vector.extract %slice3A_129[0] : f32 from vector<1xf32>
        %get3A_131 = arith.index_cast %scan3A_98 : i32 to index
        %get3A_132 = arith.constant 16 : index
        %get3A_133 = tpu.vector_load %arg17[%get3A_131, %get3A_132] {strides = array<i32>} : memref<40x128xf32, #tpu.memory_space<vmem>>, vector<1x16xf32>,
        %get3A_134 = vector.shape_cast %get3A_133 : vector<1x16xf32> to vector<16xf32>
        %mul3A_135 = vector.broadcast %squeeze3A_130 : f32 to vector<16xf32>
        %mul3A_136 = arith.mulf %mul3A_135, %get3A_134 : vector<16xf32>
        %swap3A_137 = arith.index_cast %scan3A_98 : i32 to index
        %swap3A_138 = arith.constant 16 : index
        %swap3A_139 = tpu.vector_load %arg23[%swap3A_137, %swap3A_138] {strides = array<i32>} : memref<40x144xf32, #tpu.memory_space<vmem>>, vector<1x16xf32>,
        %swap3A_140 = vector.shape_cast %swap3A_139 : vector<1x16xf32> to vector<16xf32>
        %swap3A_141 = vector.shape_cast %mul3A_136 : vector<16xf32> to vector<1x16xf32>
        tpu.vector_store %arg23[%swap3A_137, %swap3A_138], %swap3A_141 {strides = array<i32>} : memref<40x144xf32, #tpu.memory_space<vmem>>, vector<1x16xf32>,
        %slice3A_142 = vector.extract_strided_slice %exp3A {offsets = [2], sizes = [1], strides = [1]} : vector<16xf32> to vector<1xf32>
        %squeeze3A_143 = vector.extract %slice3A_142[0] : f32 from vector<1xf32>
        %get3A_144 = arith.index_cast %scan3A_98 : i32 to index
        %get3A_145 = arith.constant 32 : index
        %get3A_146 = tpu.vector_load %arg17[%get3A_144, %get3A_145] {strides = array<i32>} : memref<40x128xf32, #tpu.memory_space<vmem>>, vector<1x16xf32>,
        %get3A_147 = vector.shape_cast %get3A_146 : vector<1x16xf32> to vector<16xf32>
        %mul3A_148 = vector.broadcast %squeeze3A_143 : f32 to vector<16xf32>
        %mul3A_149 = arith.mulf %mul3A_148, %get3A_147 : vector<16xf32>
        %swap3A_150 = arith.index_cast %scan3A_98 : i32 to index
        %swap3A_151 = arith.constant 32 : index
        %swap3A_152 = tpu.vector_load %arg23[%swap3A_150, %swap3A_151] {strides = array<i32>} : memref<40x144xf32, #tpu.memory_space<vmem>>, vector<1x16xf32>,
        %swap3A_153 = vector.shape_cast %swap3A_152 : vector<1x16xf32> to vector<16xf32>
        %swap3A_154 = vector.shape_cast %mul3A_149 : vector<16xf32> to vector<1x16xf32>
        tpu.vector_store %arg23[%swap3A_150, %swap3A_151], %swap3A_154 {strides = array<i32>} : memref<40x144xf32, #tpu.memory_space<vmem>>, vector<1x16xf32>,
        %slice3A_155 = vector.extract_strided_slice %exp3A {offsets = [3], sizes = [1], strides = [1]} : vector<16xf32> to vector<1xf32>
        %squeeze3A_156 = vector.extract %slice3A_155[0] : f32 from vector<1xf32>
        %get3A_157 = arith.index_cast %scan3A_98 : i32 to index
        %get3A_158 = arith.constant 48 : index
        %get3A_159 = tpu.vector_load %arg17[%get3A_157, %get3A_158] {strides = array<i32>} : memref<40x128xf32, #tpu.memory_space<vmem>>, vector<1x16xf32>,
        %get3A_160 = vector.shape_cast %get3A_159 : vector<1x16xf32> to vector<16xf32>
        %mul3A_161 = vector.broadcast %squeeze3A_156 : f32 to vector<16xf32>
        %mul3A_162 = arith.mulf %mul3A_161, %get3A_160 : vector<16xf32>
        %swap3A_163 = arith.index_cast %scan3A_98 : i32 to index
        %swap3A_164 = arith.constant 48 : index
        %swap3A_165 = tpu.vector_load %arg23[%swap3A_163, %swap3A_164] {strides = array<i32>} : memref<40x144xf32, #tpu.memory_space<vmem>>, vector<1x16xf32>,
        %swap3A_166 = vector.shape_cast %swap3A_165 : vector<1x16xf32> to vector<16xf32>
        %swap3A_167 = vector.shape_cast %mul3A_162 : vector<16xf32> to vector<1x16xf32>
        tpu.vector_store %arg23[%swap3A_163, %swap3A_164], %swap3A_167 {strides = array<i32>} : memref<40x144xf32, #tpu.memory_space<vmem>>, vector<1x16xf32>,
        %slice3A_168 = vector.extract_strided_slice %exp3A {offsets = [4], sizes = [1], strides = [1]} : vector<16xf32> to vector<1xf32>
        %squeeze3A_169 = vector.extract %slice3A_168[0] : f32 from vector<1xf32>
        %get3A_170 = arith.index_cast %scan3A_98 : i32 to index
        %get3A_171 = arith.constant 64 : index
        %get3A_172 = tpu.vector_load %arg17[%get3A_170, %get3A_171] {strides = array<i32>} : memref<40x128xf32, #tpu.memory_space<vmem>>, vector<1x16xf32>,
        %get3A_173 = vector.shape_cast %get3A_172 : vector<1x16xf32> to vector<16xf32>
        %mul3A_174 = vector.broadcast %squeeze3A_169 : f32 to vector<16xf32>
        %mul3A_175 = arith.mulf %mul3A_174, %get3A_173 : vector<16xf32>
        %swap3A_176 = arith.index_cast %scan3A_98 : i32 to index
        %swap3A_177 = arith.constant 64 : index
        %swap3A_178 = tpu.vector_load %arg23[%swap3A_176, %swap3A_177] {strides = array<i32>} : memref<40x144xf32, #tpu.memory_space<vmem>>, vector<1x16xf32>,
        %swap3A_179 = vector.shape_cast %swap3A_178 : vector<1x16xf32> to vector<16xf32>
        %swap3A_180 = vector.shape_cast %mul3A_175 : vector<16xf32> to vector<1x16xf32>
        tpu.vector_store %arg23[%swap3A_176, %swap3A_177], %swap3A_180 {strides = array<i32>} : memref<40x144xf32, #tpu.memory_space<vmem>>, vector<1x16xf32>,
        %slice3A_181 = vector.extract_strided_slice %exp3A {offsets = [5], sizes = [1], strides = [1]} : vector<16xf32> to vector<1xf32>
        %squeeze3A_182 = vector.extract %slice3A_181[0] : f32 from vector<1xf32>
        %get3A_183 = arith.index_cast %scan3A_98 : i32 to index
        %get3A_184 = arith.constant 80 : index
        %get3A_185 = tpu.vector_load %arg17[%get3A_183, %get3A_184] {strides = array<i32>} : memref<40x128xf32, #tpu.memory_space<vmem>>, vector<1x16xf32>,
        %get3A_186 = vector.shape_cast %get3A_185 : vector<1x16xf32> to vector<16xf32>
        %mul3A_187 = vector.broadcast %squeeze3A_182 : f32 to vector<16xf32>
        %mul3A_188 = arith.mulf %mul3A_187, %get3A_186 : vector<16xf32>
        %swap3A_189 = arith.index_cast %scan3A_98 : i32 to index
        %swap3A_190 = arith.constant 80 : index
        %swap3A_191 = tpu.vector_load %arg23[%swap3A_189, %swap3A_190] {strides = array<i32>} : memref<40x144xf32, #tpu.memory_space<vmem>>, vector<1x16xf32>,
        %swap3A_192 = vector.shape_cast %swap3A_191 : vector<1x16xf32> to vector<16xf32>
        %swap3A_193 = vector.shape_cast %mul3A_188 : vector<16xf32> to vector<1x16xf32>
        tpu.vector_store %arg23[%swap3A_189, %swap3A_190], %swap3A_193 {strides = array<i32>} : memref<40x144xf32, #tpu.memory_space<vmem>>, vector<1x16xf32>,
        %slice3A_194 = vector.extract_strided_slice %exp3A {offsets = [6], sizes = [1], strides = [1]} : vector<16xf32> to vector<1xf32>
        %squeeze3A_195 = vector.extract %slice3A_194[0] : f32 from vector<1xf32>
        %get3A_196 = arith.index_cast %scan3A_98 : i32 to index
        %get3A_197 = arith.constant 96 : index
        %get3A_198 = tpu.vector_load %arg17[%get3A_196, %get3A_197] {strides = array<i32>} : memref<40x128xf32, #tpu.memory_space<vmem>>, vector<1x16xf32>,
        %get3A_199 = vector.shape_cast %get3A_198 : vector<1x16xf32> to vector<16xf32>
        %mul3A_200 = vector.broadcast %squeeze3A_195 : f32 to vector<16xf32>
        %mul3A_201 = arith.mulf %mul3A_200, %get3A_199 : vector<16xf32>
        %swap3A_202 = arith.index_cast %scan3A_98 : i32 to index
        %swap3A_203 = arith.constant 96 : index
        %swap3A_204 = tpu.vector_load %arg23[%swap3A_202, %swap3A_203] {strides = array<i32>} : memref<40x144xf32, #tpu.memory_space<vmem>>, vector<1x16xf32>,
        %swap3A_205 = vector.shape_cast %swap3A_204 : vector<1x16xf32> to vector<16xf32>
        %swap3A_206 = vector.shape_cast %mul3A_201 : vector<16xf32> to vector<1x16xf32>
        tpu.vector_store %arg23[%swap3A_202, %swap3A_203], %swap3A_206 {strides = array<i32>} : memref<40x144xf32, #tpu.memory_space<vmem>>, vector<1x16xf32>,
        %slice3A_207 = vector.extract_strided_slice %exp3A {offsets = [7], sizes = [1], strides = [1]} : vector<16xf32> to vector<1xf32>
        %squeeze3A_208 = vector.extract %slice3A_207[0] : f32 from vector<1xf32>
        %get3A_209 = arith.index_cast %scan3A_98 : i32 to index
        %get3A_210 = arith.constant 112 : index
        %get3A_211 = tpu.vector_load %arg17[%get3A_209, %get3A_210] {strides = array<i32>} : memref<40x128xf32, #tpu.memory_space<vmem>>, vector<1x16xf32>,
        %get3A_212 = vector.shape_cast %get3A_211 : vector<1x16xf32> to vector<16xf32>
        %mul3A_213 = vector.broadcast %squeeze3A_208 : f32 to vector<16xf32>
        %mul3A_214 = arith.mulf %mul3A_213, %get3A_212 : vector<16xf32>
        %swap3A_215 = arith.index_cast %scan3A_98 : i32 to index
        %swap3A_216 = arith.constant 112 : index
        %swap3A_217 = tpu.vector_load %arg23[%swap3A_215, %swap3A_216] {strides = array<i32>} : memref<40x144xf32, #tpu.memory_space<vmem>>, vector<1x16xf32>,
        %swap3A_218 = vector.shape_cast %swap3A_217 : vector<1x16xf32> to vector<16xf32>
        %swap3A_219 = vector.shape_cast %mul3A_214 : vector<16xf32> to vector<1x16xf32>
        tpu.vector_store %arg23[%swap3A_215, %swap3A_216], %swap3A_219 {strides = array<i32>} : memref<40x144xf32, #tpu.memory_space<vmem>>, vector<1x16xf32>,
        %scan3A_220 = arith.constant 1 : i32
        %scan3A_221 = arith.addi %scan3A_98, %scan3A_220 : i32
        %get3A_222 = arith.index_cast %scan3A_221 : i32 to index
        %get3A_223 = arith.constant 0 : index
        %get3A_224 = tpu.vector_load %arg19[%get3A_222, %get3A_223] {strides = array<i32>} : memref<40x16xf32, #tpu.memory_space<vmem>>, vector<1x16xf32>,
        %get3A_225 = vector.shape_cast %get3A_224 : vector<1x16xf32> to vector<16xf32>
        %get3A_226 = arith.index_cast %scan3A_221 : i32 to index
        %get3A_227 = arith.constant 0 : index
        %get3A_228 = tpu.vector_load %arg21[%get3A_226, %get3A_227] {strides = array<i32>} : memref<40x16xf32, #tpu.memory_space<vmem>>, vector<1x16xf32>,
        %get3A_229 = vector.shape_cast %get3A_228 : vector<1x16xf32> to vector<16xf32>
        %add3A_230 = arith.addf %get3A_225, %get3A_229 : vector<16xf32>
        %ge3A_231 = arith.constant 0.000000e+00 : f32
        %ge3A_232 = vector.broadcast %ge3A_231 : f32 to vector<16xf32>
        %ge3A_233 = arith.cmpf oge, %add3A_230, %ge3A_232 : vector<16xf32>
        %mul3A_234 = arith.constant 2.000000e-01 : f32
        %mul3A_235 = vector.broadcast %mul3A_234 : f32 to vector<16xf32>
        %mul3A_236 = arith.mulf %add3A_230, %mul3A_235 : vector<16xf32>
        %select_n3A_237 = arith.select %ge3A_233, %add3A_230, %mul3A_236 : vector<16xi1>, vector<16xf32>
        %sub3A_238 = arith.subf %select_n3A_237, %get3A_6 : vector<16xf32>
        %exp3A_239 = math.exp %sub3A_238 : vector<16xf32>
        %swap3A_240 = arith.index_cast %scan3A_221 : i32 to index
        %swap3A_241 = arith.constant 128 : index
        %swap3A_242 = tpu.vector_load %arg23[%swap3A_240, %swap3A_241] {strides = array<i32>} : memref<40x144xf32, #tpu.memory_space<vmem>>, vector<1x16xf32>,
        %swap3A_243 = vector.shape_cast %swap3A_242 : vector<1x16xf32> to vector<16xf32>
        %swap3A_244 = vector.shape_cast %exp3A_239 : vector<16xf32> to vector<1x16xf32>
        tpu.vector_store %arg23[%swap3A_240, %swap3A_241], %swap3A_244 {strides = array<i32>} : memref<40x144xf32, #tpu.memory_space<vmem>>, vector<1x16xf32>,
        %slice3A_245 = vector.extract_strided_slice %exp3A_239 {offsets = [0], sizes = [1], strides = [1]} : vector<16xf32> to vector<1xf32>
        %squeeze3A_246 = vector.extract %slice3A_245[0] : f32 from vector<1xf32>
        %get3A_247 = arith.index_cast %scan3A_221 : i32 to index
        %get3A_248 = arith.constant 0 : index
        %get3A_249 = tpu.vector_load %arg17[%get3A_247, %get3A_248] {strides = array<i32>} : memref<40x128xf32, #tpu.memory_space<vmem>>, vector<1x16xf32>,
        %get3A_250 = vector.shape_cast %get3A_249 : vector<1x16xf32> to vector<16xf32>
        %mul3A_251 = vector.broadcast %squeeze3A_246 : f32 to vector<16xf32>
        %mul3A_252 = arith.mulf %mul3A_251, %get3A_250 : vector<16xf32>
        %swap3A_253 = arith.index_cast %scan3A_221 : i32 to index
        %swap3A_254 = arith.constant 0 : index
        %swap3A_255 = tpu.vector_load %arg23[%swap3A_253, %swap3A_254] {strides = array<i32>} : memref<40x144xf32, #tpu.memory_space<vmem>>, vector<1x16xf32>,
        %swap3A_256 = vector.shape_cast %swap3A_255 : vector<1x16xf32> to vector<16xf32>
        %swap3A_257 = vector.shape_cast %mul3A_252 : vector<16xf32> to vector<1x16xf32>
        tpu.vector_store %arg23[%swap3A_253, %swap3A_254], %swap3A_257 {strides = array<i32>} : memref<40x144xf32, #tpu.memory_space<vmem>>, vector<1x16xf32>,
        %slice3A_258 = vector.extract_strided_slice %exp3A_239 {offsets = [1], sizes = [1], strides = [1]} : vector<16xf32> to vector<1xf32>
        %squeeze3A_259 = vector.extract %slice3A_258[0] : f32 from vector<1xf32>
        %get3A_260 = arith.index_cast %scan3A_221 : i32 to index
        %get3A_261 = arith.constant 16 : index
        %get3A_262 = tpu.vector_load %arg17[%get3A_260, %get3A_261] {strides = array<i32>} : memref<40x128xf32, #tpu.memory_space<vmem>>, vector<1x16xf32>,
        %get3A_263 = vector.shape_cast %get3A_262 : vector<1x16xf32> to vector<16xf32>
        %mul3A_264 = vector.broadcast %squeeze3A_259 : f32 to vector<16xf32>
        %mul3A_265 = arith.mulf %mul3A_264, %get3A_263 : vector<16xf32>
        %swap3A_266 = arith.index_cast %scan3A_221 : i32 to index
        %swap3A_267 = arith.constant 16 : index
        %swap3A_268 = tpu.vector_load %arg23[%swap3A_266, %swap3A_267] {strides = array<i32>} : memref<40x144xf32, #tpu.memory_space<vmem>>, vector<1x16xf32>,
        %swap3A_269 = vector.shape_cast %swap3A_268 : vector<1x16xf32> to vector<16xf32>
        %swap3A_270 = vector.shape_cast %mul3A_265 : vector<16xf32> to vector<1x16xf32>
        tpu.vector_store %arg23[%swap3A_266, %swap3A_267], %swap3A_270 {strides = array<i32>} : memref<40x144xf32, #tpu.memory_space<vmem>>, vector<1x16xf32>,
        %slice3A_271 = vector.extract_strided_slice %exp3A_239 {offsets = [2], sizes = [1], strides = [1]} : vector<16xf32> to vector<1xf32>
        %squeeze3A_272 = vector.extract %slice3A_271[0] : f32 from vector<1xf32>
        %get3A_273 = arith.index_cast %scan3A_221 : i32 to index
        %get3A_274 = arith.constant 32 : index
        %get3A_275 = tpu.vector_load %arg17[%get3A_273, %get3A_274] {strides = array<i32>} : memref<40x128xf32, #tpu.memory_space<vmem>>, vector<1x16xf32>,
        %get3A_276 = vector.shape_cast %get3A_275 : vector<1x16xf32> to vector<16xf32>
        %mul3A_277 = vector.broadcast %squeeze3A_272 : f32 to vector<16xf32>
        %mul3A_278 = arith.mulf %mul3A_277, %get3A_276 : vector<16xf32>
        %swap3A_279 = arith.index_cast %scan3A_221 : i32 to index
        %swap3A_280 = arith.constant 32 : index
        %swap3A_281 = tpu.vector_load %arg23[%swap3A_279, %swap3A_280] {strides = array<i32>} : memref<40x144xf32, #tpu.memory_space<vmem>>, vector<1x16xf32>,
        %swap3A_282 = vector.shape_cast %swap3A_281 : vector<1x16xf32> to vector<16xf32>
        %swap3A_283 = vector.shape_cast %mul3A_278 : vector<16xf32> to vector<1x16xf32>
        tpu.vector_store %arg23[%swap3A_279, %swap3A_280], %swap3A_283 {strides = array<i32>} : memref<40x144xf32, #tpu.memory_space<vmem>>, vector<1x16xf32>,
        %slice3A_284 = vector.extract_strided_slice %exp3A_239 {offsets = [3], sizes = [1], strides = [1]} : vector<16xf32> to vector<1xf32>
        %squeeze3A_285 = vector.extract %slice3A_284[0] : f32 from vector<1xf32>
        %get3A_286 = arith.index_cast %scan3A_221 : i32 to index
        %get3A_287 = arith.constant 48 : index
        %get3A_288 = tpu.vector_load %arg17[%get3A_286, %get3A_287] {strides = array<i32>} : memref<40x128xf32, #tpu.memory_space<vmem>>, vector<1x16xf32>,
        %get3A_289 = vector.shape_cast %get3A_288 : vector<1x16xf32> to vector<16xf32>
        %mul3A_290 = vector.broadcast %squeeze3A_285 : f32 to vector<16xf32>
        %mul3A_291 = arith.mulf %mul3A_290, %get3A_289 : vector<16xf32>
        %swap3A_292 = arith.index_cast %scan3A_221 : i32 to index
        %swap3A_293 = arith.constant 48 : index
        %swap3A_294 = tpu.vector_load %arg23[%swap3A_292, %swap3A_293] {strides = array<i32>} : memref<40x144xf32, #tpu.memory_space<vmem>>, vector<1x16xf32>,
        %swap3A_295 = vector.shape_cast %swap3A_294 : vector<1x16xf32> to vector<16xf32>
        %swap3A_296 = vector.shape_cast %mul3A_291 : vector<16xf32> to vector<1x16xf32>
        tpu.vector_store %arg23[%swap3A_292, %swap3A_293], %swap3A_296 {strides = array<i32>} : memref<40x144xf32, #tpu.memory_space<vmem>>, vector<1x16xf32>,
        %slice3A_297 = vector.extract_strided_slice %exp3A_239 {offsets = [4], sizes = [1], strides = [1]} : vector<16xf32> to vector<1xf32>
        %squeeze3A_298 = vector.extract %slice3A_297[0] : f32 from vector<1xf32>
        %get3A_299 = arith.index_cast %scan3A_221 : i32 to index
        %get3A_300 = arith.constant 64 : index
        %get3A_301 = tpu.vector_load %arg17[%get3A_299, %get3A_300] {strides = array<i32>} : memref<40x128xf32, #tpu.memory_space<vmem>>, vector<1x16xf32>,
        %get3A_302 = vector.shape_cast %get3A_301 : vector<1x16xf32> to vector<16xf32>
        %mul3A_303 = vector.broadcast %squeeze3A_298 : f32 to vector<16xf32>
        %mul3A_304 = arith.mulf %mul3A_303, %get3A_302 : vector<16xf32>
        %swap3A_305 = arith.index_cast %scan3A_221 : i32 to index
        %swap3A_306 = arith.constant 64 : index
        %swap3A_307 = tpu.vector_load %arg23[%swap3A_305, %swap3A_306] {strides = array<i32>} : memref<40x144xf32, #tpu.memory_space<vmem>>, vector<1x16xf32>,
        %swap3A_308 = vector.shape_cast %swap3A_307 : vector<1x16xf32> to vector<16xf32>
        %swap3A_309 = vector.shape_cast %mul3A_304 : vector<16xf32> to vector<1x16xf32>
        tpu.vector_store %arg23[%swap3A_305, %swap3A_306], %swap3A_309 {strides = array<i32>} : memref<40x144xf32, #tpu.memory_space<vmem>>, vector<1x16xf32>,
        %slice3A_310 = vector.extract_strided_slice %exp3A_239 {offsets = [5], sizes = [1], strides = [1]} : vector<16xf32> to vector<1xf32>
        %squeeze3A_311 = vector.extract %slice3A_310[0] : f32 from vector<1xf32>
        %get3A_312 = arith.index_cast %scan3A_221 : i32 to index
        %get3A_313 = arith.constant 80 : index
        %get3A_314 = tpu.vector_load %arg17[%get3A_312, %get3A_313] {strides = array<i32>} : memref<40x128xf32, #tpu.memory_space<vmem>>, vector<1x16xf32>,
        %get3A_315 = vector.shape_cast %get3A_314 : vector<1x16xf32> to vector<16xf32>
        %mul3A_316 = vector.broadcast %squeeze3A_311 : f32 to vector<16xf32>
        %mul3A_317 = arith.mulf %mul3A_316, %get3A_315 : vector<16xf32>
        %swap3A_318 = arith.index_cast %scan3A_221 : i32 to index
        %swap3A_319 = arith.constant 80 : index
        %swap3A_320 = tpu.vector_load %arg23[%swap3A_318, %swap3A_319] {strides = array<i32>} : memref<40x144xf32, #tpu.memory_space<vmem>>, vector<1x16xf32>,
        %swap3A_321 = vector.shape_cast %swap3A_320 : vector<1x16xf32> to vector<16xf32>
        %swap3A_322 = vector.shape_cast %mul3A_317 : vector<16xf32> to vector<1x16xf32>
        tpu.vector_store %arg23[%swap3A_318, %swap3A_319], %swap3A_322 {strides = array<i32>} : memref<40x144xf32, #tpu.memory_space<vmem>>, vector<1x16xf32>,
        %slice3A_323 = vector.extract_strided_slice %exp3A_239 {offsets = [6], sizes = [1], strides = [1]} : vector<16xf32> to vector<1xf32>
        %squeeze3A_324 = vector.extract %slice3A_323[0] : f32 from vector<1xf32>
        %get3A_325 = arith.index_cast %scan3A_221 : i32 to index
        %get3A_326 = arith.constant 96 : index
        %get3A_327 = tpu.vector_load %arg17[%get3A_325, %get3A_326] {strides = array<i32>} : memref<40x128xf32, #tpu.memory_space<vmem>>, vector<1x16xf32>,
        %get3A_328 = vector.shape_cast %get3A_327 : vector<1x16xf32> to vector<16xf32>
        %mul3A_329 = vector.broadcast %squeeze3A_324 : f32 to vector<16xf32>
        %mul3A_330 = arith.mulf %mul3A_329, %get3A_328 : vector<16xf32>
        %swap3A_331 = arith.index_cast %scan3A_221 : i32 to index
        %swap3A_332 = arith.constant 96 : index
        %swap3A_333 = tpu.vector_load %arg23[%swap3A_331, %swap3A_332] {strides = array<i32>} : memref<40x144xf32, #tpu.memory_space<vmem>>, vector<1x16xf32>,
        %swap3A_334 = vector.shape_cast %swap3A_333 : vector<1x16xf32> to vector<16xf32>
        %swap3A_335 = vector.shape_cast %mul3A_330 : vector<16xf32> to vector<1x16xf32>
        tpu.vector_store %arg23[%swap3A_331, %swap3A_332], %swap3A_335 {strides = array<i32>} : memref<40x144xf32, #tpu.memory_space<vmem>>, vector<1x16xf32>,
        %slice3A_336 = vector.extract_strided_slice %exp3A_239 {offsets = [7], sizes = [1], strides = [1]} : vector<16xf32> to vector<1xf32>
        %squeeze3A_337 = vector.extract %slice3A_336[0] : f32 from vector<1xf32>
        %get3A_338 = arith.index_cast %scan3A_221 : i32 to index
        %get3A_339 = arith.constant 112 : index
        %get3A_340 = tpu.vector_load %arg17[%get3A_338, %get3A_339] {strides = array<i32>} : memref<40x128xf32, #tpu.memory_space<vmem>>, vector<1x16xf32>,
        %get3A_341 = vector.shape_cast %get3A_340 : vector<1x16xf32> to vector<16xf32>
        %mul3A_342 = vector.broadcast %squeeze3A_337 : f32 to vector<16xf32>
        %mul3A_343 = arith.mulf %mul3A_342, %get3A_341 : vector<16xf32>
        %swap3A_344 = arith.index_cast %scan3A_221 : i32 to index
        %swap3A_345 = arith.constant 112 : index
        %swap3A_346 = tpu.vector_load %arg23[%swap3A_344, %swap3A_345] {strides = array<i32>} : memref<40x144xf32, #tpu.memory_space<vmem>>, vector<1x16xf32>,
        %swap3A_347 = vector.shape_cast %swap3A_346 : vector<1x16xf32> to vector<16xf32>
        %swap3A_348 = vector.shape_cast %mul3A_343 : vector<16xf32> to vector<1x16xf32>
        tpu.vector_store %arg23[%swap3A_344, %swap3A_345], %swap3A_348 {strides = array<i32>} : memref<40x144xf32, #tpu.memory_space<vmem>>, vector<1x16xf32>,
        %scan3A_349 = arith.constant 2 : i32
        %scan3A_350 = arith.addi %scan3A_98, %scan3A_349 : i32
        %get3A_351 = arith.index_cast %scan3A_350 : i32 to index
        %get3A_352 = arith.constant 0 : index
        %get3A_353 = tpu.vector_load %arg19[%get3A_351, %get3A_352] {strides = array<i32>} : memref<40x16xf32, #tpu.memory_space<vmem>>, vector<1x16xf32>,
        %get3A_354 = vector.shape_cast %get3A_353 : vector<1x16xf32> to vector<16xf32>
        %get3A_355 = arith.index_cast %scan3A_350 : i32 to index
        %get3A_356 = arith.constant 0 : index
        %get3A_357 = tpu.vector_load %arg21[%get3A_355, %get3A_356] {strides = array<i32>} : memref<40x16xf32, #tpu.memory_space<vmem>>, vector<1x16xf32>,
        %get3A_358 = vector.shape_cast %get3A_357 : vector<1x16xf32> to vector<16xf32>
        %add3A_359 = arith.addf %get3A_354, %get3A_358 : vector<16xf32>
        %ge3A_360 = arith.constant 0.000000e+00 : f32
        %ge3A_361 = vector.broadcast %ge3A_360 : f32 to vector<16xf32>
        %ge3A_362 = arith.cmpf oge, %add3A_359, %ge3A_361 : vector<16xf32>
        %mul3A_363 = arith.constant 2.000000e-01 : f32
        %mul3A_364 = vector.broadcast %mul3A_363 : f32 to vector<16xf32>
        %mul3A_365 = arith.mulf %add3A_359, %mul3A_364 : vector<16xf32>
        %select_n3A_366 = arith.select %ge3A_362, %add3A_359, %mul3A_365 : vector<16xi1>, vector<16xf32>
        %sub3A_367 = arith.subf %select_n3A_366, %get3A_6 : vector<16xf32>
        %exp3A_368 = math.exp %sub3A_367 : vector<16xf32>
        %swap3A_369 = arith.index_cast %scan3A_350 : i32 to index
        %swap3A_370 = arith.constant 128 : index
        %swap3A_371 = tpu.vector_load %arg23[%swap3A_369, %swap3A_370] {strides = array<i32>} : memref<40x144xf32, #tpu.memory_space<vmem>>, vector<1x16xf32>,
        %swap3A_372 = vector.shape_cast %swap3A_371 : vector<1x16xf32> to vector<16xf32>
        %swap3A_373 = vector.shape_cast %exp3A_368 : vector<16xf32> to vector<1x16xf32>
        tpu.vector_store %arg23[%swap3A_369, %swap3A_370], %swap3A_373 {strides = array<i32>} : memref<40x144xf32, #tpu.memory_space<vmem>>, vector<1x16xf32>,
        %slice3A_374 = vector.extract_strided_slice %exp3A_368 {offsets = [0], sizes = [1], strides = [1]} : vector<16xf32> to vector<1xf32>
        %squeeze3A_375 = vector.extract %slice3A_374[0] : f32 from vector<1xf32>
        %get3A_376 = arith.index_cast %scan3A_350 : i32 to index
        %get3A_377 = arith.constant 0 : index
        %get3A_378 = tpu.vector_load %arg17[%get3A_376, %get3A_377] {strides = array<i32>} : memref<40x128xf32, #tpu.memory_space<vmem>>, vector<1x16xf32>,
        %get3A_379 = vector.shape_cast %get3A_378 : vector<1x16xf32> to vector<16xf32>
        %mul3A_380 = vector.broadcast %squeeze3A_375 : f32 to vector<16xf32>
        %mul3A_381 = arith.mulf %mul3A_380, %get3A_379 : vector<16xf32>
        %swap3A_382 = arith.index_cast %scan3A_350 : i32 to index
        %swap3A_383 = arith.constant 0 : index
        %swap3A_384 = tpu.vector_load %arg23[%swap3A_382, %swap3A_383] {strides = array<i32>} : memref<40x144xf32, #tpu.memory_space<vmem>>, vector<1x16xf32>,
        %swap3A_385 = vector.shape_cast %swap3A_384 : vector<1x16xf32> to vector<16xf32>
        %swap3A_386 = vector.shape_cast %mul3A_381 : vector<16xf32> to vector<1x16xf32>
        tpu.vector_store %arg23[%swap3A_382, %swap3A_383], %swap3A_386 {strides = array<i32>} : memref<40x144xf32, #tpu.memory_space<vmem>>, vector<1x16xf32>,
        %slice3A_387 = vector.extract_strided_slice %exp3A_368 {offsets = [1], sizes = [1], strides = [1]} : vector<16xf32> to vector<1xf32>
        %squeeze3A_388 = vector.extract %slice3A_387[0] : f32 from vector<1xf32>
        %get3A_389 = arith.index_cast %scan3A_350 : i32 to index
        %get3A_390 = arith.constant 16 : index
        %get3A_391 = tpu.vector_load %arg17[%get3A_389, %get3A_390] {strides = array<i32>} : memref<40x128xf32, #tpu.memory_space<vmem>>, vector<1x16xf32>,
        %get3A_392 = vector.shape_cast %get3A_391 : vector<1x16xf32> to vector<16xf32>
        %mul3A_393 = vector.broadcast %squeeze3A_388 : f32 to vector<16xf32>
        %mul3A_394 = arith.mulf %mul3A_393, %get3A_392 : vector<16xf32>
        %swap3A_395 = arith.index_cast %scan3A_350 : i32 to index
        %swap3A_396 = arith.constant 16 : index
        %swap3A_397 = tpu.vector_load %arg23[%swap3A_395, %swap3A_396] {strides = array<i32>} : memref<40x144xf32, #tpu.memory_space<vmem>>, vector<1x16xf32>,
        %swap3A_398 = vector.shape_cast %swap3A_397 : vector<1x16xf32> to vector<16xf32>
        %swap3A_399 = vector.shape_cast %mul3A_394 : vector<16xf32> to vector<1x16xf32>
        tpu.vector_store %arg23[%swap3A_395, %swap3A_396], %swap3A_399 {strides = array<i32>} : memref<40x144xf32, #tpu.memory_space<vmem>>, vector<1x16xf32>,
        %slice3A_400 = vector.extract_strided_slice %exp3A_368 {offsets = [2], sizes = [1], strides = [1]} : vector<16xf32> to vector<1xf32>
        %squeeze3A_401 = vector.extract %slice3A_400[0] : f32 from vector<1xf32>
        %get3A_402 = arith.index_cast %scan3A_350 : i32 to index
        %get3A_403 = arith.constant 32 : index
        %get3A_404 = tpu.vector_load %arg17[%get3A_402, %get3A_403] {strides = array<i32>} : memref<40x128xf32, #tpu.memory_space<vmem>>, vector<1x16xf32>,
        %get3A_405 = vector.shape_cast %get3A_404 : vector<1x16xf32> to vector<16xf32>
        %mul3A_406 = vector.broadcast %squeeze3A_401 : f32 to vector<16xf32>
        %mul3A_407 = arith.mulf %mul3A_406, %get3A_405 : vector<16xf32>
        %swap3A_408 = arith.index_cast %scan3A_350 : i32 to index
        %swap3A_409 = arith.constant 32 : index
        %swap3A_410 = tpu.vector_load %arg23[%swap3A_408, %swap3A_409] {strides = array<i32>} : memref<40x144xf32, #tpu.memory_space<vmem>>, vector<1x16xf32>,
        %swap3A_411 = vector.shape_cast %swap3A_410 : vector<1x16xf32> to vector<16xf32>
        %swap3A_412 = vector.shape_cast %mul3A_407 : vector<16xf32> to vector<1x16xf32>
        tpu.vector_store %arg23[%swap3A_408, %swap3A_409], %swap3A_412 {strides = array<i32>} : memref<40x144xf32, #tpu.memory_space<vmem>>, vector<1x16xf32>,
        %slice3A_413 = vector.extract_strided_slice %exp3A_368 {offsets = [3], sizes = [1], strides = [1]} : vector<16xf32> to vector<1xf32>
        %squeeze3A_414 = vector.extract %slice3A_413[0] : f32 from vector<1xf32>
        %get3A_415 = arith.index_cast %scan3A_350 : i32 to index
        %get3A_416 = arith.constant 48 : index
        %get3A_417 = tpu.vector_load %arg17[%get3A_415, %get3A_416] {strides = array<i32>} : memref<40x128xf32, #tpu.memory_space<vmem>>, vector<1x16xf32>,
        %get3A_418 = vector.shape_cast %get3A_417 : vector<1x16xf32> to vector<16xf32>
        %mul3A_419 = vector.broadcast %squeeze3A_414 : f32 to vector<16xf32>
        %mul3A_420 = arith.mulf %mul3A_419, %get3A_418 : vector<16xf32>
        %swap3A_421 = arith.index_cast %scan3A_350 : i32 to index
        %swap3A_422 = arith.constant 48 : index
        %swap3A_423 = tpu.vector_load %arg23[%swap3A_421, %swap3A_422] {strides = array<i32>} : memref<40x144xf32, #tpu.memory_space<vmem>>, vector<1x16xf32>,
        %swap3A_424 = vector.shape_cast %swap3A_423 : vector<1x16xf32> to vector<16xf32>
        %swap3A_425 = vector.shape_cast %mul3A_420 : vector<16xf32> to vector<1x16xf32>
        tpu.vector_store %arg23[%swap3A_421, %swap3A_422], %swap3A_425 {strides = array<i32>} : memref<40x144xf32, #tpu.memory_space<vmem>>, vector<1x16xf32>,
        %slice3A_426 = vector.extract_strided_slice %exp3A_368 {offsets = [4], sizes = [1], strides = [1]} : vector<16xf32> to vector<1xf32>
        %squeeze3A_427 = vector.extract %slice3A_426[0] : f32 from vector<1xf32>
        %get3A_428 = arith.index_cast %scan3A_350 : i32 to index
        %get3A_429 = arith.constant 64 : index
        %get3A_430 = tpu.vector_load %arg17[%get3A_428, %get3A_429] {strides = array<i32>} : memref<40x128xf32, #tpu.memory_space<vmem>>, vector<1x16xf32>,
        %get3A_431 = vector.shape_cast %get3A_430 : vector<1x16xf32> to vector<16xf32>
        %mul3A_432 = vector.broadcast %squeeze3A_427 : f32 to vector<16xf32>
        %mul3A_433 = arith.mulf %mul3A_432, %get3A_431 : vector<16xf32>
        %swap3A_434 = arith.index_cast %scan3A_350 : i32 to index
        %swap3A_435 = arith.constant 64 : index
        %swap3A_436 = tpu.vector_load %arg23[%swap3A_434, %swap3A_435] {strides = array<i32>} : memref<40x144xf32, #tpu.memory_space<vmem>>, vector<1x16xf32>,
        %swap3A_437 = vector.shape_cast %swap3A_436 : vector<1x16xf32> to vector<16xf32>
        %swap3A_438 = vector.shape_cast %mul3A_433 : vector<16xf32> to vector<1x16xf32>
        tpu.vector_store %arg23[%swap3A_434, %swap3A_435], %swap3A_438 {strides = array<i32>} : memref<40x144xf32, #tpu.memory_space<vmem>>, vector<1x16xf32>,
        %slice3A_439 = vector.extract_strided_slice %exp3A_368 {offsets = [5], sizes = [1], strides = [1]} : vector<16xf32> to vector<1xf32>
        %squeeze3A_440 = vector.extract %slice3A_439[0] : f32 from vector<1xf32>
        %get3A_441 = arith.index_cast %scan3A_350 : i32 to index
        %get3A_442 = arith.constant 80 : index
        %get3A_443 = tpu.vector_load %arg17[%get3A_441, %get3A_442] {strides = array<i32>} : memref<40x128xf32, #tpu.memory_space<vmem>>, vector<1x16xf32>,
        %get3A_444 = vector.shape_cast %get3A_443 : vector<1x16xf32> to vector<16xf32>
        %mul3A_445 = vector.broadcast %squeeze3A_440 : f32 to vector<16xf32>
        %mul3A_446 = arith.mulf %mul3A_445, %get3A_444 : vector<16xf32>
        %swap3A_447 = arith.index_cast %scan3A_350 : i32 to index
        %swap3A_448 = arith.constant 80 : index
        %swap3A_449 = tpu.vector_load %arg23[%swap3A_447, %swap3A_448] {strides = array<i32>} : memref<40x144xf32, #tpu.memory_space<vmem>>, vector<1x16xf32>,
        %swap3A_450 = vector.shape_cast %swap3A_449 : vector<1x16xf32> to vector<16xf32>
        %swap3A_451 = vector.shape_cast %mul3A_446 : vector<16xf32> to vector<1x16xf32>
        tpu.vector_store %arg23[%swap3A_447, %swap3A_448], %swap3A_451 {strides = array<i32>} : memref<40x144xf32, #tpu.memory_space<vmem>>, vector<1x16xf32>,
        %slice3A_452 = vector.extract_strided_slice %exp3A_368 {offsets = [6], sizes = [1], strides = [1]} : vector<16xf32> to vector<1xf32>
        %squeeze3A_453 = vector.extract %slice3A_452[0] : f32 from vector<1xf32>
        %get3A_454 = arith.index_cast %scan3A_350 : i32 to index
        %get3A_455 = arith.constant 96 : index
        %get3A_456 = tpu.vector_load %arg17[%get3A_454, %get3A_455] {strides = array<i32>} : memref<40x128xf32, #tpu.memory_space<vmem>>, vector<1x16xf32>,
        %get3A_457 = vector.shape_cast %get3A_456 : vector<1x16xf32> to vector<16xf32>
        %mul3A_458 = vector.broadcast %squeeze3A_453 : f32 to vector<16xf32>
        %mul3A_459 = arith.mulf %mul3A_458, %get3A_457 : vector<16xf32>
        %swap3A_460 = arith.index_cast %scan3A_350 : i32 to index
        %swap3A_461 = arith.constant 96 : index
        %swap3A_462 = tpu.vector_load %arg23[%swap3A_460, %swap3A_461] {strides = array<i32>} : memref<40x144xf32, #tpu.memory_space<vmem>>, vector<1x16xf32>,
        %swap3A_463 = vector.shape_cast %swap3A_462 : vector<1x16xf32> to vector<16xf32>
        %swap3A_464 = vector.shape_cast %mul3A_459 : vector<16xf32> to vector<1x16xf32>
        tpu.vector_store %arg23[%swap3A_460, %swap3A_461], %swap3A_464 {strides = array<i32>} : memref<40x144xf32, #tpu.memory_space<vmem>>, vector<1x16xf32>,
        %slice3A_465 = vector.extract_strided_slice %exp3A_368 {offsets = [7], sizes = [1], strides = [1]} : vector<16xf32> to vector<1xf32>
        %squeeze3A_466 = vector.extract %slice3A_465[0] : f32 from vector<1xf32>
        %get3A_467 = arith.index_cast %scan3A_350 : i32 to index
        %get3A_468 = arith.constant 112 : index
        %get3A_469 = tpu.vector_load %arg17[%get3A_467, %get3A_468] {strides = array<i32>} : memref<40x128xf32, #tpu.memory_space<vmem>>, vector<1x16xf32>,
        %get3A_470 = vector.shape_cast %get3A_469 : vector<1x16xf32> to vector<16xf32>
        %mul3A_471 = vector.broadcast %squeeze3A_466 : f32 to vector<16xf32>
        %mul3A_472 = arith.mulf %mul3A_471, %get3A_470 : vector<16xf32>
        %swap3A_473 = arith.index_cast %scan3A_350 : i32 to index
        %swap3A_474 = arith.constant 112 : index
        %swap3A_475 = tpu.vector_load %arg23[%swap3A_473, %swap3A_474] {strides = array<i32>} : memref<40x144xf32, #tpu.memory_space<vmem>>, vector<1x16xf32>,
        %swap3A_476 = vector.shape_cast %swap3A_475 : vector<1x16xf32> to vector<16xf32>
        %swap3A_477 = vector.shape_cast %mul3A_472 : vector<16xf32> to vector<1x16xf32>
        tpu.vector_store %arg23[%swap3A_473, %swap3A_474], %swap3A_477 {strides = array<i32>} : memref<40x144xf32, #tpu.memory_space<vmem>>, vector<1x16xf32>,
        %scan3A_478 = arith.constant 3 : i32
        %scan3A_479 = arith.addi %scan3A_98, %scan3A_478 : i32
        %get3A_480 = arith.index_cast %scan3A_479 : i32 to index
        %get3A_481 = arith.constant 0 : index
        %get3A_482 = tpu.vector_load %arg19[%get3A_480, %get3A_481] {strides = array<i32>} : memref<40x16xf32, #tpu.memory_space<vmem>>, vector<1x16xf32>,
        %get3A_483 = vector.shape_cast %get3A_482 : vector<1x16xf32> to vector<16xf32>
        %get3A_484 = arith.index_cast %scan3A_479 : i32 to index
        %get3A_485 = arith.constant 0 : index
        %get3A_486 = tpu.vector_load %arg21[%get3A_484, %get3A_485] {strides = array<i32>} : memref<40x16xf32, #tpu.memory_space<vmem>>, vector<1x16xf32>,
        %get3A_487 = vector.shape_cast %get3A_486 : vector<1x16xf32> to vector<16xf32>
        %add3A_488 = arith.addf %get3A_483, %get3A_487 : vector<16xf32>
        %ge3A_489 = arith.constant 0.000000e+00 : f32
        %ge3A_490 = vector.broadcast %ge3A_489 : f32 to vector<16xf32>
        %ge3A_491 = arith.cmpf oge, %add3A_488, %ge3A_490 : vector<16xf32>
        %mul3A_492 = arith.constant 2.000000e-01 : f32
        %mul3A_493 = vector.broadcast %mul3A_492 : f32 to vector<16xf32>
        %mul3A_494 = arith.mulf %add3A_488, %mul3A_493 : vector<16xf32>
        %select_n3A_495 = arith.select %ge3A_491, %add3A_488, %mul3A_494 : vector<16xi1>, vector<16xf32>
        %sub3A_496 = arith.subf %select_n3A_495, %get3A_6 : vector<16xf32>
        %exp3A_497 = math.exp %sub3A_496 : vector<16xf32>
        %swap3A_498 = arith.index_cast %scan3A_479 : i32 to index
        %swap3A_499 = arith.constant 128 : index
        %swap3A_500 = tpu.vector_load %arg23[%swap3A_498, %swap3A_499] {strides = array<i32>} : memref<40x144xf32, #tpu.memory_space<vmem>>, vector<1x16xf32>,
        %swap3A_501 = vector.shape_cast %swap3A_500 : vector<1x16xf32> to vector<16xf32>
        %swap3A_502 = vector.shape_cast %exp3A_497 : vector<16xf32> to vector<1x16xf32>
        tpu.vector_store %arg23[%swap3A_498, %swap3A_499], %swap3A_502 {strides = array<i32>} : memref<40x144xf32, #tpu.memory_space<vmem>>, vector<1x16xf32>,
        %slice3A_503 = vector.extract_strided_slice %exp3A_497 {offsets = [0], sizes = [1], strides = [1]} : vector<16xf32> to vector<1xf32>
        %squeeze3A_504 = vector.extract %slice3A_503[0] : f32 from vector<1xf32>
        %get3A_505 = arith.index_cast %scan3A_479 : i32 to index
        %get3A_506 = arith.constant 0 : index
        %get3A_507 = tpu.vector_load %arg17[%get3A_505, %get3A_506] {strides = array<i32>} : memref<40x128xf32, #tpu.memory_space<vmem>>, vector<1x16xf32>,
        %get3A_508 = vector.shape_cast %get3A_507 : vector<1x16xf32> to vector<16xf32>
        %mul3A_509 = vector.broadcast %squeeze3A_504 : f32 to vector<16xf32>
        %mul3A_510 = arith.mulf %mul3A_509, %get3A_508 : vector<16xf32>
        %swap3A_511 = arith.index_cast %scan3A_479 : i32 to index
        %swap3A_512 = arith.constant 0 : index
        %swap3A_513 = tpu.vector_load %arg23[%swap3A_511, %swap3A_512] {strides = array<i32>} : memref<40x144xf32, #tpu.memory_space<vmem>>, vector<1x16xf32>,
        %swap3A_514 = vector.shape_cast %swap3A_513 : vector<1x16xf32> to vector<16xf32>
        %swap3A_515 = vector.shape_cast %mul3A_510 : vector<16xf32> to vector<1x16xf32>
        tpu.vector_store %arg23[%swap3A_511, %swap3A_512], %swap3A_515 {strides = array<i32>} : memref<40x144xf32, #tpu.memory_space<vmem>>, vector<1x16xf32>,
        %slice3A_516 = vector.extract_strided_slice %exp3A_497 {offsets = [1], sizes = [1], strides = [1]} : vector<16xf32> to vector<1xf32>
        %squeeze3A_517 = vector.extract %slice3A_516[0] : f32 from vector<1xf32>
        %get3A_518 = arith.index_cast %scan3A_479 : i32 to index
        %get3A_519 = arith.constant 16 : index
        %get3A_520 = tpu.vector_load %arg17[%get3A_518, %get3A_519] {strides = array<i32>} : memref<40x128xf32, #tpu.memory_space<vmem>>, vector<1x16xf32>,
        %get3A_521 = vector.shape_cast %get3A_520 : vector<1x16xf32> to vector<16xf32>
        %mul3A_522 = vector.broadcast %squeeze3A_517 : f32 to vector<16xf32>
        %mul3A_523 = arith.mulf %mul3A_522, %get3A_521 : vector<16xf32>
        %swap3A_524 = arith.index_cast %scan3A_479 : i32 to index
        %swap3A_525 = arith.constant 16 : index
        %swap3A_526 = tpu.vector_load %arg23[%swap3A_524, %swap3A_525] {strides = array<i32>} : memref<40x144xf32, #tpu.memory_space<vmem>>, vector<1x16xf32>,
        %swap3A_527 = vector.shape_cast %swap3A_526 : vector<1x16xf32> to vector<16xf32>
        %swap3A_528 = vector.shape_cast %mul3A_523 : vector<16xf32> to vector<1x16xf32>
        tpu.vector_store %arg23[%swap3A_524, %swap3A_525], %swap3A_528 {strides = array<i32>} : memref<40x144xf32, #tpu.memory_space<vmem>>, vector<1x16xf32>,
        %slice3A_529 = vector.extract_strided_slice %exp3A_497 {offsets = [2], sizes = [1], strides = [1]} : vector<16xf32> to vector<1xf32>
        %squeeze3A_530 = vector.extract %slice3A_529[0] : f32 from vector<1xf32>
        %get3A_531 = arith.index_cast %scan3A_479 : i32 to index
        %get3A_532 = arith.constant 32 : index
        %get3A_533 = tpu.vector_load %arg17[%get3A_531, %get3A_532] {strides = array<i32>} : memref<40x128xf32, #tpu.memory_space<vmem>>, vector<1x16xf32>,
        %get3A_534 = vector.shape_cast %get3A_533 : vector<1x16xf32> to vector<16xf32>
        %mul3A_535 = vector.broadcast %squeeze3A_530 : f32 to vector<16xf32>
        %mul3A_536 = arith.mulf %mul3A_535, %get3A_534 : vector<16xf32>
        %swap3A_537 = arith.index_cast %scan3A_479 : i32 to index
        %swap3A_538 = arith.constant 32 : index
        %swap3A_539 = tpu.vector_load %arg23[%swap3A_537, %swap3A_538] {strides = array<i32>} : memref<40x144xf32, #tpu.memory_space<vmem>>, vector<1x16xf32>,
        %swap3A_540 = vector.shape_cast %swap3A_539 : vector<1x16xf32> to vector<16xf32>
        %swap3A_541 = vector.shape_cast %mul3A_536 : vector<16xf32> to vector<1x16xf32>
        tpu.vector_store %arg23[%swap3A_537, %swap3A_538], %swap3A_541 {strides = array<i32>} : memref<40x144xf32, #tpu.memory_space<vmem>>, vector<1x16xf32>,
        %slice3A_542 = vector.extract_strided_slice %exp3A_497 {offsets = [3], sizes = [1], strides = [1]} : vector<16xf32> to vector<1xf32>
        %squeeze3A_543 = vector.extract %slice3A_542[0] : f32 from vector<1xf32>
        %get3A_544 = arith.index_cast %scan3A_479 : i32 to index
        %get3A_545 = arith.constant 48 : index
        %get3A_546 = tpu.vector_load %arg17[%get3A_544, %get3A_545] {strides = array<i32>} : memref<40x128xf32, #tpu.memory_space<vmem>>, vector<1x16xf32>,
        %get3A_547 = vector.shape_cast %get3A_546 : vector<1x16xf32> to vector<16xf32>
        %mul3A_548 = vector.broadcast %squeeze3A_543 : f32 to vector<16xf32>
        %mul3A_549 = arith.mulf %mul3A_548, %get3A_547 : vector<16xf32>
        %swap3A_550 = arith.index_cast %scan3A_479 : i32 to index
        %swap3A_551 = arith.constant 48 : index
        %swap3A_552 = tpu.vector_load %arg23[%swap3A_550, %swap3A_551] {strides = array<i32>} : memref<40x144xf32, #tpu.memory_space<vmem>>, vector<1x16xf32>,
        %swap3A_553 = vector.shape_cast %swap3A_552 : vector<1x16xf32> to vector<16xf32>
        %swap3A_554 = vector.shape_cast %mul3A_549 : vector<16xf32> to vector<1x16xf32>
        tpu.vector_store %arg23[%swap3A_550, %swap3A_551], %swap3A_554 {strides = array<i32>} : memref<40x144xf32, #tpu.memory_space<vmem>>, vector<1x16xf32>,
        %slice3A_555 = vector.extract_strided_slice %exp3A_497 {offsets = [4], sizes = [1], strides = [1]} : vector<16xf32> to vector<1xf32>
        %squeeze3A_556 = vector.extract %slice3A_555[0] : f32 from vector<1xf32>
        %get3A_557 = arith.index_cast %scan3A_479 : i32 to index
        %get3A_558 = arith.constant 64 : index
        %get3A_559 = tpu.vector_load %arg17[%get3A_557, %get3A_558] {strides = array<i32>} : memref<40x128xf32, #tpu.memory_space<vmem>>, vector<1x16xf32>,
        %get3A_560 = vector.shape_cast %get3A_559 : vector<1x16xf32> to vector<16xf32>
        %mul3A_561 = vector.broadcast %squeeze3A_556 : f32 to vector<16xf32>
        %mul3A_562 = arith.mulf %mul3A_561, %get3A_560 : vector<16xf32>
        %swap3A_563 = arith.index_cast %scan3A_479 : i32 to index
        %swap3A_564 = arith.constant 64 : index
        %swap3A_565 = tpu.vector_load %arg23[%swap3A_563, %swap3A_564] {strides = array<i32>} : memref<40x144xf32, #tpu.memory_space<vmem>>, vector<1x16xf32>,
        %swap3A_566 = vector.shape_cast %swap3A_565 : vector<1x16xf32> to vector<16xf32>
        %swap3A_567 = vector.shape_cast %mul3A_562 : vector<16xf32> to vector<1x16xf32>
        tpu.vector_store %arg23[%swap3A_563, %swap3A_564], %swap3A_567 {strides = array<i32>} : memref<40x144xf32, #tpu.memory_space<vmem>>, vector<1x16xf32>,
        %slice3A_568 = vector.extract_strided_slice %exp3A_497 {offsets = [5], sizes = [1], strides = [1]} : vector<16xf32> to vector<1xf32>
        %squeeze3A_569 = vector.extract %slice3A_568[0] : f32 from vector<1xf32>
        %get3A_570 = arith.index_cast %scan3A_479 : i32 to index
        %get3A_571 = arith.constant 80 : index
        %get3A_572 = tpu.vector_load %arg17[%get3A_570, %get3A_571] {strides = array<i32>} : memref<40x128xf32, #tpu.memory_space<vmem>>, vector<1x16xf32>,
        %get3A_573 = vector.shape_cast %get3A_572 : vector<1x16xf32> to vector<16xf32>
        %mul3A_574 = vector.broadcast %squeeze3A_569 : f32 to vector<16xf32>
        %mul3A_575 = arith.mulf %mul3A_574, %get3A_573 : vector<16xf32>
        %swap3A_576 = arith.index_cast %scan3A_479 : i32 to index
        %swap3A_577 = arith.constant 80 : index
        %swap3A_578 = tpu.vector_load %arg23[%swap3A_576, %swap3A_577] {strides = array<i32>} : memref<40x144xf32, #tpu.memory_space<vmem>>, vector<1x16xf32>,
        %swap3A_579 = vector.shape_cast %swap3A_578 : vector<1x16xf32> to vector<16xf32>
        %swap3A_580 = vector.shape_cast %mul3A_575 : vector<16xf32> to vector<1x16xf32>
        tpu.vector_store %arg23[%swap3A_576, %swap3A_577], %swap3A_580 {strides = array<i32>} : memref<40x144xf32, #tpu.memory_space<vmem>>, vector<1x16xf32>,
        %slice3A_581 = vector.extract_strided_slice %exp3A_497 {offsets = [6], sizes = [1], strides = [1]} : vector<16xf32> to vector<1xf32>
        %squeeze3A_582 = vector.extract %slice3A_581[0] : f32 from vector<1xf32>
        %get3A_583 = arith.index_cast %scan3A_479 : i32 to index
        %get3A_584 = arith.constant 96 : index
        %get3A_585 = tpu.vector_load %arg17[%get3A_583, %get3A_584] {strides = array<i32>} : memref<40x128xf32, #tpu.memory_space<vmem>>, vector<1x16xf32>,
        %get3A_586 = vector.shape_cast %get3A_585 : vector<1x16xf32> to vector<16xf32>
        %mul3A_587 = vector.broadcast %squeeze3A_582 : f32 to vector<16xf32>
        %mul3A_588 = arith.mulf %mul3A_587, %get3A_586 : vector<16xf32>
        %swap3A_589 = arith.index_cast %scan3A_479 : i32 to index
        %swap3A_590 = arith.constant 96 : index
        %swap3A_591 = tpu.vector_load %arg23[%swap3A_589, %swap3A_590] {strides = array<i32>} : memref<40x144xf32, #tpu.memory_space<vmem>>, vector<1x16xf32>,
        %swap3A_592 = vector.shape_cast %swap3A_591 : vector<1x16xf32> to vector<16xf32>
        %swap3A_593 = vector.shape_cast %mul3A_588 : vector<16xf32> to vector<1x16xf32>
        tpu.vector_store %arg23[%swap3A_589, %swap3A_590], %swap3A_593 {strides = array<i32>} : memref<40x144xf32, #tpu.memory_space<vmem>>, vector<1x16xf32>,
        %slice3A_594 = vector.extract_strided_slice %exp3A_497 {offsets = [7], sizes = [1], strides = [1]} : vector<16xf32> to vector<1xf32>
        %squeeze3A_595 = vector.extract %slice3A_594[0] : f32 from vector<1xf32>
        %get3A_596 = arith.index_cast %scan3A_479 : i32 to index
        %get3A_597 = arith.constant 112 : index
        %get3A_598 = tpu.vector_load %arg17[%get3A_596, %get3A_597] {strides = array<i32>} : memref<40x128xf32, #tpu.memory_space<vmem>>, vector<1x16xf32>,
        %get3A_599 = vector.shape_cast %get3A_598 : vector<1x16xf32> to vector<16xf32>
        %mul3A_600 = vector.broadcast %squeeze3A_595 : f32 to vector<16xf32>
        %mul3A_601 = arith.mulf %mul3A_600, %get3A_599 : vector<16xf32>
        %swap3A_602 = arith.index_cast %scan3A_479 : i32 to index
        %swap3A_603 = arith.constant 112 : index
        %swap3A_604 = tpu.vector_load %arg23[%swap3A_602, %swap3A_603] {strides = array<i32>} : memref<40x144xf32, #tpu.memory_space<vmem>>, vector<1x16xf32>,
        %swap3A_605 = vector.shape_cast %swap3A_604 : vector<1x16xf32> to vector<16xf32>
        %swap3A_606 = vector.shape_cast %mul3A_601 : vector<16xf32> to vector<1x16xf32>
        tpu.vector_store %arg23[%swap3A_602, %swap3A_603], %swap3A_606 {strides = array<i32>} : memref<40x144xf32, #tpu.memory_space<vmem>>, vector<1x16xf32>,
      }
      %scan3A_94 = arith.constant 40 : i32
      %dma_start3A_95 = arith.constant 0 : i32
      %dma_start3A_96 = arith.constant 0 : i32
      %dma_start3A_97 = tpu.memref_slice %arg11[%dma_start3A_95, %dma_start3A_96] : memref<10240x144xf32, #tpu.memory_space<vmem_shared>> -> memref<10240x144xf32, #tpu.memory_space<vmem_shared>>
      tpu.enqueue_indirect_dma source(%arg23 : memref<40x144xf32, #tpu.memory_space<vmem>>) target(%dma_start3A_97 : memref<10240x144xf32, #tpu.memory_space<vmem_shared>>) offsets(%arg15 : memref<40xi32, #tpu.memory_space<vmem>>) semaphore(%arg28 : memref<!tpu.dma_semaphore, #tpu.memory_space<semaphore_mem>>) {add = true}
    }
    %scan3A_21 = arith.constant 125 : i32
    %dma_wait3A = arith.constant 0 : i32
    %dma_wait3A_22 = arith.constant 0 : i32
    %dma_wait3A_23 = tpu.memref_slice %arg11[%dma_wait3A, %dma_wait3A_22] : memref<10240x144xf32, #tpu.memory_space<vmem_shared>> -> memref<10240x144xf32, #tpu.memory_space<vmem_shared>>
    tpu.wait_indirect_dma semaphore(%arg27 : memref<!tpu.dma_semaphore, #tpu.memory_space<semaphore_mem>>) src(%arg22 : memref<40x144xf32, #tpu.memory_space<vmem>>) dst(%dma_wait3A_23 : memref<10240x144xf32, #tpu.memory_space<vmem_shared>>)
    %dma_wait3A_24 = arith.constant 0 : i32
    %dma_wait3A_25 = arith.constant 0 : i32
    %dma_wait3A_26 = tpu.memref_slice %arg11[%dma_wait3A_24, %dma_wait3A_25] : memref<10240x144xf32, #tpu.memory_space<vmem_shared>> -> memref<10240x144xf32, #tpu.memory_space<vmem_shared>>
    tpu.wait_indirect_dma semaphore(%arg28 : memref<!tpu.dma_semaphore, #tpu.memory_space<semaphore_mem>>) src(%arg23 : memref<40x144xf32, #tpu.memory_space<vmem>>) dst(%dma_wait3A_26 : memref<10240x144xf32, #tpu.memory_space<vmem_shared>>)
    %barrier3A_27 = arith.constant 0 : index
    tpu.barrier barrier_id(%barrier3A_27)
    %eq3A = arith.constant 0 : i32
    %eq3A_28 = arith.cmpi eq, %arg0, %eq3A : i32
    %convert_element_type3A = arith.extui %eq3A_28 : i1 to i32
    %cond3A = arith.constant 0 : i32
    %cond3A_29 = arith.cmpi ne, %convert_element_type3A, %cond3A : i32
    scf.if %cond3A_29 {
      "tpu.region"() ({
        %run_scoped3A = tpu.sem_alloc : memref<!tpu.dma_semaphore, #tpu.memory_space<semaphore_mem>>
        %dma_start3A_35 = arith.constant 0 : i32
        %dma_start3A_36 = tpu.memref_slice %arg9[%mul3A_2, %dma_start3A_35] : memref<10240x144xf32, #tpu.memory_space<hbm>> -> memref<640x144xf32, #tpu.memory_space<hbm>>
        %dma_start3A_37 = arith.constant 0 : i32
        %dma_start3A_38 = tpu.memref_slice %arg11[%mul3A_2, %dma_start3A_37] : memref<10240x144xf32, #tpu.memory_space<vmem_shared>> -> memref<640x144xf32, #tpu.memory_space<vmem_shared>>
        tpu.enqueue_dma source(%dma_start3A_38 : memref<640x144xf32, #tpu.memory_space<vmem_shared>>) target(%dma_start3A_36 : memref<640x144xf32, #tpu.memory_space<hbm>>) target_semaphore(%run_scoped3A : memref<!tpu.dma_semaphore, #tpu.memory_space<semaphore_mem>>)
        %dma_wait3A_39 = arith.constant 0 : i32
        %dma_wait3A_40 = tpu.memref_slice %arg9[%mul3A_2, %dma_wait3A_39] : memref<10240x144xf32, #tpu.memory_space<hbm>> -> memref<640x144xf32, #tpu.memory_space<hbm>>
        %dma_wait3A_41 = arith.constant 0 : i32
        %dma_wait3A_42 = tpu.memref_slice %arg11[%mul3A_2, %dma_wait3A_41] : memref<10240x144xf32, #tpu.memory_space<vmem_shared>> -> memref<640x144xf32, #tpu.memory_space<vmem_shared>>
        tpu.wait_dma2 semaphore(%run_scoped3A : memref<!tpu.dma_semaphore, #tpu.memory_space<semaphore_mem>>) src(%dma_wait3A_42 : memref<640x144xf32, #tpu.memory_space<vmem_shared>>) dst(%dma_wait3A_40 : memref<640x144xf32, #tpu.memory_space<hbm>>)
        tpu.yield
      }) : () -> ()
    } else {
    }
    %eq3A_30 = arith.constant 1 : i32
    %eq3A_31 = arith.cmpi eq, %arg0, %eq3A_30 : i32
    %convert_element_type3A_32 = arith.extui %eq3A_31 : i1 to i32
    %cond3A_33 = arith.constant 0 : i32
    %cond3A_34 = arith.cmpi ne, %convert_element_type3A_32, %cond3A_33 : i32
    scf.if %cond3A_34 {
      "tpu.region"() ({
        %run_scoped3A = tpu.sem_alloc : memref<!tpu.dma_semaphore, #tpu.memory_space<semaphore_mem>>
        %dma_start3A_35 = arith.constant 0 : i32
        %dma_start3A_36 = tpu.memref_slice %arg10[%mul3A_2, %dma_start3A_35] : memref<10240x144xf32, #tpu.memory_space<hbm>> -> memref<640x144xf32, #tpu.memory_space<hbm>>
        %dma_start3A_37 = arith.constant 0 : i32
        %dma_start3A_38 = tpu.memref_slice %arg11[%mul3A_2, %dma_start3A_37] : memref<10240x144xf32, #tpu.memory_space<vmem_shared>> -> memref<640x144xf32, #tpu.memory_space<vmem_shared>>
        tpu.enqueue_dma source(%dma_start3A_38 : memref<640x144xf32, #tpu.memory_space<vmem_shared>>) target(%dma_start3A_36 : memref<640x144xf32, #tpu.memory_space<hbm>>) target_semaphore(%run_scoped3A : memref<!tpu.dma_semaphore, #tpu.memory_space<semaphore_mem>>)
        %dma_wait3A_39 = arith.constant 0 : i32
        %dma_wait3A_40 = tpu.memref_slice %arg10[%mul3A_2, %dma_wait3A_39] : memref<10240x144xf32, #tpu.memory_space<hbm>> -> memref<640x144xf32, #tpu.memory_space<hbm>>
        %dma_wait3A_41 = arith.constant 0 : i32
        %dma_wait3A_42 = tpu.memref_slice %arg11[%mul3A_2, %dma_wait3A_41] : memref<10240x144xf32, #tpu.memory_space<vmem_shared>> -> memref<640x144xf32, #tpu.memory_space<vmem_shared>>
        tpu.wait_dma2 semaphore(%run_scoped3A : memref<!tpu.dma_semaphore, #tpu.memory_space<semaphore_mem>>) src(%dma_wait3A_42 : memref<640x144xf32, #tpu.memory_space<vmem_shared>>) dst(%dma_wait3A_40 : memref<640x144xf32, #tpu.memory_space<hbm>>)
        tpu.yield
      }) : () -> ()
    } else {
    }
    return
  }
}

module attributes {stable_mosaic.version = 14 : i64} {
  func.func @_prep1_body(%arg0: memref<10000x128xf32, #tpu.memory_space<vmem>>, %arg1: memref<128x128xf32, #tpu.memory_space<vmem>>, %arg2: memref<128x16xf32, #tpu.memory_space<vmem>>, %arg3: memref<128x16xf32, #tpu.memory_space<vmem>>, %arg4: memref<10000x128xf32, #tpu.memory_space<vmem>>, %arg5: memref<10000x16xf32, #tpu.memory_space<vmem>>, %arg6: memref<10000x16xf32, #tpu.memory_space<vmem>>, %arg7: memref<1x16xf32, #tpu.memory_space<vmem>>) attributes {dimension_semantics = [], scalar_prefetch = 0 : i64, scratch_operands = 0 : i64, tpu.core_type = #tpu.core_type<tc>} {
    %get3A = arith.constant 0 : index
    %get3A_0 = arith.constant 0 : index
    %get3A_1 = vector.load %arg0[%get3A, %get3A_0] : memref<10000x128xf32, #tpu.memory_space<vmem>>, vector<10000x128xf32>
    %get3A_2 = arith.constant 0 : index
    %get3A_3 = arith.constant 0 : index
    %get3A_4 = vector.load %arg1[%get3A_2, %get3A_3] : memref<128x128xf32, #tpu.memory_space<vmem>>, vector<128x128xf32>
    %dot_general3A = arith.constant dense<0.000000e+00> : vector<10000x128xf32>
    %dot_general3A_5 = tpu.matmul %get3A_1, %get3A_4, %dot_general3A {dimension_numbers = #tpu.dot_dimension_numbers<[1], [0], [0], [1], [0, 0, 1, 1], [], []>, transpose_lhs_hint = false} : vector<10000x128xf32>, vector<128x128xf32>, vector<10000x128xf32> -> vector<10000x128xf32>
    %swap3A = arith.constant 0 : index
    %swap3A_6 = arith.constant 0 : index
    %swap3A_7 = vector.load %arg4[%swap3A, %swap3A_6] : memref<10000x128xf32, #tpu.memory_space<vmem>>, vector<10000x128xf32>
    tpu.vector_store %arg4[%swap3A, %swap3A_6], %dot_general3A_5 {strides = array<i32>} : memref<10000x128xf32, #tpu.memory_space<vmem>>, vector<10000x128xf32>,
    %get3A_8 = arith.constant 0 : index
    %get3A_9 = arith.constant 0 : index
    %get3A_10 = vector.load %arg2[%get3A_8, %get3A_9] : memref<128x16xf32, #tpu.memory_space<vmem>>, vector<128x16xf32>
    %dot_general3A_11 = arith.constant dense<0.000000e+00> : vector<10000x16xf32>
    %dot_general3A_12 = tpu.matmul %dot_general3A_5, %get3A_10, %dot_general3A_11 {dimension_numbers = #tpu.dot_dimension_numbers<[1], [0], [0], [1], [0, 0, 1, 1], [], []>, transpose_lhs_hint = false} : vector<10000x128xf32>, vector<128x16xf32>, vector<10000x16xf32> -> vector<10000x16xf32>
    %get3A_13 = arith.constant 0 : index
    %get3A_14 = arith.constant 0 : index
    %get3A_15 = vector.load %arg3[%get3A_13, %get3A_14] : memref<128x16xf32, #tpu.memory_space<vmem>>, vector<128x16xf32>
    %dot_general3A_16 = arith.constant dense<0.000000e+00> : vector<10000x16xf32>
    %dot_general3A_17 = tpu.matmul %dot_general3A_5, %get3A_15, %dot_general3A_16 {dimension_numbers = #tpu.dot_dimension_numbers<[1], [0], [0], [1], [0, 0, 1, 1], [], []>, transpose_lhs_hint = false} : vector<10000x128xf32>, vector<128x16xf32>, vector<10000x16xf32> -> vector<10000x16xf32>
    %swap3A_18 = arith.constant 0 : index
    %swap3A_19 = arith.constant 0 : index
    %swap3A_20 = vector.load %arg5[%swap3A_18, %swap3A_19] : memref<10000x16xf32, #tpu.memory_space<vmem>>, vector<10000x16xf32>
    tpu.vector_store %arg5[%swap3A_18, %swap3A_19], %dot_general3A_12 {strides = array<i32>} : memref<10000x16xf32, #tpu.memory_space<vmem>>, vector<10000x16xf32>,
    %swap3A_21 = arith.constant 0 : index
    %swap3A_22 = arith.constant 0 : index
    %swap3A_23 = vector.load %arg6[%swap3A_21, %swap3A_22] : memref<10000x16xf32, #tpu.memory_space<vmem>>, vector<10000x16xf32>
    tpu.vector_store %arg6[%swap3A_21, %swap3A_22], %dot_general3A_17 {strides = array<i32>} : memref<10000x16xf32, #tpu.memory_space<vmem>>, vector<10000x16xf32>,
    %reduce_max3A = arith.constant dense<0xFF800000> : vector<16xf32>
    %reduce_max3A_24 = vector.multi_reduction <maximumf>, %dot_general3A_12, %reduce_max3A [0] : vector<10000x16xf32> to vector<16xf32>
    %broadcast_in_dim3A = vector.shape_cast %reduce_max3A_24 : vector<16xf32> to vector<1x16xf32>
    %reduce_max3A_25 = arith.constant dense<0xFF800000> : vector<16xf32>
    %reduce_max3A_26 = vector.multi_reduction <maximumf>, %dot_general3A_17, %reduce_max3A_25 [0] : vector<10000x16xf32> to vector<16xf32>
    %broadcast_in_dim3A_27 = vector.shape_cast %reduce_max3A_26 : vector<16xf32> to vector<1x16xf32>
    %add3A = arith.addf %broadcast_in_dim3A, %broadcast_in_dim3A_27 : vector<1x16xf32>
    %max3A = arith.constant 0.000000e+00 : f32
    %max3A_28 = vector.broadcast %max3A : f32 to vector<1x16xf32>
    %max3A_29 = arith.maximumf %add3A, %max3A_28 : vector<1x16xf32>
    %swap3A_30 = arith.constant 0 : index
    %swap3A_31 = arith.constant 0 : index
    %swap3A_32 = vector.load %arg7[%swap3A_30, %swap3A_31] : memref<1x16xf32, #tpu.memory_space<vmem>>, vector<1x16xf32>
    tpu.vector_store %arg7[%swap3A_30, %swap3A_31], %max3A_29 {strides = array<i32>} : memref<1x16xf32, #tpu.memory_space<vmem>>, vector<1x16xf32>,
    return
  }
}

module attributes {stable_mosaic.version = 14 : i64} {
  func.func @_mid_body(%arg0: memref<10240x144xf32, #tpu.memory_space<vmem>>, %arg1: memref<10240x144xf32, #tpu.memory_space<vmem>>, %arg2: memref<144x128xf32, #tpu.memory_space<vmem>>, %arg3: memref<144x128xf32, #tpu.memory_space<vmem>>, %arg4: memref<128xf32, #tpu.memory_space<vmem>>, %arg5: memref<128x64xf32, #tpu.memory_space<vmem>>, %arg6: memref<64x16xf32, #tpu.memory_space<vmem>>, %arg7: memref<64x16xf32, #tpu.memory_space<vmem>>, %arg8: memref<10240x64xf32, #tpu.memory_space<vmem>>, %arg9: memref<10240x16xf32, #tpu.memory_space<vmem>>, %arg10: memref<10240x16xf32, #tpu.memory_space<vmem>>, %arg11: memref<1x16xf32, #tpu.memory_space<vmem>>) attributes {dimension_semantics = [], scalar_prefetch = 0 : i64, scratch_operands = 0 : i64, tpu.core_type = #tpu.core_type<tc>} {
    %get3A = arith.constant 0 : index
    %get3A_0 = arith.constant 0 : index
    %get3A_1 = vector.load %arg0[%get3A, %get3A_0] : memref<10240x144xf32, #tpu.memory_space<vmem>>, vector<10240x144xf32>
    %get3A_2 = arith.constant 0 : index
    %get3A_3 = arith.constant 0 : index
    %get3A_4 = vector.load %arg1[%get3A_2, %get3A_3] : memref<10240x144xf32, #tpu.memory_space<vmem>>, vector<10240x144xf32>
    %add3A = arith.addf %get3A_1, %get3A_4 : vector<10240x144xf32>
    %get3A_5 = arith.constant 0 : index
    %get3A_6 = arith.constant 0 : index
    %get3A_7 = vector.load %arg2[%get3A_5, %get3A_6] : memref<144x128xf32, #tpu.memory_space<vmem>>, vector<144x128xf32>
    %dot_general3A = arith.constant dense<0.000000e+00> : vector<10240x128xf32>
    %dot_general3A_8 = tpu.matmul %add3A, %get3A_7, %dot_general3A {dimension_numbers = #tpu.dot_dimension_numbers<[1], [0], [0], [1], [0, 0, 1, 1], [], []>, transpose_lhs_hint = false} : vector<10240x144xf32>, vector<144x128xf32>, vector<10240x128xf32> -> vector<10240x128xf32>
    %get3A_9 = arith.constant 0 : index
    %get3A_10 = arith.constant 0 : index
    %get3A_11 = vector.load %arg3[%get3A_9, %get3A_10] : memref<144x128xf32, #tpu.memory_space<vmem>>, vector<144x128xf32>
    %dot_general3A_12 = arith.constant dense<0.000000e+00> : vector<10240x128xf32>
    %dot_general3A_13 = tpu.matmul %add3A, %get3A_11, %dot_general3A_12 {dimension_numbers = #tpu.dot_dimension_numbers<[1], [0], [0], [1], [0, 0, 1, 1], [], []>, transpose_lhs_hint = false} : vector<10240x144xf32>, vector<144x128xf32>, vector<10240x128xf32> -> vector<10240x128xf32>
    %add3A_14 = arith.constant 1.000000e-16 : f32
    %add3A_15 = vector.broadcast %add3A_14 : f32 to vector<10240x128xf32>
    %add3A_16 = arith.addf %dot_general3A_13, %add3A_15 : vector<10240x128xf32>
    %div3A = arith.divf %dot_general3A_8, %add3A_16 : vector<10240x128xf32>
    %get3A_17 = arith.constant 0 : index
    %get3A_18 = vector.load %arg4[%get3A_17] : memref<128xf32, #tpu.memory_space<vmem>>, vector<128xf32>
    %broadcast_in_dim3A = vector.shape_cast %get3A_18 : vector<128xf32> to vector<1x128xf32>
    %add3A_19 = vector.broadcast %broadcast_in_dim3A : vector<1x128xf32> to vector<10240x128xf32>
    %add3A_20 = arith.addf %div3A, %add3A_19 : vector<10240x128xf32>
    %max3A = arith.constant 0.000000e+00 : f32
    %max3A_21 = vector.broadcast %max3A : f32 to vector<10240x128xf32>
    %max3A_22 = arith.maximumf %add3A_20, %max3A_21 : vector<10240x128xf32>
    %get3A_23 = arith.constant 0 : index
    %get3A_24 = arith.constant 0 : index
    %get3A_25 = vector.load %arg5[%get3A_23, %get3A_24] : memref<128x64xf32, #tpu.memory_space<vmem>>, vector<128x64xf32>
    %dot_general3A_26 = arith.constant dense<0.000000e+00> : vector<10240x64xf32>
    %dot_general3A_27 = tpu.matmul %max3A_22, %get3A_25, %dot_general3A_26 {dimension_numbers = #tpu.dot_dimension_numbers<[1], [0], [0], [1], [0, 0, 1, 1], [], []>, transpose_lhs_hint = false} : vector<10240x128xf32>, vector<128x64xf32>, vector<10240x64xf32> -> vector<10240x64xf32>
    %swap3A = arith.constant 0 : index
    %swap3A_28 = arith.constant 0 : index
    %swap3A_29 = vector.load %arg8[%swap3A, %swap3A_28] : memref<10240x64xf32, #tpu.memory_space<vmem>>, vector<10240x64xf32>
    tpu.vector_store %arg8[%swap3A, %swap3A_28], %dot_general3A_27 {strides = array<i32>} : memref<10240x64xf32, #tpu.memory_space<vmem>>, vector<10240x64xf32>,
    %get3A_30 = arith.constant 0 : index
    %get3A_31 = arith.constant 0 : index
    %get3A_32 = vector.load %arg6[%get3A_30, %get3A_31] : memref<64x16xf32, #tpu.memory_space<vmem>>, vector<64x16xf32>
    %dot_general3A_33 = arith.constant dense<0.000000e+00> : vector<10240x16xf32>
    %dot_general3A_34 = tpu.matmul %dot_general3A_27, %get3A_32, %dot_general3A_33 {dimension_numbers = #tpu.dot_dimension_numbers<[1], [0], [0], [1], [0, 0, 1, 1], [], []>, transpose_lhs_hint = false} : vector<10240x64xf32>, vector<64x16xf32>, vector<10240x16xf32> -> vector<10240x16xf32>
    %get3A_35 = arith.constant 0 : index
    %get3A_36 = arith.constant 0 : index
    %get3A_37 = vector.load %arg7[%get3A_35, %get3A_36] : memref<64x16xf32, #tpu.memory_space<vmem>>, vector<64x16xf32>
    %dot_general3A_38 = arith.constant dense<0.000000e+00> : vector<10240x16xf32>
    %dot_general3A_39 = tpu.matmul %dot_general3A_27, %get3A_37, %dot_general3A_38 {dimension_numbers = #tpu.dot_dimension_numbers<[1], [0], [0], [1], [0, 0, 1, 1], [], []>, transpose_lhs_hint = false} : vector<10240x64xf32>, vector<64x16xf32>, vector<10240x16xf32> -> vector<10240x16xf32>
    %swap3A_40 = arith.constant 0 : index
    %swap3A_41 = arith.constant 0 : index
    %swap3A_42 = vector.load %arg9[%swap3A_40, %swap3A_41] : memref<10240x16xf32, #tpu.memory_space<vmem>>, vector<10240x16xf32>
    tpu.vector_store %arg9[%swap3A_40, %swap3A_41], %dot_general3A_34 {strides = array<i32>} : memref<10240x16xf32, #tpu.memory_space<vmem>>, vector<10240x16xf32>,
    %swap3A_43 = arith.constant 0 : index
    %swap3A_44 = arith.constant 0 : index
    %swap3A_45 = vector.load %arg10[%swap3A_43, %swap3A_44] : memref<10240x16xf32, #tpu.memory_space<vmem>>, vector<10240x16xf32>
    tpu.vector_store %arg10[%swap3A_43, %swap3A_44], %dot_general3A_39 {strides = array<i32>} : memref<10240x16xf32, #tpu.memory_space<vmem>>, vector<10240x16xf32>,
    %reduce_max3A = arith.constant dense<0xFF800000> : vector<16xf32>
    %reduce_max3A_46 = vector.multi_reduction <maximumf>, %dot_general3A_34, %reduce_max3A [0] : vector<10240x16xf32> to vector<16xf32>
    %broadcast_in_dim3A_47 = vector.shape_cast %reduce_max3A_46 : vector<16xf32> to vector<1x16xf32>
    %reduce_max3A_48 = arith.constant dense<0xFF800000> : vector<16xf32>
    %reduce_max3A_49 = vector.multi_reduction <maximumf>, %dot_general3A_39, %reduce_max3A_48 [0] : vector<10240x16xf32> to vector<16xf32>
    %broadcast_in_dim3A_50 = vector.shape_cast %reduce_max3A_49 : vector<16xf32> to vector<1x16xf32>
    %add3A_51 = arith.addf %broadcast_in_dim3A_47, %broadcast_in_dim3A_50 : vector<1x16xf32>
    %max3A_52 = arith.constant 0.000000e+00 : f32
    %max3A_53 = vector.broadcast %max3A_52 : f32 to vector<1x16xf32>
    %max3A_54 = arith.maximumf %add3A_51, %max3A_53 : vector<1x16xf32>
    %swap3A_55 = arith.constant 0 : index
    %swap3A_56 = arith.constant 0 : index
    %swap3A_57 = vector.load %arg11[%swap3A_55, %swap3A_56] : memref<1x16xf32, #tpu.memory_space<vmem>>, vector<1x16xf32>
    tpu.vector_store %arg11[%swap3A_55, %swap3A_56], %max3A_54 {strides = array<i32>} : memref<1x16xf32, #tpu.memory_space<vmem>>, vector<1x16xf32>,
    return
  }
}

module attributes {stable_mosaic.version = 14 : i64} {
  func.func @_final_body(%arg0: memref<10240x80xf32, #tpu.memory_space<vmem>>, %arg1: memref<10240x80xf32, #tpu.memory_space<vmem>>, %arg2: memref<80x64xf32, #tpu.memory_space<vmem>>, %arg3: memref<80x64xf32, #tpu.memory_space<vmem>>, %arg4: memref<64xf32, #tpu.memory_space<vmem>>, %arg5: memref<10000x64xf32, #tpu.memory_space<vmem>>) attributes {dimension_semantics = [], scalar_prefetch = 0 : i64, scratch_operands = 0 : i64, tpu.core_type = #tpu.core_type<tc>} {
    %get3A = arith.constant 0 : index
    %get3A_0 = arith.constant 0 : index
    %get3A_1 = vector.load %arg0[%get3A, %get3A_0] : memref<10240x80xf32, #tpu.memory_space<vmem>>, vector<10240x80xf32>
    %slice3A = vector.extract_strided_slice %get3A_1 {offsets = [0, 0], sizes = [10000, 80], strides = [1, 1]} : vector<10240x80xf32> to vector<10000x80xf32>
    %get3A_2 = arith.constant 0 : index
    %get3A_3 = arith.constant 0 : index
    %get3A_4 = vector.load %arg1[%get3A_2, %get3A_3] : memref<10240x80xf32, #tpu.memory_space<vmem>>, vector<10240x80xf32>
    %slice3A_5 = vector.extract_strided_slice %get3A_4 {offsets = [0, 0], sizes = [10000, 80], strides = [1, 1]} : vector<10240x80xf32> to vector<10000x80xf32>
    %add3A = arith.addf %slice3A, %slice3A_5 : vector<10000x80xf32>
    %get3A_6 = arith.constant 0 : index
    %get3A_7 = arith.constant 0 : index
    %get3A_8 = vector.load %arg2[%get3A_6, %get3A_7] : memref<80x64xf32, #tpu.memory_space<vmem>>, vector<80x64xf32>
    %dot_general3A = arith.constant dense<0.000000e+00> : vector<10000x64xf32>
    %dot_general3A_9 = tpu.matmul %add3A, %get3A_8, %dot_general3A {dimension_numbers = #tpu.dot_dimension_numbers<[1], [0], [0], [1], [0, 0, 1, 1], [], []>, transpose_lhs_hint = false} : vector<10000x80xf32>, vector<80x64xf32>, vector<10000x64xf32> -> vector<10000x64xf32>
    %get3A_10 = arith.constant 0 : index
    %get3A_11 = arith.constant 0 : index
    %get3A_12 = vector.load %arg3[%get3A_10, %get3A_11] : memref<80x64xf32, #tpu.memory_space<vmem>>, vector<80x64xf32>
    %dot_general3A_13 = arith.constant dense<0.000000e+00> : vector<10000x64xf32>
    %dot_general3A_14 = tpu.matmul %add3A, %get3A_12, %dot_general3A_13 {dimension_numbers = #tpu.dot_dimension_numbers<[1], [0], [0], [1], [0, 0, 1, 1], [], []>, transpose_lhs_hint = false} : vector<10000x80xf32>, vector<80x64xf32>, vector<10000x64xf32> -> vector<10000x64xf32>
    %add3A_15 = arith.constant 1.000000e-16 : f32
    %add3A_16 = vector.broadcast %add3A_15 : f32 to vector<10000x64xf32>
    %add3A_17 = arith.addf %dot_general3A_14, %add3A_16 : vector<10000x64xf32>
    %div3A = arith.divf %dot_general3A_9, %add3A_17 : vector<10000x64xf32>
    %get3A_18 = arith.constant 0 : index
    %get3A_19 = vector.load %arg4[%get3A_18] : memref<64xf32, #tpu.memory_space<vmem>>, vector<64xf32>
    %broadcast_in_dim3A = vector.shape_cast %get3A_19 : vector<64xf32> to vector<1x64xf32>
    %add3A_20 = vector.broadcast %broadcast_in_dim3A : vector<1x64xf32> to vector<10000x64xf32>
    %add3A_21 = arith.addf %div3A, %add3A_20 : vector<10000x64xf32>
    %reduce_max3A = arith.constant dense<0xFF800000> : vector<10000xf32>
    %reduce_max3A_22 = vector.multi_reduction <maximumf>, %add3A_21, %reduce_max3A [1] : vector<10000x64xf32> to vector<10000xf32>
    %broadcast_in_dim3A_23 = vector.shape_cast %reduce_max3A_22 : vector<10000xf32> to vector<10000x1xf32>
    %sub3A = vector.broadcast %broadcast_in_dim3A_23 : vector<10000x1xf32> to vector<10000x64xf32>
    %sub3A_24 = arith.subf %add3A_21, %sub3A : vector<10000x64xf32>
    %exp3A = math.exp %sub3A_24 : vector<10000x64xf32>
    %sub3A_25 = vector.broadcast %broadcast_in_dim3A_23 : vector<10000x1xf32> to vector<10000x64xf32>
    %sub3A_26 = arith.subf %add3A_21, %sub3A_25 : vector<10000x64xf32>
    %reduce_sum3A = arith.constant dense<0.000000e+00> : vector<10000xf32>
    %reduce_sum3A_27 = vector.multi_reduction <add>, %exp3A, %reduce_sum3A [1] : vector<10000x64xf32> to vector<10000xf32>
    %broadcast_in_dim3A_28 = vector.shape_cast %reduce_sum3A_27 : vector<10000xf32> to vector<10000x1xf32>
    %log3A = math.log %broadcast_in_dim3A_28 : vector<10000x1xf32>
    %sub3A_29 = vector.broadcast %log3A : vector<10000x1xf32> to vector<10000x64xf32>
    %sub3A_30 = arith.subf %sub3A_26, %sub3A_29 : vector<10000x64xf32>
    %swap3A = arith.constant 0 : index
    %swap3A_31 = arith.constant 0 : index
    %swap3A_32 = vector.load %arg5[%swap3A, %swap3A_31] : memref<10000x64xf32, #tpu.memory_space<vmem>>, vector<10000x64xf32>
    tpu.vector_store %arg5[%swap3A, %swap3A_31], %sub3A_30 {strides = array<i32>} : memref<10000x64xf32, #tpu.memory_space<vmem>>, vector<10000x64xf32>,
    return
  }
}

</mosaic_0001>

<sc_bundles>
// kernel: kernel.10.cloned.1.call-start
scs
__scs_entry_jumppad:
0x0: {  	(pc) =	sbr.rel $0x88, $3  }
0x1: {  	(tag) =	ssettag $0x0;
	lr =	simm.s32 $0x1  }
0x2: {  	[smem:$0x3F97] =	sst lr;
	_ =	strace $0xD0000000  }
0x3: {  	_ = 	snop  }
0x4: {  	_ = 	snop  }
0x5: {  	_ = 	snop  }
0x6: {  	_ = 	snop  }
0x7: {  	_ = 	snop  }
__scs_overlays_trampoline_lowered:
0x8: {  	[smem:$0x3FA6] =	sst s0  }
0x9: {  	[smem:$0x3FA7] =	sst s1  }
0xa: {  	[smem:$0x3FA8] =	sst s2  }
0xb: {  	[smem:$0x3FA9] =	sst s3  }
0xc: {  	[smem:$0x3FAA] =	sst s4  }
0xd: {  	[smem:$0x3FAB] =	sst s5  }
0xe: {  	[smem:$0x3FAC] =	sst s6  }
0xf: {  	[smem:$0x3FAD] =	sst s7  }
0x10: {  	[smem:$0x3FAE] =	sst s8  }
0x11: {  	[smem:$0x3FAF] =	sst s9;
	s0 =	simm.s32 @!p0 $0x0  }
0x12: {  	s1 =	sld [smem:$0x3F95];
	s0 =	simm.s32 @p0 $0x1  }
0x13: {  	[smem:$0x3FB0] =	sst s0;
	s0 =	simm.s32 @!p1 $0x0  }
0x14: {  	s2 =	sld [smem:$0x3F94];
	s0 =	simm.s32 @p1 $0x1  }
0x15: {  	[smem:$0x3FB1] =	sst s0;
	s0 =	simm.s32 @!p2 $0x0  }
0x16: {  	s3 =	sld [smem:$0x3FDB];
	s0 =	simm.s32 @p2 $0x1  }
0x17: {  	s4 =	simm.s32 $0x1BF5;
	[smem:$0x3FB3] =	sst s0  }
0x18: {  	s0 =	sld [smem:$0x3F96];
	_ =	swait.ge [sflag:s4], $0x0  }
0x19: {  	s7 =	sld [smem:$0x3F97]  }
0x1a: {  	s8 =	sadd.s32 $0xFFFFE003, lr  }
0x1b: {  	s9 =	sadd.s32 $0xFFFFFEF7, lr;
	s5 =	simm.s32 $0xFFFFFFFF;
	p2 =	slt.u32 s8, $0xFFFFF086  }
0x1c: {  	p1 =	slt.u32 s9, $0xF7A;
	s5 =	simm.s32 @!p2 $0x0  }
0x1d: {  	s5 =	simm.s32 @p1 $0x1;
	p0 =	seq.s32 s7, s2  }
0x1e: {  	s7 =	smul.u32 @!p0 $0xF7A, s2;
	p2 =	seq.s32 @!p0 s5, $0x0  }
0x1f: {  	s9 =	smul.u32 $0xF7A, s1;
	s8 =	simm.s32 @!p0 $0x1BF5;
	p2 =	por !p2, p0  }
0x20: {  	[sflag:s8] =	ssyncset.s32 @!p0 $0xFFFFF086;
	s6 =	sadd.s32 @!p0 s3, s7;
	s7 =	simm.s32 @!p0 $0x108  }
0x21: {  	s3 =	sadd.s32 s3, s9;
	s6 =	sadd.s32 @!p0 $0x88, s6;
	s7 =	simm.s32 @p2 $0x1082  }
0x22: {  	[simem:s7], [sflag:s8] =	dma.local @!p0 [hbm:s6], $0xF7A  }
0x23: {  	s9 =	sor.u32 $0xD0000000, s2;
	s6 =	simm.s32 $0x108;
	_ =	swait.ge @!p0 [sflag:s8], $0x0  }
0x24: {  	s3 =	sadd.s32 $0x88, s3;
	s6 =	simm.s32 @!p1 $0x1082;
	[sflag:s4] =	ssyncset.s32 $0xFFFFF086  }
0x25: {  	[simem:s6], [sflag:s4] =	dma.local [hbm:s3], $0xF7A  }
0x26: {  	[smem:$0x3F97] =	sst s1;
	(tag) =	ssettag s2;
	_ =	strace s9  }
0x27: {  	s1 =	sld [smem:$0x3FA7]  }
0x28: {  	s2 =	sld [smem:$0x3FA8]  }
0x29: {  	s4 =	sld [smem:$0x3FAA]  }
0x2a: {  	p0 =	seq.s32 s5, $0x0;
	s5 =	sld [smem:$0x3FAB]  }
0x2b: {  	s6 =	sld [smem:$0x3FAC]  }
0x2c: {  	s7 =	sld [smem:$0x3FAD]  }
0x2d: {  	s3 =	simm.s32 $0x108;
	s8 =	sld [smem:$0x3FAE]  }
0x2e: {  	s3 =	simm.s32 @!p0 $0x1082;
	s9 =	sld [smem:$0x3FAF]  }
0x2f: {  	lr =	sadd.s32 s0, s3;
	s0 =	sld [smem:$0x3FA6]  }
0x30: {  	s3 =	sld [smem:$0x3FA9]  }
0x31: {  	[smem:$0x3FB2] =	sst s10  }
0x32: {  	s10 =	sld [smem:$0x3FB0];
	_ =	sdelay $0x3  }
0x33: {  	p0 =	seq.s32 s10, $0x1;
	s10 =	sld [smem:$0x3FB2];
	_ =	sdelay $0x3  }
0x34: {  	[smem:$0x3FB2] =	sst s10  }
0x35: {  	s10 =	sld [smem:$0x3FB1];
	_ =	sdelay $0x3  }
0x36: {  	p1 =	seq.s32 s10, $0x1;
	s10 =	sld [smem:$0x3FB2];
	_ =	sdelay $0x3  }
0x37: {  	[smem:$0x3FB2] =	sst s10  }
0x38: {  	s10 =	sld [smem:$0x3FB3]  }
0x39: {  	_ = 	snop;
	(pc) =	sbr.ind lr, $3  }
0x3a: {  	_ = 	snop  }
0x3b: {  	_ = 	snop  }
0x3c: {  	p2 =	seq.s32 s10, $0x1;
	s10 =	sld [smem:$0x3FB2]  }
0x3d: {  	_ =	shalt  }
0x3e: {  	_ =	shalt  }
0x3f: {  	_ =	shalt  }
0x40: {  	_ =	shalt  }
0x41: {  	_ =	shalt  }
0x42: {  	_ =	shalt  }
0x43: {  	_ =	shalt  }
0x44: {  	_ =	shalt  }
0x45: {  	_ =	shalt  }
0x46: {  	_ =	shalt  }
0x47: {  	_ =	shalt  }
0x48: {  	_ =	shalt  }
0x49: {  	_ =	shalt  }
0x4a: {  	_ =	shalt  }
0x4b: {  	_ =	shalt  }
0x4c: {  	_ =	shalt  }
0x4d: {  	_ =	shalt  }
0x4e: {  	_ =	shalt  }
0x4f: {  	_ =	shalt  }
0x50: {  	_ =	shalt  }
0x51: {  	_ =	shalt  }
0x52: {  	_ =	shalt  }
0x53: {  	_ =	shalt  }
0x54: {  	_ =	shalt  }
0x55: {  	_ =	shalt  }
0x56: {  	_ =	shalt  }
0x57: {  	_ =	shalt  }
0x58: {  	_ =	shalt  }
0x59: {  	_ =	shalt  }
0x5a: {  	_ =	shalt  }
0x5b: {  	_ =	shalt  }
0x5c: {  	_ =	shalt  }
0x5d: {  	_ =	shalt  }
0x5e: {  	_ =	shalt  }
0x5f: {  	_ =	shalt  }
0x60: {  	_ =	shalt  }
0x61: {  	_ =	shalt  }
0x62: {  	_ =	shalt  }
0x63: {  	_ =	shalt  }
0x64: {  	_ =	shalt  }
0x65: {  	_ =	shalt  }
0x66: {  	_ =	shalt  }
0x67: {  	_ =	shalt  }
0x68: {  	_ =	shalt  }
0x69: {  	_ =	shalt  }
0x6a: {  	_ =	shalt  }
0x6b: {  	_ =	shalt  }
0x6c: {  	_ =	shalt  }
0x6d: {  	_ =	shalt  }
0x6e: {  	_ =	shalt  }
0x6f: {  	_ =	shalt  }
0x70: {  	_ =	shalt  }
0x71: {  	_ =	shalt  }
0x72: {  	_ =	shalt  }
0x73: {  	_ =	shalt  }
0x74: {  	_ =	shalt  }
0x75: {  	_ =	shalt  }
0x76: {  	_ =	shalt  }
0x77: {  	_ =	shalt  }
0x78: {  	_ =	shalt  }
0x79: {  	_ =	shalt  }
0x7a: {  	_ =	shalt  }
0x7b: {  	_ =	shalt  }
0x7c: {  	_ =	shalt  }
0x7d: {  	_ =	shalt  }
0x7e: {  	_ =	shalt  }
0x7f: {  	_ =	shalt  }
0x80: {  	_ =	shalt  }
0x81: {  	_ =	shalt  }
0x82: {  	_ =	shalt  }
0x83: {  	_ =	shalt  }
0x84: {  	_ =	shalt  }
0x85: {  	_ =	shalt  }
0x86: {  	_ =	shalt  }
0x87: {  	_ =	shalt  }
.Lfunc_end0:
.L_simem_size_0:
called_computation.1_lowered:
.L_overlay_start_0:
0x88: {  	s2 =	sld [smem:$0x3FD9]  }
0x89: {  	s3 =	sld [smem:$0x3FFE];
	_ =	sdelay $0x1  }
0x8a: {  	s1 =	srdreg.scid  }
0x8b: {  	s0 =	sand.u32 $0x1, s1  }
0x8c: {  	s17 =	sshll.u32 s0, $0xA;
	s2 =	sadd.s32 s3, s2  }
0x8d: {  	s2 =	sadd.s32 s2, s17  }
0x8e: {  	[smem:$0x3FBE] =	sst s2  }
0x8f: {  	_ = 	snop  }
0x90: {  	s2 =	sld [smem:$0x3FD0];
	(tm) =	ssettm $0x1  }
0x91: {  	s18 =	sld [smem:$0x3FFB];
	_ =	sdelay $0x3  }
0x92: {  	_ =	strace s18  }
0x93: {  	s3 =	sld [smem:$0x3FFC];
	_ =	sdelay $0x3  }
0x94: {  	_ =	strace s3  }
0x95: {  	s3 =	sld [smem:$0x3FFD];
	_ =	sdelay $0x3  }
0x96: {  	_ =	strace s3  }
0x97: {  	_ =	strace $0x8FFFFFFF  }
0x98: {  	s19 =	sld [smem:$0x3FDB];
	_ =	sdelay $0x1  }
0x99: {  	s4 =	simm.s32 $_scs_section_size  }
0x9a: {  	s5 =	simm.s32 $_size__tile_overlayer_lowered;
	s6 =	simm.s32 $_tile_overlayer_lowered  }
0x9b: {  	s22 =	simm.s32 $0x1BFF;
	s21 =	sshll.u32 s6, $0x1;
	s3 =	sadd.s32 s4, s19  }
0x9c: {  	s7 =	simm.s32 $0x0;
	s20 =	sshll.u32 s5, $0x1;
	s5 =	sadd.s32 s21, s3  }
0x9d: {  	[timem:s7], [sflag:s22] =	dma.local [hbm:s5], s20  }
0x9e: {  	_ =	swait.ge [sflag:s22], s20  }
0x9f: {  	s4 =	ssub.s32 $0x0, s20;
	[sflag:s22] =	ssyncset.done $0x0  }
0xa0: {  	[sflag:s22] =	ssyncadd.s32 s4;
	_ =	sdelay $0x1  }
0xa1: {  	s23 =	simm.s32 $0x1B8B  }
0xa2: {  	_ =	swait.ge [sflag:s23], $0x1  }
0xa3: {  	[sflag:s23] =	ssyncset.done $0x0  }
0xa4: {  	s25 =	simm.s32 $0x1B8E;
	s24 =	sld [smem:$0x3FFE];
	[sflag:s23] =	ssyncadd.s32 $0xFFFFFFFF  }
0xa5: {  	s26 =	simm.s32 $execute0_lowered;
	[smem:$0x3FD2] =	sst s25  }
0xa6: {  	s5 =	sshll.u32 s26, $0x1;
	_ =	strace $0x80000049;
	[dreg:$0x1] =	wrdreg $0xFFFFFFFF  }
0xa7: {  	s28 =	simm.s32 $_size_execute0_lowered;
	s3 =	sadd.s32 s3, s5;
	[dreg:$0x0] =	wrdreg $0x0  }
0xa8: {  	s5 =	sshll.u32 s28, $0x1;
	[dreg:$0x2] =	wrdreg s3  }
0xa9: {  	[dreg:$0x3] =	wrdreg s5  }
0xaa: {  	[dreg:$0x4] =	wrdreg $0xC0  }
0xab: {  	_ =	task [dreg:s7], $0x5FFFF  }
0xac: {  	[dreg:$0x1] =	wrdreg $0xFFFFFFFF  }
0xad: {  	[dreg:$0x0] =	wrdreg $0x60  }
0xae: {  	[dreg:$0x2] =	wrdreg s24  }
0xaf: {  	[dreg:$0x3] =	wrdreg s2  }
0xb0: {  	[dreg:$0x4] =	wrdreg $0x0  }
0xb1: {  	[dreg:$0x5] =	wrdreg $0x9  }
0xb2: {  	_ =	task.clear_ibuf [dreg:s7], $0x6FFFF;
	_ =	strace $0x90000049  }
0xb3: {  	s29 =	simm.s32 $0x9;
	_ =	strace $0x8000004B  }
0xb4: {  	_ =	swait.ge [sflag:s29], $0x1  }
0xb5: {  	[sflag:s29] =	ssyncadd.s32 $0xFFFFFFFF  }
0xb6: {  	_ =	strace $0x9000004B  }
0xb7: {  	_ =	sfence  }
0xb8: {  	s30 =	sld [smem:$0x0];
	_ =	sdelay $0x2  }
0xb9: {  	s31 =	sshll.u32 s1, $0xD;
	s1 =	sshrl.u32 s1, $0x2  }
0xba: {  	s3 =	sand.u32 $0x4000, s31;
	s1 =	sadd.s32 s1, s30  }
0xbb: {  	s0 =	sor.u32 s3, s0;
	s1 =	sshll.u32 s1, $0x11  }
0xbc: {  	s0 =	sor.u32 s1, s0  }
0xbd: {  	s0 =	sadd.s32 $0x8F2B, s0  }
0xbe: {  	[sflag:s0] =	ssyncadd.remote.s32 $0x1  }
0xbf: {  	_ =	sfence.sel $0xFFFF  }
0xc0: {  	[dreg:$0x0] =	wrdreg $0xFFFFFFFF;
	(pc) =	sbr.abs _section_cstart, $3  }
0xc1: {  	[dreg:$0x1] =	wrdreg $0xFFFFFFFF  }
0xc2: {  	_ =	task.clear_ibuf [dreg:s7], $0x2FFFF;
	_ =	strace $0x9FFFFFFF  }
0xc3: {  	(tm) =	ssettm $0x7FFFFFFF  }
tec
execute0_lowered:
.L_overlay_start_1:
0x0: {  	(tag) =	ssettag $0x1  }
0x1: {  	s0 =	rddreg [dreg:$0x0]  }
0x2: {  	s1 =	rddreg [dreg:$0x1]  }
0x3: {  	s2 =	rddreg [dreg:$0x2];
	s3 =	simm.s32 $0x0  }
0x4: {  	s13 =	stileid.u32;
	s8 =	srdreg.scid;
	s19 =	simm.s32 $0x5  }
0x5: {  	s28 =	simm.s32 $0xC828;
	s29 =	simm.s32 $0xC878;
	s30 =	simm.s32 $0xD2A0  }
0x6: {  	s31 =	simm.s32 $0xDF20;
	s20 =	simm.s32 $0xE6A0;
	[smem:$0x7FF] =	sst s3  }
0x7: {  	s5 =	sadd.s32 $0x2C00, s0;
	s6 =	sadd.s32 $0x1BC00, s0;
	s7 =	sadd.s32 $0x16C00, s0  }
0x8: {  	s4 =	sadd.s32 $0x2A00, s0;
	s21 =	smul.u32 $0xC800, s13;
	s9 =	sadd.s32 $0x33E00, s0  }
0x9: {  	s8 =	sand.u32 $0x1, s8;
	s10 =	sshll.u32 s13, $0x1;
	s23 =	sshll.u32 s13, $0x6  }
0xa: {  	_ =	strace $0x8000004A;
	[dreg:$0x4] =	wrdreg s4;
	s12 =	ssub.s32 $0x2, s8  }
0xb: {  	s10 =	sor.u32 s8, s10;
	s13 =	sor.u32 $0x1C05, s23;
	p0 =	seq.s32 s8, $0x1  }
0xc: {  	s8 =	simm.s32 $0x56C00;
	s23 =	simm.s32 $0x28;
	s11 =	sshrl.u32 s21, $0x3  }
0xd: {  	s22 =	sshrl.u32 s12, $0x1;
	s10 =	smul.u32 $0x2710, s10;
	s4 =	sadd.s32 s21, s2  }
0xe: {  	s8 =	simm.s32 @!p0 $0x6FC00;
	s0 =	sadd.s32 s11, s0;
	s11 =	ssub.s32 s12, s22  }
0xf: {  	s22 =	simm.s32 $0xC850;
	s24 =	sadd.s32 $0x3DC00, s0;
	s25 =	sshrl.u32 s10, $0x3  }
0x10: {  	s15 =	sadd.s32 $0x50, s10;
	s26 =	smax.u32 s11, $0x1;
	[dreg:$0x5] =	wrdreg s24  }
0x11: {  	s0 =	sadd.s32 s8, s0;
	s11 =	sshrl.u32 s4, $0x3;
	[dreg:$0x8] =	wrdreg s26  }
0x12: {  	s4 =	simm.s32 $0x1;
	s14 =	sadd.s32 s9, s25;
	[dreg:$0x9] =	wrdreg s0  }
0x13: {  	s12 =	sadd.s32 s1, s25;
	s0 =	simm.s32 $0xE420;
	[dreg:$0xa] =	wrdreg s11  }
0x14: {  	s24 =	simm.s32 $0x2;
	s25 =	simm.s32 $0xF320;
	[dreg:$0x6] =	wrdreg s14  }
0x15: {  	[dreg:$0x7] =	wrdreg s12;
	s14 =	sadd.s32 $0x28, s10;
	s10 =	simm.s32 $0x0  }
.LBB2_1:
0x16: {  	s8 =	rddreg [dreg:$0x5]  }
0x17: {  	[spmem:s11], [sflag:s13] =	dma.local [hbm:s8], $0x1900  }
0x18: {  	_ =	swait.ge [sflag:s19], $0x1900  }
0x19: {  	[sflag:s19] =	ssyncset.done $0x0  }
0x1a: {  	s26 =	simm.s32 $0xFFA0;
	s21 =	rddreg [dreg:$0x4];
	[sflag:s19] =	ssyncadd.s32 $0xFFFFE700  }
0x1b: {  	[tilespmem:s26], [sflag:$0x5] =	stream.linear.gather [hbm4b:s21+s3], $0x10, $0x38;
	[tilespmem:$0xFFB0] =	vst v63  }
0x1c: {  	_ =	swait.ge [sflag:s19], $0x10  }
0x1d: {  	[sflag:s19] =	ssyncset.done $0x0  }
0x1e: {  	[sflag:s19] =	ssyncadd.s32 $0xFFFFFFF0  }
0x1f: {  	[bflag:$0x0] =	sbarrier.arrive $0xFFFF  }
0x20: {  	s18 =	smov.u32 s13;
	s13 =	simm.s32 $0xC800;
	s12 =	rddreg [dreg:$0x6]  }
0x21: {  	v0 =	vld [tilespmem:$0xFFA0];
	[tilespmem:s13], [sflag:$0x5] =	stream.linear.gather [hbm4b:s12+s3], $0x28, $0x38  }
0x22: {  	_ =	swait.ge [sflag:s19], $0x28  }
0x23: {  	[sflag:s19] =	ssyncset.done $0x0  }
0x24: {  	s16 =	rddreg [dreg:$0x7];
	[sflag:s19] =	ssyncadd.s32 $0xFFFFFFD8  }
0x25: {  	[tilespmem:s22], [sflag:$0x5] =	stream.linear.gather [hbm4b:s16+s3], $0x28, $0x38;
	[tilespmem:$0xFFB0] =	vst v63  }
0x26: {  	_ =	swait.ge [sflag:s19], $0x28  }
0x27: {  	[sflag:s19] =	ssyncset.done $0x0  }
0x28: {  	s17 =	simm.s32 $0xC8A0;
	[sflag:s19] =	ssyncadd.s32 $0xFFFFFFD8  }
0x29: {  	[tilespmem:s17], [sflag:$0x1] =	stream.indirect.gather [hbm4b:s5+s23], $0x40, s13, s23, $0xb8;
	[tilespmem:$0xFFB0] =	vst v63  }
0x2a: {  	s21 =	simm.s32 $0xDCA0  }
0x2b: {  	[tilespmem:s21], [sflag:$0x1] =	stream.indirect.gather [hbm4b:s6+s23], $0x10, s13, s23, $0xb8;
	[tilespmem:$0xFFB0] =	vst v63  }
0x2c: {  	s26 =	simm.s32 $0xE1A0;
	s12 =	simm.s32 $0x0  }
0x2d: {  	[tilespmem:s26], [sflag:$0x1] =	stream.indirect.gather [hbm4b:s7+s23], $0x10, s22, s23, $0xb8;
	[tilespmem:$0xFFB0] =	vst v63  }
.LBB2_2:
0x2e: {  	s13 =	smul.u32 $0x50, s12;
	_ =	sdelay $0x1  }
0x2f: {  	s8 =	sadd.s32 s13, s14  }
0x30: {  	s8 =	sshrl.u32 s8, $0x3  }
0x31: {  	s11 =	sadd.s32 s9, s8  }
0x32: {  	[tilespmem:s28], [sflag:$0x5] =	stream.linear.gather [hbm4b:s11+s3], $0x28, $0x38;
	[tilespmem:$0xFFB0] =	vst v63  }
0x33: {  	_ =	swait.ge [sflag:s19], $0x28  }
0x34: {  	[sflag:s19] =	ssyncset.done $0x0  }
0x35: {  	s8 =	sadd.s32 s1, s8;
	[sflag:s19] =	ssyncadd.s32 $0xFFFFFFD8  }
0x36: {  	[tilespmem:s29], [sflag:$0x5] =	stream.linear.gather [hbm4b:s8+s3], $0x28, $0x38;
	[tilespmem:$0xFFB0] =	vst v63  }
0x37: {  	_ =	swait.ge [sflag:s19], $0x28  }
0x38: {  	[sflag:s19] =	ssyncset.done $0x0  }
0x39: {  	[sflag:s19] =	ssyncadd.s32 $0xFFFFFFD8  }
0x3a: {  	[tilespmem:s30], [sflag:$0x2] =	stream.indirect.gather [hbm4b:s5+s23], $0x40, s28, s23, $0xb8;
	[tilespmem:$0xFFB0] =	vst v63  }
0x3b: {  	_ = 	snop  }
0x3c: {  	[tilespmem:s31], [sflag:$0x2] =	stream.indirect.gather [hbm4b:s6+s23], $0x10, s28, s23, $0xb8;
	[tilespmem:$0xFFB0] =	vst v63  }
0x3d: {  	_ = 	snop  }
0x3e: {  	[tilespmem:s0], [sflag:$0x2] =	stream.indirect.gather [hbm4b:s7+s23], $0x10, s29, s23, $0xb8;
	[tilespmem:$0xFFB0] =	vst v63  }
0x3f: {  	_ =	swait.ge [sflag:s4], $0xA00  }
0x40: {  	[sflag:s4] =	ssyncset.done $0x0  }
0x41: {  	[sflag:s4] =	ssyncadd.s32 $0xFFFFF600  }
0x42: {  	_ =	swait.ge [sflag:s4], $0x280  }
0x43: {  	[sflag:s4] =	ssyncset.done $0x0  }
0x44: {  	[sflag:s4] =	ssyncadd.s32 $0xFFFFFD80  }
0x45: {  	_ =	swait.ge [sflag:s4], $0x280  }
0x46: {  	p0 =	seq.s32 s12, $0x0;
	[sflag:s4] =	ssyncset.done $0x0  }
0x47: {  	s8 =	simm.s32 @!p0 $0x3;
	[sflag:s4] =	ssyncadd.s32 $0xFFFFFD80  }
0x48: {  	_ =	swait.ge @!p0 [sflag:s8], $0xC80  }
0x49: {  	[sflag:s8] =	ssyncset.done @!p0 $0x0  }
0x4a: {  	s16 =	simm.s32 $0xDCC0;
	[sflag:s8] =	ssyncadd.s32 @!p0 $0xFFFFF380  }
0x4b: {  	s17 =	simm.s32 $0xE1C0;
	v1 =	vld [tilespmem:s16+$0xFFFFFFE0]  }
0x4c: {  	v2 =	vld [tilespmem:s17+$0xFFFFFFE0];
	_ =	sdelay $0x4  }
0x4d: {  	v1 =	vadd.f32 v2, v1;
	_ =	sdelay $0x1  }
0x4e: {  	v2 =	vmul.f32 $2.000000030e-01, v1  }
0x4f: {  	vm0 =	vge.f32 v1, $0.0e+00  }
0x50: {  	v1 =	vsel vm0, v1, v2  }
0x51: {  	v1 =	vsub.f32 v1, v0;
	_ =	sdelay $0x1  }
0x52: {  	v1 =	vmul.f32 $1.442695020e+00, v1;
	_ =	sdelay $0x1  }
0x53: {  	(erf) = vpow2.f32 v1;
	_ =	sdelay $0x8  }
0x54: {  	s21 =	simm.s32 $0xE740;
	v1 =	vpop (erf)  }
0x55: {  	s11 =	simm.s32 $0xC920;
	[tilespmem:s21+$0xFFFFFFA0] =	vst v1  }
0x56: {  	v2 =	vld [tilespmem:s11+$0xFFFFFF80];
	_ =	sdelay $0x2  }
0x57: {  	v1 =	vbroadcast v1, $0x0;
	_ =	sdelay $0x1  }
0x58: {  	v2 =	vmul.f32 v1, v2;
	_ =	sdelay $0x1  }
0x59: {  	[tilespmem:s21+$0xFFFFFF60] =	vst v2  }
0x5a: {  	v2 =	vld [tilespmem:s11+$0xFFFFFF90];
	_ =	sdelay $0x4  }
0x5b: {  	v2 =	vmul.f32 v1, v2;
	_ =	sdelay $0x1  }
0x5c: {  	[tilespmem:s21+$0xFFFFFF70] =	vst v2  }
0x5d: {  	v2 =	vld [tilespmem:s11+$0xFFFFFFA0];
	_ =	sdelay $0x4  }
0x5e: {  	v2 =	vmul.f32 v1, v2;
	_ =	sdelay $0x1  }
0x5f: {  	[tilespmem:s21+$0xFFFFFF80] =	vst v2  }
0x60: {  	v2 =	vld [tilespmem:s11+$0xFFFFFFB0];
	_ =	sdelay $0x4  }
0x61: {  	v1 =	vmul.f32 v2, v1;
	_ =	sdelay $0x1  }
0x62: {  	[tilespmem:s21+$0xFFFFFF90] =	vst v1  }
0x63: {  	v1 =	vld [tilespmem:s16+$0xFFFFFFF0]  }
0x64: {  	v2 =	vld [tilespmem:s17+$0xFFFFFFF0];
	_ =	sdelay $0x4  }
0x65: {  	v1 =	vadd.f32 v2, v1;
	_ =	sdelay $0x1  }
0x66: {  	v2 =	vmul.f32 $2.000000030e-01, v1  }
0x67: {  	vm13 =	vge.f32 v1, $0.0e+00  }
0x68: {  	v1 =	vsel vm13, v1, v2  }
0x69: {  	v1 =	vsub.f32 v1, v0;
	_ =	sdelay $0x1  }
0x6a: {  	v1 =	vmul.f32 $1.442695020e+00, v1;
	_ =	sdelay $0x1  }
0x6b: {  	(erf) = vpow2.f32 v1;
	_ =	sdelay $0x8  }
0x6c: {  	v1 =	vpop (erf)  }
0x6d: {  	[tilespmem:s21+$0xFFFFFFF0] =	vst v1  }
0x6e: {  	v2 =	vld [tilespmem:s11+$0xFFFFFFC0];
	_ =	sdelay $0x2  }
0x6f: {  	v1 =	vbroadcast v1, $0x0;
	_ =	sdelay $0x1  }
0x70: {  	v2 =	vmul.f32 v1, v2;
	_ =	sdelay $0x1  }
0x71: {  	[tilespmem:s21+$0xFFFFFFB0] =	vst v2  }
0x72: {  	v2 =	vld [tilespmem:s11+$0xFFFFFFD0];
	_ =	sdelay $0x4  }
0x73: {  	v2 =	vmul.f32 v1, v2;
	_ =	sdelay $0x1  }
0x74: {  	[tilespmem:s21+$0xFFFFFFC0] =	vst v2  }
0x75: {  	v2 =	vld [tilespmem:s11+$0xFFFFFFE0];
	_ =	sdelay $0x4  }
0x76: {  	v2 =	vmul.f32 v1, v2;
	_ =	sdelay $0x1  }
0x77: {  	[tilespmem:s21+$0xFFFFFFD0] =	vst v2  }
0x78: {  	v2 =	vld [tilespmem:s11+$0xFFFFFFF0];
	_ =	sdelay $0x4  }
0x79: {  	v1 =	vmul.f32 v2, v1;
	_ =	sdelay $0x1  }
0x7a: {  	[tilespmem:s21+$0xFFFFFFE0] =	vst v1  }
0x7b: {  	v1 =	vld [tilespmem:s16+$0x0]  }
0x7c: {  	v2 =	vld [tilespmem:s17+$0x0];
	_ =	sdelay $0x4  }
0x7d: {  	v1 =	vadd.f32 v2, v1;
	_ =	sdelay $0x1  }
0x7e: {  	v2 =	vmul.f32 $2.000000030e-01, v1  }
0x7f: {  	vm14 =	vge.f32 v1, $0.0e+00  }
0x80: {  	v1 =	vsel vm14, v1, v2  }
0x81: {  	v1 =	vsub.f32 v1, v0;
	_ =	sdelay $0x1  }
0x82: {  	v1 =	vmul.f32 $1.442695020e+00, v1;
	_ =	sdelay $0x1  }
0x83: {  	(erf) = vpow2.f32 v1;
	_ =	sdelay $0x8  }
0x84: {  	v1 =	vpop (erf)  }
0x85: {  	[tilespmem:s21+$0x40] =	vst v1  }
0x86: {  	v2 =	vld [tilespmem:s11+$0x0];
	_ =	sdelay $0x2  }
0x87: {  	v1 =	vbroadcast v1, $0x0;
	_ =	sdelay $0x1  }
0x88: {  	v2 =	vmul.f32 v1, v2;
	_ =	sdelay $0x1  }
0x89: {  	[tilespmem:s21+$0x0] =	vst v2  }
0x8a: {  	v2 =	vld [tilespmem:s11+$0x10];
	_ =	sdelay $0x4  }
0x8b: {  	v2 =	vmul.f32 v1, v2;
	_ =	sdelay $0x1  }
0x8c: {  	[tilespmem:s21+$0x10] =	vst v2  }
0x8d: {  	v2 =	vld [tilespmem:s11+$0x20];
	_ =	sdelay $0x4  }
0x8e: {  	v2 =	vmul.f32 v1, v2;
	_ =	sdelay $0x1  }
0x8f: {  	[tilespmem:s21+$0x20] =	vst v2  }
0x90: {  	v2 =	vld [tilespmem:s11+$0x30];
	_ =	sdelay $0x4  }
0x91: {  	v1 =	vmul.f32 v2, v1;
	_ =	sdelay $0x1  }
0x92: {  	[tilespmem:s21+$0x30] =	vst v1  }
0x93: {  	v1 =	vld [tilespmem:s16+$0x10]  }
0x94: {  	v2 =	vld [tilespmem:s17+$0x10];
	_ =	sdelay $0x4  }
0x95: {  	v1 =	vadd.f32 v2, v1;
	_ =	sdelay $0x1  }
0x96: {  	v2 =	vmul.f32 $2.000000030e-01, v1  }
0x97: {  	vm15 =	vge.f32 v1, $0.0e+00  }
0x98: {  	v1 =	vsel vm15, v1, v2  }
0x99: {  	v1 =	vsub.f32 v1, v0;
	_ =	sdelay $0x1  }
0x9a: {  	v1 =	vmul.f32 $1.442695020e+00, v1;
	_ =	sdelay $0x1  }
0x9b: {  	(erf) = vpow2.f32 v1;
	_ =	sdelay $0x8  }
0x9c: {  	v1 =	vpop (erf)  }
0x9d: {  	[tilespmem:s21+$0x90] =	vst v1  }
0x9e: {  	v2 =	vld [tilespmem:s11+$0x40];
	_ =	sdelay $0x2  }
0x9f: {  	v1 =	vbroadcast v1, $0x0;
	_ =	sdelay $0x1  }
0xa0: {  	v2 =	vmul.f32 v1, v2;
	_ =	sdelay $0x1  }
0xa1: {  	[tilespmem:s21+$0x50] =	vst v2  }
0xa2: {  	v2 =	vld [tilespmem:s11+$0x50];
	_ =	sdelay $0x4  }
0xa3: {  	v2 =	vmul.f32 v1, v2;
	_ =	sdelay $0x1  }
0xa4: {  	[tilespmem:s21+$0x60] =	vst v2  }
0xa5: {  	v2 =	vld [tilespmem:s11+$0x60];
	_ =	sdelay $0x4  }
0xa6: {  	v2 =	vmul.f32 v1, v2;
	_ =	sdelay $0x1  }
0xa7: {  	[tilespmem:s21+$0x70] =	vst v2  }
0xa8: {  	v2 =	vld [tilespmem:s11+$0x70];
	_ =	sdelay $0x2  }
0xa9: {  	s26 =	simm.s32 $0x0;
	s8 =	simm.s32 $0xE880;
	s11 =	simm.s32 $0xCA20  }
.LBB2_3:
0xaa: {  	s26 =	sadd.s32 $0x4, s26;
	s17 =	sadd.s32 $0x40, s17;
	s16 =	sadd.s32 $0x40, s16  }
0xab: {  	p1 =	slt.u32 s26, $0x24;
	v1 =	vmul.f32 v2, v1;
	_ =	sdelay $0x1  }
0xac: {  	[tilespmem:s21+$0x80] =	vst v1;
	s21 =	smov.u32 s8  }
0xad: {  	v1 =	vld [tilespmem:s16+$0xFFFFFFE0]  }
0xae: {  	v2 =	vld [tilespmem:s17+$0xFFFFFFE0];
	_ =	sdelay $0x4  }
0xaf: {  	v1 =	vadd.f32 v2, v1;
	_ =	sdelay $0x1  }
0xb0: {  	v2 =	vmul.f32 $2.000000030e-01, v1  }
0xb1: {  	vm0 =	vge.f32 v1, $0.0e+00  }
0xb2: {  	v1 =	vsel vm0, v1, v2  }
0xb3: {  	v1 =	vsub.f32 v1, v0;
	_ =	sdelay $0x1  }
0xb4: {  	v1 =	vmul.f32 $1.442695020e+00, v1;
	_ =	sdelay $0x1  }
0xb5: {  	(erf) = vpow2.f32 v1;
	_ =	sdelay $0x8  }
0xb6: {  	v1 =	vpop (erf)  }
0xb7: {  	[tilespmem:s8+$0xFFFFFFA0] =	vst v1  }
0xb8: {  	v2 =	vld [tilespmem:s11+$0xFFFFFF80];
	_ =	sdelay $0x2  }
0xb9: {  	v1 =	vbroadcast v1, $0x0;
	_ =	sdelay $0x1  }
0xba: {  	v2 =	vmul.f32 v1, v2;
	_ =	sdelay $0x1  }
0xbb: {  	[tilespmem:s8+$0xFFFFFF60] =	vst v2  }
0xbc: {  	v2 =	vld [tilespmem:s11+$0xFFFFFF90];
	_ =	sdelay $0x4  }
0xbd: {  	v2 =	vmul.f32 v1, v2;
	_ =	sdelay $0x1  }
0xbe: {  	[tilespmem:s8+$0xFFFFFF70] =	vst v2  }
0xbf: {  	v2 =	vld [tilespmem:s11+$0xFFFFFFA0];
	_ =	sdelay $0x4  }
0xc0: {  	v2 =	vmul.f32 v1, v2;
	_ =	sdelay $0x1  }
0xc1: {  	[tilespmem:s8+$0xFFFFFF80] =	vst v2  }
0xc2: {  	v2 =	vld [tilespmem:s11+$0xFFFFFFB0];
	_ =	sdelay $0x4  }
0xc3: {  	v1 =	vmul.f32 v2, v1;
	_ =	sdelay $0x1  }
0xc4: {  	[tilespmem:s8+$0xFFFFFF90] =	vst v1  }
0xc5: {  	v1 =	vld [tilespmem:s16+$0xFFFFFFF0]  }
0xc6: {  	v2 =	vld [tilespmem:s17+$0xFFFFFFF0];
	_ =	sdelay $0x4  }
0xc7: {  	v1 =	vadd.f32 v2, v1;
	_ =	sdelay $0x1  }
0xc8: {  	vm0 =	vge.f32 v1, $0.0e+00;
	v2 =	vmul.f32 $2.000000030e-01, v1;
	_ =	sdelay $0x1  }
0xc9: {  	v1 =	vsel vm0, v1, v2  }
0xca: {  	v1 =	vsub.f32 v1, v0;
	_ =	sdelay $0x1  }
0xcb: {  	v1 =	vmul.f32 $1.442695020e+00, v1;
	_ =	sdelay $0x1  }
0xcc: {  	(erf) = vpow2.f32 v1;
	_ =	sdelay $0x8  }
0xcd: {  	v1 =	vpop (erf)  }
0xce: {  	[tilespmem:s8+$0xFFFFFFF0] =	vst v1  }
0xcf: {  	v2 =	vld [tilespmem:s11+$0xFFFFFFC0];
	_ =	sdelay $0x1  }
0xd0: {  	v1 =	vbroadcast v1, $0x0;
	_ =	sdelay $0x2  }
0xd1: {  	v2 =	vmul.f32 v1, v2;
	_ =	sdelay $0x1  }
0xd2: {  	[tilespmem:s8+$0xFFFFFFB0] =	vst v2  }
0xd3: {  	v2 =	vld [tilespmem:s11+$0xFFFFFFD0];
	_ =	sdelay $0x4  }
0xd4: {  	v2 =	vmul.f32 v1, v2;
	_ =	sdelay $0x1  }
0xd5: {  	[tilespmem:s8+$0xFFFFFFC0] =	vst v2  }
0xd6: {  	v2 =	vld [tilespmem:s11+$0xFFFFFFE0];
	_ =	sdelay $0x4  }
0xd7: {  	v2 =	vmul.f32 v1, v2;
	_ =	sdelay $0x1  }
0xd8: {  	[tilespmem:s8+$0xFFFFFFD0] =	vst v2  }
0xd9: {  	v2 =	vld [tilespmem:s11+$0xFFFFFFF0];
	_ =	sdelay $0x4  }
0xda: {  	v1 =	vmul.f32 v2, v1;
	_ =	sdelay $0x1  }
0xdb: {  	[tilespmem:s8+$0xFFFFFFE0] =	vst v1  }
0xdc: {  	v1 =	vld [tilespmem:s16+$0x0]  }
0xdd: {  	v2 =	vld [tilespmem:s17+$0x0];
	_ =	sdelay $0x4  }
0xde: {  	v1 =	vadd.f32 v2, v1;
	_ =	sdelay $0x1  }
0xdf: {  	vm0 =	vge.f32 v1, $0.0e+00;
	v2 =	vmul.f32 $2.000000030e-01, v1;
	_ =	sdelay $0x1  }
0xe0: {  	v1 =	vsel vm0, v1, v2  }
0xe1: {  	v1 =	vsub.f32 v1, v0;
	_ =	sdelay $0x1  }
0xe2: {  	v1 =	vmul.f32 $1.442695020e+00, v1;
	_ =	sdelay $0x1  }
0xe3: {  	(erf) = vpow2.f32 v1;
	_ =	sdelay $0x8  }
0xe4: {  	v1 =	vpop (erf)  }
0xe5: {  	[tilespmem:s8+$0x40] =	vst v1  }
0xe6: {  	v2 =	vld [tilespmem:s11+$0x0]  }
0xe7: {  	v1 =	vbroadcast v1, $0x0;
	_ =	sdelay $0x3  }
0xe8: {  	v2 =	vmul.f32 v1, v2;
	_ =	sdelay $0x1  }
0xe9: {  	[tilespmem:s8+$0x0] =	vst v2  }
0xea: {  	v2 =	vld [tilespmem:s11+$0x10];
	_ =	sdelay $0x4  }
0xeb: {  	v2 =	vmul.f32 v1, v2;
	_ =	sdelay $0x1  }
0xec: {  	[tilespmem:s8+$0x10] =	vst v2  }
0xed: {  	v2 =	vld [tilespmem:s11+$0x20];
	_ =	sdelay $0x4  }
0xee: {  	v2 =	vmul.f32 v1, v2;
	_ =	sdelay $0x1  }
0xef: {  	[tilespmem:s8+$0x20] =	vst v2  }
0xf0: {  	v2 =	vld [tilespmem:s11+$0x30];
	_ =	sdelay $0x4  }
0xf1: {  	v1 =	vmul.f32 v2, v1;
	_ =	sdelay $0x1  }
0xf2: {  	[tilespmem:s8+$0x30] =	vst v1  }
0xf3: {  	v1 =	vld [tilespmem:s16+$0x10]  }
0xf4: {  	v2 =	vld [tilespmem:s17+$0x10];
	_ =	sdelay $0x4  }
0xf5: {  	v1 =	vadd.f32 v2, v1;
	_ =	sdelay $0x1  }
0xf6: {  	vm0 =	vge.f32 v1, $0.0e+00;
	v2 =	vmul.f32 $2.000000030e-01, v1;
	_ =	sdelay $0x1  }
0xf7: {  	v1 =	vsel vm0, v1, v2  }
0xf8: {  	v1 =	vsub.f32 v1, v0;
	_ =	sdelay $0x1  }
0xf9: {  	v1 =	vmul.f32 $1.442695020e+00, v1;
	_ =	sdelay $0x1  }
0xfa: {  	(erf) = vpow2.f32 v1;
	_ =	sdelay $0x8  }
0xfb: {  	v1 =	vpop (erf)  }
0xfc: {  	[tilespmem:s8+$0x90] =	vst v1  }
0xfd: {  	v1 =	vbroadcast v1, $0x0;
	v2 =	vld [tilespmem:s11+$0x40];
	_ =	sdelay $0x4  }
0xfe: {  	v2 =	vmul.f32 v1, v2;
	_ =	sdelay $0x1  }
0xff: {  	[tilespmem:s8+$0x50] =	vst v2  }
0x100: {  	v2 =	vld [tilespmem:s11+$0x50];
	_ =	sdelay $0x4  }
0x101: {  	v2 =	vmul.f32 v1, v2;
	_ =	sdelay $0x1  }
0x102: {  	[tilespmem:s8+$0x60] =	vst v2  }
0x103: {  	v2 =	vld [tilespmem:s11+$0x60];
	_ =	sdelay $0x4  }
0x104: {  	v2 =	vmul.f32 v1, v2;
	_ =	sdelay $0x1  }
.Ltmp0:
0x105: {  	[tilespmem:s8+$0x70] =	vst v2;
	(pc) =	sbr.rel @p1 .LBB2_3-.Ltmp0, $2  }
0x106: {  	v2 =	vld [tilespmem:s11+$0x70];
	_ =	sdelay $0x2  }
0x107: {  	s8 =	sadd.s32 $0x140, s8;
	s11 =	sadd.s32 $0x100, s11  }
0x108: {  	_ = 	snop  }
0x109: {  	p1 =	sgt.u32 s12, $0x7B;
	v1 =	vmul.f32 v2, v1  }
0x10a: {  	s8 =	sadd.s32 @!p1 s13, s15  }
0x10b: {  	s8 =	sshrl.u32 @!p1 s8, $0x3;
	[tilespmem:s21+$0x80] =	vst v1  }
0x10c: {  	[spmem:s2] =	stream.indirect.scatter.add.f32 [tilespmem:s20], [sflag:$0x3], $0x50, s22, s23, $0xb8;
	[tilespmem:$0xFFB0] =	vst v63  }
0x10d: {  	s13 =	simm.s32 @!p1 $0x0;
	s16 =	simm.s32 @!p1 $0xC800;
	s11 =	sadd.s32 @!p1 s9, s8  }
0x10e: {  	[tilespmem:s16], [sflag:$0x5] =	stream.linear.gather @!p1 [hbm4b:s11+s13], $0x28, $0x38;
	[tilespmem:$0xFFB0] =	vst v63  }
0x10f: {  	s11 =	simm.s32 @!p1 $0x5  }
0x110: {  	_ =	swait.ge @!p1 [sflag:s11], $0x28  }
0x111: {  	[sflag:s11] =	ssyncset.done @!p1 $0x0  }
0x112: {  	s17 =	simm.s32 @!p1 $0xC850;
	s8 =	sadd.s32 @!p1 s1, s8;
	[sflag:s11] =	ssyncadd.s32 @!p1 $0xFFFFFFD8  }
0x113: {  	[tilespmem:s17], [sflag:$0x5] =	stream.linear.gather @!p1 [hbm4b:s8+s13], $0x28, $0x38;
	[tilespmem:$0xFFB0] =	vst v63  }
0x114: {  	_ =	swait.ge @!p1 [sflag:s11], $0x28  }
0x115: {  	[sflag:s11] =	ssyncset.done @!p1 $0x0  }
0x116: {  	s8 =	simm.s32 @!p1 $0x28;
	[sflag:s11] =	ssyncadd.s32 @!p1 $0xFFFFFFD8;
	s11 =	simm.s32 @!p1 $0xC8A0  }
0x117: {  	[tilespmem:s11], [sflag:$0x1] =	stream.indirect.gather @!p1 [hbm4b:s5+s8], $0x40, s16, s8, $0xb8;
	[tilespmem:$0xFFB0] =	vst v63  }
0x118: {  	s11 =	simm.s32 @!p1 $0xDCA0  }
0x119: {  	[tilespmem:s11], [sflag:$0x1] =	stream.indirect.gather @!p1 [hbm4b:s6+s8], $0x10, s16, s8, $0xb8;
	[tilespmem:$0xFFB0] =	vst v63  }
0x11a: {  	s11 =	simm.s32 @!p1 $0xE1A0  }
0x11b: {  	[tilespmem:s11], [sflag:$0x1] =	stream.indirect.gather @!p1 [hbm4b:s7+s8], $0x10, s17, s8, $0xb8;
	[tilespmem:$0xFFB0] =	vst v63  }
0x11c: {  	_ =	swait.ge [sflag:s24], $0xA00  }
0x11d: {  	[sflag:s24] =	ssyncset.done $0x0  }
0x11e: {  	[sflag:s24] =	ssyncadd.s32 $0xFFFFF600  }
0x11f: {  	_ =	swait.ge [sflag:s24], $0x280  }
0x120: {  	[sflag:s24] =	ssyncset.done $0x0  }
0x121: {  	[sflag:s24] =	ssyncadd.s32 $0xFFFFFD80  }
0x122: {  	_ =	swait.ge [sflag:s24], $0x280  }
0x123: {  	[sflag:s24] =	ssyncset.done $0x0  }
0x124: {  	s8 =	simm.s32 @!p0 $0x4;
	[sflag:s24] =	ssyncadd.s32 $0xFFFFFD80  }
0x125: {  	_ =	swait.ge @!p0 [sflag:s8], $0xC80  }
0x126: {  	[sflag:s8] =	ssyncset.done @!p0 $0x0  }
0x127: {  	s13 =	simm.s32 $0xDF40;
	[sflag:s8] =	ssyncadd.s32 @!p0 $0xFFFFF380  }
0x128: {  	s16 =	simm.s32 $0xE440;
	v1 =	vld [tilespmem:s13+$0xFFFFFFE0]  }
0x129: {  	v2 =	vld [tilespmem:s16+$0xFFFFFFE0];
	_ =	sdelay $0x4  }
0x12a: {  	v1 =	vadd.f32 v2, v1;
	_ =	sdelay $0x1  }
0x12b: {  	v2 =	vmul.f32 $2.000000030e-01, v1  }
0x12c: {  	vm0 =	vge.f32 v1, $0.0e+00  }
0x12d: {  	v1 =	vsel vm0, v1, v2  }
0x12e: {  	v1 =	vsub.f32 v1, v0;
	_ =	sdelay $0x1  }
0x12f: {  	v1 =	vmul.f32 $1.442695020e+00, v1;
	_ =	sdelay $0x1  }
0x130: {  	(erf) = vpow2.f32 v1;
	_ =	sdelay $0x8  }
0x131: {  	s17 =	simm.s32 $0xF3C0;
	v1 =	vpop (erf)  }
0x132: {  	s26 =	simm.s32 $0xD320;
	[tilespmem:s17+$0xFFFFFFA0] =	vst v1  }
0x133: {  	v2 =	vld [tilespmem:s26+$0xFFFFFF80];
	_ =	sdelay $0x2  }
0x134: {  	v1 =	vbroadcast v1, $0x0;
	_ =	sdelay $0x1  }
0x135: {  	v2 =	vmul.f32 v1, v2;
	_ =	sdelay $0x1  }
0x136: {  	[tilespmem:s17+$0xFFFFFF60] =	vst v2  }
0x137: {  	v2 =	vld [tilespmem:s26+$0xFFFFFF90];
	_ =	sdelay $0x4  }
0x138: {  	v2 =	vmul.f32 v1, v2;
	_ =	sdelay $0x1  }
0x139: {  	[tilespmem:s17+$0xFFFFFF70] =	vst v2  }
0x13a: {  	v2 =	vld [tilespmem:s26+$0xFFFFFFA0];
	_ =	sdelay $0x4  }
0x13b: {  	v2 =	vmul.f32 v1, v2;
	_ =	sdelay $0x1  }
0x13c: {  	[tilespmem:s17+$0xFFFFFF80] =	vst v2  }
0x13d: {  	v2 =	vld [tilespmem:s26+$0xFFFFFFB0];
	_ =	sdelay $0x4  }
0x13e: {  	v1 =	vmul.f32 v2, v1;
	_ =	sdelay $0x1  }
0x13f: {  	[tilespmem:s17+$0xFFFFFF90] =	vst v1  }
0x140: {  	v1 =	vld [tilespmem:s13+$0xFFFFFFF0]  }
0x141: {  	v2 =	vld [tilespmem:s16+$0xFFFFFFF0];
	_ =	sdelay $0x4  }
0x142: {  	v1 =	vadd.f32 v2, v1;
	_ =	sdelay $0x1  }
0x143: {  	v2 =	vmul.f32 $2.000000030e-01, v1  }
0x144: {  	vm13 =	vge.f32 v1, $0.0e+00  }
0x145: {  	v1 =	vsel vm13, v1, v2  }
0x146: {  	v1 =	vsub.f32 v1, v0;
	_ =	sdelay $0x1  }
0x147: {  	v1 =	vmul.f32 $1.442695020e+00, v1;
	_ =	sdelay $0x1  }
0x148: {  	(erf) = vpow2.f32 v1;
	_ =	sdelay $0x8  }
0x149: {  	v1 =	vpop (erf)  }
0x14a: {  	[tilespmem:s17+$0xFFFFFFF0] =	vst v1  }
0x14b: {  	v2 =	vld [tilespmem:s26+$0xFFFFFFC0];
	_ =	sdelay $0x2  }
0x14c: {  	v1 =	vbroadcast v1, $0x0;
	_ =	sdelay $0x1  }
0x14d: {  	v2 =	vmul.f32 v1, v2;
	_ =	sdelay $0x1  }
0x14e: {  	[tilespmem:s17+$0xFFFFFFB0] =	vst v2  }
0x14f: {  	v2 =	vld [tilespmem:s26+$0xFFFFFFD0];
	_ =	sdelay $0x4  }
0x150: {  	v2 =	vmul.f32 v1, v2;
	_ =	sdelay $0x1  }
0x151: {  	[tilespmem:s17+$0xFFFFFFC0] =	vst v2  }
0x152: {  	v2 =	vld [tilespmem:s26+$0xFFFFFFE0];
	_ =	sdelay $0x4  }
0x153: {  	v2 =	vmul.f32 v1, v2;
	_ =	sdelay $0x1  }
0x154: {  	[tilespmem:s17+$0xFFFFFFD0] =	vst v2  }
0x155: {  	v2 =	vld [tilespmem:s26+$0xFFFFFFF0];
	_ =	sdelay $0x4  }
0x156: {  	v1 =	vmul.f32 v2, v1;
	_ =	sdelay $0x1  }
0x157: {  	[tilespmem:s17+$0xFFFFFFE0] =	vst v1  }
0x158: {  	v1 =	vld [tilespmem:s13+$0x0]  }
0x159: {  	v2 =	vld [tilespmem:s16+$0x0];
	_ =	sdelay $0x4  }
0x15a: {  	v1 =	vadd.f32 v2, v1;
	_ =	sdelay $0x1  }
0x15b: {  	v2 =	vmul.f32 $2.000000030e-01, v1  }
0x15c: {  	vm14 =	vge.f32 v1, $0.0e+00  }
0x15d: {  	v1 =	vsel vm14, v1, v2  }
0x15e: {  	v1 =	vsub.f32 v1, v0;
	_ =	sdelay $0x1  }
0x15f: {  	v1 =	vmul.f32 $1.442695020e+00, v1;
	_ =	sdelay $0x1  }
0x160: {  	(erf) = vpow2.f32 v1;
	_ =	sdelay $0x8  }
0x161: {  	v1 =	vpop (erf)  }
0x162: {  	[tilespmem:s17+$0x40] =	vst v1  }
0x163: {  	v2 =	vld [tilespmem:s26+$0x0];
	_ =	sdelay $0x2  }
0x164: {  	v1 =	vbroadcast v1, $0x0;
	_ =	sdelay $0x1  }
0x165: {  	v2 =	vmul.f32 v1, v2;
	_ =	sdelay $0x1  }
0x166: {  	[tilespmem:s17+$0x0] =	vst v2  }
0x167: {  	v2 =	vld [tilespmem:s26+$0x10];
	_ =	sdelay $0x4  }
0x168: {  	v2 =	vmul.f32 v1, v2;
	_ =	sdelay $0x1  }
0x169: {  	[tilespmem:s17+$0x10] =	vst v2  }
0x16a: {  	v2 =	vld [tilespmem:s26+$0x20];
	_ =	sdelay $0x4  }
0x16b: {  	v2 =	vmul.f32 v1, v2;
	_ =	sdelay $0x1  }
0x16c: {  	[tilespmem:s17+$0x20] =	vst v2  }
0x16d: {  	v2 =	vld [tilespmem:s26+$0x30];
	_ =	sdelay $0x4  }
0x16e: {  	v1 =	vmul.f32 v2, v1;
	_ =	sdelay $0x1  }
0x16f: {  	[tilespmem:s17+$0x30] =	vst v1  }
0x170: {  	v1 =	vld [tilespmem:s13+$0x10]  }
0x171: {  	v2 =	vld [tilespmem:s16+$0x10];
	_ =	sdelay $0x4  }
0x172: {  	v1 =	vadd.f32 v2, v1;
	_ =	sdelay $0x1  }
0x173: {  	v2 =	vmul.f32 $2.000000030e-01, v1  }
0x174: {  	vm15 =	vge.f32 v1, $0.0e+00  }
0x175: {  	v1 =	vsel vm15, v1, v2  }
0x176: {  	v1 =	vsub.f32 v1, v0;
	_ =	sdelay $0x1  }
0x177: {  	v1 =	vmul.f32 $1.442695020e+00, v1;
	_ =	sdelay $0x1  }
0x178: {  	(erf) = vpow2.f32 v1;
	_ =	sdelay $0x8  }
0x179: {  	v1 =	vpop (erf)  }
0x17a: {  	[tilespmem:s17+$0x90] =	vst v1  }
0x17b: {  	v2 =	vld [tilespmem:s26+$0x40];
	_ =	sdelay $0x2  }
0x17c: {  	v1 =	vbroadcast v1, $0x0;
	_ =	sdelay $0x1  }
0x17d: {  	v2 =	vmul.f32 v1, v2;
	_ =	sdelay $0x1  }
0x17e: {  	[tilespmem:s17+$0x50] =	vst v2  }
0x17f: {  	v2 =	vld [tilespmem:s26+$0x50];
	_ =	sdelay $0x4  }
0x180: {  	v2 =	vmul.f32 v1, v2;
	_ =	sdelay $0x1  }
0x181: {  	[tilespmem:s17+$0x60] =	vst v2  }
0x182: {  	v2 =	vld [tilespmem:s26+$0x60];
	_ =	sdelay $0x4  }
0x183: {  	v2 =	vmul.f32 v1, v2;
	_ =	sdelay $0x1  }
0x184: {  	[tilespmem:s17+$0x70] =	vst v2  }
0x185: {  	v2 =	vld [tilespmem:s26+$0x70];
	_ =	sdelay $0x2  }
0x186: {  	s21 =	simm.s32 $0x0;
	s11 =	simm.s32 $0xD420;
	s8 =	simm.s32 $0xF500  }
.LBB2_5:
0x187: {  	s21 =	sadd.s32 $0x4, s21;
	s16 =	sadd.s32 $0x40, s16;
	s13 =	sadd.s32 $0x40, s13  }
0x188: {  	p0 =	slt.u32 s21, $0x24;
	v1 =	vmul.f32 v2, v1;
	_ =	sdelay $0x1  }
0x189: {  	[tilespmem:s17+$0x80] =	vst v1;
	s17 =	smov.u32 s8  }
0x18a: {  	v1 =	vld [tilespmem:s13+$0xFFFFFFE0]  }
0x18b: {  	v2 =	vld [tilespmem:s16+$0xFFFFFFE0];
	_ =	sdelay $0x4  }
0x18c: {  	v1 =	vadd.f32 v2, v1;
	_ =	sdelay $0x1  }
0x18d: {  	v2 =	vmul.f32 $2.000000030e-01, v1  }
0x18e: {  	vm0 =	vge.f32 v1, $0.0e+00  }
0x18f: {  	v1 =	vsel vm0, v1, v2  }
0x190: {  	v1 =	vsub.f32 v1, v0;
	_ =	sdelay $0x1  }
0x191: {  	v1 =	vmul.f32 $1.442695020e+00, v1;
	_ =	sdelay $0x1  }
0x192: {  	(erf) = vpow2.f32 v1;
	_ =	sdelay $0x8  }
0x193: {  	v1 =	vpop (erf)  }
0x194: {  	[tilespmem:s8+$0xFFFFFFA0] =	vst v1  }
0x195: {  	v2 =	vld [tilespmem:s11+$0xFFFFFF80];
	_ =	sdelay $0x2  }
0x196: {  	v1 =	vbroadcast v1, $0x0;
	_ =	sdelay $0x1  }
0x197: {  	v2 =	vmul.f32 v1, v2;
	_ =	sdelay $0x1  }
0x198: {  	[tilespmem:s8+$0xFFFFFF60] =	vst v2  }
0x199: {  	v2 =	vld [tilespmem:s11+$0xFFFFFF90];
	_ =	sdelay $0x4  }
0x19a: {  	v2 =	vmul.f32 v1, v2;
	_ =	sdelay $0x1  }
0x19b: {  	[tilespmem:s8+$0xFFFFFF70] =	vst v2  }
0x19c: {  	v2 =	vld [tilespmem:s11+$0xFFFFFFA0];
	_ =	sdelay $0x4  }
0x19d: {  	v2 =	vmul.f32 v1, v2;
	_ =	sdelay $0x1  }
0x19e: {  	[tilespmem:s8+$0xFFFFFF80] =	vst v2  }
0x19f: {  	v2 =	vld [tilespmem:s11+$0xFFFFFFB0];
	_ =	sdelay $0x4  }
0x1a0: {  	v1 =	vmul.f32 v2, v1;
	_ =	sdelay $0x1  }
0x1a1: {  	[tilespmem:s8+$0xFFFFFF90] =	vst v1  }
0x1a2: {  	v1 =	vld [tilespmem:s13+$0xFFFFFFF0]  }
0x1a3: {  	v2 =	vld [tilespmem:s16+$0xFFFFFFF0];
	_ =	sdelay $0x4  }
0x1a4: {  	v1 =	vadd.f32 v2, v1;
	_ =	sdelay $0x1  }
0x1a5: {  	vm0 =	vge.f32 v1, $0.0e+00;
	v2 =	vmul.f32 $2.000000030e-01, v1;
	_ =	sdelay $0x1  }
0x1a6: {  	v1 =	vsel vm0, v1, v2  }
0x1a7: {  	v1 =	vsub.f32 v1, v0;
	_ =	sdelay $0x1  }
0x1a8: {  	v1 =	vmul.f32 $1.442695020e+00, v1;
	_ =	sdelay $0x1  }
0x1a9: {  	(erf) = vpow2.f32 v1;
	_ =	sdelay $0x8  }
0x1aa: {  	v1 =	vpop (erf)  }
0x1ab: {  	[tilespmem:s8+$0xFFFFFFF0] =	vst v1  }
0x1ac: {  	v2 =	vld [tilespmem:s11+$0xFFFFFFC0];
	_ =	sdelay $0x1  }
0x1ad: {  	v1 =	vbroadcast v1, $0x0;
	_ =	sdelay $0x2  }
0x1ae: {  	v2 =	vmul.f32 v1, v2;
	_ =	sdelay $0x1  }
0x1af: {  	[tilespmem:s8+$0xFFFFFFB0] =	vst v2  }
0x1b0: {  	v2 =	vld [tilespmem:s11+$0xFFFFFFD0];
	_ =	sdelay $0x4  }
0x1b1: {  	v2 =	vmul.f32 v1, v2;
	_ =	sdelay $0x1  }
0x1b2: {  	[tilespmem:s8+$0xFFFFFFC0] =	vst v2  }
0x1b3: {  	v2 =	vld [tilespmem:s11+$0xFFFFFFE0];
	_ =	sdelay $0x4  }
0x1b4: {  	v2 =	vmul.f32 v1, v2;
	_ =	sdelay $0x1  }
0x1b5: {  	[tilespmem:s8+$0xFFFFFFD0] =	vst v2  }
0x1b6: {  	v2 =	vld [tilespmem:s11+$0xFFFFFFF0];
	_ =	sdelay $0x4  }
0x1b7: {  	v1 =	vmul.f32 v2, v1;
	_ =	sdelay $0x1  }
0x1b8: {  	[tilespmem:s8+$0xFFFFFFE0] =	vst v1  }
0x1b9: {  	v1 =	vld [tilespmem:s13+$0x0]  }
0x1ba: {  	v2 =	vld [tilespmem:s16+$0x0];
	_ =	sdelay $0x4  }
0x1bb: {  	v1 =	vadd.f32 v2, v1;
	_ =	sdelay $0x1  }
0x1bc: {  	vm0 =	vge.f32 v1, $0.0e+00;
	v2 =	vmul.f32 $2.000000030e-01, v1;
	_ =	sdelay $0x1  }
0x1bd: {  	v1 =	vsel vm0, v1, v2  }
0x1be: {  	v1 =	vsub.f32 v1, v0;
	_ =	sdelay $0x1  }
0x1bf: {  	v1 =	vmul.f32 $1.442695020e+00, v1;
	_ =	sdelay $0x1  }
0x1c0: {  	(erf) = vpow2.f32 v1;
	_ =	sdelay $0x8  }
0x1c1: {  	v1 =	vpop (erf)  }
0x1c2: {  	[tilespmem:s8+$0x40] =	vst v1  }
0x1c3: {  	v2 =	vld [tilespmem:s11+$0x0]  }
0x1c4: {  	v1 =	vbroadcast v1, $0x0;
	_ =	sdelay $0x3  }
0x1c5: {  	v2 =	vmul.f32 v1, v2;
	_ =	sdelay $0x1  }
0x1c6: {  	[tilespmem:s8+$0x0] =	vst v2  }
0x1c7: {  	v2 =	vld [tilespmem:s11+$0x10];
	_ =	sdelay $0x4  }
0x1c8: {  	v2 =	vmul.f32 v1, v2;
	_ =	sdelay $0x1  }
0x1c9: {  	[tilespmem:s8+$0x10] =	vst v2  }
0x1ca: {  	v2 =	vld [tilespmem:s11+$0x20];
	_ =	sdelay $0x4  }
0x1cb: {  	v2 =	vmul.f32 v1, v2;
	_ =	sdelay $0x1  }
0x1cc: {  	[tilespmem:s8+$0x20] =	vst v2  }
0x1cd: {  	v2 =	vld [tilespmem:s11+$0x30];
	_ =	sdelay $0x4  }
0x1ce: {  	v1 =	vmul.f32 v2, v1;
	_ =	sdelay $0x1  }
0x1cf: {  	[tilespmem:s8+$0x30] =	vst v1  }
0x1d0: {  	v1 =	vld [tilespmem:s13+$0x10]  }
0x1d1: {  	v2 =	vld [tilespmem:s16+$0x10];
	_ =	sdelay $0x4  }
0x1d2: {  	v1 =	vadd.f32 v2, v1;
	_ =	sdelay $0x1  }
0x1d3: {  	vm0 =	vge.f32 v1, $0.0e+00;
	v2 =	vmul.f32 $2.000000030e-01, v1;
	_ =	sdelay $0x1  }
0x1d4: {  	v1 =	vsel vm0, v1, v2  }
0x1d5: {  	v1 =	vsub.f32 v1, v0;
	_ =	sdelay $0x1  }
0x1d6: {  	v1 =	vmul.f32 $1.442695020e+00, v1;
	_ =	sdelay $0x1  }
0x1d7: {  	(erf) = vpow2.f32 v1;
	_ =	sdelay $0x8  }
0x1d8: {  	v1 =	vpop (erf)  }
0x1d9: {  	[tilespmem:s8+$0x90] =	vst v1  }
0x1da: {  	v1 =	vbroadcast v1, $0x0;
	v2 =	vld [tilespmem:s11+$0x40];
	_ =	sdelay $0x4  }
0x1db: {  	v2 =	vmul.f32 v1, v2;
	_ =	sdelay $0x1  }
0x1dc: {  	[tilespmem:s8+$0x50] =	vst v2  }
0x1dd: {  	v2 =	vld [tilespmem:s11+$0x50];
	_ =	sdelay $0x4  }
0x1de: {  	v2 =	vmul.f32 v1, v2;
	_ =	sdelay $0x1  }
0x1df: {  	[tilespmem:s8+$0x60] =	vst v2  }
0x1e0: {  	v2 =	vld [tilespmem:s11+$0x60];
	_ =	sdelay $0x4  }
0x1e1: {  	v2 =	vmul.f32 v1, v2;
	_ =	sdelay $0x1  }
.Ltmp1:
0x1e2: {  	[tilespmem:s8+$0x70] =	vst v2;
	(pc) =	sbr.rel @p0 .LBB2_5-.Ltmp1, $2  }
0x1e3: {  	v2 =	vld [tilespmem:s11+$0x70];
	_ =	sdelay $0x2  }
0x1e4: {  	s8 =	sadd.s32 $0x140, s8;
	s11 =	sadd.s32 $0x100, s11  }
0x1e5: {  	s12 =	sadd.s32 $0x1, s12  }
0x1e6: {  	p0 =	sne.s32 s12, $0x7D  }
.Ltmp2:
0x1e7: {  	_ = 	snop;
	(pc) =	sbr.rel @p0 .LBB2_2-.Ltmp2, $3  }
0x1e8: {  	v1 =	vmul.f32 v2, v1;
	_ =	sdelay $0x1  }
0x1e9: {  	[tilespmem:s17+$0x80] =	vst v1  }
0x1ea: {  	[spmem:s2] =	stream.indirect.scatter.add.f32 [tilespmem:s25], [sflag:$0x4], $0x50, s29, s23, $0xb8;
	[tilespmem:$0xFFB0] =	vst v63  }
0x1eb: {  	s8 =	simm.s32 $0x3  }
0x1ec: {  	_ =	swait.ge [sflag:s8], $0xC80  }
0x1ed: {  	[sflag:s8] =	ssyncset.done $0x0  }
0x1ee: {  	s17 =	simm.s32 $0x4;
	[sflag:s8] =	ssyncadd.s32 $0xFFFFF380  }
0x1ef: {  	_ =	swait.ge [sflag:s17], $0xC80  }
0x1f0: {  	[sflag:s17] =	ssyncset.done $0x0  }
0x1f1: {  	[sflag:s17] =	ssyncadd.s32 $0xFFFFF380  }
0x1f2: {  	[bflag:$0x0] =	sbarrier.arrive $0xFFFF  }
0x1f3: {  	s21 =	rddreg [dreg:$0x9]  }
0x1f4: {  	s11 =	rddreg [dreg:$0xa]  }
0x1f5: {  	[hbm:s21], [sflag:s18] =	dma.local [spmem:s11], $0x1900  }
0x1f6: {  	_ =	swait.ge [sflag:s19], $0x1900  }
0x1f7: {  	s10 =	sadd.s32 $0x1, s10;
	s26 =	rddreg [dreg:$0x8]  }
0x1f8: {  	p0 =	sne.s32 s10, s26  }
.Ltmp3:
0x1f9: {  	_ = 	snop;
	(pc) =	sbr.rel @p0 .LBB2_1-.Ltmp3, $3  }
0x1fa: {  	_ =	sdelay $0x1  }
0x1fb: {  	[sflag:s19] =	ssyncset.done $0x0  }
0x1fc: {  	s13 =	smov.u32 s18;
	[sflag:s19] =	ssyncadd.s32 $0xFFFFE700  }
0x1fd: {  	_ =	sfence.sel $0x180000  }
0x1fe: {  	[bflag:$0x0] =	sbarrier.arrive $0xFFFF  }
0x1ff: {  	_ =	strace $0x9000004A  }
0x200: {  	s0 =	stileid.u32;
	[bflag:$0x2] =	sbarrier.arrive $0xFFFF  }
0x201: {  	p0 =	sne.s32 s0, $0x0;
	s0 =	rddreg [dreg:$0x3]  }
0x202: {  	s0 =	sadd.s32 @!p0 $0x100000, s0  }
0x203: {  	[sflag:s0] =	ssyncadd.tile.s32 @!p0 $0x1;
	_ =	shalt  }
.Lfunc_end2:
_tile_overlayer_lowered:
.L_overlay_start_2:
0x204: {  	(tag) =	ssettag $0x2  }
0x205: {  	s0 =	rddreg [dreg:$0x0];
	s2 =	stileid.u32  }
0x206: {  	s1 =	rddreg [dreg:$0x1];
	p0 =	sne.s32 s2, $0x0  }
0x207: {  	s3 =	rddreg [dreg:$0x2];
	[bflag:$0x3] =	sbarrier.arrive $0xFFFF;
	s2 =	simm.s32 @!p0 $0x1C05  }
0x208: {  	[timem:s3], [sflag:s2] =	dma.local @!p0 [hbm:s0], s1  }
0x209: {  	s0 =	simm.s32 @!p0 $0x5  }
0x20a: {  	_ =	swait.ge @!p0 [sflag:s0], s1  }
0x20b: {  	s1 =	ssub.s32 @!p0 $0x0, s1;
	[sflag:s0] =	ssyncset.done @!p0 $0x0  }
0x20c: {  	[sflag:s0] =	ssyncadd.s32 @!p0 s1  }
0x20d: {  	[bflag:$0x3] =	sbarrier.arrive $0xFFFF  }
0x20e: {  	_ =	shalt  }

// kernel: kernel.7.cloned.1.call-start
scs
__scs_entry_jumppad:
0x0: {  	(pc) =	sbr.rel $0x88, $3  }
0x1: {  	(tag) =	ssettag $0x0;
	lr =	simm.s32 $0x1  }
0x2: {  	[smem:$0x3F97] =	sst lr;
	_ =	strace $0xD0000000  }
0x3: {  	_ = 	snop  }
0x4: {  	_ = 	snop  }
0x5: {  	_ = 	snop  }
0x6: {  	_ = 	snop  }
0x7: {  	_ = 	snop  }
__scs_overlays_trampoline_lowered:
0x8: {  	[smem:$0x3FA6] =	sst s0  }
0x9: {  	[smem:$0x3FA7] =	sst s1  }
0xa: {  	[smem:$0x3FA8] =	sst s2  }
0xb: {  	[smem:$0x3FA9] =	sst s3  }
0xc: {  	[smem:$0x3FAA] =	sst s4  }
0xd: {  	[smem:$0x3FAB] =	sst s5  }
0xe: {  	[smem:$0x3FAC] =	sst s6  }
0xf: {  	[smem:$0x3FAD] =	sst s7  }
0x10: {  	[smem:$0x3FAE] =	sst s8  }
0x11: {  	[smem:$0x3FAF] =	sst s9;
	s0 =	simm.s32 @!p0 $0x0  }
0x12: {  	s1 =	sld [smem:$0x3F95];
	s0 =	simm.s32 @p0 $0x1  }
0x13: {  	[smem:$0x3FB0] =	sst s0;
	s0 =	simm.s32 @!p1 $0x0  }
0x14: {  	s2 =	sld [smem:$0x3F94];
	s0 =	simm.s32 @p1 $0x1  }
0x15: {  	[smem:$0x3FB1] =	sst s0;
	s0 =	simm.s32 @!p2 $0x0  }
0x16: {  	s3 =	sld [smem:$0x3FDB];
	s0 =	simm.s32 @p2 $0x1  }
0x17: {  	s4 =	simm.s32 $0x1BF5;
	[smem:$0x3FB3] =	sst s0  }
0x18: {  	s0 =	sld [smem:$0x3F96];
	_ =	swait.ge [sflag:s4], $0x0  }
0x19: {  	s7 =	sld [smem:$0x3F97]  }
0x1a: {  	s8 =	sadd.s32 $0xFFFFE003, lr  }
0x1b: {  	s9 =	sadd.s32 $0xFFFFFEF7, lr;
	s5 =	simm.s32 $0xFFFFFFFF;
	p2 =	slt.u32 s8, $0xFFFFF086  }
0x1c: {  	p1 =	slt.u32 s9, $0xF7A;
	s5 =	simm.s32 @!p2 $0x0  }
0x1d: {  	s5 =	simm.s32 @p1 $0x1;
	p0 =	seq.s32 s7, s2  }
0x1e: {  	s7 =	smul.u32 @!p0 $0xF7A, s2;
	p2 =	seq.s32 @!p0 s5, $0x0  }
0x1f: {  	s9 =	smul.u32 $0xF7A, s1;
	s8 =	simm.s32 @!p0 $0x1BF5;
	p2 =	por !p2, p0  }
0x20: {  	[sflag:s8] =	ssyncset.s32 @!p0 $0xFFFFF086;
	s6 =	sadd.s32 @!p0 s3, s7;
	s7 =	simm.s32 @!p0 $0x108  }
0x21: {  	s3 =	sadd.s32 s3, s9;
	s6 =	sadd.s32 @!p0 $0x88, s6;
	s7 =	simm.s32 @p2 $0x1082  }
0x22: {  	[simem:s7], [sflag:s8] =	dma.local @!p0 [hbm:s6], $0xF7A  }
0x23: {  	s9 =	sor.u32 $0xD0000000, s2;
	s6 =	simm.s32 $0x108;
	_ =	swait.ge @!p0 [sflag:s8], $0x0  }
0x24: {  	s3 =	sadd.s32 $0x88, s3;
	s6 =	simm.s32 @!p1 $0x1082;
	[sflag:s4] =	ssyncset.s32 $0xFFFFF086  }
0x25: {  	[simem:s6], [sflag:s4] =	dma.local [hbm:s3], $0xF7A  }
0x26: {  	[smem:$0x3F97] =	sst s1;
	(tag) =	ssettag s2;
	_ =	strace s9  }
0x27: {  	s1 =	sld [smem:$0x3FA7]  }
0x28: {  	s2 =	sld [smem:$0x3FA8]  }
0x29: {  	s4 =	sld [smem:$0x3FAA]  }
0x2a: {  	p0 =	seq.s32 s5, $0x0;
	s5 =	sld [smem:$0x3FAB]  }
0x2b: {  	s6 =	sld [smem:$0x3FAC]  }
0x2c: {  	s7 =	sld [smem:$0x3FAD]  }
0x2d: {  	s3 =	simm.s32 $0x108;
	s8 =	sld [smem:$0x3FAE]  }
0x2e: {  	s3 =	simm.s32 @!p0 $0x1082;
	s9 =	sld [smem:$0x3FAF]  }
0x2f: {  	lr =	sadd.s32 s0, s3;
	s0 =	sld [smem:$0x3FA6]  }
0x30: {  	s3 =	sld [smem:$0x3FA9]  }
0x31: {  	[smem:$0x3FB2] =	sst s10  }
0x32: {  	s10 =	sld [smem:$0x3FB0];
	_ =	sdelay $0x3  }
0x33: {  	p0 =	seq.s32 s10, $0x1;
	s10 =	sld [smem:$0x3FB2];
	_ =	sdelay $0x3  }
0x34: {  	[smem:$0x3FB2] =	sst s10  }
0x35: {  	s10 =	sld [smem:$0x3FB1];
	_ =	sdelay $0x3  }
0x36: {  	p1 =	seq.s32 s10, $0x1;
	s10 =	sld [smem:$0x3FB2];
	_ =	sdelay $0x3  }
0x37: {  	[smem:$0x3FB2] =	sst s10  }
0x38: {  	s10 =	sld [smem:$0x3FB3]  }
0x39: {  	_ = 	snop;
	(pc) =	sbr.ind lr, $3  }
0x3a: {  	_ = 	snop  }
0x3b: {  	_ = 	snop  }
0x3c: {  	p2 =	seq.s32 s10, $0x1;
	s10 =	sld [smem:$0x3FB2]  }
0x3d: {  	_ =	shalt  }
0x3e: {  	_ =	shalt  }
0x3f: {  	_ =	shalt  }
0x40: {  	_ =	shalt  }
0x41: {  	_ =	shalt  }
0x42: {  	_ =	shalt  }
0x43: {  	_ =	shalt  }
0x44: {  	_ =	shalt  }
0x45: {  	_ =	shalt  }
0x46: {  	_ =	shalt  }
0x47: {  	_ =	shalt  }
0x48: {  	_ =	shalt  }
0x49: {  	_ =	shalt  }
0x4a: {  	_ =	shalt  }
0x4b: {  	_ =	shalt  }
0x4c: {  	_ =	shalt  }
0x4d: {  	_ =	shalt  }
0x4e: {  	_ =	shalt  }
0x4f: {  	_ =	shalt  }
0x50: {  	_ =	shalt  }
0x51: {  	_ =	shalt  }
0x52: {  	_ =	shalt  }
0x53: {  	_ =	shalt  }
0x54: {  	_ =	shalt  }
0x55: {  	_ =	shalt  }
0x56: {  	_ =	shalt  }
0x57: {  	_ =	shalt  }
0x58: {  	_ =	shalt  }
0x59: {  	_ =	shalt  }
0x5a: {  	_ =	shalt  }
0x5b: {  	_ =	shalt  }
0x5c: {  	_ =	shalt  }
0x5d: {  	_ =	shalt  }
0x5e: {  	_ =	shalt  }
0x5f: {  	_ =	shalt  }
0x60: {  	_ =	shalt  }
0x61: {  	_ =	shalt  }
0x62: {  	_ =	shalt  }
0x63: {  	_ =	shalt  }
0x64: {  	_ =	shalt  }
0x65: {  	_ =	shalt  }
0x66: {  	_ =	shalt  }
0x67: {  	_ =	shalt  }
0x68: {  	_ =	shalt  }
0x69: {  	_ =	shalt  }
0x6a: {  	_ =	shalt  }
0x6b: {  	_ =	shalt  }
0x6c: {  	_ =	shalt  }
0x6d: {  	_ =	shalt  }
0x6e: {  	_ =	shalt  }
0x6f: {  	_ =	shalt  }
0x70: {  	_ =	shalt  }
0x71: {  	_ =	shalt  }
0x72: {  	_ =	shalt  }
0x73: {  	_ =	shalt  }
0x74: {  	_ =	shalt  }
0x75: {  	_ =	shalt  }
0x76: {  	_ =	shalt  }
0x77: {  	_ =	shalt  }
0x78: {  	_ =	shalt  }
0x79: {  	_ =	shalt  }
0x7a: {  	_ =	shalt  }
0x7b: {  	_ =	shalt  }
0x7c: {  	_ =	shalt  }
0x7d: {  	_ =	shalt  }
0x7e: {  	_ =	shalt  }
0x7f: {  	_ =	shalt  }
0x80: {  	_ =	shalt  }
0x81: {  	_ =	shalt  }
0x82: {  	_ =	shalt  }
0x83: {  	_ =	shalt  }
0x84: {  	_ =	shalt  }
0x85: {  	_ =	shalt  }
0x86: {  	_ =	shalt  }
0x87: {  	_ =	shalt  }
.Lfunc_end0:
.L_simem_size_0:
called_computation_lowered:
.L_overlay_start_0:
0x88: {  	s2 =	sld [smem:$0x3FD9]  }
0x89: {  	s3 =	sld [smem:$0x3FFE];
	_ =	sdelay $0x1  }
0x8a: {  	s1 =	srdreg.scid  }
0x8b: {  	s0 =	sand.u32 $0x1, s1  }
0x8c: {  	s17 =	sshll.u32 s0, $0xA;
	s2 =	sadd.s32 s3, s2  }
0x8d: {  	s2 =	sadd.s32 s2, s17  }
0x8e: {  	[smem:$0x3FBE] =	sst s2  }
0x8f: {  	_ = 	snop  }
0x90: {  	s2 =	sld [smem:$0x3FD0];
	(tm) =	ssettm $0x1  }
0x91: {  	s18 =	sld [smem:$0x3FFB];
	_ =	sdelay $0x3  }
0x92: {  	_ =	strace s18  }
0x93: {  	s3 =	sld [smem:$0x3FFC];
	_ =	sdelay $0x3  }
0x94: {  	_ =	strace s3  }
0x95: {  	s3 =	sld [smem:$0x3FFD];
	_ =	sdelay $0x3  }
0x96: {  	_ =	strace s3  }
0x97: {  	_ =	strace $0x8FFFFFFF  }
0x98: {  	s19 =	sld [smem:$0x3FDB];
	_ =	sdelay $0x1  }
0x99: {  	s4 =	simm.s32 $_scs_section_size  }
0x9a: {  	s5 =	simm.s32 $_size__tile_overlayer_lowered;
	s6 =	simm.s32 $_tile_overlayer_lowered  }
0x9b: {  	s22 =	simm.s32 $0x1BFF;
	s21 =	sshll.u32 s6, $0x1;
	s3 =	sadd.s32 s4, s19  }
0x9c: {  	s7 =	simm.s32 $0x0;
	s20 =	sshll.u32 s5, $0x1;
	s5 =	sadd.s32 s21, s3  }
0x9d: {  	[timem:s7], [sflag:s22] =	dma.local [hbm:s5], s20  }
0x9e: {  	_ =	swait.ge [sflag:s22], s20  }
0x9f: {  	s4 =	ssub.s32 $0x0, s20;
	[sflag:s22] =	ssyncset.done $0x0  }
0xa0: {  	[sflag:s22] =	ssyncadd.s32 s4;
	_ =	sdelay $0x1  }
0xa1: {  	s23 =	simm.s32 $0x1B8B  }
0xa2: {  	_ =	swait.ge [sflag:s23], $0x1  }
0xa3: {  	[sflag:s23] =	ssyncset.done $0x0  }
0xa4: {  	s25 =	simm.s32 $0x1B8E;
	s24 =	sld [smem:$0x3FFE];
	[sflag:s23] =	ssyncadd.s32 $0xFFFFFFFF  }
0xa5: {  	s26 =	simm.s32 $execute0_lowered;
	[smem:$0x3FD2] =	sst s25  }
0xa6: {  	s5 =	sshll.u32 s26, $0x1;
	_ =	strace $0x80000046;
	[dreg:$0x1] =	wrdreg $0xFFFFFFFF  }
0xa7: {  	s28 =	simm.s32 $_size_execute0_lowered;
	s3 =	sadd.s32 s3, s5;
	[dreg:$0x0] =	wrdreg $0x0  }
0xa8: {  	s5 =	sshll.u32 s28, $0x1;
	[dreg:$0x2] =	wrdreg s3  }
0xa9: {  	[dreg:$0x3] =	wrdreg s5  }
0xaa: {  	[dreg:$0x4] =	wrdreg $0xC0  }
0xab: {  	_ =	task [dreg:s7], $0x5FFFF  }
0xac: {  	[dreg:$0x1] =	wrdreg $0xFFFFFFFF  }
0xad: {  	[dreg:$0x0] =	wrdreg $0x60  }
0xae: {  	[dreg:$0x2] =	wrdreg s24  }
0xaf: {  	[dreg:$0x3] =	wrdreg s2  }
0xb0: {  	[dreg:$0x4] =	wrdreg $0x0  }
0xb1: {  	[dreg:$0x5] =	wrdreg $0x9  }
0xb2: {  	_ =	task.clear_ibuf [dreg:s7], $0x6FFFF;
	_ =	strace $0x90000046  }
0xb3: {  	s29 =	simm.s32 $0x9;
	_ =	strace $0x80000048  }
0xb4: {  	_ =	swait.ge [sflag:s29], $0x1  }
0xb5: {  	[sflag:s29] =	ssyncadd.s32 $0xFFFFFFFF  }
0xb6: {  	_ =	strace $0x90000048  }
0xb7: {  	_ =	sfence  }
0xb8: {  	s30 =	sld [smem:$0x0];
	_ =	sdelay $0x2  }
0xb9: {  	s31 =	sshll.u32 s1, $0xD;
	s1 =	sshrl.u32 s1, $0x2  }
0xba: {  	s3 =	sand.u32 $0x4000, s31;
	s1 =	sadd.s32 s1, s30  }
0xbb: {  	s0 =	sor.u32 s3, s0;
	s1 =	sshll.u32 s1, $0x11  }
0xbc: {  	s0 =	sor.u32 s1, s0  }
0xbd: {  	s0 =	sadd.s32 $0x8F2B, s0  }
0xbe: {  	[sflag:s0] =	ssyncadd.remote.s32 $0x1  }
0xbf: {  	_ =	sfence.sel $0xFFFF  }
0xc0: {  	[dreg:$0x0] =	wrdreg $0xFFFFFFFF;
	(pc) =	sbr.abs _section_cstart, $3  }
0xc1: {  	[dreg:$0x1] =	wrdreg $0xFFFFFFFF  }
0xc2: {  	_ =	task.clear_ibuf [dreg:s7], $0x2FFFF;
	_ =	strace $0x9FFFFFFF  }
0xc3: {  	(tm) =	ssettm $0x7FFFFFFF  }
tec
execute0_lowered:
.L_overlay_start_1:
0x0: {  	(tag) =	ssettag $0x1  }
0x1: {  	s0 =	rddreg [dreg:$0x0]  }
0x2: {  	s1 =	rddreg [dreg:$0x1]  }
0x3: {  	s2 =	rddreg [dreg:$0x2]  }
0x4: {  	s3 =	simm.s32 $0x0;
	s13 =	stileid.u32;
	s8 =	srdreg.scid  }
0x5: {  	s19 =	simm.s32 $0x5;
	s28 =	simm.s32 $0x16828;
	s29 =	simm.s32 $0x16878  }
0x6: {  	s30 =	simm.s32 $0x17CA0;
	s31 =	simm.s32 $0x19320;
	s20 =	simm.s32 $0x19AA0  }
0x7: {  	[smem:$0x7FF] =	sst s3;
	s5 =	sadd.s32 $0x2A00, s0;
	s6 =	sadd.s32 $0x2EE00, s0  }
0x8: {  	s7 =	sadd.s32 $0x29E00, s0;
	s4 =	sadd.s32 $0x29C00, s0;
	s21 =	smul.u32 $0x16800, s13  }
0x9: {  	s9 =	sadd.s32 $0x33E00, s0;
	s8 =	sand.u32 $0x1, s8;
	s10 =	sshll.u32 s13, $0x1  }
0xa: {  	s23 =	sshll.u32 s13, $0x6;
	_ =	strace $0x80000047;
	[dreg:$0x4] =	wrdreg s4  }
0xb: {  	s12 =	ssub.s32 $0x2, s8;
	s10 =	sor.u32 s8, s10;
	p0 =	seq.s32 s8, $0x1  }
0xc: {  	s8 =	simm.s32 $0x6AC00;
	s11 =	sshrl.u32 s21, $0x3;
	s22 =	sshrl.u32 s12, $0x1  }
0xd: {  	s10 =	smul.u32 $0x2710, s10;
	s4 =	sadd.s32 s21, s2;
	s8 =	simm.s32 @!p0 $0x97C00  }
0xe: {  	s0 =	sadd.s32 s11, s0;
	s12 =	ssub.s32 s12, s22;
	s11 =	sor.u32 $0x1C05, s23  }
0xf: {  	s18 =	sshrl.u32 s4, $0x3;
	s22 =	simm.s32 $0x16850;
	s23 =	simm.s32 $0x28  }
0x10: {  	s4 =	simm.s32 $0x1;
	s24 =	sadd.s32 $0x3DC00, s0;
	s25 =	sshrl.u32 s10, $0x3  }
0x11: {  	s15 =	sadd.s32 $0x50, s10;
	s26 =	smax.u32 s12, $0x1;
	[dreg:$0x5] =	wrdreg s24  }
0x12: {  	s0 =	sadd.s32 s8, s0;
	s14 =	sadd.s32 s9, s25;
	[dreg:$0x8] =	wrdreg s26  }
0x13: {  	s13 =	sadd.s32 s1, s25;
	[dreg:$0x9] =	wrdreg s0;
	s0 =	simm.s32 $0x19820  }
0x14: {  	s24 =	simm.s32 $0x2;
	s25 =	simm.s32 $0x1B120;
	[dreg:$0x6] =	wrdreg s14  }
0x15: {  	[dreg:$0x7] =	wrdreg s13;
	s14 =	sadd.s32 $0x28, s10;
	s10 =	simm.s32 $0x0  }
.LBB2_1:
0x16: {  	s8 =	rddreg [dreg:$0x5]  }
0x17: {  	[spmem:s18], [sflag:s11] =	dma.local [hbm:s8], $0x2D00  }
0x18: {  	_ =	swait.ge [sflag:s19], $0x2D00  }
0x19: {  	[sflag:s19] =	ssyncset.done $0x0  }
0x1a: {  	s12 =	simm.s32 $0x1C7A0;
	s26 =	rddreg [dreg:$0x4];
	[sflag:s19] =	ssyncadd.s32 $0xFFFFD300  }
0x1b: {  	[tilespmem:s12], [sflag:$0x5] =	stream.linear.gather [hbm4b:s26+s3], $0x10, $0x38;
	[tilespmem:$0x1C7B0] =	vst v63  }
0x1c: {  	_ =	swait.ge [sflag:s19], $0x10  }
0x1d: {  	[sflag:s19] =	ssyncset.done $0x0  }
0x1e: {  	[sflag:s19] =	ssyncadd.s32 $0xFFFFFFF0  }
0x1f: {  	[bflag:$0x0] =	sbarrier.arrive $0xFFFF  }
0x20: {  	s13 =	simm.s32 $0x16800;
	s12 =	rddreg [dreg:$0x6]  }
0x21: {  	v0 =	vld [tilespmem:$0x1C7A0];
	[tilespmem:s13], [sflag:$0x5] =	stream.linear.gather [hbm4b:s12+s3], $0x28, $0x38  }
0x22: {  	_ =	swait.ge [sflag:s19], $0x28  }
0x23: {  	[sflag:s19] =	ssyncset.done $0x0  }
0x24: {  	s16 =	rddreg [dreg:$0x7];
	[sflag:s19] =	ssyncadd.s32 $0xFFFFFFD8  }
0x25: {  	[tilespmem:s22], [sflag:$0x5] =	stream.linear.gather [hbm4b:s16+s3], $0x28, $0x38;
	[tilespmem:$0x1C7B0] =	vst v63  }
0x26: {  	_ =	swait.ge [sflag:s19], $0x28  }
0x27: {  	[sflag:s19] =	ssyncset.done $0x0  }
0x28: {  	s17 =	simm.s32 $0x168A0;
	[sflag:s19] =	ssyncadd.s32 $0xFFFFFFD8  }
0x29: {  	[tilespmem:s17], [sflag:$0x1] =	stream.indirect.gather [hbm4b:s5+s23], $0x80, s13, s23, $0xb8;
	[tilespmem:$0x1C7B0] =	vst v63  }
0x2a: {  	s21 =	simm.s32 $0x190A0  }
0x2b: {  	[tilespmem:s21], [sflag:$0x1] =	stream.indirect.gather [hbm4b:s6+s23], $0x10, s13, s23, $0xb8;
	[tilespmem:$0x1C7B0] =	vst v63  }
0x2c: {  	s26 =	simm.s32 $0x195A0;
	s12 =	simm.s32 $0x0  }
0x2d: {  	[tilespmem:s26], [sflag:$0x1] =	stream.indirect.gather [hbm4b:s7+s23], $0x10, s22, s23, $0xb8;
	[tilespmem:$0x1C7B0] =	vst v63  }
.LBB2_2:
0x2e: {  	s13 =	smul.u32 $0x50, s12;
	_ =	sdelay $0x1  }
0x2f: {  	s8 =	sadd.s32 s13, s14  }
0x30: {  	s8 =	sshrl.u32 s8, $0x3  }
0x31: {  	s16 =	sadd.s32 s9, s8  }
0x32: {  	[tilespmem:s28], [sflag:$0x5] =	stream.linear.gather [hbm4b:s16+s3], $0x28, $0x38;
	[tilespmem:$0x1C7B0] =	vst v63  }
0x33: {  	_ =	swait.ge [sflag:s19], $0x28  }
0x34: {  	[sflag:s19] =	ssyncset.done $0x0  }
0x35: {  	s8 =	sadd.s32 s1, s8;
	[sflag:s19] =	ssyncadd.s32 $0xFFFFFFD8  }
0x36: {  	[tilespmem:s29], [sflag:$0x5] =	stream.linear.gather [hbm4b:s8+s3], $0x28, $0x38;
	[tilespmem:$0x1C7B0] =	vst v63  }
0x37: {  	_ =	swait.ge [sflag:s19], $0x28  }
0x38: {  	[sflag:s19] =	ssyncset.done $0x0  }
0x39: {  	[sflag:s19] =	ssyncadd.s32 $0xFFFFFFD8  }
0x3a: {  	[tilespmem:s30], [sflag:$0x2] =	stream.indirect.gather [hbm4b:s5+s23], $0x80, s28, s23, $0xb8;
	[tilespmem:$0x1C7B0] =	vst v63  }
0x3b: {  	_ = 	snop  }
0x3c: {  	[tilespmem:s31], [sflag:$0x2] =	stream.indirect.gather [hbm4b:s6+s23], $0x10, s28, s23, $0xb8;
	[tilespmem:$0x1C7B0] =	vst v63  }
0x3d: {  	_ = 	snop  }
0x3e: {  	[tilespmem:s0], [sflag:$0x2] =	stream.indirect.gather [hbm4b:s7+s23], $0x10, s29, s23, $0xb8;
	[tilespmem:$0x1C7B0] =	vst v63  }
0x3f: {  	_ =	swait.ge [sflag:s4], $0x1400  }
0x40: {  	[sflag:s4] =	ssyncset.done $0x0  }
0x41: {  	[sflag:s4] =	ssyncadd.s32 $0xFFFFEC00  }
0x42: {  	_ =	swait.ge [sflag:s4], $0x280  }
0x43: {  	[sflag:s4] =	ssyncset.done $0x0  }
0x44: {  	[sflag:s4] =	ssyncadd.s32 $0xFFFFFD80  }
0x45: {  	_ =	swait.ge [sflag:s4], $0x280  }
0x46: {  	p0 =	seq.s32 s12, $0x0;
	[sflag:s4] =	ssyncset.done $0x0  }
0x47: {  	s8 =	simm.s32 @!p0 $0x3;
	[sflag:s4] =	ssyncadd.s32 $0xFFFFFD80  }
0x48: {  	s17 =	simm.s32 $0x195C0;
	_ =	swait.ge @!p0 [sflag:s8], $0x1680  }
0x49: {  	s21 =	simm.s32 $0x190C0;
	s26 =	simm.s32 $0x19BC0;
	[sflag:s8] =	ssyncset.done @!p0 $0x0  }
0x4a: {  	s16 =	simm.s32 $0xFFFFFFFC;
	[sflag:s8] =	ssyncadd.s32 @!p0 $0xFFFFE980;
	s8 =	simm.s32 $0x169A0  }
.LBB2_3:
0x4b: {  	v1 =	vld [tilespmem:s21+$0xFFFFFFE0]  }
0x4c: {  	v2 =	vld [tilespmem:s17+$0xFFFFFFE0];
	_ =	sdelay $0x4  }
0x4d: {  	v1 =	vadd.f32 v2, v1;
	_ =	sdelay $0x1  }
0x4e: {  	v2 =	vmul.f32 $2.000000030e-01, v1  }
0x4f: {  	vm0 =	vge.f32 v1, $0.0e+00  }
0x50: {  	v1 =	vsel vm0, v1, v2  }
0x51: {  	v1 =	vsub.f32 v1, v0;
	_ =	sdelay $0x1  }
0x52: {  	v1 =	vmul.f32 $1.442695020e+00, v1;
	_ =	sdelay $0x1  }
0x53: {  	(erf) = vpow2.f32 v1;
	_ =	sdelay $0x8  }
0x54: {  	v1 =	vpop (erf)  }
0x55: {  	[tilespmem:s26+$0xFFFFFF60] =	vst v1  }
0x56: {  	v2 =	vld [tilespmem:s8+$0xFFFFFF00];
	_ =	sdelay $0x2  }
0x57: {  	v3 =	vbroadcast v1, $0x0;
	_ =	sdelay $0x1  }
0x58: {  	v2 =	vmul.f32 v3, v2;
	_ =	sdelay $0x1  }
0x59: {  	[tilespmem:s26+$0xFFFFFEE0] =	vst v2  }
0x5a: {  	v2 =	vld [tilespmem:s8+$0xFFFFFF10];
	_ =	sdelay $0x2  }
0x5b: {  	v3 =	vbroadcast v1, $0x1;
	_ =	sdelay $0x1  }
0x5c: {  	v2 =	vmul.f32 v3, v2;
	_ =	sdelay $0x1  }
0x5d: {  	[tilespmem:s26+$0xFFFFFEF0] =	vst v2  }
0x5e: {  	v2 =	vld [tilespmem:s8+$0xFFFFFF20];
	_ =	sdelay $0x2  }
0x5f: {  	v3 =	vbroadcast v1, $0x2;
	_ =	sdelay $0x1  }
0x60: {  	v2 =	vmul.f32 v3, v2;
	_ =	sdelay $0x1  }
0x61: {  	[tilespmem:s26+$0xFFFFFF00] =	vst v2  }
0x62: {  	v2 =	vld [tilespmem:s8+$0xFFFFFF30];
	_ =	sdelay $0x2  }
0x63: {  	v3 =	vbroadcast v1, $0x3;
	_ =	sdelay $0x1  }
0x64: {  	v2 =	vmul.f32 v2, v3;
	_ =	sdelay $0x1  }
0x65: {  	[tilespmem:s26+$0xFFFFFF10] =	vst v2  }
0x66: {  	v2 =	vld [tilespmem:s8+$0xFFFFFF40];
	_ =	sdelay $0x2  }
0x67: {  	v3 =	vbroadcast v1, $0x4;
	_ =	sdelay $0x1  }
0x68: {  	v2 =	vmul.f32 v2, v3;
	_ =	sdelay $0x1  }
0x69: {  	[tilespmem:s26+$0xFFFFFF20] =	vst v2  }
0x6a: {  	v2 =	vld [tilespmem:s8+$0xFFFFFF50];
	_ =	sdelay $0x2  }
0x6b: {  	v3 =	vbroadcast v1, $0x5;
	_ =	sdelay $0x1  }
0x6c: {  	v2 =	vmul.f32 v2, v3;
	_ =	sdelay $0x1  }
0x6d: {  	[tilespmem:s26+$0xFFFFFF30] =	vst v2  }
0x6e: {  	v2 =	vld [tilespmem:s8+$0xFFFFFF60];
	_ =	sdelay $0x2  }
0x6f: {  	v3 =	vbroadcast v1, $0x6;
	_ =	sdelay $0x1  }
0x70: {  	v2 =	vmul.f32 v2, v3;
	_ =	sdelay $0x1  }
0x71: {  	[tilespmem:s26+$0xFFFFFF40] =	vst v2  }
0x72: {  	v2 =	vld [tilespmem:s8+$0xFFFFFF70];
	_ =	sdelay $0x2  }
0x73: {  	v1 =	vbroadcast v1, $0x7;
	_ =	sdelay $0x1  }
0x74: {  	v1 =	vmul.f32 v2, v1;
	_ =	sdelay $0x1  }
0x75: {  	[tilespmem:s26+$0xFFFFFF50] =	vst v1  }
0x76: {  	v1 =	vld [tilespmem:s21+$0xFFFFFFF0]  }
0x77: {  	v2 =	vld [tilespmem:s17+$0xFFFFFFF0];
	_ =	sdelay $0x4  }
0x78: {  	v1 =	vadd.f32 v2, v1;
	_ =	sdelay $0x1  }
0x79: {  	v2 =	vmul.f32 $2.000000030e-01, v1  }
0x7a: {  	vm13 =	vge.f32 v1, $0.0e+00  }
0x7b: {  	v1 =	vsel vm13, v1, v2  }
0x7c: {  	v1 =	vsub.f32 v1, v0;
	_ =	sdelay $0x1  }
0x7d: {  	v1 =	vmul.f32 $1.442695020e+00, v1;
	_ =	sdelay $0x1  }
0x7e: {  	(erf) = vpow2.f32 v1;
	_ =	sdelay $0x8  }
0x7f: {  	v1 =	vpop (erf)  }
0x80: {  	[tilespmem:s26+$0xFFFFFFF0] =	vst v1  }
0x81: {  	v2 =	vld [tilespmem:s8+$0xFFFFFF80];
	_ =	sdelay $0x2  }
0x82: {  	v3 =	vbroadcast v1, $0x0;
	_ =	sdelay $0x1  }
0x83: {  	v2 =	vmul.f32 v3, v2;
	_ =	sdelay $0x1  }
0x84: {  	[tilespmem:s26+$0xFFFFFF70] =	vst v2  }
0x85: {  	v2 =	vld [tilespmem:s8+$0xFFFFFF90];
	_ =	sdelay $0x2  }
0x86: {  	v3 =	vbroadcast v1, $0x1;
	_ =	sdelay $0x1  }
0x87: {  	v2 =	vmul.f32 v3, v2;
	_ =	sdelay $0x1  }
0x88: {  	[tilespmem:s26+$0xFFFFFF80] =	vst v2  }
0x89: {  	v2 =	vld [tilespmem:s8+$0xFFFFFFA0];
	_ =	sdelay $0x2  }
0x8a: {  	v3 =	vbroadcast v1, $0x2;
	_ =	sdelay $0x1  }
0x8b: {  	v2 =	vmul.f32 v3, v2;
	_ =	sdelay $0x1  }
0x8c: {  	[tilespmem:s26+$0xFFFFFF90] =	vst v2  }
0x8d: {  	v2 =	vld [tilespmem:s8+$0xFFFFFFB0];
	_ =	sdelay $0x2  }
0x8e: {  	v3 =	vbroadcast v1, $0x3;
	_ =	sdelay $0x1  }
0x8f: {  	v2 =	vmul.f32 v2, v3;
	_ =	sdelay $0x1  }
0x90: {  	[tilespmem:s26+$0xFFFFFFA0] =	vst v2  }
0x91: {  	v2 =	vld [tilespmem:s8+$0xFFFFFFC0];
	_ =	sdelay $0x2  }
0x92: {  	v3 =	vbroadcast v1, $0x4;
	_ =	sdelay $0x1  }
0x93: {  	v2 =	vmul.f32 v2, v3;
	_ =	sdelay $0x1  }
0x94: {  	[tilespmem:s26+$0xFFFFFFB0] =	vst v2  }
0x95: {  	v2 =	vld [tilespmem:s8+$0xFFFFFFD0];
	_ =	sdelay $0x2  }
0x96: {  	v3 =	vbroadcast v1, $0x5;
	_ =	sdelay $0x1  }
0x97: {  	v2 =	vmul.f32 v2, v3;
	_ =	sdelay $0x1  }
0x98: {  	[tilespmem:s26+$0xFFFFFFC0] =	vst v2  }
0x99: {  	v2 =	vld [tilespmem:s8+$0xFFFFFFE0];
	_ =	sdelay $0x2  }
0x9a: {  	v3 =	vbroadcast v1, $0x6;
	_ =	sdelay $0x1  }
0x9b: {  	v2 =	vmul.f32 v2, v3;
	_ =	sdelay $0x1  }
0x9c: {  	[tilespmem:s26+$0xFFFFFFD0] =	vst v2  }
0x9d: {  	v2 =	vld [tilespmem:s8+$0xFFFFFFF0];
	_ =	sdelay $0x2  }
0x9e: {  	v1 =	vbroadcast v1, $0x7;
	_ =	sdelay $0x1  }
0x9f: {  	v1 =	vmul.f32 v2, v1;
	_ =	sdelay $0x1  }
0xa0: {  	[tilespmem:s26+$0xFFFFFFE0] =	vst v1  }
0xa1: {  	v1 =	vld [tilespmem:s21+$0x0]  }
0xa2: {  	v2 =	vld [tilespmem:s17+$0x0];
	_ =	sdelay $0x4  }
0xa3: {  	v1 =	vadd.f32 v2, v1;
	_ =	sdelay $0x1  }
0xa4: {  	v2 =	vmul.f32 $2.000000030e-01, v1  }
0xa5: {  	vm14 =	vge.f32 v1, $0.0e+00  }
0xa6: {  	v1 =	vsel vm14, v1, v2  }
0xa7: {  	v1 =	vsub.f32 v1, v0;
	_ =	sdelay $0x1  }
0xa8: {  	v1 =	vmul.f32 $1.442695020e+00, v1;
	_ =	sdelay $0x1  }
0xa9: {  	(erf) = vpow2.f32 v1;
	_ =	sdelay $0x8  }
0xaa: {  	v1 =	vpop (erf)  }
0xab: {  	[tilespmem:s26+$0x80] =	vst v1  }
0xac: {  	v2 =	vld [tilespmem:s8+$0x0];
	_ =	sdelay $0x2  }
0xad: {  	v3 =	vbroadcast v1, $0x0;
	_ =	sdelay $0x1  }
0xae: {  	v2 =	vmul.f32 v3, v2;
	_ =	sdelay $0x1  }
0xaf: {  	[tilespmem:s26+$0x0] =	vst v2  }
0xb0: {  	v2 =	vld [tilespmem:s8+$0x10];
	_ =	sdelay $0x2  }
0xb1: {  	v3 =	vbroadcast v1, $0x1;
	_ =	sdelay $0x1  }
0xb2: {  	v2 =	vmul.f32 v3, v2;
	_ =	sdelay $0x1  }
0xb3: {  	[tilespmem:s26+$0x10] =	vst v2  }
0xb4: {  	v2 =	vld [tilespmem:s8+$0x20];
	_ =	sdelay $0x2  }
0xb5: {  	v3 =	vbroadcast v1, $0x2;
	_ =	sdelay $0x1  }
0xb6: {  	v2 =	vmul.f32 v3, v2;
	_ =	sdelay $0x1  }
0xb7: {  	[tilespmem:s26+$0x20] =	vst v2  }
0xb8: {  	v2 =	vld [tilespmem:s8+$0x30];
	_ =	sdelay $0x2  }
0xb9: {  	v3 =	vbroadcast v1, $0x3;
	_ =	sdelay $0x1  }
0xba: {  	v2 =	vmul.f32 v2, v3;
	_ =	sdelay $0x1  }
0xbb: {  	[tilespmem:s26+$0x30] =	vst v2  }
0xbc: {  	v2 =	vld [tilespmem:s8+$0x40];
	_ =	sdelay $0x2  }
0xbd: {  	v3 =	vbroadcast v1, $0x4;
	_ =	sdelay $0x1  }
0xbe: {  	v2 =	vmul.f32 v2, v3;
	_ =	sdelay $0x1  }
0xbf: {  	[tilespmem:s26+$0x40] =	vst v2  }
0xc0: {  	v2 =	vld [tilespmem:s8+$0x50];
	_ =	sdelay $0x2  }
0xc1: {  	v3 =	vbroadcast v1, $0x5;
	_ =	sdelay $0x1  }
0xc2: {  	v2 =	vmul.f32 v2, v3;
	_ =	sdelay $0x1  }
0xc3: {  	[tilespmem:s26+$0x50] =	vst v2  }
0xc4: {  	v2 =	vld [tilespmem:s8+$0x60];
	_ =	sdelay $0x2  }
0xc5: {  	v3 =	vbroadcast v1, $0x6;
	_ =	sdelay $0x1  }
0xc6: {  	v2 =	vmul.f32 v2, v3;
	_ =	sdelay $0x1  }
0xc7: {  	[tilespmem:s26+$0x60] =	vst v2  }
0xc8: {  	v2 =	vld [tilespmem:s8+$0x70];
	_ =	sdelay $0x2  }
0xc9: {  	v1 =	vbroadcast v1, $0x7;
	_ =	sdelay $0x1  }
0xca: {  	v1 =	vmul.f32 v2, v1;
	_ =	sdelay $0x1  }
0xcb: {  	[tilespmem:s26+$0x70] =	vst v1  }
0xcc: {  	v1 =	vld [tilespmem:s21+$0x10]  }
0xcd: {  	v2 =	vld [tilespmem:s17+$0x10];
	_ =	sdelay $0x4  }
0xce: {  	v1 =	vadd.f32 v2, v1;
	_ =	sdelay $0x1  }
0xcf: {  	v2 =	vmul.f32 $2.000000030e-01, v1  }
0xd0: {  	vm15 =	vge.f32 v1, $0.0e+00  }
0xd1: {  	v1 =	vsel vm15, v1, v2  }
0xd2: {  	v1 =	vsub.f32 v1, v0;
	_ =	sdelay $0x1  }
0xd3: {  	v1 =	vmul.f32 $1.442695020e+00, v1;
	_ =	sdelay $0x1  }
0xd4: {  	(erf) = vpow2.f32 v1;
	_ =	sdelay $0x8  }
0xd5: {  	v1 =	vpop (erf)  }
0xd6: {  	[tilespmem:s26+$0x110] =	vst v1  }
0xd7: {  	v2 =	vld [tilespmem:s8+$0x80];
	_ =	sdelay $0x2  }
0xd8: {  	v3 =	vbroadcast v1, $0x0;
	_ =	sdelay $0x1  }
0xd9: {  	v2 =	vmul.f32 v3, v2;
	_ =	sdelay $0x1  }
0xda: {  	[tilespmem:s26+$0x90] =	vst v2  }
0xdb: {  	v2 =	vld [tilespmem:s8+$0x90];
	_ =	sdelay $0x2  }
0xdc: {  	v3 =	vbroadcast v1, $0x1;
	_ =	sdelay $0x1  }
0xdd: {  	v2 =	vmul.f32 v3, v2;
	_ =	sdelay $0x1  }
0xde: {  	[tilespmem:s26+$0xA0] =	vst v2  }
0xdf: {  	v2 =	vld [tilespmem:s8+$0xA0];
	_ =	sdelay $0x2  }
0xe0: {  	v3 =	vbroadcast v1, $0x2;
	_ =	sdelay $0x1  }
0xe1: {  	v2 =	vmul.f32 v3, v2;
	_ =	sdelay $0x1  }
0xe2: {  	[tilespmem:s26+$0xB0] =	vst v2  }
0xe3: {  	v2 =	vld [tilespmem:s8+$0xB0];
	_ =	sdelay $0x2  }
0xe4: {  	v3 =	vbroadcast v1, $0x3;
	_ =	sdelay $0x1  }
0xe5: {  	v2 =	vmul.f32 v2, v3;
	_ =	sdelay $0x1  }
0xe6: {  	[tilespmem:s26+$0xC0] =	vst v2  }
0xe7: {  	v2 =	vld [tilespmem:s8+$0xC0];
	_ =	sdelay $0x2  }
0xe8: {  	v3 =	vbroadcast v1, $0x4;
	_ =	sdelay $0x1  }
0xe9: {  	v2 =	vmul.f32 v2, v3;
	_ =	sdelay $0x1  }
0xea: {  	[tilespmem:s26+$0xD0] =	vst v2  }
0xeb: {  	v2 =	vld [tilespmem:s8+$0xD0];
	_ =	sdelay $0x2  }
0xec: {  	v3 =	vbroadcast v1, $0x5;
	_ =	sdelay $0x1  }
0xed: {  	v2 =	vmul.f32 v2, v3;
	_ =	sdelay $0x1  }
0xee: {  	[tilespmem:s26+$0xE0] =	vst v2  }
0xef: {  	v2 =	vld [tilespmem:s8+$0xE0];
	_ =	sdelay $0x2  }
0xf0: {  	v3 =	vbroadcast v1, $0x6;
	_ =	sdelay $0x1  }
0xf1: {  	v2 =	vmul.f32 v2, v3;
	_ =	sdelay $0x1  }
0xf2: {  	[tilespmem:s26+$0xF0] =	vst v2  }
0xf3: {  	v2 =	vld [tilespmem:s8+$0xF0]  }
0xf4: {  	s16 =	sadd.s32 $0x4, s16  }
0xf5: {  	p1 =	slt.u32 s16, $0x24  }
.Ltmp0:
0xf6: {  	v1 =	vbroadcast v1, $0x7;
	(pc) =	sbr.rel @p1 .LBB2_3-.Ltmp0, $4  }
0xf7: {  	_ = 	snop  }
0xf8: {  	v1 =	vmul.f32 v2, v1  }
0xf9: {  	s17 =	sadd.s32 $0x40, s17  }
0xfa: {  	s21 =	sadd.s32 $0x40, s21;
	s8 =	sadd.s32 $0x200, s8;
	[tilespmem:s26+$0x100] =	vst v1;
	s26 =	sadd.s32 $0x240, s26  }
0xfb: {  	[spmem:s2] =	stream.indirect.scatter.add.f32 [tilespmem:s20], [sflag:$0x3], $0x90, s22, s23, $0xb8;
	[tilespmem:$0x1C7B0] =	vst v63  }
0xfc: {  	p1 =	sgt.u32 s12, $0x7B  }
0xfd: {  	s8 =	sadd.s32 @!p1 s13, s15  }
0xfe: {  	s8 =	sshrl.u32 @!p1 s8, $0x3  }
0xff: {  	s16 =	simm.s32 @!p1 $0x0;
	s17 =	simm.s32 @!p1 $0x16800;
	s13 =	sadd.s32 @!p1 s9, s8  }
0x100: {  	[tilespmem:s17], [sflag:$0x5] =	stream.linear.gather @!p1 [hbm4b:s13+s16], $0x28, $0x38;
	[tilespmem:$0x1C7B0] =	vst v63  }
0x101: {  	s13 =	simm.s32 @!p1 $0x5  }
0x102: {  	_ =	swait.ge @!p1 [sflag:s13], $0x28  }
0x103: {  	[sflag:s13] =	ssyncset.done @!p1 $0x0  }
0x104: {  	s21 =	simm.s32 @!p1 $0x16850;
	s8 =	sadd.s32 @!p1 s1, s8;
	[sflag:s13] =	ssyncadd.s32 @!p1 $0xFFFFFFD8  }
0x105: {  	[tilespmem:s21], [sflag:$0x5] =	stream.linear.gather @!p1 [hbm4b:s8+s16], $0x28, $0x38;
	[tilespmem:$0x1C7B0] =	vst v63  }
0x106: {  	_ =	swait.ge @!p1 [sflag:s13], $0x28  }
0x107: {  	[sflag:s13] =	ssyncset.done @!p1 $0x0  }
0x108: {  	s8 =	simm.s32 @!p1 $0x28;
	[sflag:s13] =	ssyncadd.s32 @!p1 $0xFFFFFFD8;
	s13 =	simm.s32 @!p1 $0x168A0  }
0x109: {  	[tilespmem:s13], [sflag:$0x1] =	stream.indirect.gather @!p1 [hbm4b:s5+s8], $0x80, s17, s8, $0xb8;
	[tilespmem:$0x1C7B0] =	vst v63  }
0x10a: {  	s13 =	simm.s32 @!p1 $0x190A0  }
0x10b: {  	[tilespmem:s13], [sflag:$0x1] =	stream.indirect.gather @!p1 [hbm4b:s6+s8], $0x10, s17, s8, $0xb8;
	[tilespmem:$0x1C7B0] =	vst v63  }
0x10c: {  	s13 =	simm.s32 @!p1 $0x195A0  }
0x10d: {  	[tilespmem:s13], [sflag:$0x1] =	stream.indirect.gather @!p1 [hbm4b:s7+s8], $0x10, s21, s8, $0xb8;
	[tilespmem:$0x1C7B0] =	vst v63  }
0x10e: {  	_ =	swait.ge [sflag:s24], $0x1400  }
0x10f: {  	[sflag:s24] =	ssyncset.done $0x0  }
0x110: {  	[sflag:s24] =	ssyncadd.s32 $0xFFFFEC00  }
0x111: {  	_ =	swait.ge [sflag:s24], $0x280  }
0x112: {  	[sflag:s24] =	ssyncset.done $0x0  }
0x113: {  	[sflag:s24] =	ssyncadd.s32 $0xFFFFFD80  }
0x114: {  	_ =	swait.ge [sflag:s24], $0x280  }
0x115: {  	[sflag:s24] =	ssyncset.done $0x0  }
0x116: {  	s8 =	simm.s32 @!p0 $0x4;
	[sflag:s24] =	ssyncadd.s32 $0xFFFFFD80  }
0x117: {  	s16 =	simm.s32 $0x19840;
	_ =	swait.ge @!p0 [sflag:s8], $0x1680  }
0x118: {  	s17 =	simm.s32 $0x19340;
	s13 =	simm.s32 $0xFFFFFFFC;
	[sflag:s8] =	ssyncset.done @!p0 $0x0  }
0x119: {  	s21 =	simm.s32 $0x1B240;
	[sflag:s8] =	ssyncadd.s32 @!p0 $0xFFFFE980;
	s8 =	simm.s32 $0x17DA0  }
.LBB2_5:
0x11a: {  	v1 =	vld [tilespmem:s17+$0xFFFFFFE0]  }
0x11b: {  	v2 =	vld [tilespmem:s16+$0xFFFFFFE0];
	_ =	sdelay $0x4  }
0x11c: {  	v1 =	vadd.f32 v2, v1;
	_ =	sdelay $0x1  }
0x11d: {  	v2 =	vmul.f32 $2.000000030e-01, v1  }
0x11e: {  	vm0 =	vge.f32 v1, $0.0e+00  }
0x11f: {  	v1 =	vsel vm0, v1, v2  }
0x120: {  	v1 =	vsub.f32 v1, v0;
	_ =	sdelay $0x1  }
0x121: {  	v1 =	vmul.f32 $1.442695020e+00, v1;
	_ =	sdelay $0x1  }
0x122: {  	(erf) = vpow2.f32 v1;
	_ =	sdelay $0x8  }
0x123: {  	v1 =	vpop (erf)  }
0x124: {  	[tilespmem:s21+$0xFFFFFF60] =	vst v1  }
0x125: {  	v2 =	vld [tilespmem:s8+$0xFFFFFF00];
	_ =	sdelay $0x2  }
0x126: {  	v3 =	vbroadcast v1, $0x0;
	_ =	sdelay $0x1  }
0x127: {  	v2 =	vmul.f32 v3, v2;
	_ =	sdelay $0x1  }
0x128: {  	[tilespmem:s21+$0xFFFFFEE0] =	vst v2  }
0x129: {  	v2 =	vld [tilespmem:s8+$0xFFFFFF10];
	_ =	sdelay $0x2  }
0x12a: {  	v3 =	vbroadcast v1, $0x1;
	_ =	sdelay $0x1  }
0x12b: {  	v2 =	vmul.f32 v3, v2;
	_ =	sdelay $0x1  }
0x12c: {  	[tilespmem:s21+$0xFFFFFEF0] =	vst v2  }
0x12d: {  	v2 =	vld [tilespmem:s8+$0xFFFFFF20];
	_ =	sdelay $0x2  }
0x12e: {  	v3 =	vbroadcast v1, $0x2;
	_ =	sdelay $0x1  }
0x12f: {  	v2 =	vmul.f32 v3, v2;
	_ =	sdelay $0x1  }
0x130: {  	[tilespmem:s21+$0xFFFFFF00] =	vst v2  }
0x131: {  	v2 =	vld [tilespmem:s8+$0xFFFFFF30];
	_ =	sdelay $0x2  }
0x132: {  	v3 =	vbroadcast v1, $0x3;
	_ =	sdelay $0x1  }
0x133: {  	v2 =	vmul.f32 v2, v3;
	_ =	sdelay $0x1  }
0x134: {  	[tilespmem:s21+$0xFFFFFF10] =	vst v2  }
0x135: {  	v2 =	vld [tilespmem:s8+$0xFFFFFF40];
	_ =	sdelay $0x2  }
0x136: {  	v3 =	vbroadcast v1, $0x4;
	_ =	sdelay $0x1  }
0x137: {  	v2 =	vmul.f32 v2, v3;
	_ =	sdelay $0x1  }
0x138: {  	[tilespmem:s21+$0xFFFFFF20] =	vst v2  }
0x139: {  	v2 =	vld [tilespmem:s8+$0xFFFFFF50];
	_ =	sdelay $0x2  }
0x13a: {  	v3 =	vbroadcast v1, $0x5;
	_ =	sdelay $0x1  }
0x13b: {  	v2 =	vmul.f32 v2, v3;
	_ =	sdelay $0x1  }
0x13c: {  	[tilespmem:s21+$0xFFFFFF30] =	vst v2  }
0x13d: {  	v2 =	vld [tilespmem:s8+$0xFFFFFF60];
	_ =	sdelay $0x2  }
0x13e: {  	v3 =	vbroadcast v1, $0x6;
	_ =	sdelay $0x1  }
0x13f: {  	v2 =	vmul.f32 v2, v3;
	_ =	sdelay $0x1  }
0x140: {  	[tilespmem:s21+$0xFFFFFF40] =	vst v2  }
0x141: {  	v2 =	vld [tilespmem:s8+$0xFFFFFF70];
	_ =	sdelay $0x2  }
0x142: {  	v1 =	vbroadcast v1, $0x7;
	_ =	sdelay $0x1  }
0x143: {  	v1 =	vmul.f32 v2, v1;
	_ =	sdelay $0x1  }
0x144: {  	[tilespmem:s21+$0xFFFFFF50] =	vst v1  }
0x145: {  	v1 =	vld [tilespmem:s17+$0xFFFFFFF0]  }
0x146: {  	v2 =	vld [tilespmem:s16+$0xFFFFFFF0];
	_ =	sdelay $0x4  }
0x147: {  	v1 =	vadd.f32 v2, v1;
	_ =	sdelay $0x1  }
0x148: {  	v2 =	vmul.f32 $2.000000030e-01, v1  }
0x149: {  	vm13 =	vge.f32 v1, $0.0e+00  }
0x14a: {  	v1 =	vsel vm13, v1, v2  }
0x14b: {  	v1 =	vsub.f32 v1, v0;
	_ =	sdelay $0x1  }
0x14c: {  	v1 =	vmul.f32 $1.442695020e+00, v1;
	_ =	sdelay $0x1  }
0x14d: {  	(erf) = vpow2.f32 v1;
	_ =	sdelay $0x8  }
0x14e: {  	v1 =	vpop (erf)  }
0x14f: {  	[tilespmem:s21+$0xFFFFFFF0] =	vst v1  }
0x150: {  	v2 =	vld [tilespmem:s8+$0xFFFFFF80];
	_ =	sdelay $0x2  }
0x151: {  	v3 =	vbroadcast v1, $0x0;
	_ =	sdelay $0x1  }
0x152: {  	v2 =	vmul.f32 v3, v2;
	_ =	sdelay $0x1  }
0x153: {  	[tilespmem:s21+$0xFFFFFF70] =	vst v2  }
0x154: {  	v2 =	vld [tilespmem:s8+$0xFFFFFF90];
	_ =	sdelay $0x2  }
0x155: {  	v3 =	vbroadcast v1, $0x1;
	_ =	sdelay $0x1  }
0x156: {  	v2 =	vmul.f32 v3, v2;
	_ =	sdelay $0x1  }
0x157: {  	[tilespmem:s21+$0xFFFFFF80] =	vst v2  }
0x158: {  	v2 =	vld [tilespmem:s8+$0xFFFFFFA0];
	_ =	sdelay $0x2  }
0x159: {  	v3 =	vbroadcast v1, $0x2;
	_ =	sdelay $0x1  }
0x15a: {  	v2 =	vmul.f32 v3, v2;
	_ =	sdelay $0x1  }
0x15b: {  	[tilespmem:s21+$0xFFFFFF90] =	vst v2  }
0x15c: {  	v2 =	vld [tilespmem:s8+$0xFFFFFFB0];
	_ =	sdelay $0x2  }
0x15d: {  	v3 =	vbroadcast v1, $0x3;
	_ =	sdelay $0x1  }
0x15e: {  	v2 =	vmul.f32 v2, v3;
	_ =	sdelay $0x1  }
0x15f: {  	[tilespmem:s21+$0xFFFFFFA0] =	vst v2  }
0x160: {  	v2 =	vld [tilespmem:s8+$0xFFFFFFC0];
	_ =	sdelay $0x2  }
0x161: {  	v3 =	vbroadcast v1, $0x4;
	_ =	sdelay $0x1  }
0x162: {  	v2 =	vmul.f32 v2, v3;
	_ =	sdelay $0x1  }
0x163: {  	[tilespmem:s21+$0xFFFFFFB0] =	vst v2  }
0x164: {  	v2 =	vld [tilespmem:s8+$0xFFFFFFD0];
	_ =	sdelay $0x2  }
0x165: {  	v3 =	vbroadcast v1, $0x5;
	_ =	sdelay $0x1  }
0x166: {  	v2 =	vmul.f32 v2, v3;
	_ =	sdelay $0x1  }
0x167: {  	[tilespmem:s21+$0xFFFFFFC0] =	vst v2  }
0x168: {  	v2 =	vld [tilespmem:s8+$0xFFFFFFE0];
	_ =	sdelay $0x2  }
0x169: {  	v3 =	vbroadcast v1, $0x6;
	_ =	sdelay $0x1  }
0x16a: {  	v2 =	vmul.f32 v2, v3;
	_ =	sdelay $0x1  }
0x16b: {  	[tilespmem:s21+$0xFFFFFFD0] =	vst v2  }
0x16c: {  	v2 =	vld [tilespmem:s8+$0xFFFFFFF0];
	_ =	sdelay $0x2  }
0x16d: {  	v1 =	vbroadcast v1, $0x7;
	_ =	sdelay $0x1  }
0x16e: {  	v1 =	vmul.f32 v2, v1;
	_ =	sdelay $0x1  }
0x16f: {  	[tilespmem:s21+$0xFFFFFFE0] =	vst v1  }
0x170: {  	v1 =	vld [tilespmem:s17+$0x0]  }
0x171: {  	v2 =	vld [tilespmem:s16+$0x0];
	_ =	sdelay $0x4  }
0x172: {  	v1 =	vadd.f32 v2, v1;
	_ =	sdelay $0x1  }
0x173: {  	v2 =	vmul.f32 $2.000000030e-01, v1  }
0x174: {  	vm14 =	vge.f32 v1, $0.0e+00  }
0x175: {  	v1 =	vsel vm14, v1, v2  }
0x176: {  	v1 =	vsub.f32 v1, v0;
	_ =	sdelay $0x1  }
0x177: {  	v1 =	vmul.f32 $1.442695020e+00, v1;
	_ =	sdelay $0x1  }
0x178: {  	(erf) = vpow2.f32 v1;
	_ =	sdelay $0x8  }
0x179: {  	v1 =	vpop (erf)  }
0x17a: {  	[tilespmem:s21+$0x80] =	vst v1  }
0x17b: {  	v2 =	vld [tilespmem:s8+$0x0];
	_ =	sdelay $0x2  }
0x17c: {  	v3 =	vbroadcast v1, $0x0;
	_ =	sdelay $0x1  }
0x17d: {  	v2 =	vmul.f32 v3, v2;
	_ =	sdelay $0x1  }
0x17e: {  	[tilespmem:s21+$0x0] =	vst v2  }
0x17f: {  	v2 =	vld [tilespmem:s8+$0x10];
	_ =	sdelay $0x2  }
0x180: {  	v3 =	vbroadcast v1, $0x1;
	_ =	sdelay $0x1  }
0x181: {  	v2 =	vmul.f32 v3, v2;
	_ =	sdelay $0x1  }
0x182: {  	[tilespmem:s21+$0x10] =	vst v2  }
0x183: {  	v2 =	vld [tilespmem:s8+$0x20];
	_ =	sdelay $0x2  }
0x184: {  	v3 =	vbroadcast v1, $0x2;
	_ =	sdelay $0x1  }
0x185: {  	v2 =	vmul.f32 v3, v2;
	_ =	sdelay $0x1  }
0x186: {  	[tilespmem:s21+$0x20] =	vst v2  }
0x187: {  	v2 =	vld [tilespmem:s8+$0x30];
	_ =	sdelay $0x2  }
0x188: {  	v3 =	vbroadcast v1, $0x3;
	_ =	sdelay $0x1  }
0x189: {  	v2 =	vmul.f32 v2, v3;
	_ =	sdelay $0x1  }
0x18a: {  	[tilespmem:s21+$0x30] =	vst v2  }
0x18b: {  	v2 =	vld [tilespmem:s8+$0x40];
	_ =	sdelay $0x2  }
0x18c: {  	v3 =	vbroadcast v1, $0x4;
	_ =	sdelay $0x1  }
0x18d: {  	v2 =	vmul.f32 v2, v3;
	_ =	sdelay $0x1  }
0x18e: {  	[tilespmem:s21+$0x40] =	vst v2  }
0x18f: {  	v2 =	vld [tilespmem:s8+$0x50];
	_ =	sdelay $0x2  }
0x190: {  	v3 =	vbroadcast v1, $0x5;
	_ =	sdelay $0x1  }
0x191: {  	v2 =	vmul.f32 v2, v3;
	_ =	sdelay $0x1  }
0x192: {  	[tilespmem:s21+$0x50] =	vst v2  }
0x193: {  	v2 =	vld [tilespmem:s8+$0x60];
	_ =	sdelay $0x2  }
0x194: {  	v3 =	vbroadcast v1, $0x6;
	_ =	sdelay $0x1  }
0x195: {  	v2 =	vmul.f32 v2, v3;
	_ =	sdelay $0x1  }
0x196: {  	[tilespmem:s21+$0x60] =	vst v2  }
0x197: {  	v2 =	vld [tilespmem:s8+$0x70];
	_ =	sdelay $0x2  }
0x198: {  	v1 =	vbroadcast v1, $0x7;
	_ =	sdelay $0x1  }
0x199: {  	v1 =	vmul.f32 v2, v1;
	_ =	sdelay $0x1  }
0x19a: {  	[tilespmem:s21+$0x70] =	vst v1  }
0x19b: {  	v1 =	vld [tilespmem:s17+$0x10]  }
0x19c: {  	v2 =	vld [tilespmem:s16+$0x10];
	_ =	sdelay $0x4  }
0x19d: {  	v1 =	vadd.f32 v2, v1;
	_ =	sdelay $0x1  }
0x19e: {  	v2 =	vmul.f32 $2.000000030e-01, v1  }
0x19f: {  	vm15 =	vge.f32 v1, $0.0e+00  }
0x1a0: {  	v1 =	vsel vm15, v1, v2  }
0x1a1: {  	v1 =	vsub.f32 v1, v0;
	_ =	sdelay $0x1  }
0x1a2: {  	v1 =	vmul.f32 $1.442695020e+00, v1;
	_ =	sdelay $0x1  }
0x1a3: {  	(erf) = vpow2.f32 v1;
	_ =	sdelay $0x8  }
0x1a4: {  	v1 =	vpop (erf)  }
0x1a5: {  	[tilespmem:s21+$0x110] =	vst v1  }
0x1a6: {  	v2 =	vld [tilespmem:s8+$0x80];
	_ =	sdelay $0x2  }
0x1a7: {  	v3 =	vbroadcast v1, $0x0;
	_ =	sdelay $0x1  }
0x1a8: {  	v2 =	vmul.f32 v3, v2;
	_ =	sdelay $0x1  }
0x1a9: {  	[tilespmem:s21+$0x90] =	vst v2  }
0x1aa: {  	v2 =	vld [tilespmem:s8+$0x90];
	_ =	sdelay $0x2  }
0x1ab: {  	v3 =	vbroadcast v1, $0x1;
	_ =	sdelay $0x1  }
0x1ac: {  	v2 =	vmul.f32 v3, v2;
	_ =	sdelay $0x1  }
0x1ad: {  	[tilespmem:s21+$0xA0] =	vst v2  }
0x1ae: {  	v2 =	vld [tilespmem:s8+$0xA0];
	_ =	sdelay $0x2  }
0x1af: {  	v3 =	vbroadcast v1, $0x2;
	_ =	sdelay $0x1  }
0x1b0: {  	v2 =	vmul.f32 v3, v2;
	_ =	sdelay $0x1  }
0x1b1: {  	[tilespmem:s21+$0xB0] =	vst v2  }
0x1b2: {  	v2 =	vld [tilespmem:s8+$0xB0];
	_ =	sdelay $0x2  }
0x1b3: {  	v3 =	vbroadcast v1, $0x3;
	_ =	sdelay $0x1  }
0x1b4: {  	v2 =	vmul.f32 v2, v3;
	_ =	sdelay $0x1  }
0x1b5: {  	[tilespmem:s21+$0xC0] =	vst v2  }
0x1b6: {  	v2 =	vld [tilespmem:s8+$0xC0];
	_ =	sdelay $0x2  }
0x1b7: {  	v3 =	vbroadcast v1, $0x4;
	_ =	sdelay $0x1  }
0x1b8: {  	v2 =	vmul.f32 v2, v3;
	_ =	sdelay $0x1  }
0x1b9: {  	[tilespmem:s21+$0xD0] =	vst v2  }
0x1ba: {  	v2 =	vld [tilespmem:s8+$0xD0];
	_ =	sdelay $0x2  }
0x1bb: {  	v3 =	vbroadcast v1, $0x5;
	_ =	sdelay $0x1  }
0x1bc: {  	v2 =	vmul.f32 v2, v3;
	_ =	sdelay $0x1  }
0x1bd: {  	[tilespmem:s21+$0xE0] =	vst v2  }
0x1be: {  	v2 =	vld [tilespmem:s8+$0xE0];
	_ =	sdelay $0x2  }
0x1bf: {  	v3 =	vbroadcast v1, $0x6;
	_ =	sdelay $0x1  }
0x1c0: {  	v2 =	vmul.f32 v2, v3;
	_ =	sdelay $0x1  }
0x1c1: {  	[tilespmem:s21+$0xF0] =	vst v2  }
0x1c2: {  	v2 =	vld [tilespmem:s8+$0xF0]  }
0x1c3: {  	s13 =	sadd.s32 $0x4, s13  }
0x1c4: {  	p0 =	slt.u32 s13, $0x24  }
.Ltmp1:
0x1c5: {  	v1 =	vbroadcast v1, $0x7;
	(pc) =	sbr.rel @p0 .LBB2_5-.Ltmp1, $4  }
0x1c6: {  	_ = 	snop  }
0x1c7: {  	v1 =	vmul.f32 v2, v1  }
0x1c8: {  	s16 =	sadd.s32 $0x40, s16  }
0x1c9: {  	s17 =	sadd.s32 $0x40, s17;
	s8 =	sadd.s32 $0x200, s8;
	[tilespmem:s21+$0x100] =	vst v1;
	s21 =	sadd.s32 $0x240, s21  }
0x1ca: {  	s12 =	sadd.s32 $0x1, s12  }
0x1cb: {  	p0 =	sne.s32 s12, $0x7D  }
.Ltmp2:
0x1cc: {  	_ = 	snop;
	(pc) =	sbr.rel @p0 .LBB2_2-.Ltmp2, $2  }
0x1cd: {  	_ =	sdelay $0x2  }
0x1ce: {  	[spmem:s2] =	stream.indirect.scatter.add.f32 [tilespmem:s25], [sflag:$0x4], $0x90, s29, s23, $0xb8;
	[tilespmem:$0x1C7B0] =	vst v63  }
0x1cf: {  	s8 =	simm.s32 $0x3  }
0x1d0: {  	_ =	swait.ge [sflag:s8], $0x1680  }
0x1d1: {  	[sflag:s8] =	ssyncset.done $0x0  }
0x1d2: {  	s17 =	simm.s32 $0x4;
	[sflag:s8] =	ssyncadd.s32 $0xFFFFE980  }
0x1d3: {  	_ =	swait.ge [sflag:s17], $0x1680  }
0x1d4: {  	[sflag:s17] =	ssyncset.done $0x0  }
0x1d5: {  	[sflag:s17] =	ssyncadd.s32 $0xFFFFE980  }
0x1d6: {  	[bflag:$0x0] =	sbarrier.arrive $0xFFFF  }
0x1d7: {  	s21 =	rddreg [dreg:$0x9]  }
0x1d8: {  	[hbm:s21], [sflag:s11] =	dma.local [spmem:s18], $0x2D00  }
0x1d9: {  	_ =	swait.ge [sflag:s19], $0x2D00  }
0x1da: {  	s10 =	sadd.s32 $0x1, s10;
	s26 =	rddreg [dreg:$0x8]  }
0x1db: {  	p0 =	sne.s32 s10, s26  }
.Ltmp3:
0x1dc: {  	_ = 	snop;
	(pc) =	sbr.rel @p0 .LBB2_1-.Ltmp3, $3  }
0x1dd: {  	_ =	sdelay $0x1  }
0x1de: {  	[sflag:s19] =	ssyncset.done $0x0  }
0x1df: {  	[sflag:s19] =	ssyncadd.s32 $0xFFFFD300  }
0x1e0: {  	_ =	sfence.sel $0x180000  }
0x1e1: {  	[bflag:$0x0] =	sbarrier.arrive $0xFFFF  }
0x1e2: {  	_ =	strace $0x90000047  }
0x1e3: {  	s0 =	stileid.u32;
	[bflag:$0x2] =	sbarrier.arrive $0xFFFF  }
0x1e4: {  	p0 =	sne.s32 s0, $0x0;
	s0 =	rddreg [dreg:$0x3]  }
0x1e5: {  	s0 =	sadd.s32 @!p0 $0x100000, s0  }
0x1e6: {  	[sflag:s0] =	ssyncadd.tile.s32 @!p0 $0x1;
	_ =	shalt  }
.Lfunc_end2:
_tile_overlayer_lowered:
.L_overlay_start_2:
0x1e7: {  	(tag) =	ssettag $0x2  }
0x1e8: {  	s0 =	rddreg [dreg:$0x0];
	s2 =	stileid.u32  }
0x1e9: {  	s1 =	rddreg [dreg:$0x1];
	p0 =	sne.s32 s2, $0x0  }
0x1ea: {  	s3 =	rddreg [dreg:$0x2];
	[bflag:$0x3] =	sbarrier.arrive $0xFFFF;
	s2 =	simm.s32 @!p0 $0x1C05  }
0x1eb: {  	[timem:s3], [sflag:s2] =	dma.local @!p0 [hbm:s0], s1  }
0x1ec: {  	s0 =	simm.s32 @!p0 $0x5  }
0x1ed: {  	_ =	swait.ge @!p0 [sflag:s0], s1  }
0x1ee: {  	s1 =	ssub.s32 @!p0 $0x0, s1;
	[sflag:s0] =	ssyncset.done @!p0 $0x0  }
0x1ef: {  	[sflag:s0] =	ssyncadd.s32 @!p0 s1  }
0x1f0: {  	[bflag:$0x3] =	sbarrier.arrive $0xFFFF  }
0x1f1: {  	_ =	shalt  }

</sc_bundles>
